<compile_context>
chip_gen: v7x
topology: tpu7x:2x2x1
jax: 0.10.2.dev20260603
libtpu: 0.0.44.dev20260713+nightly
codegen_flags: <defaults>
</compile_context>

<pallas_src>
import functools

import jax
import jax.numpy as jnp
from jax import lax
from jax.experimental import pallas as pl
from jax.experimental.pallas import tpu as pltpu
from jax.experimental.pallas import tpu_sc as plsc

N = 10000
E = 320000
D = 128
NC = 2
NS = 16
NW = NC * NS
RPT = 640
NPAD = NS * RPT
DEGW = 128

CHUNK = 64
TOTC = E // CHUNK
CSMALL = 152
CBIG = 160
SN = 40
NSTG = 4
NBUF = 4

_mesh = plsc.VectorSubcoreMesh(core_axis_name="c", subcore_axis_name="s")


def _tile_geometry():
    cid = lax.axis_index("c")
    sid = lax.axis_index("s")
    w = sid * NC + cid
    big = jnp.logical_or(w < 16, w == NW - 1)
    wclip = jnp.minimum(w, 16)
    base = CBIG * wclip + CSMALL * (w - wclip)
    cnt = jnp.where(big, CBIG, CSMALL)
    return cid, sid, base, cnt


@functools.partial(
    pl.kernel,
    out_type=jax.ShapeDtypeStruct((NC, NPAD, DEGW), jnp.float32),
    mesh=_mesh,
    scratch_types=[
        pltpu.VMEM((SN, CHUNK), jnp.int32),
        pltpu.VMEM((CHUNK, DEGW), jnp.float32),
        pltpu.VMEM_SHARED((NPAD, DEGW), jnp.float32),
        pltpu.SemaphoreType.DMA,
    ],
)
def _deg_kernel(ei_hbm, ones_hbm, zeros_hbm, out_hbm, dst_v, ones_v, acc, sem):
    cid, sid, base, cnt = _tile_geometry()
    pltpu.sync_copy(zeros_hbm, acc.at[pl.ds(sid * RPT, RPT)])
    pltpu.sync_copy(ones_hbm, ones_v)
    plsc.subcore_barrier()

    for s in range(NSTG):
        row0 = pl.multiple_of(base + s * SN, 8)
        scnt = jnp.minimum(SN, cnt - s * SN)
        pltpu.sync_copy(ei_hbm.at[1, pl.ds(row0, SN)], dst_v)

        def fire(j, carry):
            pltpu.async_copy(ones_v, acc.at[dst_v.at[j]], sem, add=True)
            return carry

        lax.fori_loop(0, scnt, fire, 0)

        def drain(j, carry):
            pltpu.make_async_copy(ones_v, acc.at[dst_v.at[j]], sem).wait()
            return carry

        lax.fori_loop(0, scnt, drain, 0)

    plsc.subcore_barrier()
    pltpu.sync_copy(acc.at[pl.ds(sid * RPT, RPT)],
                    out_hbm.at[cid, pl.ds(sid * RPT, RPT)])


@functools.partial(
    pl.kernel,
    out_type=jax.ShapeDtypeStruct((NC, NPAD, D), jnp.float32),
    mesh=_mesh,
    scratch_types=(
        [pltpu.VMEM_SHARED((NPAD, D), jnp.float32)]
        + [pltpu.VMEM((SN, CHUNK), jnp.int32)] * 2
        + [pltpu.VMEM((CHUNK, D), jnp.float32)] * NBUF
        + [pltpu.SemaphoreType.DMA] * (2 * NBUF)
    ),
)
def _agg_kernel(hs_hbm, ei_hbm, zrows_hbm, out_hbm,
                acc, src_v, dst_v, r0, r1, r2, r3,
                g0, g1, g2, g3, s0, s1, s2, s3):
    rows = (r0, r1, r2, r3)
    gsem = (g0, g1, g2, g3)
    ssem = (s0, s1, s2, s3)
    cid, sid, base, cnt = _tile_geometry()

    def fire_gather(j, b):
        pltpu.async_copy(hs_hbm.at[src_v.at[j]], rows[b], gsem[b])

    def wait_gather(j, b):
        pltpu.make_async_copy(hs_hbm.at[src_v.at[j]], rows[b], gsem[b]).wait()

    def fire_scatter(j, b):
        pltpu.async_copy(rows[b], acc.at[dst_v.at[j]], ssem[b], add=True)

    def wait_scatter(j, b):
        pltpu.make_async_copy(rows[b], acc.at[dst_v.at[j]], ssem[b]).wait()

    pltpu.sync_copy(zrows_hbm, acc.at[pl.ds(sid * RPT, RPT)])
    plsc.subcore_barrier()

    for s in range(NSTG):
        row0 = pl.multiple_of(base + s * SN, 8)
        scnt = jnp.minimum(SN, cnt - s * SN)
        pltpu.sync_copy(ei_hbm.at[0, pl.ds(row0, SN)], src_v)
        pltpu.sync_copy(ei_hbm.at[1, pl.ds(row0, SN)], dst_v)
        for c in range(NBUF - 1):
            fire_gather(c, c)

        def body(i, carry):
            for b in range(NBUF):
                j = i * NBUF + b
                jn = j + NBUF - 1
                bn = (b + NBUF - 1) % NBUF

                @pl.when(jnp.logical_and(j >= 1, jn < scnt))
                def _():
                    wait_scatter(j - 1, bn)

                @pl.when(jn < scnt)
                def _():
                    fire_gather(jn, bn)

                @pl.when(j < scnt)
                def _():
                    wait_gather(j, b)
                    fire_scatter(j, b)
            return carry

        lax.fori_loop(0, SN // NBUF, body, 0)
        for b in range(NBUF):
            wait_scatter(scnt - NBUF + b, b)

    plsc.subcore_barrier()
    pltpu.sync_copy(acc.at[pl.ds(sid * RPT, RPT)],
                    out_hbm.at[cid, pl.ds(sid * RPT, RPT)])


def _tc0_body(x_ref, w1_ref, h_ref):
    h_ref[...] = jnp.dot(x_ref[...], w1_ref[...],
                         preferred_element_type=jnp.float32)


def _tc1_body(degp_ref, h_ref, dinv_ref, hs_ref):
    deg = degp_ref[0, :N, 0:1] + degp_ref[1, :N, 0:1] + 1.0
    dinv = lax.rsqrt(deg)
    dinv_ref[...] = dinv
    hs_ref[...] = h_ref[...] * dinv


def _tc2_body(p_ref, hs_ref, dinv_ref, b_ref, g_ref, be_ref, w2_ref, out_ref):
    dinv = dinv_ref[...]
    acc = p_ref[0, :N, :] + p_ref[1, :N, :] + hs_ref[...]
    y = acc * dinv + b_ref[...]
    mean = jnp.mean(y, axis=0, keepdims=True)
    var = jnp.mean((y - mean) * (y - mean), axis=0, keepdims=True)
    yn = (y - mean) * lax.rsqrt(var + 1e-5) * g_ref[...] + be_ref[...]
    yr = jnp.maximum(yn, 0.0)
    h2 = jnp.dot(yr, w2_ref[...], preferred_element_type=jnp.float32)
    out_ref[...] = h2 * dinv


def _tc3_body(p_ref, hs_ref, dinv_ref, b_ref, g_ref, be_ref, out_ref):
    acc = p_ref[0, :N, :] + p_ref[1, :N, :] + hs_ref[...]
    y = acc * dinv_ref[...] + b_ref[...]
    mean = jnp.mean(y, axis=0, keepdims=True)
    var = jnp.mean((y - mean) * (y - mean), axis=0, keepdims=True)
    out_ref[...] = (y - mean) * lax.rsqrt(var + 1e-5) * g_ref[...] + be_ref[...]


_f32 = jnp.float32
_tc0 = pl.pallas_call(
    _tc0_body,
    out_shape=jax.ShapeDtypeStruct((N, D), _f32),
)
_tc1 = pl.pallas_call(
    _tc1_body,
    out_shape=[jax.ShapeDtypeStruct((N, 1), _f32),
               jax.ShapeDtypeStruct((N, D), _f32)],
)
_tc2 = pl.pallas_call(
    _tc2_body,
    out_shape=jax.ShapeDtypeStruct((N, D), _f32),
)
_tc3 = pl.pallas_call(
    _tc3_body,
    out_shape=jax.ShapeDtypeStruct((N, D), _f32),
)


def kernel(e_prev, edge_index, W1, b1, gamma1, beta1, W2, b2, gamma2, beta2):
    ei3 = edge_index.reshape(2, TOTC, CHUNK)

    ones_c = jnp.ones((CHUNK, DEGW), _f32)
    zeros_r = jnp.zeros((RPT, DEGW), _f32)
    zrows = jnp.zeros((RPT, D), _f32)

    h1 = _tc0(e_prev, W1)
    degp = _deg_kernel(ei3, ones_c, zeros_r)
    dinv, hs1 = _tc1(degp, h1)
    p1 = _agg_kernel(hs1, ei3, zrows)
    hs2 = _tc2(p1, hs1, dinv, b1.reshape(1, D), gamma1.reshape(1, D),
               beta1.reshape(1, D), W2)
    p2 = _agg_kernel(hs2, ei3, zrows)
    out = _tc3(p2, hs2, dinv, b2.reshape(1, D), gamma2.reshape(1, D),
               beta2.reshape(1, D))
    return out

# --- scband reference (transcript-rebuilt; emitter-appended) ---
"""Pipeline reference for scband-gnnencoder-1073741824178 (READ-ONLY COPY).

The authoritative reference and input builder live on the scoring server;
editing this copy changes nothing except your own understanding.
"""

import jax, jax.numpy as jnp
import numpy as np

N_NODES = 10000
N_EDGES = 320000
D = 128


def setup_inputs(seed: int = 0) -> dict:
    key = jax.random.key(seed)
    k = jax.random.split(key, 12)
    x = jax.random.normal(k[0], (N_NODES, D), dtype=jnp.float32)
    edge_index = jax.random.randint(k[1], (2, N_EDGES), 0, N_NODES, dtype=jnp.int32)
    s = 1.0 / np.sqrt(D)
    W1 = jax.random.normal(k[2], (D, D), dtype=jnp.float32) * s
    b1 = jnp.zeros((D,), dtype=jnp.float32)
    W2 = jax.random.normal(k[3], (D, D), dtype=jnp.float32) * s
    b2 = jnp.zeros((D,), dtype=jnp.float32)
    gamma1 = jnp.ones((D,), dtype=jnp.float32)
    beta1 = jnp.zeros((D,), dtype=jnp.float32)
    gamma2 = jnp.ones((D,), dtype=jnp.float32)
    beta2 = jnp.zeros((D,), dtype=jnp.float32)
    return {"e_prev": x, "edge_index": edge_index, "W1": W1, "b1": b1,
            "gamma1": gamma1, "beta1": beta1, "W2": W2, "b2": b2,
            "gamma2": gamma2, "beta2": beta2}


def _gcn_conv(x, edge_index, W, b):
    # PyG GCNConv: linear transform, then symmetric-normalized aggregation
    # with added self-loops, then bias.
    n = x.shape[0]
    h = x @ W
    src = edge_index[0]
    dst = edge_index[1]
    loop = jnp.arange(n, dtype=src.dtype)
    src = jnp.concatenate([src, loop])
    dst = jnp.concatenate([dst, loop])
    deg = jnp.zeros((n,), dtype=x.dtype).at[dst].add(1.0)
    dinv = jnp.where(deg > 0, 1.0 / jnp.sqrt(deg), 0.0)
    norm = dinv[src] * dinv[dst]
    msg = h[src] * norm[:, None]
    out = jax.ops.segment_sum(msg, dst, num_segments=n)
    return out + b


def _batch_norm(x, gamma, beta, eps=1e-5):
    mean = jnp.mean(x, axis=0)
    var = jnp.var(x, axis=0)
    return (x - mean) / jnp.sqrt(var + eps) * gamma + beta


def reference(e_prev, edge_index, W1, b1, gamma1, beta1, W2, b2, gamma2, beta2):
    # input_dim == hidden_dim so no input_projection in the torch module
    x = _gcn_conv(e_prev, edge_index, W1, b1)
    x = _batch_norm(x, gamma1, beta1)
    x = jax.nn.relu(x)
    # dropout (p=0.2) is identity in eval mode
    x = _gcn_conv(x, edge_index, W2, b2)
    x = _batch_norm(x, gamma2, beta2)
    return x

if __name__ == "__main__":
    import jax
    _d = setup_inputs()
    print(jax.jit(kernel)(*tuple(_d.values())))

</pallas_src>

<mosaic_0001>
#map = affine_map<(d0, d1) -> (0, 0, 0)>
#map1 = affine_map<(d0, d1) -> (0, 0)>
module attributes {stable_mosaic.version = 14 : i64} {
  func.func @_deg_kernel(%arg0: i32, %arg1: i32, %arg2: memref<2x5000x64xi32, #tpu.memory_space<hbm>>, %arg3: memref<64x128xf32, #tpu.memory_space<hbm>>, %arg4: memref<640x128xf32, #tpu.memory_space<hbm>>, %arg5: memref<2x10240x128xf32, #tpu.memory_space<hbm>>, %arg6: memref<40x64xi32, #tpu.memory_space<vmem>>, %arg7: memref<64x128xf32, #tpu.memory_space<vmem>>, %arg8: memref<10240x128xf32, #tpu.memory_space<vmem_shared>>, %arg9: memref<!tpu.dma_semaphore, #tpu.memory_space<semaphore_mem>>) attributes {dimension_semantics = [#tpu.dimension_semantics<core_parallel>, #tpu.dimension_semantics<subcore_parallel>], iteration_bounds = array<i64: 2, 16>, scalar_prefetch = 0 : i64, scratch_operands = 4 : i64, tpu.core_type = #tpu.core_type<sc_vector_subcore>, window_params = [{transform_indices = #map}, {transform_indices = #map1}, {transform_indices = #map1}, {transform_indices = #map}]} {
    %mul3A = arith.constant 2 : i32
    %mul3A_0 = arith.muli %arg1, %mul3A : i32
    %add3A = arith.addi %mul3A_0, %arg0 : i32
    %lt3A = arith.constant 16 : i32
    %lt3A_1 = arith.cmpi slt, %add3A, %lt3A : i32
    %eq3A = arith.constant 31 : i32
    %eq3A_2 = arith.cmpi eq, %add3A, %eq3A : i32
    %or3A = arith.ori %lt3A_1, %eq3A_2 : i1
    %min3A = arith.constant 16 : i32
    %min3A_3 = arith.minsi %add3A, %min3A : i32
    %mul3A_4 = arith.constant 160 : i32
    %mul3A_5 = arith.muli %mul3A_4, %min3A_3 : i32
    %sub3A = arith.subi %add3A, %min3A_3 : i32
    %mul3A_6 = arith.constant 152 : i32
    %mul3A_7 = arith.muli %mul3A_6, %sub3A : i32
    %add3A_8 = arith.addi %mul3A_5, %mul3A_7 : i32
    %jit3A = arith.constant 160 : i32
    %jit3A_9 = arith.constant 152 : i32
    %select_n3A = arith.select %or3A, %jit3A, %jit3A_9 : i32
    %mul3A_10 = arith.constant 640 : i32
    %mul3A_11 = arith.muli %arg1, %mul3A_10 : i32
    "tpu.region"() ({
      %run_scoped3A_126 = tpu.sem_alloc : memref<!tpu.dma_semaphore, #tpu.memory_space<semaphore_mem>>
      %dma_start3A = arith.constant 0 : i32
      %dma_start3A_127 = tpu.memref_slice %arg8[%mul3A_11, %dma_start3A] : memref<10240x128xf32, #tpu.memory_space<vmem_shared>> -> memref<640x128xf32, #tpu.memory_space<vmem_shared>>
      tpu.enqueue_dma source(%arg4 : memref<640x128xf32, #tpu.memory_space<hbm>>) target(%dma_start3A_127 : memref<640x128xf32, #tpu.memory_space<vmem_shared>>) target_semaphore(%run_scoped3A_126 : memref<!tpu.dma_semaphore, #tpu.memory_space<semaphore_mem>>)
      %dma_wait3A = arith.constant 0 : i32
      %dma_wait3A_128 = tpu.memref_slice %arg8[%mul3A_11, %dma_wait3A] : memref<10240x128xf32, #tpu.memory_space<vmem_shared>> -> memref<640x128xf32, #tpu.memory_space<vmem_shared>>
      tpu.wait_dma2 semaphore(%run_scoped3A_126 : memref<!tpu.dma_semaphore, #tpu.memory_space<semaphore_mem>>) src(%arg4 : memref<640x128xf32, #tpu.memory_space<hbm>>) dst(%dma_wait3A_128 : memref<640x128xf32, #tpu.memory_space<vmem_shared>>)
      tpu.yield
    }) : () -> ()
    "tpu.region"() ({
      %run_scoped3A_126 = tpu.sem_alloc : memref<!tpu.dma_semaphore, #tpu.memory_space<semaphore_mem>>
      tpu.enqueue_dma source(%arg3 : memref<64x128xf32, #tpu.memory_space<hbm>>) target(%arg7 : memref<64x128xf32, #tpu.memory_space<vmem>>) target_semaphore(%run_scoped3A_126 : memref<!tpu.dma_semaphore, #tpu.memory_space<semaphore_mem>>)
      tpu.wait_dma2 semaphore(%run_scoped3A_126 : memref<!tpu.dma_semaphore, #tpu.memory_space<semaphore_mem>>) src(%arg3 : memref<64x128xf32, #tpu.memory_space<hbm>>) dst(%arg7 : memref<64x128xf32, #tpu.memory_space<vmem>>)
      tpu.yield
    }) : () -> ()
    %barrier3A = arith.constant 0 : index
    tpu.barrier barrier_id(%barrier3A)
    %add3A_12 = arith.constant 0 : i32
    %add3A_13 = arith.addi %add3A_8, %add3A_12 : i32
    %multiple_of3A = tpu.assume_multiple %add3A_13, 8 : i32
    %sub3A_14 = arith.constant 0 : i32
    %sub3A_15 = arith.subi %select_n3A, %sub3A_14 : i32
    %min3A_16 = arith.constant 40 : i32
    %min3A_17 = arith.minsi %min3A_16, %sub3A_15 : i32
    %run_scoped3A = arith.constant 1 : i32
    "tpu.region"() ({
      %run_scoped3A_126 = tpu.sem_alloc : memref<!tpu.dma_semaphore, #tpu.memory_space<semaphore_mem>>
      %dma_start3A = arith.constant 0 : i32
      %dma_start3A_127 = tpu.memref_slice %arg2[%run_scoped3A, %multiple_of3A, %dma_start3A] : memref<2x5000x64xi32, #tpu.memory_space<hbm>> -> memref<1x40x64xi32, #tpu.memory_space<hbm>>
      %dma_start3A_128 = tpu.memref_squeeze %dma_start3A_127 : memref<1x40x64xi32, #tpu.memory_space<hbm>> -> memref<40x64xi32, #tpu.memory_space<hbm>>
      %dma_start3A_129 = arith.constant 0 : i32
      %dma_start3A_130 = tpu.memref_slice %arg2[%run_scoped3A, %multiple_of3A, %dma_start3A_129] : memref<2x5000x64xi32, #tpu.memory_space<hbm>> -> memref<1x40x64xi32, #tpu.memory_space<hbm>>
      %dma_start3A_131 = tpu.memref_squeeze %dma_start3A_130 : memref<1x40x64xi32, #tpu.memory_space<hbm>> -> memref<40x64xi32, #tpu.memory_space<hbm>>
      tpu.enqueue_dma source(%dma_start3A_131 : memref<40x64xi32, #tpu.memory_space<hbm>>) target(%arg6 : memref<40x64xi32, #tpu.memory_space<vmem>>) target_semaphore(%run_scoped3A_126 : memref<!tpu.dma_semaphore, #tpu.memory_space<semaphore_mem>>)
      %dma_wait3A = arith.constant 0 : i32
      %dma_wait3A_132 = tpu.memref_slice %arg2[%run_scoped3A, %multiple_of3A, %dma_wait3A] : memref<2x5000x64xi32, #tpu.memory_space<hbm>> -> memref<1x40x64xi32, #tpu.memory_space<hbm>>
      %dma_wait3A_133 = tpu.memref_squeeze %dma_wait3A_132 : memref<1x40x64xi32, #tpu.memory_space<hbm>> -> memref<40x64xi32, #tpu.memory_space<hbm>>
      %dma_wait3A_134 = arith.constant 0 : i32
      %dma_wait3A_135 = tpu.memref_slice %arg2[%run_scoped3A, %multiple_of3A, %dma_wait3A_134] : memref<2x5000x64xi32, #tpu.memory_space<hbm>> -> memref<1x40x64xi32, #tpu.memory_space<hbm>>
      %dma_wait3A_136 = tpu.memref_squeeze %dma_wait3A_135 : memref<1x40x64xi32, #tpu.memory_space<hbm>> -> memref<40x64xi32, #tpu.memory_space<hbm>>
      tpu.wait_dma2 semaphore(%run_scoped3A_126 : memref<!tpu.dma_semaphore, #tpu.memory_space<semaphore_mem>>) src(%dma_wait3A_136 : memref<40x64xi32, #tpu.memory_space<hbm>>) dst(%arg6 : memref<40x64xi32, #tpu.memory_space<vmem>>)
      tpu.yield
    }) : () -> ()
    %while3A = arith.constant 0 : i32
    %while3A_18 = arith.constant 0 : i32
    %while3A_19 = arith.subi %min3A_17, %while3A_18 : i32
    %while3A_20 = arith.addi %while3A_18, %while3A_19 : i32
    %while3A_21 = arith.constant 1 : i32
    %while3A_22 = arith.divsi %while3A_19, %while3A_21 : i32
    %while3A_23 = arith.muli %while3A_22, %while3A_21 : i32
    %while3A_24 = arith.addi %while3A_18, %while3A_23 : i32
    %while3A_25 = arith.constant 1 : i32
    scf.for %while3A_126 = %while3A_18 to %while3A_24 step %while3A_25  : i32 {
      %dma_start3A = arith.constant 0 : i32
      %dma_start3A_127 = tpu.memref_slice %arg6[%while3A_126, %dma_start3A] : memref<40x64xi32, #tpu.memory_space<vmem>> -> memref<1x64xi32, #tpu.memory_space<vmem>>
      %dma_start3A_128 = tpu.memref_squeeze %dma_start3A_127 : memref<1x64xi32, #tpu.memory_space<vmem>> -> memref<64xi32, #tpu.memory_space<vmem>>
      %dma_start3A_129 = arith.constant 0 : i32
      %dma_start3A_130 = arith.constant 0 : i32
      %dma_start3A_131 = tpu.memref_slice %arg8[%dma_start3A_129, %dma_start3A_130] : memref<10240x128xf32, #tpu.memory_space<vmem_shared>> -> memref<10240x128xf32, #tpu.memory_space<vmem_shared>>
      tpu.enqueue_indirect_dma source(%arg7 : memref<64x128xf32, #tpu.memory_space<vmem>>) target(%dma_start3A_131 : memref<10240x128xf32, #tpu.memory_space<vmem_shared>>) offsets(%dma_start3A_128 : memref<64xi32, #tpu.memory_space<vmem>>) semaphore(%arg9 : memref<!tpu.dma_semaphore, #tpu.memory_space<semaphore_mem>>) {add = true}
    }
    %while3A_26 = arith.constant 1 : i32
    scf.for %while3A_126 = %while3A_24 to %while3A_20 step %while3A_26  : i32 {
      %dma_start3A = arith.constant 0 : i32
      %dma_start3A_127 = tpu.memref_slice %arg6[%while3A_126, %dma_start3A] : memref<40x64xi32, #tpu.memory_space<vmem>> -> memref<1x64xi32, #tpu.memory_space<vmem>>
      %dma_start3A_128 = tpu.memref_squeeze %dma_start3A_127 : memref<1x64xi32, #tpu.memory_space<vmem>> -> memref<64xi32, #tpu.memory_space<vmem>>
      %dma_start3A_129 = arith.constant 0 : i32
      %dma_start3A_130 = arith.constant 0 : i32
      %dma_start3A_131 = tpu.memref_slice %arg8[%dma_start3A_129, %dma_start3A_130] : memref<10240x128xf32, #tpu.memory_space<vmem_shared>> -> memref<10240x128xf32, #tpu.memory_space<vmem_shared>>
      tpu.enqueue_indirect_dma source(%arg7 : memref<64x128xf32, #tpu.memory_space<vmem>>) target(%dma_start3A_131 : memref<10240x128xf32, #tpu.memory_space<vmem_shared>>) offsets(%dma_start3A_128 : memref<64xi32, #tpu.memory_space<vmem>>) semaphore(%arg9 : memref<!tpu.dma_semaphore, #tpu.memory_space<semaphore_mem>>) {add = true}
    }
    %while3A_27 = arith.constant 0 : i32
    %while3A_28 = arith.constant 0 : i32
    %while3A_29 = arith.subi %min3A_17, %while3A_28 : i32
    %while3A_30 = arith.addi %while3A_28, %while3A_29 : i32
    %while3A_31 = arith.constant 1 : i32
    %while3A_32 = arith.divsi %while3A_29, %while3A_31 : i32
    %while3A_33 = arith.muli %while3A_32, %while3A_31 : i32
    %while3A_34 = arith.addi %while3A_28, %while3A_33 : i32
    %while3A_35 = arith.constant 1 : i32
    scf.for %while3A_126 = %while3A_28 to %while3A_34 step %while3A_35  : i32 {
      %dma_wait3A = arith.constant 0 : i32
      %dma_wait3A_127 = tpu.memref_slice %arg6[%while3A_126, %dma_wait3A] : memref<40x64xi32, #tpu.memory_space<vmem>> -> memref<1x64xi32, #tpu.memory_space<vmem>>
      %dma_wait3A_128 = tpu.memref_squeeze %dma_wait3A_127 : memref<1x64xi32, #tpu.memory_space<vmem>> -> memref<64xi32, #tpu.memory_space<vmem>>
      %dma_wait3A_129 = arith.constant 0 : i32
      %dma_wait3A_130 = arith.constant 0 : i32
      %dma_wait3A_131 = tpu.memref_slice %arg8[%dma_wait3A_129, %dma_wait3A_130] : memref<10240x128xf32, #tpu.memory_space<vmem_shared>> -> memref<10240x128xf32, #tpu.memory_space<vmem_shared>>
      tpu.wait_indirect_dma semaphore(%arg9 : memref<!tpu.dma_semaphore, #tpu.memory_space<semaphore_mem>>) src(%arg7 : memref<64x128xf32, #tpu.memory_space<vmem>>) dst(%dma_wait3A_131 : memref<10240x128xf32, #tpu.memory_space<vmem_shared>>)
    }
    %while3A_36 = arith.constant 1 : i32
    scf.for %while3A_126 = %while3A_34 to %while3A_30 step %while3A_36  : i32 {
      %dma_wait3A = arith.constant 0 : i32
      %dma_wait3A_127 = tpu.memref_slice %arg6[%while3A_126, %dma_wait3A] : memref<40x64xi32, #tpu.memory_space<vmem>> -> memref<1x64xi32, #tpu.memory_space<vmem>>
      %dma_wait3A_128 = tpu.memref_squeeze %dma_wait3A_127 : memref<1x64xi32, #tpu.memory_space<vmem>> -> memref<64xi32, #tpu.memory_space<vmem>>
      %dma_wait3A_129 = arith.constant 0 : i32
      %dma_wait3A_130 = arith.constant 0 : i32
      %dma_wait3A_131 = tpu.memref_slice %arg8[%dma_wait3A_129, %dma_wait3A_130] : memref<10240x128xf32, #tpu.memory_space<vmem_shared>> -> memref<10240x128xf32, #tpu.memory_space<vmem_shared>>
      tpu.wait_indirect_dma semaphore(%arg9 : memref<!tpu.dma_semaphore, #tpu.memory_space<semaphore_mem>>) src(%arg7 : memref<64x128xf32, #tpu.memory_space<vmem>>) dst(%dma_wait3A_131 : memref<10240x128xf32, #tpu.memory_space<vmem_shared>>)
    }
    %add3A_37 = arith.constant 40 : i32
    %add3A_38 = arith.addi %add3A_8, %add3A_37 : i32
    %multiple_of3A_39 = tpu.assume_multiple %add3A_38, 8 : i32
    %sub3A_40 = arith.constant 40 : i32
    %sub3A_41 = arith.subi %select_n3A, %sub3A_40 : i32
    %min3A_42 = arith.constant 40 : i32
    %min3A_43 = arith.minsi %min3A_42, %sub3A_41 : i32
    %run_scoped3A_44 = arith.constant 1 : i32
    "tpu.region"() ({
      %run_scoped3A_126 = tpu.sem_alloc : memref<!tpu.dma_semaphore, #tpu.memory_space<semaphore_mem>>
      %dma_start3A = arith.constant 0 : i32
      %dma_start3A_127 = tpu.memref_slice %arg2[%run_scoped3A_44, %multiple_of3A_39, %dma_start3A] : memref<2x5000x64xi32, #tpu.memory_space<hbm>> -> memref<1x40x64xi32, #tpu.memory_space<hbm>>
      %dma_start3A_128 = tpu.memref_squeeze %dma_start3A_127 : memref<1x40x64xi32, #tpu.memory_space<hbm>> -> memref<40x64xi32, #tpu.memory_space<hbm>>
      %dma_start3A_129 = arith.constant 0 : i32
      %dma_start3A_130 = tpu.memref_slice %arg2[%run_scoped3A_44, %multiple_of3A_39, %dma_start3A_129] : memref<2x5000x64xi32, #tpu.memory_space<hbm>> -> memref<1x40x64xi32, #tpu.memory_space<hbm>>
      %dma_start3A_131 = tpu.memref_squeeze %dma_start3A_130 : memref<1x40x64xi32, #tpu.memory_space<hbm>> -> memref<40x64xi32, #tpu.memory_space<hbm>>
      tpu.enqueue_dma source(%dma_start3A_131 : memref<40x64xi32, #tpu.memory_space<hbm>>) target(%arg6 : memref<40x64xi32, #tpu.memory_space<vmem>>) target_semaphore(%run_scoped3A_126 : memref<!tpu.dma_semaphore, #tpu.memory_space<semaphore_mem>>)
      %dma_wait3A = arith.constant 0 : i32
      %dma_wait3A_132 = tpu.memref_slice %arg2[%run_scoped3A_44, %multiple_of3A_39, %dma_wait3A] : memref<2x5000x64xi32, #tpu.memory_space<hbm>> -> memref<1x40x64xi32, #tpu.memory_space<hbm>>
      %dma_wait3A_133 = tpu.memref_squeeze %dma_wait3A_132 : memref<1x40x64xi32, #tpu.memory_space<hbm>> -> memref<40x64xi32, #tpu.memory_space<hbm>>
      %dma_wait3A_134 = arith.constant 0 : i32
      %dma_wait3A_135 = tpu.memref_slice %arg2[%run_scoped3A_44, %multiple_of3A_39, %dma_wait3A_134] : memref<2x5000x64xi32, #tpu.memory_space<hbm>> -> memref<1x40x64xi32, #tpu.memory_space<hbm>>
      %dma_wait3A_136 = tpu.memref_squeeze %dma_wait3A_135 : memref<1x40x64xi32, #tpu.memory_space<hbm>> -> memref<40x64xi32, #tpu.memory_space<hbm>>
      tpu.wait_dma2 semaphore(%run_scoped3A_126 : memref<!tpu.dma_semaphore, #tpu.memory_space<semaphore_mem>>) src(%dma_wait3A_136 : memref<40x64xi32, #tpu.memory_space<hbm>>) dst(%arg6 : memref<40x64xi32, #tpu.memory_space<vmem>>)
      tpu.yield
    }) : () -> ()
    %while3A_45 = arith.constant 0 : i32
    %while3A_46 = arith.constant 0 : i32
    %while3A_47 = arith.subi %min3A_43, %while3A_46 : i32
    %while3A_48 = arith.addi %while3A_46, %while3A_47 : i32
    %while3A_49 = arith.constant 1 : i32
    %while3A_50 = arith.divsi %while3A_47, %while3A_49 : i32
    %while3A_51 = arith.muli %while3A_50, %while3A_49 : i32
    %while3A_52 = arith.addi %while3A_46, %while3A_51 : i32
    %while3A_53 = arith.constant 1 : i32
    scf.for %while3A_126 = %while3A_46 to %while3A_52 step %while3A_53  : i32 {
      %dma_start3A = arith.constant 0 : i32
      %dma_start3A_127 = tpu.memref_slice %arg6[%while3A_126, %dma_start3A] : memref<40x64xi32, #tpu.memory_space<vmem>> -> memref<1x64xi32, #tpu.memory_space<vmem>>
      %dma_start3A_128 = tpu.memref_squeeze %dma_start3A_127 : memref<1x64xi32, #tpu.memory_space<vmem>> -> memref<64xi32, #tpu.memory_space<vmem>>
      %dma_start3A_129 = arith.constant 0 : i32
      %dma_start3A_130 = arith.constant 0 : i32
      %dma_start3A_131 = tpu.memref_slice %arg8[%dma_start3A_129, %dma_start3A_130] : memref<10240x128xf32, #tpu.memory_space<vmem_shared>> -> memref<10240x128xf32, #tpu.memory_space<vmem_shared>>
      tpu.enqueue_indirect_dma source(%arg7 : memref<64x128xf32, #tpu.memory_space<vmem>>) target(%dma_start3A_131 : memref<10240x128xf32, #tpu.memory_space<vmem_shared>>) offsets(%dma_start3A_128 : memref<64xi32, #tpu.memory_space<vmem>>) semaphore(%arg9 : memref<!tpu.dma_semaphore, #tpu.memory_space<semaphore_mem>>) {add = true}
    }
    %while3A_54 = arith.constant 1 : i32
    scf.for %while3A_126 = %while3A_52 to %while3A_48 step %while3A_54  : i32 {
      %dma_start3A = arith.constant 0 : i32
      %dma_start3A_127 = tpu.memref_slice %arg6[%while3A_126, %dma_start3A] : memref<40x64xi32, #tpu.memory_space<vmem>> -> memref<1x64xi32, #tpu.memory_space<vmem>>
      %dma_start3A_128 = tpu.memref_squeeze %dma_start3A_127 : memref<1x64xi32, #tpu.memory_space<vmem>> -> memref<64xi32, #tpu.memory_space<vmem>>
      %dma_start3A_129 = arith.constant 0 : i32
      %dma_start3A_130 = arith.constant 0 : i32
      %dma_start3A_131 = tpu.memref_slice %arg8[%dma_start3A_129, %dma_start3A_130] : memref<10240x128xf32, #tpu.memory_space<vmem_shared>> -> memref<10240x128xf32, #tpu.memory_space<vmem_shared>>
      tpu.enqueue_indirect_dma source(%arg7 : memref<64x128xf32, #tpu.memory_space<vmem>>) target(%dma_start3A_131 : memref<10240x128xf32, #tpu.memory_space<vmem_shared>>) offsets(%dma_start3A_128 : memref<64xi32, #tpu.memory_space<vmem>>) semaphore(%arg9 : memref<!tpu.dma_semaphore, #tpu.memory_space<semaphore_mem>>) {add = true}
    }
    %while3A_55 = arith.constant 0 : i32
    %while3A_56 = arith.constant 0 : i32
    %while3A_57 = arith.subi %min3A_43, %while3A_56 : i32
    %while3A_58 = arith.addi %while3A_56, %while3A_57 : i32
    %while3A_59 = arith.constant 1 : i32
    %while3A_60 = arith.divsi %while3A_57, %while3A_59 : i32
    %while3A_61 = arith.muli %while3A_60, %while3A_59 : i32
    %while3A_62 = arith.addi %while3A_56, %while3A_61 : i32
    %while3A_63 = arith.constant 1 : i32
    scf.for %while3A_126 = %while3A_56 to %while3A_62 step %while3A_63  : i32 {
      %dma_wait3A = arith.constant 0 : i32
      %dma_wait3A_127 = tpu.memref_slice %arg6[%while3A_126, %dma_wait3A] : memref<40x64xi32, #tpu.memory_space<vmem>> -> memref<1x64xi32, #tpu.memory_space<vmem>>
      %dma_wait3A_128 = tpu.memref_squeeze %dma_wait3A_127 : memref<1x64xi32, #tpu.memory_space<vmem>> -> memref<64xi32, #tpu.memory_space<vmem>>
      %dma_wait3A_129 = arith.constant 0 : i32
      %dma_wait3A_130 = arith.constant 0 : i32
      %dma_wait3A_131 = tpu.memref_slice %arg8[%dma_wait3A_129, %dma_wait3A_130] : memref<10240x128xf32, #tpu.memory_space<vmem_shared>> -> memref<10240x128xf32, #tpu.memory_space<vmem_shared>>
      tpu.wait_indirect_dma semaphore(%arg9 : memref<!tpu.dma_semaphore, #tpu.memory_space<semaphore_mem>>) src(%arg7 : memref<64x128xf32, #tpu.memory_space<vmem>>) dst(%dma_wait3A_131 : memref<10240x128xf32, #tpu.memory_space<vmem_shared>>)
    }
    %while3A_64 = arith.constant 1 : i32
    scf.for %while3A_126 = %while3A_62 to %while3A_58 step %while3A_64  : i32 {
      %dma_wait3A = arith.constant 0 : i32
      %dma_wait3A_127 = tpu.memref_slice %arg6[%while3A_126, %dma_wait3A] : memref<40x64xi32, #tpu.memory_space<vmem>> -> memref<1x64xi32, #tpu.memory_space<vmem>>
      %dma_wait3A_128 = tpu.memref_squeeze %dma_wait3A_127 : memref<1x64xi32, #tpu.memory_space<vmem>> -> memref<64xi32, #tpu.memory_space<vmem>>
      %dma_wait3A_129 = arith.constant 0 : i32
      %dma_wait3A_130 = arith.constant 0 : i32
      %dma_wait3A_131 = tpu.memref_slice %arg8[%dma_wait3A_129, %dma_wait3A_130] : memref<10240x128xf32, #tpu.memory_space<vmem_shared>> -> memref<10240x128xf32, #tpu.memory_space<vmem_shared>>
      tpu.wait_indirect_dma semaphore(%arg9 : memref<!tpu.dma_semaphore, #tpu.memory_space<semaphore_mem>>) src(%arg7 : memref<64x128xf32, #tpu.memory_space<vmem>>) dst(%dma_wait3A_131 : memref<10240x128xf32, #tpu.memory_space<vmem_shared>>)
    }
    %add3A_65 = arith.constant 80 : i32
    %add3A_66 = arith.addi %add3A_8, %add3A_65 : i32
    %multiple_of3A_67 = tpu.assume_multiple %add3A_66, 8 : i32
    %sub3A_68 = arith.constant 80 : i32
    %sub3A_69 = arith.subi %select_n3A, %sub3A_68 : i32
    %min3A_70 = arith.constant 40 : i32
    %min3A_71 = arith.minsi %min3A_70, %sub3A_69 : i32
    %run_scoped3A_72 = arith.constant 1 : i32
    "tpu.region"() ({
      %run_scoped3A_126 = tpu.sem_alloc : memref<!tpu.dma_semaphore, #tpu.memory_space<semaphore_mem>>
      %dma_start3A = arith.constant 0 : i32
      %dma_start3A_127 = tpu.memref_slice %arg2[%run_scoped3A_72, %multiple_of3A_67, %dma_start3A] : memref<2x5000x64xi32, #tpu.memory_space<hbm>> -> memref<1x40x64xi32, #tpu.memory_space<hbm>>
      %dma_start3A_128 = tpu.memref_squeeze %dma_start3A_127 : memref<1x40x64xi32, #tpu.memory_space<hbm>> -> memref<40x64xi32, #tpu.memory_space<hbm>>
      %dma_start3A_129 = arith.constant 0 : i32
      %dma_start3A_130 = tpu.memref_slice %arg2[%run_scoped3A_72, %multiple_of3A_67, %dma_start3A_129] : memref<2x5000x64xi32, #tpu.memory_space<hbm>> -> memref<1x40x64xi32, #tpu.memory_space<hbm>>
      %dma_start3A_131 = tpu.memref_squeeze %dma_start3A_130 : memref<1x40x64xi32, #tpu.memory_space<hbm>> -> memref<40x64xi32, #tpu.memory_space<hbm>>
      tpu.enqueue_dma source(%dma_start3A_131 : memref<40x64xi32, #tpu.memory_space<hbm>>) target(%arg6 : memref<40x64xi32, #tpu.memory_space<vmem>>) target_semaphore(%run_scoped3A_126 : memref<!tpu.dma_semaphore, #tpu.memory_space<semaphore_mem>>)
      %dma_wait3A = arith.constant 0 : i32
      %dma_wait3A_132 = tpu.memref_slice %arg2[%run_scoped3A_72, %multiple_of3A_67, %dma_wait3A] : memref<2x5000x64xi32, #tpu.memory_space<hbm>> -> memref<1x40x64xi32, #tpu.memory_space<hbm>>
      %dma_wait3A_133 = tpu.memref_squeeze %dma_wait3A_132 : memref<1x40x64xi32, #tpu.memory_space<hbm>> -> memref<40x64xi32, #tpu.memory_space<hbm>>
      %dma_wait3A_134 = arith.constant 0 : i32
      %dma_wait3A_135 = tpu.memref_slice %arg2[%run_scoped3A_72, %multiple_of3A_67, %dma_wait3A_134] : memref<2x5000x64xi32, #tpu.memory_space<hbm>> -> memref<1x40x64xi32, #tpu.memory_space<hbm>>
      %dma_wait3A_136 = tpu.memref_squeeze %dma_wait3A_135 : memref<1x40x64xi32, #tpu.memory_space<hbm>> -> memref<40x64xi32, #tpu.memory_space<hbm>>
      tpu.wait_dma2 semaphore(%run_scoped3A_126 : memref<!tpu.dma_semaphore, #tpu.memory_space<semaphore_mem>>) src(%dma_wait3A_136 : memref<40x64xi32, #tpu.memory_space<hbm>>) dst(%arg6 : memref<40x64xi32, #tpu.memory_space<vmem>>)
      tpu.yield
    }) : () -> ()
    %while3A_73 = arith.constant 0 : i32
    %while3A_74 = arith.constant 0 : i32
    %while3A_75 = arith.subi %min3A_71, %while3A_74 : i32
    %while3A_76 = arith.addi %while3A_74, %while3A_75 : i32
    %while3A_77 = arith.constant 1 : i32
    %while3A_78 = arith.divsi %while3A_75, %while3A_77 : i32
    %while3A_79 = arith.muli %while3A_78, %while3A_77 : i32
    %while3A_80 = arith.addi %while3A_74, %while3A_79 : i32
    %while3A_81 = arith.constant 1 : i32
    scf.for %while3A_126 = %while3A_74 to %while3A_80 step %while3A_81  : i32 {
      %dma_start3A = arith.constant 0 : i32
      %dma_start3A_127 = tpu.memref_slice %arg6[%while3A_126, %dma_start3A] : memref<40x64xi32, #tpu.memory_space<vmem>> -> memref<1x64xi32, #tpu.memory_space<vmem>>
      %dma_start3A_128 = tpu.memref_squeeze %dma_start3A_127 : memref<1x64xi32, #tpu.memory_space<vmem>> -> memref<64xi32, #tpu.memory_space<vmem>>
      %dma_start3A_129 = arith.constant 0 : i32
      %dma_start3A_130 = arith.constant 0 : i32
      %dma_start3A_131 = tpu.memref_slice %arg8[%dma_start3A_129, %dma_start3A_130] : memref<10240x128xf32, #tpu.memory_space<vmem_shared>> -> memref<10240x128xf32, #tpu.memory_space<vmem_shared>>
      tpu.enqueue_indirect_dma source(%arg7 : memref<64x128xf32, #tpu.memory_space<vmem>>) target(%dma_start3A_131 : memref<10240x128xf32, #tpu.memory_space<vmem_shared>>) offsets(%dma_start3A_128 : memref<64xi32, #tpu.memory_space<vmem>>) semaphore(%arg9 : memref<!tpu.dma_semaphore, #tpu.memory_space<semaphore_mem>>) {add = true}
    }
    %while3A_82 = arith.constant 1 : i32
    scf.for %while3A_126 = %while3A_80 to %while3A_76 step %while3A_82  : i32 {
      %dma_start3A = arith.constant 0 : i32
      %dma_start3A_127 = tpu.memref_slice %arg6[%while3A_126, %dma_start3A] : memref<40x64xi32, #tpu.memory_space<vmem>> -> memref<1x64xi32, #tpu.memory_space<vmem>>
      %dma_start3A_128 = tpu.memref_squeeze %dma_start3A_127 : memref<1x64xi32, #tpu.memory_space<vmem>> -> memref<64xi32, #tpu.memory_space<vmem>>
      %dma_start3A_129 = arith.constant 0 : i32
      %dma_start3A_130 = arith.constant 0 : i32
      %dma_start3A_131 = tpu.memref_slice %arg8[%dma_start3A_129, %dma_start3A_130] : memref<10240x128xf32, #tpu.memory_space<vmem_shared>> -> memref<10240x128xf32, #tpu.memory_space<vmem_shared>>
      tpu.enqueue_indirect_dma source(%arg7 : memref<64x128xf32, #tpu.memory_space<vmem>>) target(%dma_start3A_131 : memref<10240x128xf32, #tpu.memory_space<vmem_shared>>) offsets(%dma_start3A_128 : memref<64xi32, #tpu.memory_space<vmem>>) semaphore(%arg9 : memref<!tpu.dma_semaphore, #tpu.memory_space<semaphore_mem>>) {add = true}
    }
    %while3A_83 = arith.constant 0 : i32
    %while3A_84 = arith.constant 0 : i32
    %while3A_85 = arith.subi %min3A_71, %while3A_84 : i32
    %while3A_86 = arith.addi %while3A_84, %while3A_85 : i32
    %while3A_87 = arith.constant 1 : i32
    %while3A_88 = arith.divsi %while3A_85, %while3A_87 : i32
    %while3A_89 = arith.muli %while3A_88, %while3A_87 : i32
    %while3A_90 = arith.addi %while3A_84, %while3A_89 : i32
    %while3A_91 = arith.constant 1 : i32
    scf.for %while3A_126 = %while3A_84 to %while3A_90 step %while3A_91  : i32 {
      %dma_wait3A = arith.constant 0 : i32
      %dma_wait3A_127 = tpu.memref_slice %arg6[%while3A_126, %dma_wait3A] : memref<40x64xi32, #tpu.memory_space<vmem>> -> memref<1x64xi32, #tpu.memory_space<vmem>>
      %dma_wait3A_128 = tpu.memref_squeeze %dma_wait3A_127 : memref<1x64xi32, #tpu.memory_space<vmem>> -> memref<64xi32, #tpu.memory_space<vmem>>
      %dma_wait3A_129 = arith.constant 0 : i32
      %dma_wait3A_130 = arith.constant 0 : i32
      %dma_wait3A_131 = tpu.memref_slice %arg8[%dma_wait3A_129, %dma_wait3A_130] : memref<10240x128xf32, #tpu.memory_space<vmem_shared>> -> memref<10240x128xf32, #tpu.memory_space<vmem_shared>>
      tpu.wait_indirect_dma semaphore(%arg9 : memref<!tpu.dma_semaphore, #tpu.memory_space<semaphore_mem>>) src(%arg7 : memref<64x128xf32, #tpu.memory_space<vmem>>) dst(%dma_wait3A_131 : memref<10240x128xf32, #tpu.memory_space<vmem_shared>>)
    }
    %while3A_92 = arith.constant 1 : i32
    scf.for %while3A_126 = %while3A_90 to %while3A_86 step %while3A_92  : i32 {
      %dma_wait3A = arith.constant 0 : i32
      %dma_wait3A_127 = tpu.memref_slice %arg6[%while3A_126, %dma_wait3A] : memref<40x64xi32, #tpu.memory_space<vmem>> -> memref<1x64xi32, #tpu.memory_space<vmem>>
      %dma_wait3A_128 = tpu.memref_squeeze %dma_wait3A_127 : memref<1x64xi32, #tpu.memory_space<vmem>> -> memref<64xi32, #tpu.memory_space<vmem>>
      %dma_wait3A_129 = arith.constant 0 : i32
      %dma_wait3A_130 = arith.constant 0 : i32
      %dma_wait3A_131 = tpu.memref_slice %arg8[%dma_wait3A_129, %dma_wait3A_130] : memref<10240x128xf32, #tpu.memory_space<vmem_shared>> -> memref<10240x128xf32, #tpu.memory_space<vmem_shared>>
      tpu.wait_indirect_dma semaphore(%arg9 : memref<!tpu.dma_semaphore, #tpu.memory_space<semaphore_mem>>) src(%arg7 : memref<64x128xf32, #tpu.memory_space<vmem>>) dst(%dma_wait3A_131 : memref<10240x128xf32, #tpu.memory_space<vmem_shared>>)
    }
    %add3A_93 = arith.constant 120 : i32
    %add3A_94 = arith.addi %add3A_8, %add3A_93 : i32
    %multiple_of3A_95 = tpu.assume_multiple %add3A_94, 8 : i32
    %sub3A_96 = arith.constant 120 : i32
    %sub3A_97 = arith.subi %select_n3A, %sub3A_96 : i32
    %min3A_98 = arith.constant 40 : i32
    %min3A_99 = arith.minsi %min3A_98, %sub3A_97 : i32
    %run_scoped3A_100 = arith.constant 1 : i32
    "tpu.region"() ({
      %run_scoped3A_126 = tpu.sem_alloc : memref<!tpu.dma_semaphore, #tpu.memory_space<semaphore_mem>>
      %dma_start3A = arith.constant 0 : i32
      %dma_start3A_127 = tpu.memref_slice %arg2[%run_scoped3A_100, %multiple_of3A_95, %dma_start3A] : memref<2x5000x64xi32, #tpu.memory_space<hbm>> -> memref<1x40x64xi32, #tpu.memory_space<hbm>>
      %dma_start3A_128 = tpu.memref_squeeze %dma_start3A_127 : memref<1x40x64xi32, #tpu.memory_space<hbm>> -> memref<40x64xi32, #tpu.memory_space<hbm>>
      %dma_start3A_129 = arith.constant 0 : i32
      %dma_start3A_130 = tpu.memref_slice %arg2[%run_scoped3A_100, %multiple_of3A_95, %dma_start3A_129] : memref<2x5000x64xi32, #tpu.memory_space<hbm>> -> memref<1x40x64xi32, #tpu.memory_space<hbm>>
      %dma_start3A_131 = tpu.memref_squeeze %dma_start3A_130 : memref<1x40x64xi32, #tpu.memory_space<hbm>> -> memref<40x64xi32, #tpu.memory_space<hbm>>
      tpu.enqueue_dma source(%dma_start3A_131 : memref<40x64xi32, #tpu.memory_space<hbm>>) target(%arg6 : memref<40x64xi32, #tpu.memory_space<vmem>>) target_semaphore(%run_scoped3A_126 : memref<!tpu.dma_semaphore, #tpu.memory_space<semaphore_mem>>)
      %dma_wait3A = arith.constant 0 : i32
      %dma_wait3A_132 = tpu.memref_slice %arg2[%run_scoped3A_100, %multiple_of3A_95, %dma_wait3A] : memref<2x5000x64xi32, #tpu.memory_space<hbm>> -> memref<1x40x64xi32, #tpu.memory_space<hbm>>
      %dma_wait3A_133 = tpu.memref_squeeze %dma_wait3A_132 : memref<1x40x64xi32, #tpu.memory_space<hbm>> -> memref<40x64xi32, #tpu.memory_space<hbm>>
      %dma_wait3A_134 = arith.constant 0 : i32
      %dma_wait3A_135 = tpu.memref_slice %arg2[%run_scoped3A_100, %multiple_of3A_95, %dma_wait3A_134] : memref<2x5000x64xi32, #tpu.memory_space<hbm>> -> memref<1x40x64xi32, #tpu.memory_space<hbm>>
      %dma_wait3A_136 = tpu.memref_squeeze %dma_wait3A_135 : memref<1x40x64xi32, #tpu.memory_space<hbm>> -> memref<40x64xi32, #tpu.memory_space<hbm>>
      tpu.wait_dma2 semaphore(%run_scoped3A_126 : memref<!tpu.dma_semaphore, #tpu.memory_space<semaphore_mem>>) src(%dma_wait3A_136 : memref<40x64xi32, #tpu.memory_space<hbm>>) dst(%arg6 : memref<40x64xi32, #tpu.memory_space<vmem>>)
      tpu.yield
    }) : () -> ()
    %while3A_101 = arith.constant 0 : i32
    %while3A_102 = arith.constant 0 : i32
    %while3A_103 = arith.subi %min3A_99, %while3A_102 : i32
    %while3A_104 = arith.addi %while3A_102, %while3A_103 : i32
    %while3A_105 = arith.constant 1 : i32
    %while3A_106 = arith.divsi %while3A_103, %while3A_105 : i32
    %while3A_107 = arith.muli %while3A_106, %while3A_105 : i32
    %while3A_108 = arith.addi %while3A_102, %while3A_107 : i32
    %while3A_109 = arith.constant 1 : i32
    scf.for %while3A_126 = %while3A_102 to %while3A_108 step %while3A_109  : i32 {
      %dma_start3A = arith.constant 0 : i32
      %dma_start3A_127 = tpu.memref_slice %arg6[%while3A_126, %dma_start3A] : memref<40x64xi32, #tpu.memory_space<vmem>> -> memref<1x64xi32, #tpu.memory_space<vmem>>
      %dma_start3A_128 = tpu.memref_squeeze %dma_start3A_127 : memref<1x64xi32, #tpu.memory_space<vmem>> -> memref<64xi32, #tpu.memory_space<vmem>>
      %dma_start3A_129 = arith.constant 0 : i32
      %dma_start3A_130 = arith.constant 0 : i32
      %dma_start3A_131 = tpu.memref_slice %arg8[%dma_start3A_129, %dma_start3A_130] : memref<10240x128xf32, #tpu.memory_space<vmem_shared>> -> memref<10240x128xf32, #tpu.memory_space<vmem_shared>>
      tpu.enqueue_indirect_dma source(%arg7 : memref<64x128xf32, #tpu.memory_space<vmem>>) target(%dma_start3A_131 : memref<10240x128xf32, #tpu.memory_space<vmem_shared>>) offsets(%dma_start3A_128 : memref<64xi32, #tpu.memory_space<vmem>>) semaphore(%arg9 : memref<!tpu.dma_semaphore, #tpu.memory_space<semaphore_mem>>) {add = true}
    }
    %while3A_110 = arith.constant 1 : i32
    scf.for %while3A_126 = %while3A_108 to %while3A_104 step %while3A_110  : i32 {
      %dma_start3A = arith.constant 0 : i32
      %dma_start3A_127 = tpu.memref_slice %arg6[%while3A_126, %dma_start3A] : memref<40x64xi32, #tpu.memory_space<vmem>> -> memref<1x64xi32, #tpu.memory_space<vmem>>
      %dma_start3A_128 = tpu.memref_squeeze %dma_start3A_127 : memref<1x64xi32, #tpu.memory_space<vmem>> -> memref<64xi32, #tpu.memory_space<vmem>>
      %dma_start3A_129 = arith.constant 0 : i32
      %dma_start3A_130 = arith.constant 0 : i32
      %dma_start3A_131 = tpu.memref_slice %arg8[%dma_start3A_129, %dma_start3A_130] : memref<10240x128xf32, #tpu.memory_space<vmem_shared>> -> memref<10240x128xf32, #tpu.memory_space<vmem_shared>>
      tpu.enqueue_indirect_dma source(%arg7 : memref<64x128xf32, #tpu.memory_space<vmem>>) target(%dma_start3A_131 : memref<10240x128xf32, #tpu.memory_space<vmem_shared>>) offsets(%dma_start3A_128 : memref<64xi32, #tpu.memory_space<vmem>>) semaphore(%arg9 : memref<!tpu.dma_semaphore, #tpu.memory_space<semaphore_mem>>) {add = true}
    }
    %while3A_111 = arith.constant 0 : i32
    %while3A_112 = arith.constant 0 : i32
    %while3A_113 = arith.subi %min3A_99, %while3A_112 : i32
    %while3A_114 = arith.addi %while3A_112, %while3A_113 : i32
    %while3A_115 = arith.constant 1 : i32
    %while3A_116 = arith.divsi %while3A_113, %while3A_115 : i32
    %while3A_117 = arith.muli %while3A_116, %while3A_115 : i32
    %while3A_118 = arith.addi %while3A_112, %while3A_117 : i32
    %while3A_119 = arith.constant 1 : i32
    scf.for %while3A_126 = %while3A_112 to %while3A_118 step %while3A_119  : i32 {
      %dma_wait3A = arith.constant 0 : i32
      %dma_wait3A_127 = tpu.memref_slice %arg6[%while3A_126, %dma_wait3A] : memref<40x64xi32, #tpu.memory_space<vmem>> -> memref<1x64xi32, #tpu.memory_space<vmem>>
      %dma_wait3A_128 = tpu.memref_squeeze %dma_wait3A_127 : memref<1x64xi32, #tpu.memory_space<vmem>> -> memref<64xi32, #tpu.memory_space<vmem>>
      %dma_wait3A_129 = arith.constant 0 : i32
      %dma_wait3A_130 = arith.constant 0 : i32
      %dma_wait3A_131 = tpu.memref_slice %arg8[%dma_wait3A_129, %dma_wait3A_130] : memref<10240x128xf32, #tpu.memory_space<vmem_shared>> -> memref<10240x128xf32, #tpu.memory_space<vmem_shared>>
      tpu.wait_indirect_dma semaphore(%arg9 : memref<!tpu.dma_semaphore, #tpu.memory_space<semaphore_mem>>) src(%arg7 : memref<64x128xf32, #tpu.memory_space<vmem>>) dst(%dma_wait3A_131 : memref<10240x128xf32, #tpu.memory_space<vmem_shared>>)
    }
    %while3A_120 = arith.constant 1 : i32
    scf.for %while3A_126 = %while3A_118 to %while3A_114 step %while3A_120  : i32 {
      %dma_wait3A = arith.constant 0 : i32
      %dma_wait3A_127 = tpu.memref_slice %arg6[%while3A_126, %dma_wait3A] : memref<40x64xi32, #tpu.memory_space<vmem>> -> memref<1x64xi32, #tpu.memory_space<vmem>>
      %dma_wait3A_128 = tpu.memref_squeeze %dma_wait3A_127 : memref<1x64xi32, #tpu.memory_space<vmem>> -> memref<64xi32, #tpu.memory_space<vmem>>
      %dma_wait3A_129 = arith.constant 0 : i32
      %dma_wait3A_130 = arith.constant 0 : i32
      %dma_wait3A_131 = tpu.memref_slice %arg8[%dma_wait3A_129, %dma_wait3A_130] : memref<10240x128xf32, #tpu.memory_space<vmem_shared>> -> memref<10240x128xf32, #tpu.memory_space<vmem_shared>>
      tpu.wait_indirect_dma semaphore(%arg9 : memref<!tpu.dma_semaphore, #tpu.memory_space<semaphore_mem>>) src(%arg7 : memref<64x128xf32, #tpu.memory_space<vmem>>) dst(%dma_wait3A_131 : memref<10240x128xf32, #tpu.memory_space<vmem_shared>>)
    }
    %barrier3A_121 = arith.constant 0 : index
    tpu.barrier barrier_id(%barrier3A_121)
    %mul3A_122 = arith.constant 640 : i32
    %mul3A_123 = arith.muli %arg1, %mul3A_122 : i32
    %mul3A_124 = arith.constant 640 : i32
    %mul3A_125 = arith.muli %arg1, %mul3A_124 : i32
    "tpu.region"() ({
      %run_scoped3A_126 = tpu.sem_alloc : memref<!tpu.dma_semaphore, #tpu.memory_space<semaphore_mem>>
      %dma_start3A = arith.constant 0 : i32
      %dma_start3A_127 = tpu.memref_slice %arg5[%arg0, %mul3A_125, %dma_start3A] : memref<2x10240x128xf32, #tpu.memory_space<hbm>> -> memref<1x640x128xf32, #tpu.memory_space<hbm>>
      %dma_start3A_128 = tpu.memref_squeeze %dma_start3A_127 : memref<1x640x128xf32, #tpu.memory_space<hbm>> -> memref<640x128xf32, #tpu.memory_space<hbm>>
      %dma_start3A_129 = arith.constant 0 : i32
      %dma_start3A_130 = tpu.memref_slice %arg8[%mul3A_123, %dma_start3A_129] : memref<10240x128xf32, #tpu.memory_space<vmem_shared>> -> memref<640x128xf32, #tpu.memory_space<vmem_shared>>
      tpu.enqueue_dma source(%dma_start3A_130 : memref<640x128xf32, #tpu.memory_space<vmem_shared>>) target(%dma_start3A_128 : memref<640x128xf32, #tpu.memory_space<hbm>>) target_semaphore(%run_scoped3A_126 : memref<!tpu.dma_semaphore, #tpu.memory_space<semaphore_mem>>)
      %dma_wait3A = arith.constant 0 : i32
      %dma_wait3A_131 = tpu.memref_slice %arg5[%arg0, %mul3A_125, %dma_wait3A] : memref<2x10240x128xf32, #tpu.memory_space<hbm>> -> memref<1x640x128xf32, #tpu.memory_space<hbm>>
      %dma_wait3A_132 = tpu.memref_squeeze %dma_wait3A_131 : memref<1x640x128xf32, #tpu.memory_space<hbm>> -> memref<640x128xf32, #tpu.memory_space<hbm>>
      %dma_wait3A_133 = arith.constant 0 : i32
      %dma_wait3A_134 = tpu.memref_slice %arg8[%mul3A_123, %dma_wait3A_133] : memref<10240x128xf32, #tpu.memory_space<vmem_shared>> -> memref<640x128xf32, #tpu.memory_space<vmem_shared>>
      tpu.wait_dma2 semaphore(%run_scoped3A_126 : memref<!tpu.dma_semaphore, #tpu.memory_space<semaphore_mem>>) src(%dma_wait3A_134 : memref<640x128xf32, #tpu.memory_space<vmem_shared>>) dst(%dma_wait3A_132 : memref<640x128xf32, #tpu.memory_space<hbm>>)
      tpu.yield
    }) : () -> ()
    return
  }
}

#map = affine_map<(d0, d1) -> (0, 0)>
#map1 = affine_map<(d0, d1) -> (0, 0, 0)>
module attributes {stable_mosaic.version = 14 : i64} {
  func.func @_agg_kernel(%arg0: i32, %arg1: i32, %arg2: memref<10000x128xf32, #tpu.memory_space<hbm>>, %arg3: memref<2x5000x64xi32, #tpu.memory_space<hbm>>, %arg4: memref<640x128xf32, #tpu.memory_space<hbm>>, %arg5: memref<2x10240x128xf32, #tpu.memory_space<hbm>>, %arg6: memref<10240x128xf32, #tpu.memory_space<vmem_shared>>, %arg7: memref<40x64xi32, #tpu.memory_space<vmem>>, %arg8: memref<40x64xi32, #tpu.memory_space<vmem>>, %arg9: memref<64x128xf32, #tpu.memory_space<vmem>>, %arg10: memref<64x128xf32, #tpu.memory_space<vmem>>, %arg11: memref<64x128xf32, #tpu.memory_space<vmem>>, %arg12: memref<64x128xf32, #tpu.memory_space<vmem>>, %arg13: memref<!tpu.dma_semaphore, #tpu.memory_space<semaphore_mem>>, %arg14: memref<!tpu.dma_semaphore, #tpu.memory_space<semaphore_mem>>, %arg15: memref<!tpu.dma_semaphore, #tpu.memory_space<semaphore_mem>>, %arg16: memref<!tpu.dma_semaphore, #tpu.memory_space<semaphore_mem>>, %arg17: memref<!tpu.dma_semaphore, #tpu.memory_space<semaphore_mem>>, %arg18: memref<!tpu.dma_semaphore, #tpu.memory_space<semaphore_mem>>, %arg19: memref<!tpu.dma_semaphore, #tpu.memory_space<semaphore_mem>>, %arg20: memref<!tpu.dma_semaphore, #tpu.memory_space<semaphore_mem>>) attributes {dimension_semantics = [#tpu.dimension_semantics<core_parallel>, #tpu.dimension_semantics<subcore_parallel>], iteration_bounds = array<i64: 2, 16>, scalar_prefetch = 0 : i64, scratch_operands = 15 : i64, tpu.core_type = #tpu.core_type<sc_vector_subcore>, window_params = [{transform_indices = #map}, {transform_indices = #map1}, {transform_indices = #map}, {transform_indices = #map1}]} {
    %mul3A = arith.constant 2 : i32
    %mul3A_0 = arith.muli %arg1, %mul3A : i32
    %add3A = arith.addi %mul3A_0, %arg0 : i32
    %lt3A = arith.constant 16 : i32
    %lt3A_1 = arith.cmpi slt, %add3A, %lt3A : i32
    %eq3A = arith.constant 31 : i32
    %eq3A_2 = arith.cmpi eq, %add3A, %eq3A : i32
    %or3A = arith.ori %lt3A_1, %eq3A_2 : i1
    %min3A = arith.constant 16 : i32
    %min3A_3 = arith.minsi %add3A, %min3A : i32
    %mul3A_4 = arith.constant 160 : i32
    %mul3A_5 = arith.muli %mul3A_4, %min3A_3 : i32
    %sub3A = arith.subi %add3A, %min3A_3 : i32
    %mul3A_6 = arith.constant 152 : i32
    %mul3A_7 = arith.muli %mul3A_6, %sub3A : i32
    %add3A_8 = arith.addi %mul3A_5, %mul3A_7 : i32
    %jit3A = arith.constant 160 : i32
    %jit3A_9 = arith.constant 152 : i32
    %select_n3A = arith.select %or3A, %jit3A, %jit3A_9 : i32
    %mul3A_10 = arith.constant 640 : i32
    %mul3A_11 = arith.muli %arg1, %mul3A_10 : i32
    "tpu.region"() ({
      %run_scoped3A_316 = tpu.sem_alloc : memref<!tpu.dma_semaphore, #tpu.memory_space<semaphore_mem>>
      %dma_start3A_317 = arith.constant 0 : i32
      %dma_start3A_318 = tpu.memref_slice %arg6[%mul3A_11, %dma_start3A_317] : memref<10240x128xf32, #tpu.memory_space<vmem_shared>> -> memref<640x128xf32, #tpu.memory_space<vmem_shared>>
      tpu.enqueue_dma source(%arg4 : memref<640x128xf32, #tpu.memory_space<hbm>>) target(%dma_start3A_318 : memref<640x128xf32, #tpu.memory_space<vmem_shared>>) target_semaphore(%run_scoped3A_316 : memref<!tpu.dma_semaphore, #tpu.memory_space<semaphore_mem>>)
      %dma_wait3A_319 = arith.constant 0 : i32
      %dma_wait3A_320 = tpu.memref_slice %arg6[%mul3A_11, %dma_wait3A_319] : memref<10240x128xf32, #tpu.memory_space<vmem_shared>> -> memref<640x128xf32, #tpu.memory_space<vmem_shared>>
      tpu.wait_dma2 semaphore(%run_scoped3A_316 : memref<!tpu.dma_semaphore, #tpu.memory_space<semaphore_mem>>) src(%arg4 : memref<640x128xf32, #tpu.memory_space<hbm>>) dst(%dma_wait3A_320 : memref<640x128xf32, #tpu.memory_space<vmem_shared>>)
      tpu.yield
    }) : () -> ()
    %barrier3A = arith.constant 0 : index
    tpu.barrier barrier_id(%barrier3A)
    %add3A_12 = arith.constant 0 : i32
    %add3A_13 = arith.addi %add3A_8, %add3A_12 : i32
    %multiple_of3A = tpu.assume_multiple %add3A_13, 8 : i32
    %sub3A_14 = arith.constant 0 : i32
    %sub3A_15 = arith.subi %select_n3A, %sub3A_14 : i32
    %min3A_16 = arith.constant 40 : i32
    %min3A_17 = arith.minsi %min3A_16, %sub3A_15 : i32
    %run_scoped3A = arith.constant 0 : i32
    "tpu.region"() ({
      %run_scoped3A_316 = tpu.sem_alloc : memref<!tpu.dma_semaphore, #tpu.memory_space<semaphore_mem>>
      %dma_start3A_317 = arith.constant 0 : i32
      %dma_start3A_318 = tpu.memref_slice %arg3[%run_scoped3A, %multiple_of3A, %dma_start3A_317] : memref<2x5000x64xi32, #tpu.memory_space<hbm>> -> memref<1x40x64xi32, #tpu.memory_space<hbm>>
      %dma_start3A_319 = tpu.memref_squeeze %dma_start3A_318 : memref<1x40x64xi32, #tpu.memory_space<hbm>> -> memref<40x64xi32, #tpu.memory_space<hbm>>
      %dma_start3A_320 = arith.constant 0 : i32
      %dma_start3A_321 = tpu.memref_slice %arg3[%run_scoped3A, %multiple_of3A, %dma_start3A_320] : memref<2x5000x64xi32, #tpu.memory_space<hbm>> -> memref<1x40x64xi32, #tpu.memory_space<hbm>>
      %dma_start3A_322 = tpu.memref_squeeze %dma_start3A_321 : memref<1x40x64xi32, #tpu.memory_space<hbm>> -> memref<40x64xi32, #tpu.memory_space<hbm>>
      tpu.enqueue_dma source(%dma_start3A_322 : memref<40x64xi32, #tpu.memory_space<hbm>>) target(%arg7 : memref<40x64xi32, #tpu.memory_space<vmem>>) target_semaphore(%run_scoped3A_316 : memref<!tpu.dma_semaphore, #tpu.memory_space<semaphore_mem>>)
      %dma_wait3A_323 = arith.constant 0 : i32
      %dma_wait3A_324 = tpu.memref_slice %arg3[%run_scoped3A, %multiple_of3A, %dma_wait3A_323] : memref<2x5000x64xi32, #tpu.memory_space<hbm>> -> memref<1x40x64xi32, #tpu.memory_space<hbm>>
      %dma_wait3A_325 = tpu.memref_squeeze %dma_wait3A_324 : memref<1x40x64xi32, #tpu.memory_space<hbm>> -> memref<40x64xi32, #tpu.memory_space<hbm>>
      %dma_wait3A_326 = arith.constant 0 : i32
      %dma_wait3A_327 = tpu.memref_slice %arg3[%run_scoped3A, %multiple_of3A, %dma_wait3A_326] : memref<2x5000x64xi32, #tpu.memory_space<hbm>> -> memref<1x40x64xi32, #tpu.memory_space<hbm>>
      %dma_wait3A_328 = tpu.memref_squeeze %dma_wait3A_327 : memref<1x40x64xi32, #tpu.memory_space<hbm>> -> memref<40x64xi32, #tpu.memory_space<hbm>>
      tpu.wait_dma2 semaphore(%run_scoped3A_316 : memref<!tpu.dma_semaphore, #tpu.memory_space<semaphore_mem>>) src(%dma_wait3A_328 : memref<40x64xi32, #tpu.memory_space<hbm>>) dst(%arg7 : memref<40x64xi32, #tpu.memory_space<vmem>>)
      tpu.yield
    }) : () -> ()
    %run_scoped3A_18 = arith.constant 1 : i32
    "tpu.region"() ({
      %run_scoped3A_316 = tpu.sem_alloc : memref<!tpu.dma_semaphore, #tpu.memory_space<semaphore_mem>>
      %dma_start3A_317 = arith.constant 0 : i32
      %dma_start3A_318 = tpu.memref_slice %arg3[%run_scoped3A_18, %multiple_of3A, %dma_start3A_317] : memref<2x5000x64xi32, #tpu.memory_space<hbm>> -> memref<1x40x64xi32, #tpu.memory_space<hbm>>
      %dma_start3A_319 = tpu.memref_squeeze %dma_start3A_318 : memref<1x40x64xi32, #tpu.memory_space<hbm>> -> memref<40x64xi32, #tpu.memory_space<hbm>>
      %dma_start3A_320 = arith.constant 0 : i32
      %dma_start3A_321 = tpu.memref_slice %arg3[%run_scoped3A_18, %multiple_of3A, %dma_start3A_320] : memref<2x5000x64xi32, #tpu.memory_space<hbm>> -> memref<1x40x64xi32, #tpu.memory_space<hbm>>
      %dma_start3A_322 = tpu.memref_squeeze %dma_start3A_321 : memref<1x40x64xi32, #tpu.memory_space<hbm>> -> memref<40x64xi32, #tpu.memory_space<hbm>>
      tpu.enqueue_dma source(%dma_start3A_322 : memref<40x64xi32, #tpu.memory_space<hbm>>) target(%arg8 : memref<40x64xi32, #tpu.memory_space<vmem>>) target_semaphore(%run_scoped3A_316 : memref<!tpu.dma_semaphore, #tpu.memory_space<semaphore_mem>>)
      %dma_wait3A_323 = arith.constant 0 : i32
      %dma_wait3A_324 = tpu.memref_slice %arg3[%run_scoped3A_18, %multiple_of3A, %dma_wait3A_323] : memref<2x5000x64xi32, #tpu.memory_space<hbm>> -> memref<1x40x64xi32, #tpu.memory_space<hbm>>
      %dma_wait3A_325 = tpu.memref_squeeze %dma_wait3A_324 : memref<1x40x64xi32, #tpu.memory_space<hbm>> -> memref<40x64xi32, #tpu.memory_space<hbm>>
      %dma_wait3A_326 = arith.constant 0 : i32
      %dma_wait3A_327 = tpu.memref_slice %arg3[%run_scoped3A_18, %multiple_of3A, %dma_wait3A_326] : memref<2x5000x64xi32, #tpu.memory_space<hbm>> -> memref<1x40x64xi32, #tpu.memory_space<hbm>>
      %dma_wait3A_328 = tpu.memref_squeeze %dma_wait3A_327 : memref<1x40x64xi32, #tpu.memory_space<hbm>> -> memref<40x64xi32, #tpu.memory_space<hbm>>
      tpu.wait_dma2 semaphore(%run_scoped3A_316 : memref<!tpu.dma_semaphore, #tpu.memory_space<semaphore_mem>>) src(%dma_wait3A_328 : memref<40x64xi32, #tpu.memory_space<hbm>>) dst(%arg8 : memref<40x64xi32, #tpu.memory_space<vmem>>)
      tpu.yield
    }) : () -> ()
    %dma_start3A = arith.constant 0 : i32
    %dma_start3A_19 = arith.constant 0 : i32
    %dma_start3A_20 = tpu.memref_slice %arg7[%dma_start3A, %dma_start3A_19] : memref<40x64xi32, #tpu.memory_space<vmem>> -> memref<1x64xi32, #tpu.memory_space<vmem>>
    %dma_start3A_21 = tpu.memref_squeeze %dma_start3A_20 : memref<1x64xi32, #tpu.memory_space<vmem>> -> memref<64xi32, #tpu.memory_space<vmem>>
    %dma_start3A_22 = arith.constant 0 : i32
    %dma_start3A_23 = arith.constant 0 : i32
    %dma_start3A_24 = tpu.memref_slice %arg2[%dma_start3A_22, %dma_start3A_23] : memref<10000x128xf32, #tpu.memory_space<hbm>> -> memref<10000x128xf32, #tpu.memory_space<hbm>>
    tpu.enqueue_indirect_dma source(%dma_start3A_24 : memref<10000x128xf32, #tpu.memory_space<hbm>>) target(%arg9 : memref<64x128xf32, #tpu.memory_space<vmem>>) offsets(%dma_start3A_21 : memref<64xi32, #tpu.memory_space<vmem>>) semaphore(%arg13 : memref<!tpu.dma_semaphore, #tpu.memory_space<semaphore_mem>>)
    %dma_start3A_25 = arith.constant 1 : i32
    %dma_start3A_26 = arith.constant 0 : i32
    %dma_start3A_27 = tpu.memref_slice %arg7[%dma_start3A_25, %dma_start3A_26] : memref<40x64xi32, #tpu.memory_space<vmem>> -> memref<1x64xi32, #tpu.memory_space<vmem>>
    %dma_start3A_28 = tpu.memref_squeeze %dma_start3A_27 : memref<1x64xi32, #tpu.memory_space<vmem>> -> memref<64xi32, #tpu.memory_space<vmem>>
    %dma_start3A_29 = arith.constant 0 : i32
    %dma_start3A_30 = arith.constant 0 : i32
    %dma_start3A_31 = tpu.memref_slice %arg2[%dma_start3A_29, %dma_start3A_30] : memref<10000x128xf32, #tpu.memory_space<hbm>> -> memref<10000x128xf32, #tpu.memory_space<hbm>>
    tpu.enqueue_indirect_dma source(%dma_start3A_31 : memref<10000x128xf32, #tpu.memory_space<hbm>>) target(%arg10 : memref<64x128xf32, #tpu.memory_space<vmem>>) offsets(%dma_start3A_28 : memref<64xi32, #tpu.memory_space<vmem>>) semaphore(%arg14 : memref<!tpu.dma_semaphore, #tpu.memory_space<semaphore_mem>>)
    %dma_start3A_32 = arith.constant 2 : i32
    %dma_start3A_33 = arith.constant 0 : i32
    %dma_start3A_34 = tpu.memref_slice %arg7[%dma_start3A_32, %dma_start3A_33] : memref<40x64xi32, #tpu.memory_space<vmem>> -> memref<1x64xi32, #tpu.memory_space<vmem>>
    %dma_start3A_35 = tpu.memref_squeeze %dma_start3A_34 : memref<1x64xi32, #tpu.memory_space<vmem>> -> memref<64xi32, #tpu.memory_space<vmem>>
    %dma_start3A_36 = arith.constant 0 : i32
    %dma_start3A_37 = arith.constant 0 : i32
    %dma_start3A_38 = tpu.memref_slice %arg2[%dma_start3A_36, %dma_start3A_37] : memref<10000x128xf32, #tpu.memory_space<hbm>> -> memref<10000x128xf32, #tpu.memory_space<hbm>>
    tpu.enqueue_indirect_dma source(%dma_start3A_38 : memref<10000x128xf32, #tpu.memory_space<hbm>>) target(%arg11 : memref<64x128xf32, #tpu.memory_space<vmem>>) offsets(%dma_start3A_35 : memref<64xi32, #tpu.memory_space<vmem>>) semaphore(%arg15 : memref<!tpu.dma_semaphore, #tpu.memory_space<semaphore_mem>>)
    %scan3A = arith.constant 0 : i32
    %scan3A_39 = arith.constant 0 : i32
    %scan3A_40 = arith.constant 10 : i32
    %scan3A_41 = arith.addi %scan3A_39, %scan3A_40 : i32
    %scan3A_42 = arith.constant 1 : i32
    scf.for %scan3A_316 = %scan3A_39 to %scan3A_41 step %scan3A_42  : i32 {
      %mul3A_317 = arith.constant 4 : i32
      %mul3A_318 = arith.muli %scan3A_316, %mul3A_317 : i32
      %add3A_319 = arith.constant 0 : i32
      %add3A_320 = arith.addi %mul3A_318, %add3A_319 : i32
      %add3A_321 = arith.constant 4 : i32
      %add3A_322 = arith.addi %add3A_320, %add3A_321 : i32
      %sub3A_323 = arith.constant 1 : i32
      %sub3A_324 = arith.subi %add3A_322, %sub3A_323 : i32
      %ge3A = arith.constant 1 : i32
      %ge3A_325 = arith.cmpi sge, %add3A_320, %ge3A : i32
      %lt3A_326 = arith.cmpi slt, %sub3A_324, %min3A_17 : i32
      %and3A = arith.andi %ge3A_325, %lt3A_326 : i1
      %convert_element_type3A = arith.extui %and3A : i1 to i32
      %cond3A = arith.constant 0 : i32
      %cond3A_327 = arith.cmpi ne, %convert_element_type3A, %cond3A : i32
      scf.if %cond3A_327 {
        %sub3A_405 = arith.constant 1 : i32
        %sub3A_406 = arith.subi %add3A_320, %sub3A_405 : i32
        %dma_wait3A_407 = arith.constant 0 : i32
        %dma_wait3A_408 = tpu.memref_slice %arg8[%sub3A_406, %dma_wait3A_407] : memref<40x64xi32, #tpu.memory_space<vmem>> -> memref<1x64xi32, #tpu.memory_space<vmem>>
        %dma_wait3A_409 = tpu.memref_squeeze %dma_wait3A_408 : memref<1x64xi32, #tpu.memory_space<vmem>> -> memref<64xi32, #tpu.memory_space<vmem>>
        %dma_wait3A_410 = arith.constant 0 : i32
        %dma_wait3A_411 = arith.constant 0 : i32
        %dma_wait3A_412 = tpu.memref_slice %arg6[%dma_wait3A_410, %dma_wait3A_411] : memref<10240x128xf32, #tpu.memory_space<vmem_shared>> -> memref<10240x128xf32, #tpu.memory_space<vmem_shared>>
        tpu.wait_indirect_dma semaphore(%arg20 : memref<!tpu.dma_semaphore, #tpu.memory_space<semaphore_mem>>) src(%arg12 : memref<64x128xf32, #tpu.memory_space<vmem>>) dst(%dma_wait3A_412 : memref<10240x128xf32, #tpu.memory_space<vmem_shared>>)
      } else {
      }
      %lt3A_328 = arith.cmpi slt, %sub3A_324, %min3A_17 : i32
      %convert_element_type3A_329 = arith.extui %lt3A_328 : i1 to i32
      %cond3A_330 = arith.constant 0 : i32
      %cond3A_331 = arith.cmpi ne, %convert_element_type3A_329, %cond3A_330 : i32
      scf.if %cond3A_331 {
        %dma_start3A_405 = arith.constant 0 : i32
        %dma_start3A_406 = tpu.memref_slice %arg7[%sub3A_324, %dma_start3A_405] : memref<40x64xi32, #tpu.memory_space<vmem>> -> memref<1x64xi32, #tpu.memory_space<vmem>>
        %dma_start3A_407 = tpu.memref_squeeze %dma_start3A_406 : memref<1x64xi32, #tpu.memory_space<vmem>> -> memref<64xi32, #tpu.memory_space<vmem>>
        %dma_start3A_408 = arith.constant 0 : i32
        %dma_start3A_409 = arith.constant 0 : i32
        %dma_start3A_410 = tpu.memref_slice %arg2[%dma_start3A_408, %dma_start3A_409] : memref<10000x128xf32, #tpu.memory_space<hbm>> -> memref<10000x128xf32, #tpu.memory_space<hbm>>
        tpu.enqueue_indirect_dma source(%dma_start3A_410 : memref<10000x128xf32, #tpu.memory_space<hbm>>) target(%arg12 : memref<64x128xf32, #tpu.memory_space<vmem>>) offsets(%dma_start3A_407 : memref<64xi32, #tpu.memory_space<vmem>>) semaphore(%arg16 : memref<!tpu.dma_semaphore, #tpu.memory_space<semaphore_mem>>)
      } else {
      }
      %lt3A_332 = arith.cmpi slt, %add3A_320, %min3A_17 : i32
      %convert_element_type3A_333 = arith.extui %lt3A_332 : i1 to i32
      %cond3A_334 = arith.constant 0 : i32
      %cond3A_335 = arith.cmpi ne, %convert_element_type3A_333, %cond3A_334 : i32
      scf.if %cond3A_335 {
        %dma_wait3A_405 = arith.constant 0 : i32
        %dma_wait3A_406 = tpu.memref_slice %arg7[%add3A_320, %dma_wait3A_405] : memref<40x64xi32, #tpu.memory_space<vmem>> -> memref<1x64xi32, #tpu.memory_space<vmem>>
        %dma_wait3A_407 = tpu.memref_squeeze %dma_wait3A_406 : memref<1x64xi32, #tpu.memory_space<vmem>> -> memref<64xi32, #tpu.memory_space<vmem>>
        %dma_wait3A_408 = arith.constant 0 : i32
        %dma_wait3A_409 = arith.constant 0 : i32
        %dma_wait3A_410 = tpu.memref_slice %arg2[%dma_wait3A_408, %dma_wait3A_409] : memref<10000x128xf32, #tpu.memory_space<hbm>> -> memref<10000x128xf32, #tpu.memory_space<hbm>>
        tpu.wait_indirect_dma semaphore(%arg13 : memref<!tpu.dma_semaphore, #tpu.memory_space<semaphore_mem>>) src(%dma_wait3A_410 : memref<10000x128xf32, #tpu.memory_space<hbm>>) dst(%arg9 : memref<64x128xf32, #tpu.memory_space<vmem>>)
        %dma_start3A_411 = arith.constant 0 : i32
        %dma_start3A_412 = tpu.memref_slice %arg8[%add3A_320, %dma_start3A_411] : memref<40x64xi32, #tpu.memory_space<vmem>> -> memref<1x64xi32, #tpu.memory_space<vmem>>
        %dma_start3A_413 = tpu.memref_squeeze %dma_start3A_412 : memref<1x64xi32, #tpu.memory_space<vmem>> -> memref<64xi32, #tpu.memory_space<vmem>>
        %dma_start3A_414 = arith.constant 0 : i32
        %dma_start3A_415 = arith.constant 0 : i32
        %dma_start3A_416 = tpu.memref_slice %arg6[%dma_start3A_414, %dma_start3A_415] : memref<10240x128xf32, #tpu.memory_space<vmem_shared>> -> memref<10240x128xf32, #tpu.memory_space<vmem_shared>>
        tpu.enqueue_indirect_dma source(%arg9 : memref<64x128xf32, #tpu.memory_space<vmem>>) target(%dma_start3A_416 : memref<10240x128xf32, #tpu.memory_space<vmem_shared>>) offsets(%dma_start3A_413 : memref<64xi32, #tpu.memory_space<vmem>>) semaphore(%arg17 : memref<!tpu.dma_semaphore, #tpu.memory_space<semaphore_mem>>) {add = true}
      } else {
      }
      %mul3A_336 = arith.constant 4 : i32
      %mul3A_337 = arith.muli %scan3A_316, %mul3A_336 : i32
      %add3A_338 = arith.constant 1 : i32
      %add3A_339 = arith.addi %mul3A_337, %add3A_338 : i32
      %add3A_340 = arith.constant 4 : i32
      %add3A_341 = arith.addi %add3A_339, %add3A_340 : i32
      %sub3A_342 = arith.constant 1 : i32
      %sub3A_343 = arith.subi %add3A_341, %sub3A_342 : i32
      %ge3A_344 = arith.constant 1 : i32
      %ge3A_345 = arith.cmpi sge, %add3A_339, %ge3A_344 : i32
      %lt3A_346 = arith.cmpi slt, %sub3A_343, %min3A_17 : i32
      %and3A_347 = arith.andi %ge3A_345, %lt3A_346 : i1
      %convert_element_type3A_348 = arith.extui %and3A_347 : i1 to i32
      %cond3A_349 = arith.constant 0 : i32
      %cond3A_350 = arith.cmpi ne, %convert_element_type3A_348, %cond3A_349 : i32
      scf.if %cond3A_350 {
        %sub3A_405 = arith.constant 1 : i32
        %sub3A_406 = arith.subi %add3A_339, %sub3A_405 : i32
        %dma_wait3A_407 = arith.constant 0 : i32
        %dma_wait3A_408 = tpu.memref_slice %arg8[%sub3A_406, %dma_wait3A_407] : memref<40x64xi32, #tpu.memory_space<vmem>> -> memref<1x64xi32, #tpu.memory_space<vmem>>
        %dma_wait3A_409 = tpu.memref_squeeze %dma_wait3A_408 : memref<1x64xi32, #tpu.memory_space<vmem>> -> memref<64xi32, #tpu.memory_space<vmem>>
        %dma_wait3A_410 = arith.constant 0 : i32
        %dma_wait3A_411 = arith.constant 0 : i32
        %dma_wait3A_412 = tpu.memref_slice %arg6[%dma_wait3A_410, %dma_wait3A_411] : memref<10240x128xf32, #tpu.memory_space<vmem_shared>> -> memref<10240x128xf32, #tpu.memory_space<vmem_shared>>
        tpu.wait_indirect_dma semaphore(%arg17 : memref<!tpu.dma_semaphore, #tpu.memory_space<semaphore_mem>>) src(%arg9 : memref<64x128xf32, #tpu.memory_space<vmem>>) dst(%dma_wait3A_412 : memref<10240x128xf32, #tpu.memory_space<vmem_shared>>)
      } else {
      }
      %lt3A_351 = arith.cmpi slt, %sub3A_343, %min3A_17 : i32
      %convert_element_type3A_352 = arith.extui %lt3A_351 : i1 to i32
      %cond3A_353 = arith.constant 0 : i32
      %cond3A_354 = arith.cmpi ne, %convert_element_type3A_352, %cond3A_353 : i32
      scf.if %cond3A_354 {
        %dma_start3A_405 = arith.constant 0 : i32
        %dma_start3A_406 = tpu.memref_slice %arg7[%sub3A_343, %dma_start3A_405] : memref<40x64xi32, #tpu.memory_space<vmem>> -> memref<1x64xi32, #tpu.memory_space<vmem>>
        %dma_start3A_407 = tpu.memref_squeeze %dma_start3A_406 : memref<1x64xi32, #tpu.memory_space<vmem>> -> memref<64xi32, #tpu.memory_space<vmem>>
        %dma_start3A_408 = arith.constant 0 : i32
        %dma_start3A_409 = arith.constant 0 : i32
        %dma_start3A_410 = tpu.memref_slice %arg2[%dma_start3A_408, %dma_start3A_409] : memref<10000x128xf32, #tpu.memory_space<hbm>> -> memref<10000x128xf32, #tpu.memory_space<hbm>>
        tpu.enqueue_indirect_dma source(%dma_start3A_410 : memref<10000x128xf32, #tpu.memory_space<hbm>>) target(%arg9 : memref<64x128xf32, #tpu.memory_space<vmem>>) offsets(%dma_start3A_407 : memref<64xi32, #tpu.memory_space<vmem>>) semaphore(%arg13 : memref<!tpu.dma_semaphore, #tpu.memory_space<semaphore_mem>>)
      } else {
      }
      %lt3A_355 = arith.cmpi slt, %add3A_339, %min3A_17 : i32
      %convert_element_type3A_356 = arith.extui %lt3A_355 : i1 to i32
      %cond3A_357 = arith.constant 0 : i32
      %cond3A_358 = arith.cmpi ne, %convert_element_type3A_356, %cond3A_357 : i32
      scf.if %cond3A_358 {
        %dma_wait3A_405 = arith.constant 0 : i32
        %dma_wait3A_406 = tpu.memref_slice %arg7[%add3A_339, %dma_wait3A_405] : memref<40x64xi32, #tpu.memory_space<vmem>> -> memref<1x64xi32, #tpu.memory_space<vmem>>
        %dma_wait3A_407 = tpu.memref_squeeze %dma_wait3A_406 : memref<1x64xi32, #tpu.memory_space<vmem>> -> memref<64xi32, #tpu.memory_space<vmem>>
        %dma_wait3A_408 = arith.constant 0 : i32
        %dma_wait3A_409 = arith.constant 0 : i32
        %dma_wait3A_410 = tpu.memref_slice %arg2[%dma_wait3A_408, %dma_wait3A_409] : memref<10000x128xf32, #tpu.memory_space<hbm>> -> memref<10000x128xf32, #tpu.memory_space<hbm>>
        tpu.wait_indirect_dma semaphore(%arg14 : memref<!tpu.dma_semaphore, #tpu.memory_space<semaphore_mem>>) src(%dma_wait3A_410 : memref<10000x128xf32, #tpu.memory_space<hbm>>) dst(%arg10 : memref<64x128xf32, #tpu.memory_space<vmem>>)
        %dma_start3A_411 = arith.constant 0 : i32
        %dma_start3A_412 = tpu.memref_slice %arg8[%add3A_339, %dma_start3A_411] : memref<40x64xi32, #tpu.memory_space<vmem>> -> memref<1x64xi32, #tpu.memory_space<vmem>>
        %dma_start3A_413 = tpu.memref_squeeze %dma_start3A_412 : memref<1x64xi32, #tpu.memory_space<vmem>> -> memref<64xi32, #tpu.memory_space<vmem>>
        %dma_start3A_414 = arith.constant 0 : i32
        %dma_start3A_415 = arith.constant 0 : i32
        %dma_start3A_416 = tpu.memref_slice %arg6[%dma_start3A_414, %dma_start3A_415] : memref<10240x128xf32, #tpu.memory_space<vmem_shared>> -> memref<10240x128xf32, #tpu.memory_space<vmem_shared>>
        tpu.enqueue_indirect_dma source(%arg10 : memref<64x128xf32, #tpu.memory_space<vmem>>) target(%dma_start3A_416 : memref<10240x128xf32, #tpu.memory_space<vmem_shared>>) offsets(%dma_start3A_413 : memref<64xi32, #tpu.memory_space<vmem>>) semaphore(%arg18 : memref<!tpu.dma_semaphore, #tpu.memory_space<semaphore_mem>>) {add = true}
      } else {
      }
      %mul3A_359 = arith.constant 4 : i32
      %mul3A_360 = arith.muli %scan3A_316, %mul3A_359 : i32
      %add3A_361 = arith.constant 2 : i32
      %add3A_362 = arith.addi %mul3A_360, %add3A_361 : i32
      %add3A_363 = arith.constant 4 : i32
      %add3A_364 = arith.addi %add3A_362, %add3A_363 : i32
      %sub3A_365 = arith.constant 1 : i32
      %sub3A_366 = arith.subi %add3A_364, %sub3A_365 : i32
      %ge3A_367 = arith.constant 1 : i32
      %ge3A_368 = arith.cmpi sge, %add3A_362, %ge3A_367 : i32
      %lt3A_369 = arith.cmpi slt, %sub3A_366, %min3A_17 : i32
      %and3A_370 = arith.andi %ge3A_368, %lt3A_369 : i1
      %convert_element_type3A_371 = arith.extui %and3A_370 : i1 to i32
      %cond3A_372 = arith.constant 0 : i32
      %cond3A_373 = arith.cmpi ne, %convert_element_type3A_371, %cond3A_372 : i32
      scf.if %cond3A_373 {
        %sub3A_405 = arith.constant 1 : i32
        %sub3A_406 = arith.subi %add3A_362, %sub3A_405 : i32
        %dma_wait3A_407 = arith.constant 0 : i32
        %dma_wait3A_408 = tpu.memref_slice %arg8[%sub3A_406, %dma_wait3A_407] : memref<40x64xi32, #tpu.memory_space<vmem>> -> memref<1x64xi32, #tpu.memory_space<vmem>>
        %dma_wait3A_409 = tpu.memref_squeeze %dma_wait3A_408 : memref<1x64xi32, #tpu.memory_space<vmem>> -> memref<64xi32, #tpu.memory_space<vmem>>
        %dma_wait3A_410 = arith.constant 0 : i32
        %dma_wait3A_411 = arith.constant 0 : i32
        %dma_wait3A_412 = tpu.memref_slice %arg6[%dma_wait3A_410, %dma_wait3A_411] : memref<10240x128xf32, #tpu.memory_space<vmem_shared>> -> memref<10240x128xf32, #tpu.memory_space<vmem_shared>>
        tpu.wait_indirect_dma semaphore(%arg18 : memref<!tpu.dma_semaphore, #tpu.memory_space<semaphore_mem>>) src(%arg10 : memref<64x128xf32, #tpu.memory_space<vmem>>) dst(%dma_wait3A_412 : memref<10240x128xf32, #tpu.memory_space<vmem_shared>>)
      } else {
      }
      %lt3A_374 = arith.cmpi slt, %sub3A_366, %min3A_17 : i32
      %convert_element_type3A_375 = arith.extui %lt3A_374 : i1 to i32
      %cond3A_376 = arith.constant 0 : i32
      %cond3A_377 = arith.cmpi ne, %convert_element_type3A_375, %cond3A_376 : i32
      scf.if %cond3A_377 {
        %dma_start3A_405 = arith.constant 0 : i32
        %dma_start3A_406 = tpu.memref_slice %arg7[%sub3A_366, %dma_start3A_405] : memref<40x64xi32, #tpu.memory_space<vmem>> -> memref<1x64xi32, #tpu.memory_space<vmem>>
        %dma_start3A_407 = tpu.memref_squeeze %dma_start3A_406 : memref<1x64xi32, #tpu.memory_space<vmem>> -> memref<64xi32, #tpu.memory_space<vmem>>
        %dma_start3A_408 = arith.constant 0 : i32
        %dma_start3A_409 = arith.constant 0 : i32
        %dma_start3A_410 = tpu.memref_slice %arg2[%dma_start3A_408, %dma_start3A_409] : memref<10000x128xf32, #tpu.memory_space<hbm>> -> memref<10000x128xf32, #tpu.memory_space<hbm>>
        tpu.enqueue_indirect_dma source(%dma_start3A_410 : memref<10000x128xf32, #tpu.memory_space<hbm>>) target(%arg10 : memref<64x128xf32, #tpu.memory_space<vmem>>) offsets(%dma_start3A_407 : memref<64xi32, #tpu.memory_space<vmem>>) semaphore(%arg14 : memref<!tpu.dma_semaphore, #tpu.memory_space<semaphore_mem>>)
      } else {
      }
      %lt3A_378 = arith.cmpi slt, %add3A_362, %min3A_17 : i32
      %convert_element_type3A_379 = arith.extui %lt3A_378 : i1 to i32
      %cond3A_380 = arith.constant 0 : i32
      %cond3A_381 = arith.cmpi ne, %convert_element_type3A_379, %cond3A_380 : i32
      scf.if %cond3A_381 {
        %dma_wait3A_405 = arith.constant 0 : i32
        %dma_wait3A_406 = tpu.memref_slice %arg7[%add3A_362, %dma_wait3A_405] : memref<40x64xi32, #tpu.memory_space<vmem>> -> memref<1x64xi32, #tpu.memory_space<vmem>>
        %dma_wait3A_407 = tpu.memref_squeeze %dma_wait3A_406 : memref<1x64xi32, #tpu.memory_space<vmem>> -> memref<64xi32, #tpu.memory_space<vmem>>
        %dma_wait3A_408 = arith.constant 0 : i32
        %dma_wait3A_409 = arith.constant 0 : i32
        %dma_wait3A_410 = tpu.memref_slice %arg2[%dma_wait3A_408, %dma_wait3A_409] : memref<10000x128xf32, #tpu.memory_space<hbm>> -> memref<10000x128xf32, #tpu.memory_space<hbm>>
        tpu.wait_indirect_dma semaphore(%arg15 : memref<!tpu.dma_semaphore, #tpu.memory_space<semaphore_mem>>) src(%dma_wait3A_410 : memref<10000x128xf32, #tpu.memory_space<hbm>>) dst(%arg11 : memref<64x128xf32, #tpu.memory_space<vmem>>)
        %dma_start3A_411 = arith.constant 0 : i32
        %dma_start3A_412 = tpu.memref_slice %arg8[%add3A_362, %dma_start3A_411] : memref<40x64xi32, #tpu.memory_space<vmem>> -> memref<1x64xi32, #tpu.memory_space<vmem>>
        %dma_start3A_413 = tpu.memref_squeeze %dma_start3A_412 : memref<1x64xi32, #tpu.memory_space<vmem>> -> memref<64xi32, #tpu.memory_space<vmem>>
        %dma_start3A_414 = arith.constant 0 : i32
        %dma_start3A_415 = arith.constant 0 : i32
        %dma_start3A_416 = tpu.memref_slice %arg6[%dma_start3A_414, %dma_start3A_415] : memref<10240x128xf32, #tpu.memory_space<vmem_shared>> -> memref<10240x128xf32, #tpu.memory_space<vmem_shared>>
        tpu.enqueue_indirect_dma source(%arg11 : memref<64x128xf32, #tpu.memory_space<vmem>>) target(%dma_start3A_416 : memref<10240x128xf32, #tpu.memory_space<vmem_shared>>) offsets(%dma_start3A_413 : memref<64xi32, #tpu.memory_space<vmem>>) semaphore(%arg19 : memref<!tpu.dma_semaphore, #tpu.memory_space<semaphore_mem>>) {add = true}
      } else {
      }
      %mul3A_382 = arith.constant 4 : i32
      %mul3A_383 = arith.muli %scan3A_316, %mul3A_382 : i32
      %add3A_384 = arith.constant 3 : i32
      %add3A_385 = arith.addi %mul3A_383, %add3A_384 : i32
      %add3A_386 = arith.constant 4 : i32
      %add3A_387 = arith.addi %add3A_385, %add3A_386 : i32
      %sub3A_388 = arith.constant 1 : i32
      %sub3A_389 = arith.subi %add3A_387, %sub3A_388 : i32
      %ge3A_390 = arith.constant 1 : i32
      %ge3A_391 = arith.cmpi sge, %add3A_385, %ge3A_390 : i32
      %lt3A_392 = arith.cmpi slt, %sub3A_389, %min3A_17 : i32
      %and3A_393 = arith.andi %ge3A_391, %lt3A_392 : i1
      %convert_element_type3A_394 = arith.extui %and3A_393 : i1 to i32
      %cond3A_395 = arith.constant 0 : i32
      %cond3A_396 = arith.cmpi ne, %convert_element_type3A_394, %cond3A_395 : i32
      scf.if %cond3A_396 {
        %sub3A_405 = arith.constant 1 : i32
        %sub3A_406 = arith.subi %add3A_385, %sub3A_405 : i32
        %dma_wait3A_407 = arith.constant 0 : i32
        %dma_wait3A_408 = tpu.memref_slice %arg8[%sub3A_406, %dma_wait3A_407] : memref<40x64xi32, #tpu.memory_space<vmem>> -> memref<1x64xi32, #tpu.memory_space<vmem>>
        %dma_wait3A_409 = tpu.memref_squeeze %dma_wait3A_408 : memref<1x64xi32, #tpu.memory_space<vmem>> -> memref<64xi32, #tpu.memory_space<vmem>>
        %dma_wait3A_410 = arith.constant 0 : i32
        %dma_wait3A_411 = arith.constant 0 : i32
        %dma_wait3A_412 = tpu.memref_slice %arg6[%dma_wait3A_410, %dma_wait3A_411] : memref<10240x128xf32, #tpu.memory_space<vmem_shared>> -> memref<10240x128xf32, #tpu.memory_space<vmem_shared>>
        tpu.wait_indirect_dma semaphore(%arg19 : memref<!tpu.dma_semaphore, #tpu.memory_space<semaphore_mem>>) src(%arg11 : memref<64x128xf32, #tpu.memory_space<vmem>>) dst(%dma_wait3A_412 : memref<10240x128xf32, #tpu.memory_space<vmem_shared>>)
      } else {
      }
      %lt3A_397 = arith.cmpi slt, %sub3A_389, %min3A_17 : i32
      %convert_element_type3A_398 = arith.extui %lt3A_397 : i1 to i32
      %cond3A_399 = arith.constant 0 : i32
      %cond3A_400 = arith.cmpi ne, %convert_element_type3A_398, %cond3A_399 : i32
      scf.if %cond3A_400 {
        %dma_start3A_405 = arith.constant 0 : i32
        %dma_start3A_406 = tpu.memref_slice %arg7[%sub3A_389, %dma_start3A_405] : memref<40x64xi32, #tpu.memory_space<vmem>> -> memref<1x64xi32, #tpu.memory_space<vmem>>
        %dma_start3A_407 = tpu.memref_squeeze %dma_start3A_406 : memref<1x64xi32, #tpu.memory_space<vmem>> -> memref<64xi32, #tpu.memory_space<vmem>>
        %dma_start3A_408 = arith.constant 0 : i32
        %dma_start3A_409 = arith.constant 0 : i32
        %dma_start3A_410 = tpu.memref_slice %arg2[%dma_start3A_408, %dma_start3A_409] : memref<10000x128xf32, #tpu.memory_space<hbm>> -> memref<10000x128xf32, #tpu.memory_space<hbm>>
        tpu.enqueue_indirect_dma source(%dma_start3A_410 : memref<10000x128xf32, #tpu.memory_space<hbm>>) target(%arg11 : memref<64x128xf32, #tpu.memory_space<vmem>>) offsets(%dma_start3A_407 : memref<64xi32, #tpu.memory_space<vmem>>) semaphore(%arg15 : memref<!tpu.dma_semaphore, #tpu.memory_space<semaphore_mem>>)
      } else {
      }
      %lt3A_401 = arith.cmpi slt, %add3A_385, %min3A_17 : i32
      %convert_element_type3A_402 = arith.extui %lt3A_401 : i1 to i32
      %cond3A_403 = arith.constant 0 : i32
      %cond3A_404 = arith.cmpi ne, %convert_element_type3A_402, %cond3A_403 : i32
      scf.if %cond3A_404 {
        %dma_wait3A_405 = arith.constant 0 : i32
        %dma_wait3A_406 = tpu.memref_slice %arg7[%add3A_385, %dma_wait3A_405] : memref<40x64xi32, #tpu.memory_space<vmem>> -> memref<1x64xi32, #tpu.memory_space<vmem>>
        %dma_wait3A_407 = tpu.memref_squeeze %dma_wait3A_406 : memref<1x64xi32, #tpu.memory_space<vmem>> -> memref<64xi32, #tpu.memory_space<vmem>>
        %dma_wait3A_408 = arith.constant 0 : i32
        %dma_wait3A_409 = arith.constant 0 : i32
        %dma_wait3A_410 = tpu.memref_slice %arg2[%dma_wait3A_408, %dma_wait3A_409] : memref<10000x128xf32, #tpu.memory_space<hbm>> -> memref<10000x128xf32, #tpu.memory_space<hbm>>
        tpu.wait_indirect_dma semaphore(%arg16 : memref<!tpu.dma_semaphore, #tpu.memory_space<semaphore_mem>>) src(%dma_wait3A_410 : memref<10000x128xf32, #tpu.memory_space<hbm>>) dst(%arg12 : memref<64x128xf32, #tpu.memory_space<vmem>>)
        %dma_start3A_411 = arith.constant 0 : i32
        %dma_start3A_412 = tpu.memref_slice %arg8[%add3A_385, %dma_start3A_411] : memref<40x64xi32, #tpu.memory_space<vmem>> -> memref<1x64xi32, #tpu.memory_space<vmem>>
        %dma_start3A_413 = tpu.memref_squeeze %dma_start3A_412 : memref<1x64xi32, #tpu.memory_space<vmem>> -> memref<64xi32, #tpu.memory_space<vmem>>
        %dma_start3A_414 = arith.constant 0 : i32
        %dma_start3A_415 = arith.constant 0 : i32
        %dma_start3A_416 = tpu.memref_slice %arg6[%dma_start3A_414, %dma_start3A_415] : memref<10240x128xf32, #tpu.memory_space<vmem_shared>> -> memref<10240x128xf32, #tpu.memory_space<vmem_shared>>
        tpu.enqueue_indirect_dma source(%arg12 : memref<64x128xf32, #tpu.memory_space<vmem>>) target(%dma_start3A_416 : memref<10240x128xf32, #tpu.memory_space<vmem_shared>>) offsets(%dma_start3A_413 : memref<64xi32, #tpu.memory_space<vmem>>) semaphore(%arg20 : memref<!tpu.dma_semaphore, #tpu.memory_space<semaphore_mem>>) {add = true}
      } else {
      }
    }
    %scan3A_43 = arith.constant 10 : i32
    %sub3A_44 = arith.constant 4 : i32
    %sub3A_45 = arith.subi %min3A_17, %sub3A_44 : i32
    %add3A_46 = arith.constant 0 : i32
    %add3A_47 = arith.addi %sub3A_45, %add3A_46 : i32
    %dma_wait3A = arith.constant 0 : i32
    %dma_wait3A_48 = tpu.memref_slice %arg8[%add3A_47, %dma_wait3A] : memref<40x64xi32, #tpu.memory_space<vmem>> -> memref<1x64xi32, #tpu.memory_space<vmem>>
    %dma_wait3A_49 = tpu.memref_squeeze %dma_wait3A_48 : memref<1x64xi32, #tpu.memory_space<vmem>> -> memref<64xi32, #tpu.memory_space<vmem>>
    %dma_wait3A_50 = arith.constant 0 : i32
    %dma_wait3A_51 = arith.constant 0 : i32
    %dma_wait3A_52 = tpu.memref_slice %arg6[%dma_wait3A_50, %dma_wait3A_51] : memref<10240x128xf32, #tpu.memory_space<vmem_shared>> -> memref<10240x128xf32, #tpu.memory_space<vmem_shared>>
    tpu.wait_indirect_dma semaphore(%arg17 : memref<!tpu.dma_semaphore, #tpu.memory_space<semaphore_mem>>) src(%arg9 : memref<64x128xf32, #tpu.memory_space<vmem>>) dst(%dma_wait3A_52 : memref<10240x128xf32, #tpu.memory_space<vmem_shared>>)
    %sub3A_53 = arith.constant 4 : i32
    %sub3A_54 = arith.subi %min3A_17, %sub3A_53 : i32
    %add3A_55 = arith.constant 1 : i32
    %add3A_56 = arith.addi %sub3A_54, %add3A_55 : i32
    %dma_wait3A_57 = arith.constant 0 : i32
    %dma_wait3A_58 = tpu.memref_slice %arg8[%add3A_56, %dma_wait3A_57] : memref<40x64xi32, #tpu.memory_space<vmem>> -> memref<1x64xi32, #tpu.memory_space<vmem>>
    %dma_wait3A_59 = tpu.memref_squeeze %dma_wait3A_58 : memref<1x64xi32, #tpu.memory_space<vmem>> -> memref<64xi32, #tpu.memory_space<vmem>>
    %dma_wait3A_60 = arith.constant 0 : i32
    %dma_wait3A_61 = arith.constant 0 : i32
    %dma_wait3A_62 = tpu.memref_slice %arg6[%dma_wait3A_60, %dma_wait3A_61] : memref<10240x128xf32, #tpu.memory_space<vmem_shared>> -> memref<10240x128xf32, #tpu.memory_space<vmem_shared>>
    tpu.wait_indirect_dma semaphore(%arg18 : memref<!tpu.dma_semaphore, #tpu.memory_space<semaphore_mem>>) src(%arg10 : memref<64x128xf32, #tpu.memory_space<vmem>>) dst(%dma_wait3A_62 : memref<10240x128xf32, #tpu.memory_space<vmem_shared>>)
    %sub3A_63 = arith.constant 4 : i32
    %sub3A_64 = arith.subi %min3A_17, %sub3A_63 : i32
    %add3A_65 = arith.constant 2 : i32
    %add3A_66 = arith.addi %sub3A_64, %add3A_65 : i32
    %dma_wait3A_67 = arith.constant 0 : i32
    %dma_wait3A_68 = tpu.memref_slice %arg8[%add3A_66, %dma_wait3A_67] : memref<40x64xi32, #tpu.memory_space<vmem>> -> memref<1x64xi32, #tpu.memory_space<vmem>>
    %dma_wait3A_69 = tpu.memref_squeeze %dma_wait3A_68 : memref<1x64xi32, #tpu.memory_space<vmem>> -> memref<64xi32, #tpu.memory_space<vmem>>
    %dma_wait3A_70 = arith.constant 0 : i32
    %dma_wait3A_71 = arith.constant 0 : i32
    %dma_wait3A_72 = tpu.memref_slice %arg6[%dma_wait3A_70, %dma_wait3A_71] : memref<10240x128xf32, #tpu.memory_space<vmem_shared>> -> memref<10240x128xf32, #tpu.memory_space<vmem_shared>>
    tpu.wait_indirect_dma semaphore(%arg19 : memref<!tpu.dma_semaphore, #tpu.memory_space<semaphore_mem>>) src(%arg11 : memref<64x128xf32, #tpu.memory_space<vmem>>) dst(%dma_wait3A_72 : memref<10240x128xf32, #tpu.memory_space<vmem_shared>>)
    %sub3A_73 = arith.constant 4 : i32
    %sub3A_74 = arith.subi %min3A_17, %sub3A_73 : i32
    %add3A_75 = arith.constant 3 : i32
    %add3A_76 = arith.addi %sub3A_74, %add3A_75 : i32
    %dma_wait3A_77 = arith.constant 0 : i32
    %dma_wait3A_78 = tpu.memref_slice %arg8[%add3A_76, %dma_wait3A_77] : memref<40x64xi32, #tpu.memory_space<vmem>> -> memref<1x64xi32, #tpu.memory_space<vmem>>
    %dma_wait3A_79 = tpu.memref_squeeze %dma_wait3A_78 : memref<1x64xi32, #tpu.memory_space<vmem>> -> memref<64xi32, #tpu.memory_space<vmem>>
    %dma_wait3A_80 = arith.constant 0 : i32
    %dma_wait3A_81 = arith.constant 0 : i32
    %dma_wait3A_82 = tpu.memref_slice %arg6[%dma_wait3A_80, %dma_wait3A_81] : memref<10240x128xf32, #tpu.memory_space<vmem_shared>> -> memref<10240x128xf32, #tpu.memory_space<vmem_shared>>
    tpu.wait_indirect_dma semaphore(%arg20 : memref<!tpu.dma_semaphore, #tpu.memory_space<semaphore_mem>>) src(%arg12 : memref<64x128xf32, #tpu.memory_space<vmem>>) dst(%dma_wait3A_82 : memref<10240x128xf32, #tpu.memory_space<vmem_shared>>)
    %add3A_83 = arith.constant 40 : i32
    %add3A_84 = arith.addi %add3A_8, %add3A_83 : i32
    %multiple_of3A_85 = tpu.assume_multiple %add3A_84, 8 : i32
    %sub3A_86 = arith.constant 40 : i32
    %sub3A_87 = arith.subi %select_n3A, %sub3A_86 : i32
    %min3A_88 = arith.constant 40 : i32
    %min3A_89 = arith.minsi %min3A_88, %sub3A_87 : i32
    %run_scoped3A_90 = arith.constant 0 : i32
    "tpu.region"() ({
      %run_scoped3A_316 = tpu.sem_alloc : memref<!tpu.dma_semaphore, #tpu.memory_space<semaphore_mem>>
      %dma_start3A_317 = arith.constant 0 : i32
      %dma_start3A_318 = tpu.memref_slice %arg3[%run_scoped3A_90, %multiple_of3A_85, %dma_start3A_317] : memref<2x5000x64xi32, #tpu.memory_space<hbm>> -> memref<1x40x64xi32, #tpu.memory_space<hbm>>
      %dma_start3A_319 = tpu.memref_squeeze %dma_start3A_318 : memref<1x40x64xi32, #tpu.memory_space<hbm>> -> memref<40x64xi32, #tpu.memory_space<hbm>>
      %dma_start3A_320 = arith.constant 0 : i32
      %dma_start3A_321 = tpu.memref_slice %arg3[%run_scoped3A_90, %multiple_of3A_85, %dma_start3A_320] : memref<2x5000x64xi32, #tpu.memory_space<hbm>> -> memref<1x40x64xi32, #tpu.memory_space<hbm>>
      %dma_start3A_322 = tpu.memref_squeeze %dma_start3A_321 : memref<1x40x64xi32, #tpu.memory_space<hbm>> -> memref<40x64xi32, #tpu.memory_space<hbm>>
      tpu.enqueue_dma source(%dma_start3A_322 : memref<40x64xi32, #tpu.memory_space<hbm>>) target(%arg7 : memref<40x64xi32, #tpu.memory_space<vmem>>) target_semaphore(%run_scoped3A_316 : memref<!tpu.dma_semaphore, #tpu.memory_space<semaphore_mem>>)
      %dma_wait3A_323 = arith.constant 0 : i32
      %dma_wait3A_324 = tpu.memref_slice %arg3[%run_scoped3A_90, %multiple_of3A_85, %dma_wait3A_323] : memref<2x5000x64xi32, #tpu.memory_space<hbm>> -> memref<1x40x64xi32, #tpu.memory_space<hbm>>
      %dma_wait3A_325 = tpu.memref_squeeze %dma_wait3A_324 : memref<1x40x64xi32, #tpu.memory_space<hbm>> -> memref<40x64xi32, #tpu.memory_space<hbm>>
      %dma_wait3A_326 = arith.constant 0 : i32
      %dma_wait3A_327 = tpu.memref_slice %arg3[%run_scoped3A_90, %multiple_of3A_85, %dma_wait3A_326] : memref<2x5000x64xi32, #tpu.memory_space<hbm>> -> memref<1x40x64xi32, #tpu.memory_space<hbm>>
      %dma_wait3A_328 = tpu.memref_squeeze %dma_wait3A_327 : memref<1x40x64xi32, #tpu.memory_space<hbm>> -> memref<40x64xi32, #tpu.memory_space<hbm>>
      tpu.wait_dma2 semaphore(%run_scoped3A_316 : memref<!tpu.dma_semaphore, #tpu.memory_space<semaphore_mem>>) src(%dma_wait3A_328 : memref<40x64xi32, #tpu.memory_space<hbm>>) dst(%arg7 : memref<40x64xi32, #tpu.memory_space<vmem>>)
      tpu.yield
    }) : () -> ()
    %run_scoped3A_91 = arith.constant 1 : i32
    "tpu.region"() ({
      %run_scoped3A_316 = tpu.sem_alloc : memref<!tpu.dma_semaphore, #tpu.memory_space<semaphore_mem>>
      %dma_start3A_317 = arith.constant 0 : i32
      %dma_start3A_318 = tpu.memref_slice %arg3[%run_scoped3A_91, %multiple_of3A_85, %dma_start3A_317] : memref<2x5000x64xi32, #tpu.memory_space<hbm>> -> memref<1x40x64xi32, #tpu.memory_space<hbm>>
      %dma_start3A_319 = tpu.memref_squeeze %dma_start3A_318 : memref<1x40x64xi32, #tpu.memory_space<hbm>> -> memref<40x64xi32, #tpu.memory_space<hbm>>
      %dma_start3A_320 = arith.constant 0 : i32
      %dma_start3A_321 = tpu.memref_slice %arg3[%run_scoped3A_91, %multiple_of3A_85, %dma_start3A_320] : memref<2x5000x64xi32, #tpu.memory_space<hbm>> -> memref<1x40x64xi32, #tpu.memory_space<hbm>>
      %dma_start3A_322 = tpu.memref_squeeze %dma_start3A_321 : memref<1x40x64xi32, #tpu.memory_space<hbm>> -> memref<40x64xi32, #tpu.memory_space<hbm>>
      tpu.enqueue_dma source(%dma_start3A_322 : memref<40x64xi32, #tpu.memory_space<hbm>>) target(%arg8 : memref<40x64xi32, #tpu.memory_space<vmem>>) target_semaphore(%run_scoped3A_316 : memref<!tpu.dma_semaphore, #tpu.memory_space<semaphore_mem>>)
      %dma_wait3A_323 = arith.constant 0 : i32
      %dma_wait3A_324 = tpu.memref_slice %arg3[%run_scoped3A_91, %multiple_of3A_85, %dma_wait3A_323] : memref<2x5000x64xi32, #tpu.memory_space<hbm>> -> memref<1x40x64xi32, #tpu.memory_space<hbm>>
      %dma_wait3A_325 = tpu.memref_squeeze %dma_wait3A_324 : memref<1x40x64xi32, #tpu.memory_space<hbm>> -> memref<40x64xi32, #tpu.memory_space<hbm>>
      %dma_wait3A_326 = arith.constant 0 : i32
      %dma_wait3A_327 = tpu.memref_slice %arg3[%run_scoped3A_91, %multiple_of3A_85, %dma_wait3A_326] : memref<2x5000x64xi32, #tpu.memory_space<hbm>> -> memref<1x40x64xi32, #tpu.memory_space<hbm>>
      %dma_wait3A_328 = tpu.memref_squeeze %dma_wait3A_327 : memref<1x40x64xi32, #tpu.memory_space<hbm>> -> memref<40x64xi32, #tpu.memory_space<hbm>>
      tpu.wait_dma2 semaphore(%run_scoped3A_316 : memref<!tpu.dma_semaphore, #tpu.memory_space<semaphore_mem>>) src(%dma_wait3A_328 : memref<40x64xi32, #tpu.memory_space<hbm>>) dst(%arg8 : memref<40x64xi32, #tpu.memory_space<vmem>>)
      tpu.yield
    }) : () -> ()
    %dma_start3A_92 = arith.constant 0 : i32
    %dma_start3A_93 = arith.constant 0 : i32
    %dma_start3A_94 = tpu.memref_slice %arg7[%dma_start3A_92, %dma_start3A_93] : memref<40x64xi32, #tpu.memory_space<vmem>> -> memref<1x64xi32, #tpu.memory_space<vmem>>
    %dma_start3A_95 = tpu.memref_squeeze %dma_start3A_94 : memref<1x64xi32, #tpu.memory_space<vmem>> -> memref<64xi32, #tpu.memory_space<vmem>>
    %dma_start3A_96 = arith.constant 0 : i32
    %dma_start3A_97 = arith.constant 0 : i32
    %dma_start3A_98 = tpu.memref_slice %arg2[%dma_start3A_96, %dma_start3A_97] : memref<10000x128xf32, #tpu.memory_space<hbm>> -> memref<10000x128xf32, #tpu.memory_space<hbm>>
    tpu.enqueue_indirect_dma source(%dma_start3A_98 : memref<10000x128xf32, #tpu.memory_space<hbm>>) target(%arg9 : memref<64x128xf32, #tpu.memory_space<vmem>>) offsets(%dma_start3A_95 : memref<64xi32, #tpu.memory_space<vmem>>) semaphore(%arg13 : memref<!tpu.dma_semaphore, #tpu.memory_space<semaphore_mem>>)
    %dma_start3A_99 = arith.constant 1 : i32
    %dma_start3A_100 = arith.constant 0 : i32
    %dma_start3A_101 = tpu.memref_slice %arg7[%dma_start3A_99, %dma_start3A_100] : memref<40x64xi32, #tpu.memory_space<vmem>> -> memref<1x64xi32, #tpu.memory_space<vmem>>
    %dma_start3A_102 = tpu.memref_squeeze %dma_start3A_101 : memref<1x64xi32, #tpu.memory_space<vmem>> -> memref<64xi32, #tpu.memory_space<vmem>>
    %dma_start3A_103 = arith.constant 0 : i32
    %dma_start3A_104 = arith.constant 0 : i32
    %dma_start3A_105 = tpu.memref_slice %arg2[%dma_start3A_103, %dma_start3A_104] : memref<10000x128xf32, #tpu.memory_space<hbm>> -> memref<10000x128xf32, #tpu.memory_space<hbm>>
    tpu.enqueue_indirect_dma source(%dma_start3A_105 : memref<10000x128xf32, #tpu.memory_space<hbm>>) target(%arg10 : memref<64x128xf32, #tpu.memory_space<vmem>>) offsets(%dma_start3A_102 : memref<64xi32, #tpu.memory_space<vmem>>) semaphore(%arg14 : memref<!tpu.dma_semaphore, #tpu.memory_space<semaphore_mem>>)
    %dma_start3A_106 = arith.constant 2 : i32
    %dma_start3A_107 = arith.constant 0 : i32
    %dma_start3A_108 = tpu.memref_slice %arg7[%dma_start3A_106, %dma_start3A_107] : memref<40x64xi32, #tpu.memory_space<vmem>> -> memref<1x64xi32, #tpu.memory_space<vmem>>
    %dma_start3A_109 = tpu.memref_squeeze %dma_start3A_108 : memref<1x64xi32, #tpu.memory_space<vmem>> -> memref<64xi32, #tpu.memory_space<vmem>>
    %dma_start3A_110 = arith.constant 0 : i32
    %dma_start3A_111 = arith.constant 0 : i32
    %dma_start3A_112 = tpu.memref_slice %arg2[%dma_start3A_110, %dma_start3A_111] : memref<10000x128xf32, #tpu.memory_space<hbm>> -> memref<10000x128xf32, #tpu.memory_space<hbm>>
    tpu.enqueue_indirect_dma source(%dma_start3A_112 : memref<10000x128xf32, #tpu.memory_space<hbm>>) target(%arg11 : memref<64x128xf32, #tpu.memory_space<vmem>>) offsets(%dma_start3A_109 : memref<64xi32, #tpu.memory_space<vmem>>) semaphore(%arg15 : memref<!tpu.dma_semaphore, #tpu.memory_space<semaphore_mem>>)
    %scan3A_113 = arith.constant 0 : i32
    %scan3A_114 = arith.constant 0 : i32
    %scan3A_115 = arith.constant 10 : i32
    %scan3A_116 = arith.addi %scan3A_114, %scan3A_115 : i32
    %scan3A_117 = arith.constant 1 : i32
    scf.for %scan3A_316 = %scan3A_114 to %scan3A_116 step %scan3A_117  : i32 {
      %mul3A_317 = arith.constant 4 : i32
      %mul3A_318 = arith.muli %scan3A_316, %mul3A_317 : i32
      %add3A_319 = arith.constant 0 : i32
      %add3A_320 = arith.addi %mul3A_318, %add3A_319 : i32
      %add3A_321 = arith.constant 4 : i32
      %add3A_322 = arith.addi %add3A_320, %add3A_321 : i32
      %sub3A_323 = arith.constant 1 : i32
      %sub3A_324 = arith.subi %add3A_322, %sub3A_323 : i32
      %ge3A = arith.constant 1 : i32
      %ge3A_325 = arith.cmpi sge, %add3A_320, %ge3A : i32
      %lt3A_326 = arith.cmpi slt, %sub3A_324, %min3A_89 : i32
      %and3A = arith.andi %ge3A_325, %lt3A_326 : i1
      %convert_element_type3A = arith.extui %and3A : i1 to i32
      %cond3A = arith.constant 0 : i32
      %cond3A_327 = arith.cmpi ne, %convert_element_type3A, %cond3A : i32
      scf.if %cond3A_327 {
        %sub3A_405 = arith.constant 1 : i32
        %sub3A_406 = arith.subi %add3A_320, %sub3A_405 : i32
        %dma_wait3A_407 = arith.constant 0 : i32
        %dma_wait3A_408 = tpu.memref_slice %arg8[%sub3A_406, %dma_wait3A_407] : memref<40x64xi32, #tpu.memory_space<vmem>> -> memref<1x64xi32, #tpu.memory_space<vmem>>
        %dma_wait3A_409 = tpu.memref_squeeze %dma_wait3A_408 : memref<1x64xi32, #tpu.memory_space<vmem>> -> memref<64xi32, #tpu.memory_space<vmem>>
        %dma_wait3A_410 = arith.constant 0 : i32
        %dma_wait3A_411 = arith.constant 0 : i32
        %dma_wait3A_412 = tpu.memref_slice %arg6[%dma_wait3A_410, %dma_wait3A_411] : memref<10240x128xf32, #tpu.memory_space<vmem_shared>> -> memref<10240x128xf32, #tpu.memory_space<vmem_shared>>
        tpu.wait_indirect_dma semaphore(%arg20 : memref<!tpu.dma_semaphore, #tpu.memory_space<semaphore_mem>>) src(%arg12 : memref<64x128xf32, #tpu.memory_space<vmem>>) dst(%dma_wait3A_412 : memref<10240x128xf32, #tpu.memory_space<vmem_shared>>)
      } else {
      }
      %lt3A_328 = arith.cmpi slt, %sub3A_324, %min3A_89 : i32
      %convert_element_type3A_329 = arith.extui %lt3A_328 : i1 to i32
      %cond3A_330 = arith.constant 0 : i32
      %cond3A_331 = arith.cmpi ne, %convert_element_type3A_329, %cond3A_330 : i32
      scf.if %cond3A_331 {
        %dma_start3A_405 = arith.constant 0 : i32
        %dma_start3A_406 = tpu.memref_slice %arg7[%sub3A_324, %dma_start3A_405] : memref<40x64xi32, #tpu.memory_space<vmem>> -> memref<1x64xi32, #tpu.memory_space<vmem>>
        %dma_start3A_407 = tpu.memref_squeeze %dma_start3A_406 : memref<1x64xi32, #tpu.memory_space<vmem>> -> memref<64xi32, #tpu.memory_space<vmem>>
        %dma_start3A_408 = arith.constant 0 : i32
        %dma_start3A_409 = arith.constant 0 : i32
        %dma_start3A_410 = tpu.memref_slice %arg2[%dma_start3A_408, %dma_start3A_409] : memref<10000x128xf32, #tpu.memory_space<hbm>> -> memref<10000x128xf32, #tpu.memory_space<hbm>>
        tpu.enqueue_indirect_dma source(%dma_start3A_410 : memref<10000x128xf32, #tpu.memory_space<hbm>>) target(%arg12 : memref<64x128xf32, #tpu.memory_space<vmem>>) offsets(%dma_start3A_407 : memref<64xi32, #tpu.memory_space<vmem>>) semaphore(%arg16 : memref<!tpu.dma_semaphore, #tpu.memory_space<semaphore_mem>>)
      } else {
      }
      %lt3A_332 = arith.cmpi slt, %add3A_320, %min3A_89 : i32
      %convert_element_type3A_333 = arith.extui %lt3A_332 : i1 to i32
      %cond3A_334 = arith.constant 0 : i32
      %cond3A_335 = arith.cmpi ne, %convert_element_type3A_333, %cond3A_334 : i32
      scf.if %cond3A_335 {
        %dma_wait3A_405 = arith.constant 0 : i32
        %dma_wait3A_406 = tpu.memref_slice %arg7[%add3A_320, %dma_wait3A_405] : memref<40x64xi32, #tpu.memory_space<vmem>> -> memref<1x64xi32, #tpu.memory_space<vmem>>
        %dma_wait3A_407 = tpu.memref_squeeze %dma_wait3A_406 : memref<1x64xi32, #tpu.memory_space<vmem>> -> memref<64xi32, #tpu.memory_space<vmem>>
        %dma_wait3A_408 = arith.constant 0 : i32
        %dma_wait3A_409 = arith.constant 0 : i32
        %dma_wait3A_410 = tpu.memref_slice %arg2[%dma_wait3A_408, %dma_wait3A_409] : memref<10000x128xf32, #tpu.memory_space<hbm>> -> memref<10000x128xf32, #tpu.memory_space<hbm>>
        tpu.wait_indirect_dma semaphore(%arg13 : memref<!tpu.dma_semaphore, #tpu.memory_space<semaphore_mem>>) src(%dma_wait3A_410 : memref<10000x128xf32, #tpu.memory_space<hbm>>) dst(%arg9 : memref<64x128xf32, #tpu.memory_space<vmem>>)
        %dma_start3A_411 = arith.constant 0 : i32
        %dma_start3A_412 = tpu.memref_slice %arg8[%add3A_320, %dma_start3A_411] : memref<40x64xi32, #tpu.memory_space<vmem>> -> memref<1x64xi32, #tpu.memory_space<vmem>>
        %dma_start3A_413 = tpu.memref_squeeze %dma_start3A_412 : memref<1x64xi32, #tpu.memory_space<vmem>> -> memref<64xi32, #tpu.memory_space<vmem>>
        %dma_start3A_414 = arith.constant 0 : i32
        %dma_start3A_415 = arith.constant 0 : i32
        %dma_start3A_416 = tpu.memref_slice %arg6[%dma_start3A_414, %dma_start3A_415] : memref<10240x128xf32, #tpu.memory_space<vmem_shared>> -> memref<10240x128xf32, #tpu.memory_space<vmem_shared>>
        tpu.enqueue_indirect_dma source(%arg9 : memref<64x128xf32, #tpu.memory_space<vmem>>) target(%dma_start3A_416 : memref<10240x128xf32, #tpu.memory_space<vmem_shared>>) offsets(%dma_start3A_413 : memref<64xi32, #tpu.memory_space<vmem>>) semaphore(%arg17 : memref<!tpu.dma_semaphore, #tpu.memory_space<semaphore_mem>>) {add = true}
      } else {
      }
      %mul3A_336 = arith.constant 4 : i32
      %mul3A_337 = arith.muli %scan3A_316, %mul3A_336 : i32
      %add3A_338 = arith.constant 1 : i32
      %add3A_339 = arith.addi %mul3A_337, %add3A_338 : i32
      %add3A_340 = arith.constant 4 : i32
      %add3A_341 = arith.addi %add3A_339, %add3A_340 : i32
      %sub3A_342 = arith.constant 1 : i32
      %sub3A_343 = arith.subi %add3A_341, %sub3A_342 : i32
      %ge3A_344 = arith.constant 1 : i32
      %ge3A_345 = arith.cmpi sge, %add3A_339, %ge3A_344 : i32
      %lt3A_346 = arith.cmpi slt, %sub3A_343, %min3A_89 : i32
      %and3A_347 = arith.andi %ge3A_345, %lt3A_346 : i1
      %convert_element_type3A_348 = arith.extui %and3A_347 : i1 to i32
      %cond3A_349 = arith.constant 0 : i32
      %cond3A_350 = arith.cmpi ne, %convert_element_type3A_348, %cond3A_349 : i32
      scf.if %cond3A_350 {
        %sub3A_405 = arith.constant 1 : i32
        %sub3A_406 = arith.subi %add3A_339, %sub3A_405 : i32
        %dma_wait3A_407 = arith.constant 0 : i32
        %dma_wait3A_408 = tpu.memref_slice %arg8[%sub3A_406, %dma_wait3A_407] : memref<40x64xi32, #tpu.memory_space<vmem>> -> memref<1x64xi32, #tpu.memory_space<vmem>>
        %dma_wait3A_409 = tpu.memref_squeeze %dma_wait3A_408 : memref<1x64xi32, #tpu.memory_space<vmem>> -> memref<64xi32, #tpu.memory_space<vmem>>
        %dma_wait3A_410 = arith.constant 0 : i32
        %dma_wait3A_411 = arith.constant 0 : i32
        %dma_wait3A_412 = tpu.memref_slice %arg6[%dma_wait3A_410, %dma_wait3A_411] : memref<10240x128xf32, #tpu.memory_space<vmem_shared>> -> memref<10240x128xf32, #tpu.memory_space<vmem_shared>>
        tpu.wait_indirect_dma semaphore(%arg17 : memref<!tpu.dma_semaphore, #tpu.memory_space<semaphore_mem>>) src(%arg9 : memref<64x128xf32, #tpu.memory_space<vmem>>) dst(%dma_wait3A_412 : memref<10240x128xf32, #tpu.memory_space<vmem_shared>>)
      } else {
      }
      %lt3A_351 = arith.cmpi slt, %sub3A_343, %min3A_89 : i32
      %convert_element_type3A_352 = arith.extui %lt3A_351 : i1 to i32
      %cond3A_353 = arith.constant 0 : i32
      %cond3A_354 = arith.cmpi ne, %convert_element_type3A_352, %cond3A_353 : i32
      scf.if %cond3A_354 {
        %dma_start3A_405 = arith.constant 0 : i32
        %dma_start3A_406 = tpu.memref_slice %arg7[%sub3A_343, %dma_start3A_405] : memref<40x64xi32, #tpu.memory_space<vmem>> -> memref<1x64xi32, #tpu.memory_space<vmem>>
        %dma_start3A_407 = tpu.memref_squeeze %dma_start3A_406 : memref<1x64xi32, #tpu.memory_space<vmem>> -> memref<64xi32, #tpu.memory_space<vmem>>
        %dma_start3A_408 = arith.constant 0 : i32
        %dma_start3A_409 = arith.constant 0 : i32
        %dma_start3A_410 = tpu.memref_slice %arg2[%dma_start3A_408, %dma_start3A_409] : memref<10000x128xf32, #tpu.memory_space<hbm>> -> memref<10000x128xf32, #tpu.memory_space<hbm>>
        tpu.enqueue_indirect_dma source(%dma_start3A_410 : memref<10000x128xf32, #tpu.memory_space<hbm>>) target(%arg9 : memref<64x128xf32, #tpu.memory_space<vmem>>) offsets(%dma_start3A_407 : memref<64xi32, #tpu.memory_space<vmem>>) semaphore(%arg13 : memref<!tpu.dma_semaphore, #tpu.memory_space<semaphore_mem>>)
      } else {
      }
      %lt3A_355 = arith.cmpi slt, %add3A_339, %min3A_89 : i32
      %convert_element_type3A_356 = arith.extui %lt3A_355 : i1 to i32
      %cond3A_357 = arith.constant 0 : i32
      %cond3A_358 = arith.cmpi ne, %convert_element_type3A_356, %cond3A_357 : i32
      scf.if %cond3A_358 {
        %dma_wait3A_405 = arith.constant 0 : i32
        %dma_wait3A_406 = tpu.memref_slice %arg7[%add3A_339, %dma_wait3A_405] : memref<40x64xi32, #tpu.memory_space<vmem>> -> memref<1x64xi32, #tpu.memory_space<vmem>>
        %dma_wait3A_407 = tpu.memref_squeeze %dma_wait3A_406 : memref<1x64xi32, #tpu.memory_space<vmem>> -> memref<64xi32, #tpu.memory_space<vmem>>
        %dma_wait3A_408 = arith.constant 0 : i32
        %dma_wait3A_409 = arith.constant 0 : i32
        %dma_wait3A_410 = tpu.memref_slice %arg2[%dma_wait3A_408, %dma_wait3A_409] : memref<10000x128xf32, #tpu.memory_space<hbm>> -> memref<10000x128xf32, #tpu.memory_space<hbm>>
        tpu.wait_indirect_dma semaphore(%arg14 : memref<!tpu.dma_semaphore, #tpu.memory_space<semaphore_mem>>) src(%dma_wait3A_410 : memref<10000x128xf32, #tpu.memory_space<hbm>>) dst(%arg10 : memref<64x128xf32, #tpu.memory_space<vmem>>)
        %dma_start3A_411 = arith.constant 0 : i32
        %dma_start3A_412 = tpu.memref_slice %arg8[%add3A_339, %dma_start3A_411] : memref<40x64xi32, #tpu.memory_space<vmem>> -> memref<1x64xi32, #tpu.memory_space<vmem>>
        %dma_start3A_413 = tpu.memref_squeeze %dma_start3A_412 : memref<1x64xi32, #tpu.memory_space<vmem>> -> memref<64xi32, #tpu.memory_space<vmem>>
        %dma_start3A_414 = arith.constant 0 : i32
        %dma_start3A_415 = arith.constant 0 : i32
        %dma_start3A_416 = tpu.memref_slice %arg6[%dma_start3A_414, %dma_start3A_415] : memref<10240x128xf32, #tpu.memory_space<vmem_shared>> -> memref<10240x128xf32, #tpu.memory_space<vmem_shared>>
        tpu.enqueue_indirect_dma source(%arg10 : memref<64x128xf32, #tpu.memory_space<vmem>>) target(%dma_start3A_416 : memref<10240x128xf32, #tpu.memory_space<vmem_shared>>) offsets(%dma_start3A_413 : memref<64xi32, #tpu.memory_space<vmem>>) semaphore(%arg18 : memref<!tpu.dma_semaphore, #tpu.memory_space<semaphore_mem>>) {add = true}
      } else {
      }
      %mul3A_359 = arith.constant 4 : i32
      %mul3A_360 = arith.muli %scan3A_316, %mul3A_359 : i32
      %add3A_361 = arith.constant 2 : i32
      %add3A_362 = arith.addi %mul3A_360, %add3A_361 : i32
      %add3A_363 = arith.constant 4 : i32
      %add3A_364 = arith.addi %add3A_362, %add3A_363 : i32
      %sub3A_365 = arith.constant 1 : i32
      %sub3A_366 = arith.subi %add3A_364, %sub3A_365 : i32
      %ge3A_367 = arith.constant 1 : i32
      %ge3A_368 = arith.cmpi sge, %add3A_362, %ge3A_367 : i32
      %lt3A_369 = arith.cmpi slt, %sub3A_366, %min3A_89 : i32
      %and3A_370 = arith.andi %ge3A_368, %lt3A_369 : i1
      %convert_element_type3A_371 = arith.extui %and3A_370 : i1 to i32
      %cond3A_372 = arith.constant 0 : i32
      %cond3A_373 = arith.cmpi ne, %convert_element_type3A_371, %cond3A_372 : i32
      scf.if %cond3A_373 {
        %sub3A_405 = arith.constant 1 : i32
        %sub3A_406 = arith.subi %add3A_362, %sub3A_405 : i32
        %dma_wait3A_407 = arith.constant 0 : i32
        %dma_wait3A_408 = tpu.memref_slice %arg8[%sub3A_406, %dma_wait3A_407] : memref<40x64xi32, #tpu.memory_space<vmem>> -> memref<1x64xi32, #tpu.memory_space<vmem>>
        %dma_wait3A_409 = tpu.memref_squeeze %dma_wait3A_408 : memref<1x64xi32, #tpu.memory_space<vmem>> -> memref<64xi32, #tpu.memory_space<vmem>>
        %dma_wait3A_410 = arith.constant 0 : i32
        %dma_wait3A_411 = arith.constant 0 : i32
        %dma_wait3A_412 = tpu.memref_slice %arg6[%dma_wait3A_410, %dma_wait3A_411] : memref<10240x128xf32, #tpu.memory_space<vmem_shared>> -> memref<10240x128xf32, #tpu.memory_space<vmem_shared>>
        tpu.wait_indirect_dma semaphore(%arg18 : memref<!tpu.dma_semaphore, #tpu.memory_space<semaphore_mem>>) src(%arg10 : memref<64x128xf32, #tpu.memory_space<vmem>>) dst(%dma_wait3A_412 : memref<10240x128xf32, #tpu.memory_space<vmem_shared>>)
      } else {
      }
      %lt3A_374 = arith.cmpi slt, %sub3A_366, %min3A_89 : i32
      %convert_element_type3A_375 = arith.extui %lt3A_374 : i1 to i32
      %cond3A_376 = arith.constant 0 : i32
      %cond3A_377 = arith.cmpi ne, %convert_element_type3A_375, %cond3A_376 : i32
      scf.if %cond3A_377 {
        %dma_start3A_405 = arith.constant 0 : i32
        %dma_start3A_406 = tpu.memref_slice %arg7[%sub3A_366, %dma_start3A_405] : memref<40x64xi32, #tpu.memory_space<vmem>> -> memref<1x64xi32, #tpu.memory_space<vmem>>
        %dma_start3A_407 = tpu.memref_squeeze %dma_start3A_406 : memref<1x64xi32, #tpu.memory_space<vmem>> -> memref<64xi32, #tpu.memory_space<vmem>>
        %dma_start3A_408 = arith.constant 0 : i32
        %dma_start3A_409 = arith.constant 0 : i32
        %dma_start3A_410 = tpu.memref_slice %arg2[%dma_start3A_408, %dma_start3A_409] : memref<10000x128xf32, #tpu.memory_space<hbm>> -> memref<10000x128xf32, #tpu.memory_space<hbm>>
        tpu.enqueue_indirect_dma source(%dma_start3A_410 : memref<10000x128xf32, #tpu.memory_space<hbm>>) target(%arg10 : memref<64x128xf32, #tpu.memory_space<vmem>>) offsets(%dma_start3A_407 : memref<64xi32, #tpu.memory_space<vmem>>) semaphore(%arg14 : memref<!tpu.dma_semaphore, #tpu.memory_space<semaphore_mem>>)
      } else {
      }
      %lt3A_378 = arith.cmpi slt, %add3A_362, %min3A_89 : i32
      %convert_element_type3A_379 = arith.extui %lt3A_378 : i1 to i32
      %cond3A_380 = arith.constant 0 : i32
      %cond3A_381 = arith.cmpi ne, %convert_element_type3A_379, %cond3A_380 : i32
      scf.if %cond3A_381 {
        %dma_wait3A_405 = arith.constant 0 : i32
        %dma_wait3A_406 = tpu.memref_slice %arg7[%add3A_362, %dma_wait3A_405] : memref<40x64xi32, #tpu.memory_space<vmem>> -> memref<1x64xi32, #tpu.memory_space<vmem>>
        %dma_wait3A_407 = tpu.memref_squeeze %dma_wait3A_406 : memref<1x64xi32, #tpu.memory_space<vmem>> -> memref<64xi32, #tpu.memory_space<vmem>>
        %dma_wait3A_408 = arith.constant 0 : i32
        %dma_wait3A_409 = arith.constant 0 : i32
        %dma_wait3A_410 = tpu.memref_slice %arg2[%dma_wait3A_408, %dma_wait3A_409] : memref<10000x128xf32, #tpu.memory_space<hbm>> -> memref<10000x128xf32, #tpu.memory_space<hbm>>
        tpu.wait_indirect_dma semaphore(%arg15 : memref<!tpu.dma_semaphore, #tpu.memory_space<semaphore_mem>>) src(%dma_wait3A_410 : memref<10000x128xf32, #tpu.memory_space<hbm>>) dst(%arg11 : memref<64x128xf32, #tpu.memory_space<vmem>>)
        %dma_start3A_411 = arith.constant 0 : i32
        %dma_start3A_412 = tpu.memref_slice %arg8[%add3A_362, %dma_start3A_411] : memref<40x64xi32, #tpu.memory_space<vmem>> -> memref<1x64xi32, #tpu.memory_space<vmem>>
        %dma_start3A_413 = tpu.memref_squeeze %dma_start3A_412 : memref<1x64xi32, #tpu.memory_space<vmem>> -> memref<64xi32, #tpu.memory_space<vmem>>
        %dma_start3A_414 = arith.constant 0 : i32
        %dma_start3A_415 = arith.constant 0 : i32
        %dma_start3A_416 = tpu.memref_slice %arg6[%dma_start3A_414, %dma_start3A_415] : memref<10240x128xf32, #tpu.memory_space<vmem_shared>> -> memref<10240x128xf32, #tpu.memory_space<vmem_shared>>
        tpu.enqueue_indirect_dma source(%arg11 : memref<64x128xf32, #tpu.memory_space<vmem>>) target(%dma_start3A_416 : memref<10240x128xf32, #tpu.memory_space<vmem_shared>>) offsets(%dma_start3A_413 : memref<64xi32, #tpu.memory_space<vmem>>) semaphore(%arg19 : memref<!tpu.dma_semaphore, #tpu.memory_space<semaphore_mem>>) {add = true}
      } else {
      }
      %mul3A_382 = arith.constant 4 : i32
      %mul3A_383 = arith.muli %scan3A_316, %mul3A_382 : i32
      %add3A_384 = arith.constant 3 : i32
      %add3A_385 = arith.addi %mul3A_383, %add3A_384 : i32
      %add3A_386 = arith.constant 4 : i32
      %add3A_387 = arith.addi %add3A_385, %add3A_386 : i32
      %sub3A_388 = arith.constant 1 : i32
      %sub3A_389 = arith.subi %add3A_387, %sub3A_388 : i32
      %ge3A_390 = arith.constant 1 : i32
      %ge3A_391 = arith.cmpi sge, %add3A_385, %ge3A_390 : i32
      %lt3A_392 = arith.cmpi slt, %sub3A_389, %min3A_89 : i32
      %and3A_393 = arith.andi %ge3A_391, %lt3A_392 : i1
      %convert_element_type3A_394 = arith.extui %and3A_393 : i1 to i32
      %cond3A_395 = arith.constant 0 : i32
      %cond3A_396 = arith.cmpi ne, %convert_element_type3A_394, %cond3A_395 : i32
      scf.if %cond3A_396 {
        %sub3A_405 = arith.constant 1 : i32
        %sub3A_406 = arith.subi %add3A_385, %sub3A_405 : i32
        %dma_wait3A_407 = arith.constant 0 : i32
        %dma_wait3A_408 = tpu.memref_slice %arg8[%sub3A_406, %dma_wait3A_407] : memref<40x64xi32, #tpu.memory_space<vmem>> -> memref<1x64xi32, #tpu.memory_space<vmem>>
        %dma_wait3A_409 = tpu.memref_squeeze %dma_wait3A_408 : memref<1x64xi32, #tpu.memory_space<vmem>> -> memref<64xi32, #tpu.memory_space<vmem>>
        %dma_wait3A_410 = arith.constant 0 : i32
        %dma_wait3A_411 = arith.constant 0 : i32
        %dma_wait3A_412 = tpu.memref_slice %arg6[%dma_wait3A_410, %dma_wait3A_411] : memref<10240x128xf32, #tpu.memory_space<vmem_shared>> -> memref<10240x128xf32, #tpu.memory_space<vmem_shared>>
        tpu.wait_indirect_dma semaphore(%arg19 : memref<!tpu.dma_semaphore, #tpu.memory_space<semaphore_mem>>) src(%arg11 : memref<64x128xf32, #tpu.memory_space<vmem>>) dst(%dma_wait3A_412 : memref<10240x128xf32, #tpu.memory_space<vmem_shared>>)
      } else {
      }
      %lt3A_397 = arith.cmpi slt, %sub3A_389, %min3A_89 : i32
      %convert_element_type3A_398 = arith.extui %lt3A_397 : i1 to i32
      %cond3A_399 = arith.constant 0 : i32
      %cond3A_400 = arith.cmpi ne, %convert_element_type3A_398, %cond3A_399 : i32
      scf.if %cond3A_400 {
        %dma_start3A_405 = arith.constant 0 : i32
        %dma_start3A_406 = tpu.memref_slice %arg7[%sub3A_389, %dma_start3A_405] : memref<40x64xi32, #tpu.memory_space<vmem>> -> memref<1x64xi32, #tpu.memory_space<vmem>>
        %dma_start3A_407 = tpu.memref_squeeze %dma_start3A_406 : memref<1x64xi32, #tpu.memory_space<vmem>> -> memref<64xi32, #tpu.memory_space<vmem>>
        %dma_start3A_408 = arith.constant 0 : i32
        %dma_start3A_409 = arith.constant 0 : i32
        %dma_start3A_410 = tpu.memref_slice %arg2[%dma_start3A_408, %dma_start3A_409] : memref<10000x128xf32, #tpu.memory_space<hbm>> -> memref<10000x128xf32, #tpu.memory_space<hbm>>
        tpu.enqueue_indirect_dma source(%dma_start3A_410 : memref<10000x128xf32, #tpu.memory_space<hbm>>) target(%arg11 : memref<64x128xf32, #tpu.memory_space<vmem>>) offsets(%dma_start3A_407 : memref<64xi32, #tpu.memory_space<vmem>>) semaphore(%arg15 : memref<!tpu.dma_semaphore, #tpu.memory_space<semaphore_mem>>)
      } else {
      }
      %lt3A_401 = arith.cmpi slt, %add3A_385, %min3A_89 : i32
      %convert_element_type3A_402 = arith.extui %lt3A_401 : i1 to i32
      %cond3A_403 = arith.constant 0 : i32
      %cond3A_404 = arith.cmpi ne, %convert_element_type3A_402, %cond3A_403 : i32
      scf.if %cond3A_404 {
        %dma_wait3A_405 = arith.constant 0 : i32
        %dma_wait3A_406 = tpu.memref_slice %arg7[%add3A_385, %dma_wait3A_405] : memref<40x64xi32, #tpu.memory_space<vmem>> -> memref<1x64xi32, #tpu.memory_space<vmem>>
        %dma_wait3A_407 = tpu.memref_squeeze %dma_wait3A_406 : memref<1x64xi32, #tpu.memory_space<vmem>> -> memref<64xi32, #tpu.memory_space<vmem>>
        %dma_wait3A_408 = arith.constant 0 : i32
        %dma_wait3A_409 = arith.constant 0 : i32
        %dma_wait3A_410 = tpu.memref_slice %arg2[%dma_wait3A_408, %dma_wait3A_409] : memref<10000x128xf32, #tpu.memory_space<hbm>> -> memref<10000x128xf32, #tpu.memory_space<hbm>>
        tpu.wait_indirect_dma semaphore(%arg16 : memref<!tpu.dma_semaphore, #tpu.memory_space<semaphore_mem>>) src(%dma_wait3A_410 : memref<10000x128xf32, #tpu.memory_space<hbm>>) dst(%arg12 : memref<64x128xf32, #tpu.memory_space<vmem>>)
        %dma_start3A_411 = arith.constant 0 : i32
        %dma_start3A_412 = tpu.memref_slice %arg8[%add3A_385, %dma_start3A_411] : memref<40x64xi32, #tpu.memory_space<vmem>> -> memref<1x64xi32, #tpu.memory_space<vmem>>
        %dma_start3A_413 = tpu.memref_squeeze %dma_start3A_412 : memref<1x64xi32, #tpu.memory_space<vmem>> -> memref<64xi32, #tpu.memory_space<vmem>>
        %dma_start3A_414 = arith.constant 0 : i32
        %dma_start3A_415 = arith.constant 0 : i32
        %dma_start3A_416 = tpu.memref_slice %arg6[%dma_start3A_414, %dma_start3A_415] : memref<10240x128xf32, #tpu.memory_space<vmem_shared>> -> memref<10240x128xf32, #tpu.memory_space<vmem_shared>>
        tpu.enqueue_indirect_dma source(%arg12 : memref<64x128xf32, #tpu.memory_space<vmem>>) target(%dma_start3A_416 : memref<10240x128xf32, #tpu.memory_space<vmem_shared>>) offsets(%dma_start3A_413 : memref<64xi32, #tpu.memory_space<vmem>>) semaphore(%arg20 : memref<!tpu.dma_semaphore, #tpu.memory_space<semaphore_mem>>) {add = true}
      } else {
      }
    }
    %scan3A_118 = arith.constant 10 : i32
    %sub3A_119 = arith.constant 4 : i32
    %sub3A_120 = arith.subi %min3A_89, %sub3A_119 : i32
    %add3A_121 = arith.constant 0 : i32
    %add3A_122 = arith.addi %sub3A_120, %add3A_121 : i32
    %dma_wait3A_123 = arith.constant 0 : i32
    %dma_wait3A_124 = tpu.memref_slice %arg8[%add3A_122, %dma_wait3A_123] : memref<40x64xi32, #tpu.memory_space<vmem>> -> memref<1x64xi32, #tpu.memory_space<vmem>>
    %dma_wait3A_125 = tpu.memref_squeeze %dma_wait3A_124 : memref<1x64xi32, #tpu.memory_space<vmem>> -> memref<64xi32, #tpu.memory_space<vmem>>
    %dma_wait3A_126 = arith.constant 0 : i32
    %dma_wait3A_127 = arith.constant 0 : i32
    %dma_wait3A_128 = tpu.memref_slice %arg6[%dma_wait3A_126, %dma_wait3A_127] : memref<10240x128xf32, #tpu.memory_space<vmem_shared>> -> memref<10240x128xf32, #tpu.memory_space<vmem_shared>>
    tpu.wait_indirect_dma semaphore(%arg17 : memref<!tpu.dma_semaphore, #tpu.memory_space<semaphore_mem>>) src(%arg9 : memref<64x128xf32, #tpu.memory_space<vmem>>) dst(%dma_wait3A_128 : memref<10240x128xf32, #tpu.memory_space<vmem_shared>>)
    %sub3A_129 = arith.constant 4 : i32
    %sub3A_130 = arith.subi %min3A_89, %sub3A_129 : i32
    %add3A_131 = arith.constant 1 : i32
    %add3A_132 = arith.addi %sub3A_130, %add3A_131 : i32
    %dma_wait3A_133 = arith.constant 0 : i32
    %dma_wait3A_134 = tpu.memref_slice %arg8[%add3A_132, %dma_wait3A_133] : memref<40x64xi32, #tpu.memory_space<vmem>> -> memref<1x64xi32, #tpu.memory_space<vmem>>
    %dma_wait3A_135 = tpu.memref_squeeze %dma_wait3A_134 : memref<1x64xi32, #tpu.memory_space<vmem>> -> memref<64xi32, #tpu.memory_space<vmem>>
    %dma_wait3A_136 = arith.constant 0 : i32
    %dma_wait3A_137 = arith.constant 0 : i32
    %dma_wait3A_138 = tpu.memref_slice %arg6[%dma_wait3A_136, %dma_wait3A_137] : memref<10240x128xf32, #tpu.memory_space<vmem_shared>> -> memref<10240x128xf32, #tpu.memory_space<vmem_shared>>
    tpu.wait_indirect_dma semaphore(%arg18 : memref<!tpu.dma_semaphore, #tpu.memory_space<semaphore_mem>>) src(%arg10 : memref<64x128xf32, #tpu.memory_space<vmem>>) dst(%dma_wait3A_138 : memref<10240x128xf32, #tpu.memory_space<vmem_shared>>)
    %sub3A_139 = arith.constant 4 : i32
    %sub3A_140 = arith.subi %min3A_89, %sub3A_139 : i32
    %add3A_141 = arith.constant 2 : i32
    %add3A_142 = arith.addi %sub3A_140, %add3A_141 : i32
    %dma_wait3A_143 = arith.constant 0 : i32
    %dma_wait3A_144 = tpu.memref_slice %arg8[%add3A_142, %dma_wait3A_143] : memref<40x64xi32, #tpu.memory_space<vmem>> -> memref<1x64xi32, #tpu.memory_space<vmem>>
    %dma_wait3A_145 = tpu.memref_squeeze %dma_wait3A_144 : memref<1x64xi32, #tpu.memory_space<vmem>> -> memref<64xi32, #tpu.memory_space<vmem>>
    %dma_wait3A_146 = arith.constant 0 : i32
    %dma_wait3A_147 = arith.constant 0 : i32
    %dma_wait3A_148 = tpu.memref_slice %arg6[%dma_wait3A_146, %dma_wait3A_147] : memref<10240x128xf32, #tpu.memory_space<vmem_shared>> -> memref<10240x128xf32, #tpu.memory_space<vmem_shared>>
    tpu.wait_indirect_dma semaphore(%arg19 : memref<!tpu.dma_semaphore, #tpu.memory_space<semaphore_mem>>) src(%arg11 : memref<64x128xf32, #tpu.memory_space<vmem>>) dst(%dma_wait3A_148 : memref<10240x128xf32, #tpu.memory_space<vmem_shared>>)
    %sub3A_149 = arith.constant 4 : i32
    %sub3A_150 = arith.subi %min3A_89, %sub3A_149 : i32
    %add3A_151 = arith.constant 3 : i32
    %add3A_152 = arith.addi %sub3A_150, %add3A_151 : i32
    %dma_wait3A_153 = arith.constant 0 : i32
    %dma_wait3A_154 = tpu.memref_slice %arg8[%add3A_152, %dma_wait3A_153] : memref<40x64xi32, #tpu.memory_space<vmem>> -> memref<1x64xi32, #tpu.memory_space<vmem>>
    %dma_wait3A_155 = tpu.memref_squeeze %dma_wait3A_154 : memref<1x64xi32, #tpu.memory_space<vmem>> -> memref<64xi32, #tpu.memory_space<vmem>>
    %dma_wait3A_156 = arith.constant 0 : i32
    %dma_wait3A_157 = arith.constant 0 : i32
    %dma_wait3A_158 = tpu.memref_slice %arg6[%dma_wait3A_156, %dma_wait3A_157] : memref<10240x128xf32, #tpu.memory_space<vmem_shared>> -> memref<10240x128xf32, #tpu.memory_space<vmem_shared>>
    tpu.wait_indirect_dma semaphore(%arg20 : memref<!tpu.dma_semaphore, #tpu.memory_space<semaphore_mem>>) src(%arg12 : memref<64x128xf32, #tpu.memory_space<vmem>>) dst(%dma_wait3A_158 : memref<10240x128xf32, #tpu.memory_space<vmem_shared>>)
    %add3A_159 = arith.constant 80 : i32
    %add3A_160 = arith.addi %add3A_8, %add3A_159 : i32
    %multiple_of3A_161 = tpu.assume_multiple %add3A_160, 8 : i32
    %sub3A_162 = arith.constant 80 : i32
    %sub3A_163 = arith.subi %select_n3A, %sub3A_162 : i32
    %min3A_164 = arith.constant 40 : i32
    %min3A_165 = arith.minsi %min3A_164, %sub3A_163 : i32
    %run_scoped3A_166 = arith.constant 0 : i32
    "tpu.region"() ({
      %run_scoped3A_316 = tpu.sem_alloc : memref<!tpu.dma_semaphore, #tpu.memory_space<semaphore_mem>>
      %dma_start3A_317 = arith.constant 0 : i32
      %dma_start3A_318 = tpu.memref_slice %arg3[%run_scoped3A_166, %multiple_of3A_161, %dma_start3A_317] : memref<2x5000x64xi32, #tpu.memory_space<hbm>> -> memref<1x40x64xi32, #tpu.memory_space<hbm>>
      %dma_start3A_319 = tpu.memref_squeeze %dma_start3A_318 : memref<1x40x64xi32, #tpu.memory_space<hbm>> -> memref<40x64xi32, #tpu.memory_space<hbm>>
      %dma_start3A_320 = arith.constant 0 : i32
      %dma_start3A_321 = tpu.memref_slice %arg3[%run_scoped3A_166, %multiple_of3A_161, %dma_start3A_320] : memref<2x5000x64xi32, #tpu.memory_space<hbm>> -> memref<1x40x64xi32, #tpu.memory_space<hbm>>
      %dma_start3A_322 = tpu.memref_squeeze %dma_start3A_321 : memref<1x40x64xi32, #tpu.memory_space<hbm>> -> memref<40x64xi32, #tpu.memory_space<hbm>>
      tpu.enqueue_dma source(%dma_start3A_322 : memref<40x64xi32, #tpu.memory_space<hbm>>) target(%arg7 : memref<40x64xi32, #tpu.memory_space<vmem>>) target_semaphore(%run_scoped3A_316 : memref<!tpu.dma_semaphore, #tpu.memory_space<semaphore_mem>>)
      %dma_wait3A_323 = arith.constant 0 : i32
      %dma_wait3A_324 = tpu.memref_slice %arg3[%run_scoped3A_166, %multiple_of3A_161, %dma_wait3A_323] : memref<2x5000x64xi32, #tpu.memory_space<hbm>> -> memref<1x40x64xi32, #tpu.memory_space<hbm>>
      %dma_wait3A_325 = tpu.memref_squeeze %dma_wait3A_324 : memref<1x40x64xi32, #tpu.memory_space<hbm>> -> memref<40x64xi32, #tpu.memory_space<hbm>>
      %dma_wait3A_326 = arith.constant 0 : i32
      %dma_wait3A_327 = tpu.memref_slice %arg3[%run_scoped3A_166, %multiple_of3A_161, %dma_wait3A_326] : memref<2x5000x64xi32, #tpu.memory_space<hbm>> -> memref<1x40x64xi32, #tpu.memory_space<hbm>>
      %dma_wait3A_328 = tpu.memref_squeeze %dma_wait3A_327 : memref<1x40x64xi32, #tpu.memory_space<hbm>> -> memref<40x64xi32, #tpu.memory_space<hbm>>
      tpu.wait_dma2 semaphore(%run_scoped3A_316 : memref<!tpu.dma_semaphore, #tpu.memory_space<semaphore_mem>>) src(%dma_wait3A_328 : memref<40x64xi32, #tpu.memory_space<hbm>>) dst(%arg7 : memref<40x64xi32, #tpu.memory_space<vmem>>)
      tpu.yield
    }) : () -> ()
    %run_scoped3A_167 = arith.constant 1 : i32
    "tpu.region"() ({
      %run_scoped3A_316 = tpu.sem_alloc : memref<!tpu.dma_semaphore, #tpu.memory_space<semaphore_mem>>
      %dma_start3A_317 = arith.constant 0 : i32
      %dma_start3A_318 = tpu.memref_slice %arg3[%run_scoped3A_167, %multiple_of3A_161, %dma_start3A_317] : memref<2x5000x64xi32, #tpu.memory_space<hbm>> -> memref<1x40x64xi32, #tpu.memory_space<hbm>>
      %dma_start3A_319 = tpu.memref_squeeze %dma_start3A_318 : memref<1x40x64xi32, #tpu.memory_space<hbm>> -> memref<40x64xi32, #tpu.memory_space<hbm>>
      %dma_start3A_320 = arith.constant 0 : i32
      %dma_start3A_321 = tpu.memref_slice %arg3[%run_scoped3A_167, %multiple_of3A_161, %dma_start3A_320] : memref<2x5000x64xi32, #tpu.memory_space<hbm>> -> memref<1x40x64xi32, #tpu.memory_space<hbm>>
      %dma_start3A_322 = tpu.memref_squeeze %dma_start3A_321 : memref<1x40x64xi32, #tpu.memory_space<hbm>> -> memref<40x64xi32, #tpu.memory_space<hbm>>
      tpu.enqueue_dma source(%dma_start3A_322 : memref<40x64xi32, #tpu.memory_space<hbm>>) target(%arg8 : memref<40x64xi32, #tpu.memory_space<vmem>>) target_semaphore(%run_scoped3A_316 : memref<!tpu.dma_semaphore, #tpu.memory_space<semaphore_mem>>)
      %dma_wait3A_323 = arith.constant 0 : i32
      %dma_wait3A_324 = tpu.memref_slice %arg3[%run_scoped3A_167, %multiple_of3A_161, %dma_wait3A_323] : memref<2x5000x64xi32, #tpu.memory_space<hbm>> -> memref<1x40x64xi32, #tpu.memory_space<hbm>>
      %dma_wait3A_325 = tpu.memref_squeeze %dma_wait3A_324 : memref<1x40x64xi32, #tpu.memory_space<hbm>> -> memref<40x64xi32, #tpu.memory_space<hbm>>
      %dma_wait3A_326 = arith.constant 0 : i32
      %dma_wait3A_327 = tpu.memref_slice %arg3[%run_scoped3A_167, %multiple_of3A_161, %dma_wait3A_326] : memref<2x5000x64xi32, #tpu.memory_space<hbm>> -> memref<1x40x64xi32, #tpu.memory_space<hbm>>
      %dma_wait3A_328 = tpu.memref_squeeze %dma_wait3A_327 : memref<1x40x64xi32, #tpu.memory_space<hbm>> -> memref<40x64xi32, #tpu.memory_space<hbm>>
      tpu.wait_dma2 semaphore(%run_scoped3A_316 : memref<!tpu.dma_semaphore, #tpu.memory_space<semaphore_mem>>) src(%dma_wait3A_328 : memref<40x64xi32, #tpu.memory_space<hbm>>) dst(%arg8 : memref<40x64xi32, #tpu.memory_space<vmem>>)
      tpu.yield
    }) : () -> ()
    %dma_start3A_168 = arith.constant 0 : i32
    %dma_start3A_169 = arith.constant 0 : i32
    %dma_start3A_170 = tpu.memref_slice %arg7[%dma_start3A_168, %dma_start3A_169] : memref<40x64xi32, #tpu.memory_space<vmem>> -> memref<1x64xi32, #tpu.memory_space<vmem>>
    %dma_start3A_171 = tpu.memref_squeeze %dma_start3A_170 : memref<1x64xi32, #tpu.memory_space<vmem>> -> memref<64xi32, #tpu.memory_space<vmem>>
    %dma_start3A_172 = arith.constant 0 : i32
    %dma_start3A_173 = arith.constant 0 : i32
    %dma_start3A_174 = tpu.memref_slice %arg2[%dma_start3A_172, %dma_start3A_173] : memref<10000x128xf32, #tpu.memory_space<hbm>> -> memref<10000x128xf32, #tpu.memory_space<hbm>>
    tpu.enqueue_indirect_dma source(%dma_start3A_174 : memref<10000x128xf32, #tpu.memory_space<hbm>>) target(%arg9 : memref<64x128xf32, #tpu.memory_space<vmem>>) offsets(%dma_start3A_171 : memref<64xi32, #tpu.memory_space<vmem>>) semaphore(%arg13 : memref<!tpu.dma_semaphore, #tpu.memory_space<semaphore_mem>>)
    %dma_start3A_175 = arith.constant 1 : i32
    %dma_start3A_176 = arith.constant 0 : i32
    %dma_start3A_177 = tpu.memref_slice %arg7[%dma_start3A_175, %dma_start3A_176] : memref<40x64xi32, #tpu.memory_space<vmem>> -> memref<1x64xi32, #tpu.memory_space<vmem>>
    %dma_start3A_178 = tpu.memref_squeeze %dma_start3A_177 : memref<1x64xi32, #tpu.memory_space<vmem>> -> memref<64xi32, #tpu.memory_space<vmem>>
    %dma_start3A_179 = arith.constant 0 : i32
    %dma_start3A_180 = arith.constant 0 : i32
    %dma_start3A_181 = tpu.memref_slice %arg2[%dma_start3A_179, %dma_start3A_180] : memref<10000x128xf32, #tpu.memory_space<hbm>> -> memref<10000x128xf32, #tpu.memory_space<hbm>>
    tpu.enqueue_indirect_dma source(%dma_start3A_181 : memref<10000x128xf32, #tpu.memory_space<hbm>>) target(%arg10 : memref<64x128xf32, #tpu.memory_space<vmem>>) offsets(%dma_start3A_178 : memref<64xi32, #tpu.memory_space<vmem>>) semaphore(%arg14 : memref<!tpu.dma_semaphore, #tpu.memory_space<semaphore_mem>>)
    %dma_start3A_182 = arith.constant 2 : i32
    %dma_start3A_183 = arith.constant 0 : i32
    %dma_start3A_184 = tpu.memref_slice %arg7[%dma_start3A_182, %dma_start3A_183] : memref<40x64xi32, #tpu.memory_space<vmem>> -> memref<1x64xi32, #tpu.memory_space<vmem>>
    %dma_start3A_185 = tpu.memref_squeeze %dma_start3A_184 : memref<1x64xi32, #tpu.memory_space<vmem>> -> memref<64xi32, #tpu.memory_space<vmem>>
    %dma_start3A_186 = arith.constant 0 : i32
    %dma_start3A_187 = arith.constant 0 : i32
    %dma_start3A_188 = tpu.memref_slice %arg2[%dma_start3A_186, %dma_start3A_187] : memref<10000x128xf32, #tpu.memory_space<hbm>> -> memref<10000x128xf32, #tpu.memory_space<hbm>>
    tpu.enqueue_indirect_dma source(%dma_start3A_188 : memref<10000x128xf32, #tpu.memory_space<hbm>>) target(%arg11 : memref<64x128xf32, #tpu.memory_space<vmem>>) offsets(%dma_start3A_185 : memref<64xi32, #tpu.memory_space<vmem>>) semaphore(%arg15 : memref<!tpu.dma_semaphore, #tpu.memory_space<semaphore_mem>>)
    %scan3A_189 = arith.constant 0 : i32
    %scan3A_190 = arith.constant 0 : i32
    %scan3A_191 = arith.constant 10 : i32
    %scan3A_192 = arith.addi %scan3A_190, %scan3A_191 : i32
    %scan3A_193 = arith.constant 1 : i32
    scf.for %scan3A_316 = %scan3A_190 to %scan3A_192 step %scan3A_193  : i32 {
      %mul3A_317 = arith.constant 4 : i32
      %mul3A_318 = arith.muli %scan3A_316, %mul3A_317 : i32
      %add3A_319 = arith.constant 0 : i32
      %add3A_320 = arith.addi %mul3A_318, %add3A_319 : i32
      %add3A_321 = arith.constant 4 : i32
      %add3A_322 = arith.addi %add3A_320, %add3A_321 : i32
      %sub3A_323 = arith.constant 1 : i32
      %sub3A_324 = arith.subi %add3A_322, %sub3A_323 : i32
      %ge3A = arith.constant 1 : i32
      %ge3A_325 = arith.cmpi sge, %add3A_320, %ge3A : i32
      %lt3A_326 = arith.cmpi slt, %sub3A_324, %min3A_165 : i32
      %and3A = arith.andi %ge3A_325, %lt3A_326 : i1
      %convert_element_type3A = arith.extui %and3A : i1 to i32
      %cond3A = arith.constant 0 : i32
      %cond3A_327 = arith.cmpi ne, %convert_element_type3A, %cond3A : i32
      scf.if %cond3A_327 {
        %sub3A_405 = arith.constant 1 : i32
        %sub3A_406 = arith.subi %add3A_320, %sub3A_405 : i32
        %dma_wait3A_407 = arith.constant 0 : i32
        %dma_wait3A_408 = tpu.memref_slice %arg8[%sub3A_406, %dma_wait3A_407] : memref<40x64xi32, #tpu.memory_space<vmem>> -> memref<1x64xi32, #tpu.memory_space<vmem>>
        %dma_wait3A_409 = tpu.memref_squeeze %dma_wait3A_408 : memref<1x64xi32, #tpu.memory_space<vmem>> -> memref<64xi32, #tpu.memory_space<vmem>>
        %dma_wait3A_410 = arith.constant 0 : i32
        %dma_wait3A_411 = arith.constant 0 : i32
        %dma_wait3A_412 = tpu.memref_slice %arg6[%dma_wait3A_410, %dma_wait3A_411] : memref<10240x128xf32, #tpu.memory_space<vmem_shared>> -> memref<10240x128xf32, #tpu.memory_space<vmem_shared>>
        tpu.wait_indirect_dma semaphore(%arg20 : memref<!tpu.dma_semaphore, #tpu.memory_space<semaphore_mem>>) src(%arg12 : memref<64x128xf32, #tpu.memory_space<vmem>>) dst(%dma_wait3A_412 : memref<10240x128xf32, #tpu.memory_space<vmem_shared>>)
      } else {
      }
      %lt3A_328 = arith.cmpi slt, %sub3A_324, %min3A_165 : i32
      %convert_element_type3A_329 = arith.extui %lt3A_328 : i1 to i32
      %cond3A_330 = arith.constant 0 : i32
      %cond3A_331 = arith.cmpi ne, %convert_element_type3A_329, %cond3A_330 : i32
      scf.if %cond3A_331 {
        %dma_start3A_405 = arith.constant 0 : i32
        %dma_start3A_406 = tpu.memref_slice %arg7[%sub3A_324, %dma_start3A_405] : memref<40x64xi32, #tpu.memory_space<vmem>> -> memref<1x64xi32, #tpu.memory_space<vmem>>
        %dma_start3A_407 = tpu.memref_squeeze %dma_start3A_406 : memref<1x64xi32, #tpu.memory_space<vmem>> -> memref<64xi32, #tpu.memory_space<vmem>>
        %dma_start3A_408 = arith.constant 0 : i32
        %dma_start3A_409 = arith.constant 0 : i32
        %dma_start3A_410 = tpu.memref_slice %arg2[%dma_start3A_408, %dma_start3A_409] : memref<10000x128xf32, #tpu.memory_space<hbm>> -> memref<10000x128xf32, #tpu.memory_space<hbm>>
        tpu.enqueue_indirect_dma source(%dma_start3A_410 : memref<10000x128xf32, #tpu.memory_space<hbm>>) target(%arg12 : memref<64x128xf32, #tpu.memory_space<vmem>>) offsets(%dma_start3A_407 : memref<64xi32, #tpu.memory_space<vmem>>) semaphore(%arg16 : memref<!tpu.dma_semaphore, #tpu.memory_space<semaphore_mem>>)
      } else {
      }
      %lt3A_332 = arith.cmpi slt, %add3A_320, %min3A_165 : i32
      %convert_element_type3A_333 = arith.extui %lt3A_332 : i1 to i32
      %cond3A_334 = arith.constant 0 : i32
      %cond3A_335 = arith.cmpi ne, %convert_element_type3A_333, %cond3A_334 : i32
      scf.if %cond3A_335 {
        %dma_wait3A_405 = arith.constant 0 : i32
        %dma_wait3A_406 = tpu.memref_slice %arg7[%add3A_320, %dma_wait3A_405] : memref<40x64xi32, #tpu.memory_space<vmem>> -> memref<1x64xi32, #tpu.memory_space<vmem>>
        %dma_wait3A_407 = tpu.memref_squeeze %dma_wait3A_406 : memref<1x64xi32, #tpu.memory_space<vmem>> -> memref<64xi32, #tpu.memory_space<vmem>>
        %dma_wait3A_408 = arith.constant 0 : i32
        %dma_wait3A_409 = arith.constant 0 : i32
        %dma_wait3A_410 = tpu.memref_slice %arg2[%dma_wait3A_408, %dma_wait3A_409] : memref<10000x128xf32, #tpu.memory_space<hbm>> -> memref<10000x128xf32, #tpu.memory_space<hbm>>
        tpu.wait_indirect_dma semaphore(%arg13 : memref<!tpu.dma_semaphore, #tpu.memory_space<semaphore_mem>>) src(%dma_wait3A_410 : memref<10000x128xf32, #tpu.memory_space<hbm>>) dst(%arg9 : memref<64x128xf32, #tpu.memory_space<vmem>>)
        %dma_start3A_411 = arith.constant 0 : i32
        %dma_start3A_412 = tpu.memref_slice %arg8[%add3A_320, %dma_start3A_411] : memref<40x64xi32, #tpu.memory_space<vmem>> -> memref<1x64xi32, #tpu.memory_space<vmem>>
        %dma_start3A_413 = tpu.memref_squeeze %dma_start3A_412 : memref<1x64xi32, #tpu.memory_space<vmem>> -> memref<64xi32, #tpu.memory_space<vmem>>
        %dma_start3A_414 = arith.constant 0 : i32
        %dma_start3A_415 = arith.constant 0 : i32
        %dma_start3A_416 = tpu.memref_slice %arg6[%dma_start3A_414, %dma_start3A_415] : memref<10240x128xf32, #tpu.memory_space<vmem_shared>> -> memref<10240x128xf32, #tpu.memory_space<vmem_shared>>
        tpu.enqueue_indirect_dma source(%arg9 : memref<64x128xf32, #tpu.memory_space<vmem>>) target(%dma_start3A_416 : memref<10240x128xf32, #tpu.memory_space<vmem_shared>>) offsets(%dma_start3A_413 : memref<64xi32, #tpu.memory_space<vmem>>) semaphore(%arg17 : memref<!tpu.dma_semaphore, #tpu.memory_space<semaphore_mem>>) {add = true}
      } else {
      }
      %mul3A_336 = arith.constant 4 : i32
      %mul3A_337 = arith.muli %scan3A_316, %mul3A_336 : i32
      %add3A_338 = arith.constant 1 : i32
      %add3A_339 = arith.addi %mul3A_337, %add3A_338 : i32
      %add3A_340 = arith.constant 4 : i32
      %add3A_341 = arith.addi %add3A_339, %add3A_340 : i32
      %sub3A_342 = arith.constant 1 : i32
      %sub3A_343 = arith.subi %add3A_341, %sub3A_342 : i32
      %ge3A_344 = arith.constant 1 : i32
      %ge3A_345 = arith.cmpi sge, %add3A_339, %ge3A_344 : i32
      %lt3A_346 = arith.cmpi slt, %sub3A_343, %min3A_165 : i32
      %and3A_347 = arith.andi %ge3A_345, %lt3A_346 : i1
      %convert_element_type3A_348 = arith.extui %and3A_347 : i1 to i32
      %cond3A_349 = arith.constant 0 : i32
      %cond3A_350 = arith.cmpi ne, %convert_element_type3A_348, %cond3A_349 : i32
      scf.if %cond3A_350 {
        %sub3A_405 = arith.constant 1 : i32
        %sub3A_406 = arith.subi %add3A_339, %sub3A_405 : i32
        %dma_wait3A_407 = arith.constant 0 : i32
        %dma_wait3A_408 = tpu.memref_slice %arg8[%sub3A_406, %dma_wait3A_407] : memref<40x64xi32, #tpu.memory_space<vmem>> -> memref<1x64xi32, #tpu.memory_space<vmem>>
        %dma_wait3A_409 = tpu.memref_squeeze %dma_wait3A_408 : memref<1x64xi32, #tpu.memory_space<vmem>> -> memref<64xi32, #tpu.memory_space<vmem>>
        %dma_wait3A_410 = arith.constant 0 : i32
        %dma_wait3A_411 = arith.constant 0 : i32
        %dma_wait3A_412 = tpu.memref_slice %arg6[%dma_wait3A_410, %dma_wait3A_411] : memref<10240x128xf32, #tpu.memory_space<vmem_shared>> -> memref<10240x128xf32, #tpu.memory_space<vmem_shared>>
        tpu.wait_indirect_dma semaphore(%arg17 : memref<!tpu.dma_semaphore, #tpu.memory_space<semaphore_mem>>) src(%arg9 : memref<64x128xf32, #tpu.memory_space<vmem>>) dst(%dma_wait3A_412 : memref<10240x128xf32, #tpu.memory_space<vmem_shared>>)
      } else {
      }
      %lt3A_351 = arith.cmpi slt, %sub3A_343, %min3A_165 : i32
      %convert_element_type3A_352 = arith.extui %lt3A_351 : i1 to i32
      %cond3A_353 = arith.constant 0 : i32
      %cond3A_354 = arith.cmpi ne, %convert_element_type3A_352, %cond3A_353 : i32
      scf.if %cond3A_354 {
        %dma_start3A_405 = arith.constant 0 : i32
        %dma_start3A_406 = tpu.memref_slice %arg7[%sub3A_343, %dma_start3A_405] : memref<40x64xi32, #tpu.memory_space<vmem>> -> memref<1x64xi32, #tpu.memory_space<vmem>>
        %dma_start3A_407 = tpu.memref_squeeze %dma_start3A_406 : memref<1x64xi32, #tpu.memory_space<vmem>> -> memref<64xi32, #tpu.memory_space<vmem>>
        %dma_start3A_408 = arith.constant 0 : i32
        %dma_start3A_409 = arith.constant 0 : i32
        %dma_start3A_410 = tpu.memref_slice %arg2[%dma_start3A_408, %dma_start3A_409] : memref<10000x128xf32, #tpu.memory_space<hbm>> -> memref<10000x128xf32, #tpu.memory_space<hbm>>
        tpu.enqueue_indirect_dma source(%dma_start3A_410 : memref<10000x128xf32, #tpu.memory_space<hbm>>) target(%arg9 : memref<64x128xf32, #tpu.memory_space<vmem>>) offsets(%dma_start3A_407 : memref<64xi32, #tpu.memory_space<vmem>>) semaphore(%arg13 : memref<!tpu.dma_semaphore, #tpu.memory_space<semaphore_mem>>)
      } else {
      }
      %lt3A_355 = arith.cmpi slt, %add3A_339, %min3A_165 : i32
      %convert_element_type3A_356 = arith.extui %lt3A_355 : i1 to i32
      %cond3A_357 = arith.constant 0 : i32
      %cond3A_358 = arith.cmpi ne, %convert_element_type3A_356, %cond3A_357 : i32
      scf.if %cond3A_358 {
        %dma_wait3A_405 = arith.constant 0 : i32
        %dma_wait3A_406 = tpu.memref_slice %arg7[%add3A_339, %dma_wait3A_405] : memref<40x64xi32, #tpu.memory_space<vmem>> -> memref<1x64xi32, #tpu.memory_space<vmem>>
        %dma_wait3A_407 = tpu.memref_squeeze %dma_wait3A_406 : memref<1x64xi32, #tpu.memory_space<vmem>> -> memref<64xi32, #tpu.memory_space<vmem>>
        %dma_wait3A_408 = arith.constant 0 : i32
        %dma_wait3A_409 = arith.constant 0 : i32
        %dma_wait3A_410 = tpu.memref_slice %arg2[%dma_wait3A_408, %dma_wait3A_409] : memref<10000x128xf32, #tpu.memory_space<hbm>> -> memref<10000x128xf32, #tpu.memory_space<hbm>>
        tpu.wait_indirect_dma semaphore(%arg14 : memref<!tpu.dma_semaphore, #tpu.memory_space<semaphore_mem>>) src(%dma_wait3A_410 : memref<10000x128xf32, #tpu.memory_space<hbm>>) dst(%arg10 : memref<64x128xf32, #tpu.memory_space<vmem>>)
        %dma_start3A_411 = arith.constant 0 : i32
        %dma_start3A_412 = tpu.memref_slice %arg8[%add3A_339, %dma_start3A_411] : memref<40x64xi32, #tpu.memory_space<vmem>> -> memref<1x64xi32, #tpu.memory_space<vmem>>
        %dma_start3A_413 = tpu.memref_squeeze %dma_start3A_412 : memref<1x64xi32, #tpu.memory_space<vmem>> -> memref<64xi32, #tpu.memory_space<vmem>>
        %dma_start3A_414 = arith.constant 0 : i32
        %dma_start3A_415 = arith.constant 0 : i32
        %dma_start3A_416 = tpu.memref_slice %arg6[%dma_start3A_414, %dma_start3A_415] : memref<10240x128xf32, #tpu.memory_space<vmem_shared>> -> memref<10240x128xf32, #tpu.memory_space<vmem_shared>>
        tpu.enqueue_indirect_dma source(%arg10 : memref<64x128xf32, #tpu.memory_space<vmem>>) target(%dma_start3A_416 : memref<10240x128xf32, #tpu.memory_space<vmem_shared>>) offsets(%dma_start3A_413 : memref<64xi32, #tpu.memory_space<vmem>>) semaphore(%arg18 : memref<!tpu.dma_semaphore, #tpu.memory_space<semaphore_mem>>) {add = true}
      } else {
      }
      %mul3A_359 = arith.constant 4 : i32
      %mul3A_360 = arith.muli %scan3A_316, %mul3A_359 : i32
      %add3A_361 = arith.constant 2 : i32
      %add3A_362 = arith.addi %mul3A_360, %add3A_361 : i32
      %add3A_363 = arith.constant 4 : i32
      %add3A_364 = arith.addi %add3A_362, %add3A_363 : i32
      %sub3A_365 = arith.constant 1 : i32
      %sub3A_366 = arith.subi %add3A_364, %sub3A_365 : i32
      %ge3A_367 = arith.constant 1 : i32
      %ge3A_368 = arith.cmpi sge, %add3A_362, %ge3A_367 : i32
      %lt3A_369 = arith.cmpi slt, %sub3A_366, %min3A_165 : i32
      %and3A_370 = arith.andi %ge3A_368, %lt3A_369 : i1
      %convert_element_type3A_371 = arith.extui %and3A_370 : i1 to i32
      %cond3A_372 = arith.constant 0 : i32
      %cond3A_373 = arith.cmpi ne, %convert_element_type3A_371, %cond3A_372 : i32
      scf.if %cond3A_373 {
        %sub3A_405 = arith.constant 1 : i32
        %sub3A_406 = arith.subi %add3A_362, %sub3A_405 : i32
        %dma_wait3A_407 = arith.constant 0 : i32
        %dma_wait3A_408 = tpu.memref_slice %arg8[%sub3A_406, %dma_wait3A_407] : memref<40x64xi32, #tpu.memory_space<vmem>> -> memref<1x64xi32, #tpu.memory_space<vmem>>
        %dma_wait3A_409 = tpu.memref_squeeze %dma_wait3A_408 : memref<1x64xi32, #tpu.memory_space<vmem>> -> memref<64xi32, #tpu.memory_space<vmem>>
        %dma_wait3A_410 = arith.constant 0 : i32
        %dma_wait3A_411 = arith.constant 0 : i32
        %dma_wait3A_412 = tpu.memref_slice %arg6[%dma_wait3A_410, %dma_wait3A_411] : memref<10240x128xf32, #tpu.memory_space<vmem_shared>> -> memref<10240x128xf32, #tpu.memory_space<vmem_shared>>
        tpu.wait_indirect_dma semaphore(%arg18 : memref<!tpu.dma_semaphore, #tpu.memory_space<semaphore_mem>>) src(%arg10 : memref<64x128xf32, #tpu.memory_space<vmem>>) dst(%dma_wait3A_412 : memref<10240x128xf32, #tpu.memory_space<vmem_shared>>)
      } else {
      }
      %lt3A_374 = arith.cmpi slt, %sub3A_366, %min3A_165 : i32
      %convert_element_type3A_375 = arith.extui %lt3A_374 : i1 to i32
      %cond3A_376 = arith.constant 0 : i32
      %cond3A_377 = arith.cmpi ne, %convert_element_type3A_375, %cond3A_376 : i32
      scf.if %cond3A_377 {
        %dma_start3A_405 = arith.constant 0 : i32
        %dma_start3A_406 = tpu.memref_slice %arg7[%sub3A_366, %dma_start3A_405] : memref<40x64xi32, #tpu.memory_space<vmem>> -> memref<1x64xi32, #tpu.memory_space<vmem>>
        %dma_start3A_407 = tpu.memref_squeeze %dma_start3A_406 : memref<1x64xi32, #tpu.memory_space<vmem>> -> memref<64xi32, #tpu.memory_space<vmem>>
        %dma_start3A_408 = arith.constant 0 : i32
        %dma_start3A_409 = arith.constant 0 : i32
        %dma_start3A_410 = tpu.memref_slice %arg2[%dma_start3A_408, %dma_start3A_409] : memref<10000x128xf32, #tpu.memory_space<hbm>> -> memref<10000x128xf32, #tpu.memory_space<hbm>>
        tpu.enqueue_indirect_dma source(%dma_start3A_410 : memref<10000x128xf32, #tpu.memory_space<hbm>>) target(%arg10 : memref<64x128xf32, #tpu.memory_space<vmem>>) offsets(%dma_start3A_407 : memref<64xi32, #tpu.memory_space<vmem>>) semaphore(%arg14 : memref<!tpu.dma_semaphore, #tpu.memory_space<semaphore_mem>>)
      } else {
      }
      %lt3A_378 = arith.cmpi slt, %add3A_362, %min3A_165 : i32
      %convert_element_type3A_379 = arith.extui %lt3A_378 : i1 to i32
      %cond3A_380 = arith.constant 0 : i32
      %cond3A_381 = arith.cmpi ne, %convert_element_type3A_379, %cond3A_380 : i32
      scf.if %cond3A_381 {
        %dma_wait3A_405 = arith.constant 0 : i32
        %dma_wait3A_406 = tpu.memref_slice %arg7[%add3A_362, %dma_wait3A_405] : memref<40x64xi32, #tpu.memory_space<vmem>> -> memref<1x64xi32, #tpu.memory_space<vmem>>
        %dma_wait3A_407 = tpu.memref_squeeze %dma_wait3A_406 : memref<1x64xi32, #tpu.memory_space<vmem>> -> memref<64xi32, #tpu.memory_space<vmem>>
        %dma_wait3A_408 = arith.constant 0 : i32
        %dma_wait3A_409 = arith.constant 0 : i32
        %dma_wait3A_410 = tpu.memref_slice %arg2[%dma_wait3A_408, %dma_wait3A_409] : memref<10000x128xf32, #tpu.memory_space<hbm>> -> memref<10000x128xf32, #tpu.memory_space<hbm>>
        tpu.wait_indirect_dma semaphore(%arg15 : memref<!tpu.dma_semaphore, #tpu.memory_space<semaphore_mem>>) src(%dma_wait3A_410 : memref<10000x128xf32, #tpu.memory_space<hbm>>) dst(%arg11 : memref<64x128xf32, #tpu.memory_space<vmem>>)
        %dma_start3A_411 = arith.constant 0 : i32
        %dma_start3A_412 = tpu.memref_slice %arg8[%add3A_362, %dma_start3A_411] : memref<40x64xi32, #tpu.memory_space<vmem>> -> memref<1x64xi32, #tpu.memory_space<vmem>>
        %dma_start3A_413 = tpu.memref_squeeze %dma_start3A_412 : memref<1x64xi32, #tpu.memory_space<vmem>> -> memref<64xi32, #tpu.memory_space<vmem>>
        %dma_start3A_414 = arith.constant 0 : i32
        %dma_start3A_415 = arith.constant 0 : i32
        %dma_start3A_416 = tpu.memref_slice %arg6[%dma_start3A_414, %dma_start3A_415] : memref<10240x128xf32, #tpu.memory_space<vmem_shared>> -> memref<10240x128xf32, #tpu.memory_space<vmem_shared>>
        tpu.enqueue_indirect_dma source(%arg11 : memref<64x128xf32, #tpu.memory_space<vmem>>) target(%dma_start3A_416 : memref<10240x128xf32, #tpu.memory_space<vmem_shared>>) offsets(%dma_start3A_413 : memref<64xi32, #tpu.memory_space<vmem>>) semaphore(%arg19 : memref<!tpu.dma_semaphore, #tpu.memory_space<semaphore_mem>>) {add = true}
      } else {
      }
      %mul3A_382 = arith.constant 4 : i32
      %mul3A_383 = arith.muli %scan3A_316, %mul3A_382 : i32
      %add3A_384 = arith.constant 3 : i32
      %add3A_385 = arith.addi %mul3A_383, %add3A_384 : i32
      %add3A_386 = arith.constant 4 : i32
      %add3A_387 = arith.addi %add3A_385, %add3A_386 : i32
      %sub3A_388 = arith.constant 1 : i32
      %sub3A_389 = arith.subi %add3A_387, %sub3A_388 : i32
      %ge3A_390 = arith.constant 1 : i32
      %ge3A_391 = arith.cmpi sge, %add3A_385, %ge3A_390 : i32
      %lt3A_392 = arith.cmpi slt, %sub3A_389, %min3A_165 : i32
      %and3A_393 = arith.andi %ge3A_391, %lt3A_392 : i1
      %convert_element_type3A_394 = arith.extui %and3A_393 : i1 to i32
      %cond3A_395 = arith.constant 0 : i32
      %cond3A_396 = arith.cmpi ne, %convert_element_type3A_394, %cond3A_395 : i32
      scf.if %cond3A_396 {
        %sub3A_405 = arith.constant 1 : i32
        %sub3A_406 = arith.subi %add3A_385, %sub3A_405 : i32
        %dma_wait3A_407 = arith.constant 0 : i32
        %dma_wait3A_408 = tpu.memref_slice %arg8[%sub3A_406, %dma_wait3A_407] : memref<40x64xi32, #tpu.memory_space<vmem>> -> memref<1x64xi32, #tpu.memory_space<vmem>>
        %dma_wait3A_409 = tpu.memref_squeeze %dma_wait3A_408 : memref<1x64xi32, #tpu.memory_space<vmem>> -> memref<64xi32, #tpu.memory_space<vmem>>
        %dma_wait3A_410 = arith.constant 0 : i32
        %dma_wait3A_411 = arith.constant 0 : i32
        %dma_wait3A_412 = tpu.memref_slice %arg6[%dma_wait3A_410, %dma_wait3A_411] : memref<10240x128xf32, #tpu.memory_space<vmem_shared>> -> memref<10240x128xf32, #tpu.memory_space<vmem_shared>>
        tpu.wait_indirect_dma semaphore(%arg19 : memref<!tpu.dma_semaphore, #tpu.memory_space<semaphore_mem>>) src(%arg11 : memref<64x128xf32, #tpu.memory_space<vmem>>) dst(%dma_wait3A_412 : memref<10240x128xf32, #tpu.memory_space<vmem_shared>>)
      } else {
      }
      %lt3A_397 = arith.cmpi slt, %sub3A_389, %min3A_165 : i32
      %convert_element_type3A_398 = arith.extui %lt3A_397 : i1 to i32
      %cond3A_399 = arith.constant 0 : i32
      %cond3A_400 = arith.cmpi ne, %convert_element_type3A_398, %cond3A_399 : i32
      scf.if %cond3A_400 {
        %dma_start3A_405 = arith.constant 0 : i32
        %dma_start3A_406 = tpu.memref_slice %arg7[%sub3A_389, %dma_start3A_405] : memref<40x64xi32, #tpu.memory_space<vmem>> -> memref<1x64xi32, #tpu.memory_space<vmem>>
        %dma_start3A_407 = tpu.memref_squeeze %dma_start3A_406 : memref<1x64xi32, #tpu.memory_space<vmem>> -> memref<64xi32, #tpu.memory_space<vmem>>
        %dma_start3A_408 = arith.constant 0 : i32
        %dma_start3A_409 = arith.constant 0 : i32
        %dma_start3A_410 = tpu.memref_slice %arg2[%dma_start3A_408, %dma_start3A_409] : memref<10000x128xf32, #tpu.memory_space<hbm>> -> memref<10000x128xf32, #tpu.memory_space<hbm>>
        tpu.enqueue_indirect_dma source(%dma_start3A_410 : memref<10000x128xf32, #tpu.memory_space<hbm>>) target(%arg11 : memref<64x128xf32, #tpu.memory_space<vmem>>) offsets(%dma_start3A_407 : memref<64xi32, #tpu.memory_space<vmem>>) semaphore(%arg15 : memref<!tpu.dma_semaphore, #tpu.memory_space<semaphore_mem>>)
      } else {
      }
      %lt3A_401 = arith.cmpi slt, %add3A_385, %min3A_165 : i32
      %convert_element_type3A_402 = arith.extui %lt3A_401 : i1 to i32
      %cond3A_403 = arith.constant 0 : i32
      %cond3A_404 = arith.cmpi ne, %convert_element_type3A_402, %cond3A_403 : i32
      scf.if %cond3A_404 {
        %dma_wait3A_405 = arith.constant 0 : i32
        %dma_wait3A_406 = tpu.memref_slice %arg7[%add3A_385, %dma_wait3A_405] : memref<40x64xi32, #tpu.memory_space<vmem>> -> memref<1x64xi32, #tpu.memory_space<vmem>>
        %dma_wait3A_407 = tpu.memref_squeeze %dma_wait3A_406 : memref<1x64xi32, #tpu.memory_space<vmem>> -> memref<64xi32, #tpu.memory_space<vmem>>
        %dma_wait3A_408 = arith.constant 0 : i32
        %dma_wait3A_409 = arith.constant 0 : i32
        %dma_wait3A_410 = tpu.memref_slice %arg2[%dma_wait3A_408, %dma_wait3A_409] : memref<10000x128xf32, #tpu.memory_space<hbm>> -> memref<10000x128xf32, #tpu.memory_space<hbm>>
        tpu.wait_indirect_dma semaphore(%arg16 : memref<!tpu.dma_semaphore, #tpu.memory_space<semaphore_mem>>) src(%dma_wait3A_410 : memref<10000x128xf32, #tpu.memory_space<hbm>>) dst(%arg12 : memref<64x128xf32, #tpu.memory_space<vmem>>)
        %dma_start3A_411 = arith.constant 0 : i32
        %dma_start3A_412 = tpu.memref_slice %arg8[%add3A_385, %dma_start3A_411] : memref<40x64xi32, #tpu.memory_space<vmem>> -> memref<1x64xi32, #tpu.memory_space<vmem>>
        %dma_start3A_413 = tpu.memref_squeeze %dma_start3A_412 : memref<1x64xi32, #tpu.memory_space<vmem>> -> memref<64xi32, #tpu.memory_space<vmem>>
        %dma_start3A_414 = arith.constant 0 : i32
        %dma_start3A_415 = arith.constant 0 : i32
        %dma_start3A_416 = tpu.memref_slice %arg6[%dma_start3A_414, %dma_start3A_415] : memref<10240x128xf32, #tpu.memory_space<vmem_shared>> -> memref<10240x128xf32, #tpu.memory_space<vmem_shared>>
        tpu.enqueue_indirect_dma source(%arg12 : memref<64x128xf32, #tpu.memory_space<vmem>>) target(%dma_start3A_416 : memref<10240x128xf32, #tpu.memory_space<vmem_shared>>) offsets(%dma_start3A_413 : memref<64xi32, #tpu.memory_space<vmem>>) semaphore(%arg20 : memref<!tpu.dma_semaphore, #tpu.memory_space<semaphore_mem>>) {add = true}
      } else {
      }
    }
    %scan3A_194 = arith.constant 10 : i32
    %sub3A_195 = arith.constant 4 : i32
    %sub3A_196 = arith.subi %min3A_165, %sub3A_195 : i32
    %add3A_197 = arith.constant 0 : i32
    %add3A_198 = arith.addi %sub3A_196, %add3A_197 : i32
    %dma_wait3A_199 = arith.constant 0 : i32
    %dma_wait3A_200 = tpu.memref_slice %arg8[%add3A_198, %dma_wait3A_199] : memref<40x64xi32, #tpu.memory_space<vmem>> -> memref<1x64xi32, #tpu.memory_space<vmem>>
    %dma_wait3A_201 = tpu.memref_squeeze %dma_wait3A_200 : memref<1x64xi32, #tpu.memory_space<vmem>> -> memref<64xi32, #tpu.memory_space<vmem>>
    %dma_wait3A_202 = arith.constant 0 : i32
    %dma_wait3A_203 = arith.constant 0 : i32
    %dma_wait3A_204 = tpu.memref_slice %arg6[%dma_wait3A_202, %dma_wait3A_203] : memref<10240x128xf32, #tpu.memory_space<vmem_shared>> -> memref<10240x128xf32, #tpu.memory_space<vmem_shared>>
    tpu.wait_indirect_dma semaphore(%arg17 : memref<!tpu.dma_semaphore, #tpu.memory_space<semaphore_mem>>) src(%arg9 : memref<64x128xf32, #tpu.memory_space<vmem>>) dst(%dma_wait3A_204 : memref<10240x128xf32, #tpu.memory_space<vmem_shared>>)
    %sub3A_205 = arith.constant 4 : i32
    %sub3A_206 = arith.subi %min3A_165, %sub3A_205 : i32
    %add3A_207 = arith.constant 1 : i32
    %add3A_208 = arith.addi %sub3A_206, %add3A_207 : i32
    %dma_wait3A_209 = arith.constant 0 : i32
    %dma_wait3A_210 = tpu.memref_slice %arg8[%add3A_208, %dma_wait3A_209] : memref<40x64xi32, #tpu.memory_space<vmem>> -> memref<1x64xi32, #tpu.memory_space<vmem>>
    %dma_wait3A_211 = tpu.memref_squeeze %dma_wait3A_210 : memref<1x64xi32, #tpu.memory_space<vmem>> -> memref<64xi32, #tpu.memory_space<vmem>>
    %dma_wait3A_212 = arith.constant 0 : i32
    %dma_wait3A_213 = arith.constant 0 : i32
    %dma_wait3A_214 = tpu.memref_slice %arg6[%dma_wait3A_212, %dma_wait3A_213] : memref<10240x128xf32, #tpu.memory_space<vmem_shared>> -> memref<10240x128xf32, #tpu.memory_space<vmem_shared>>
    tpu.wait_indirect_dma semaphore(%arg18 : memref<!tpu.dma_semaphore, #tpu.memory_space<semaphore_mem>>) src(%arg10 : memref<64x128xf32, #tpu.memory_space<vmem>>) dst(%dma_wait3A_214 : memref<10240x128xf32, #tpu.memory_space<vmem_shared>>)
    %sub3A_215 = arith.constant 4 : i32
    %sub3A_216 = arith.subi %min3A_165, %sub3A_215 : i32
    %add3A_217 = arith.constant 2 : i32
    %add3A_218 = arith.addi %sub3A_216, %add3A_217 : i32
    %dma_wait3A_219 = arith.constant 0 : i32
    %dma_wait3A_220 = tpu.memref_slice %arg8[%add3A_218, %dma_wait3A_219] : memref<40x64xi32, #tpu.memory_space<vmem>> -> memref<1x64xi32, #tpu.memory_space<vmem>>
    %dma_wait3A_221 = tpu.memref_squeeze %dma_wait3A_220 : memref<1x64xi32, #tpu.memory_space<vmem>> -> memref<64xi32, #tpu.memory_space<vmem>>
    %dma_wait3A_222 = arith.constant 0 : i32
    %dma_wait3A_223 = arith.constant 0 : i32
    %dma_wait3A_224 = tpu.memref_slice %arg6[%dma_wait3A_222, %dma_wait3A_223] : memref<10240x128xf32, #tpu.memory_space<vmem_shared>> -> memref<10240x128xf32, #tpu.memory_space<vmem_shared>>
    tpu.wait_indirect_dma semaphore(%arg19 : memref<!tpu.dma_semaphore, #tpu.memory_space<semaphore_mem>>) src(%arg11 : memref<64x128xf32, #tpu.memory_space<vmem>>) dst(%dma_wait3A_224 : memref<10240x128xf32, #tpu.memory_space<vmem_shared>>)
    %sub3A_225 = arith.constant 4 : i32
    %sub3A_226 = arith.subi %min3A_165, %sub3A_225 : i32
    %add3A_227 = arith.constant 3 : i32
    %add3A_228 = arith.addi %sub3A_226, %add3A_227 : i32
    %dma_wait3A_229 = arith.constant 0 : i32
    %dma_wait3A_230 = tpu.memref_slice %arg8[%add3A_228, %dma_wait3A_229] : memref<40x64xi32, #tpu.memory_space<vmem>> -> memref<1x64xi32, #tpu.memory_space<vmem>>
    %dma_wait3A_231 = tpu.memref_squeeze %dma_wait3A_230 : memref<1x64xi32, #tpu.memory_space<vmem>> -> memref<64xi32, #tpu.memory_space<vmem>>
    %dma_wait3A_232 = arith.constant 0 : i32
    %dma_wait3A_233 = arith.constant 0 : i32
    %dma_wait3A_234 = tpu.memref_slice %arg6[%dma_wait3A_232, %dma_wait3A_233] : memref<10240x128xf32, #tpu.memory_space<vmem_shared>> -> memref<10240x128xf32, #tpu.memory_space<vmem_shared>>
    tpu.wait_indirect_dma semaphore(%arg20 : memref<!tpu.dma_semaphore, #tpu.memory_space<semaphore_mem>>) src(%arg12 : memref<64x128xf32, #tpu.memory_space<vmem>>) dst(%dma_wait3A_234 : memref<10240x128xf32, #tpu.memory_space<vmem_shared>>)
    %add3A_235 = arith.constant 120 : i32
    %add3A_236 = arith.addi %add3A_8, %add3A_235 : i32
    %multiple_of3A_237 = tpu.assume_multiple %add3A_236, 8 : i32
    %sub3A_238 = arith.constant 120 : i32
    %sub3A_239 = arith.subi %select_n3A, %sub3A_238 : i32
    %min3A_240 = arith.constant 40 : i32
    %min3A_241 = arith.minsi %min3A_240, %sub3A_239 : i32
    %run_scoped3A_242 = arith.constant 0 : i32
    "tpu.region"() ({
      %run_scoped3A_316 = tpu.sem_alloc : memref<!tpu.dma_semaphore, #tpu.memory_space<semaphore_mem>>
      %dma_start3A_317 = arith.constant 0 : i32
      %dma_start3A_318 = tpu.memref_slice %arg3[%run_scoped3A_242, %multiple_of3A_237, %dma_start3A_317] : memref<2x5000x64xi32, #tpu.memory_space<hbm>> -> memref<1x40x64xi32, #tpu.memory_space<hbm>>
      %dma_start3A_319 = tpu.memref_squeeze %dma_start3A_318 : memref<1x40x64xi32, #tpu.memory_space<hbm>> -> memref<40x64xi32, #tpu.memory_space<hbm>>
      %dma_start3A_320 = arith.constant 0 : i32
      %dma_start3A_321 = tpu.memref_slice %arg3[%run_scoped3A_242, %multiple_of3A_237, %dma_start3A_320] : memref<2x5000x64xi32, #tpu.memory_space<hbm>> -> memref<1x40x64xi32, #tpu.memory_space<hbm>>
      %dma_start3A_322 = tpu.memref_squeeze %dma_start3A_321 : memref<1x40x64xi32, #tpu.memory_space<hbm>> -> memref<40x64xi32, #tpu.memory_space<hbm>>
      tpu.enqueue_dma source(%dma_start3A_322 : memref<40x64xi32, #tpu.memory_space<hbm>>) target(%arg7 : memref<40x64xi32, #tpu.memory_space<vmem>>) target_semaphore(%run_scoped3A_316 : memref<!tpu.dma_semaphore, #tpu.memory_space<semaphore_mem>>)
      %dma_wait3A_323 = arith.constant 0 : i32
      %dma_wait3A_324 = tpu.memref_slice %arg3[%run_scoped3A_242, %multiple_of3A_237, %dma_wait3A_323] : memref<2x5000x64xi32, #tpu.memory_space<hbm>> -> memref<1x40x64xi32, #tpu.memory_space<hbm>>
      %dma_wait3A_325 = tpu.memref_squeeze %dma_wait3A_324 : memref<1x40x64xi32, #tpu.memory_space<hbm>> -> memref<40x64xi32, #tpu.memory_space<hbm>>
      %dma_wait3A_326 = arith.constant 0 : i32
      %dma_wait3A_327 = tpu.memref_slice %arg3[%run_scoped3A_242, %multiple_of3A_237, %dma_wait3A_326] : memref<2x5000x64xi32, #tpu.memory_space<hbm>> -> memref<1x40x64xi32, #tpu.memory_space<hbm>>
      %dma_wait3A_328 = tpu.memref_squeeze %dma_wait3A_327 : memref<1x40x64xi32, #tpu.memory_space<hbm>> -> memref<40x64xi32, #tpu.memory_space<hbm>>
      tpu.wait_dma2 semaphore(%run_scoped3A_316 : memref<!tpu.dma_semaphore, #tpu.memory_space<semaphore_mem>>) src(%dma_wait3A_328 : memref<40x64xi32, #tpu.memory_space<hbm>>) dst(%arg7 : memref<40x64xi32, #tpu.memory_space<vmem>>)
      tpu.yield
    }) : () -> ()
    %run_scoped3A_243 = arith.constant 1 : i32
    "tpu.region"() ({
      %run_scoped3A_316 = tpu.sem_alloc : memref<!tpu.dma_semaphore, #tpu.memory_space<semaphore_mem>>
      %dma_start3A_317 = arith.constant 0 : i32
      %dma_start3A_318 = tpu.memref_slice %arg3[%run_scoped3A_243, %multiple_of3A_237, %dma_start3A_317] : memref<2x5000x64xi32, #tpu.memory_space<hbm>> -> memref<1x40x64xi32, #tpu.memory_space<hbm>>
      %dma_start3A_319 = tpu.memref_squeeze %dma_start3A_318 : memref<1x40x64xi32, #tpu.memory_space<hbm>> -> memref<40x64xi32, #tpu.memory_space<hbm>>
      %dma_start3A_320 = arith.constant 0 : i32
      %dma_start3A_321 = tpu.memref_slice %arg3[%run_scoped3A_243, %multiple_of3A_237, %dma_start3A_320] : memref<2x5000x64xi32, #tpu.memory_space<hbm>> -> memref<1x40x64xi32, #tpu.memory_space<hbm>>
      %dma_start3A_322 = tpu.memref_squeeze %dma_start3A_321 : memref<1x40x64xi32, #tpu.memory_space<hbm>> -> memref<40x64xi32, #tpu.memory_space<hbm>>
      tpu.enqueue_dma source(%dma_start3A_322 : memref<40x64xi32, #tpu.memory_space<hbm>>) target(%arg8 : memref<40x64xi32, #tpu.memory_space<vmem>>) target_semaphore(%run_scoped3A_316 : memref<!tpu.dma_semaphore, #tpu.memory_space<semaphore_mem>>)
      %dma_wait3A_323 = arith.constant 0 : i32
      %dma_wait3A_324 = tpu.memref_slice %arg3[%run_scoped3A_243, %multiple_of3A_237, %dma_wait3A_323] : memref<2x5000x64xi32, #tpu.memory_space<hbm>> -> memref<1x40x64xi32, #tpu.memory_space<hbm>>
      %dma_wait3A_325 = tpu.memref_squeeze %dma_wait3A_324 : memref<1x40x64xi32, #tpu.memory_space<hbm>> -> memref<40x64xi32, #tpu.memory_space<hbm>>
      %dma_wait3A_326 = arith.constant 0 : i32
      %dma_wait3A_327 = tpu.memref_slice %arg3[%run_scoped3A_243, %multiple_of3A_237, %dma_wait3A_326] : memref<2x5000x64xi32, #tpu.memory_space<hbm>> -> memref<1x40x64xi32, #tpu.memory_space<hbm>>
      %dma_wait3A_328 = tpu.memref_squeeze %dma_wait3A_327 : memref<1x40x64xi32, #tpu.memory_space<hbm>> -> memref<40x64xi32, #tpu.memory_space<hbm>>
      tpu.wait_dma2 semaphore(%run_scoped3A_316 : memref<!tpu.dma_semaphore, #tpu.memory_space<semaphore_mem>>) src(%dma_wait3A_328 : memref<40x64xi32, #tpu.memory_space<hbm>>) dst(%arg8 : memref<40x64xi32, #tpu.memory_space<vmem>>)
      tpu.yield
    }) : () -> ()
    %dma_start3A_244 = arith.constant 0 : i32
    %dma_start3A_245 = arith.constant 0 : i32
    %dma_start3A_246 = tpu.memref_slice %arg7[%dma_start3A_244, %dma_start3A_245] : memref<40x64xi32, #tpu.memory_space<vmem>> -> memref<1x64xi32, #tpu.memory_space<vmem>>
    %dma_start3A_247 = tpu.memref_squeeze %dma_start3A_246 : memref<1x64xi32, #tpu.memory_space<vmem>> -> memref<64xi32, #tpu.memory_space<vmem>>
    %dma_start3A_248 = arith.constant 0 : i32
    %dma_start3A_249 = arith.constant 0 : i32
    %dma_start3A_250 = tpu.memref_slice %arg2[%dma_start3A_248, %dma_start3A_249] : memref<10000x128xf32, #tpu.memory_space<hbm>> -> memref<10000x128xf32, #tpu.memory_space<hbm>>
    tpu.enqueue_indirect_dma source(%dma_start3A_250 : memref<10000x128xf32, #tpu.memory_space<hbm>>) target(%arg9 : memref<64x128xf32, #tpu.memory_space<vmem>>) offsets(%dma_start3A_247 : memref<64xi32, #tpu.memory_space<vmem>>) semaphore(%arg13 : memref<!tpu.dma_semaphore, #tpu.memory_space<semaphore_mem>>)
    %dma_start3A_251 = arith.constant 1 : i32
    %dma_start3A_252 = arith.constant 0 : i32
    %dma_start3A_253 = tpu.memref_slice %arg7[%dma_start3A_251, %dma_start3A_252] : memref<40x64xi32, #tpu.memory_space<vmem>> -> memref<1x64xi32, #tpu.memory_space<vmem>>
    %dma_start3A_254 = tpu.memref_squeeze %dma_start3A_253 : memref<1x64xi32, #tpu.memory_space<vmem>> -> memref<64xi32, #tpu.memory_space<vmem>>
    %dma_start3A_255 = arith.constant 0 : i32
    %dma_start3A_256 = arith.constant 0 : i32
    %dma_start3A_257 = tpu.memref_slice %arg2[%dma_start3A_255, %dma_start3A_256] : memref<10000x128xf32, #tpu.memory_space<hbm>> -> memref<10000x128xf32, #tpu.memory_space<hbm>>
    tpu.enqueue_indirect_dma source(%dma_start3A_257 : memref<10000x128xf32, #tpu.memory_space<hbm>>) target(%arg10 : memref<64x128xf32, #tpu.memory_space<vmem>>) offsets(%dma_start3A_254 : memref<64xi32, #tpu.memory_space<vmem>>) semaphore(%arg14 : memref<!tpu.dma_semaphore, #tpu.memory_space<semaphore_mem>>)
    %dma_start3A_258 = arith.constant 2 : i32
    %dma_start3A_259 = arith.constant 0 : i32
    %dma_start3A_260 = tpu.memref_slice %arg7[%dma_start3A_258, %dma_start3A_259] : memref<40x64xi32, #tpu.memory_space<vmem>> -> memref<1x64xi32, #tpu.memory_space<vmem>>
    %dma_start3A_261 = tpu.memref_squeeze %dma_start3A_260 : memref<1x64xi32, #tpu.memory_space<vmem>> -> memref<64xi32, #tpu.memory_space<vmem>>
    %dma_start3A_262 = arith.constant 0 : i32
    %dma_start3A_263 = arith.constant 0 : i32
    %dma_start3A_264 = tpu.memref_slice %arg2[%dma_start3A_262, %dma_start3A_263] : memref<10000x128xf32, #tpu.memory_space<hbm>> -> memref<10000x128xf32, #tpu.memory_space<hbm>>
    tpu.enqueue_indirect_dma source(%dma_start3A_264 : memref<10000x128xf32, #tpu.memory_space<hbm>>) target(%arg11 : memref<64x128xf32, #tpu.memory_space<vmem>>) offsets(%dma_start3A_261 : memref<64xi32, #tpu.memory_space<vmem>>) semaphore(%arg15 : memref<!tpu.dma_semaphore, #tpu.memory_space<semaphore_mem>>)
    %scan3A_265 = arith.constant 0 : i32
    %scan3A_266 = arith.constant 0 : i32
    %scan3A_267 = arith.constant 10 : i32
    %scan3A_268 = arith.addi %scan3A_266, %scan3A_267 : i32
    %scan3A_269 = arith.constant 1 : i32
    scf.for %scan3A_316 = %scan3A_266 to %scan3A_268 step %scan3A_269  : i32 {
      %mul3A_317 = arith.constant 4 : i32
      %mul3A_318 = arith.muli %scan3A_316, %mul3A_317 : i32
      %add3A_319 = arith.constant 0 : i32
      %add3A_320 = arith.addi %mul3A_318, %add3A_319 : i32
      %add3A_321 = arith.constant 4 : i32
      %add3A_322 = arith.addi %add3A_320, %add3A_321 : i32
      %sub3A_323 = arith.constant 1 : i32
      %sub3A_324 = arith.subi %add3A_322, %sub3A_323 : i32
      %ge3A = arith.constant 1 : i32
      %ge3A_325 = arith.cmpi sge, %add3A_320, %ge3A : i32
      %lt3A_326 = arith.cmpi slt, %sub3A_324, %min3A_241 : i32
      %and3A = arith.andi %ge3A_325, %lt3A_326 : i1
      %convert_element_type3A = arith.extui %and3A : i1 to i32
      %cond3A = arith.constant 0 : i32
      %cond3A_327 = arith.cmpi ne, %convert_element_type3A, %cond3A : i32
      scf.if %cond3A_327 {
        %sub3A_405 = arith.constant 1 : i32
        %sub3A_406 = arith.subi %add3A_320, %sub3A_405 : i32
        %dma_wait3A_407 = arith.constant 0 : i32
        %dma_wait3A_408 = tpu.memref_slice %arg8[%sub3A_406, %dma_wait3A_407] : memref<40x64xi32, #tpu.memory_space<vmem>> -> memref<1x64xi32, #tpu.memory_space<vmem>>
        %dma_wait3A_409 = tpu.memref_squeeze %dma_wait3A_408 : memref<1x64xi32, #tpu.memory_space<vmem>> -> memref<64xi32, #tpu.memory_space<vmem>>
        %dma_wait3A_410 = arith.constant 0 : i32
        %dma_wait3A_411 = arith.constant 0 : i32
        %dma_wait3A_412 = tpu.memref_slice %arg6[%dma_wait3A_410, %dma_wait3A_411] : memref<10240x128xf32, #tpu.memory_space<vmem_shared>> -> memref<10240x128xf32, #tpu.memory_space<vmem_shared>>
        tpu.wait_indirect_dma semaphore(%arg20 : memref<!tpu.dma_semaphore, #tpu.memory_space<semaphore_mem>>) src(%arg12 : memref<64x128xf32, #tpu.memory_space<vmem>>) dst(%dma_wait3A_412 : memref<10240x128xf32, #tpu.memory_space<vmem_shared>>)
      } else {
      }
      %lt3A_328 = arith.cmpi slt, %sub3A_324, %min3A_241 : i32
      %convert_element_type3A_329 = arith.extui %lt3A_328 : i1 to i32
      %cond3A_330 = arith.constant 0 : i32
      %cond3A_331 = arith.cmpi ne, %convert_element_type3A_329, %cond3A_330 : i32
      scf.if %cond3A_331 {
        %dma_start3A_405 = arith.constant 0 : i32
        %dma_start3A_406 = tpu.memref_slice %arg7[%sub3A_324, %dma_start3A_405] : memref<40x64xi32, #tpu.memory_space<vmem>> -> memref<1x64xi32, #tpu.memory_space<vmem>>
        %dma_start3A_407 = tpu.memref_squeeze %dma_start3A_406 : memref<1x64xi32, #tpu.memory_space<vmem>> -> memref<64xi32, #tpu.memory_space<vmem>>
        %dma_start3A_408 = arith.constant 0 : i32
        %dma_start3A_409 = arith.constant 0 : i32
        %dma_start3A_410 = tpu.memref_slice %arg2[%dma_start3A_408, %dma_start3A_409] : memref<10000x128xf32, #tpu.memory_space<hbm>> -> memref<10000x128xf32, #tpu.memory_space<hbm>>
        tpu.enqueue_indirect_dma source(%dma_start3A_410 : memref<10000x128xf32, #tpu.memory_space<hbm>>) target(%arg12 : memref<64x128xf32, #tpu.memory_space<vmem>>) offsets(%dma_start3A_407 : memref<64xi32, #tpu.memory_space<vmem>>) semaphore(%arg16 : memref<!tpu.dma_semaphore, #tpu.memory_space<semaphore_mem>>)
      } else {
      }
      %lt3A_332 = arith.cmpi slt, %add3A_320, %min3A_241 : i32
      %convert_element_type3A_333 = arith.extui %lt3A_332 : i1 to i32
      %cond3A_334 = arith.constant 0 : i32
      %cond3A_335 = arith.cmpi ne, %convert_element_type3A_333, %cond3A_334 : i32
      scf.if %cond3A_335 {
        %dma_wait3A_405 = arith.constant 0 : i32
        %dma_wait3A_406 = tpu.memref_slice %arg7[%add3A_320, %dma_wait3A_405] : memref<40x64xi32, #tpu.memory_space<vmem>> -> memref<1x64xi32, #tpu.memory_space<vmem>>
        %dma_wait3A_407 = tpu.memref_squeeze %dma_wait3A_406 : memref<1x64xi32, #tpu.memory_space<vmem>> -> memref<64xi32, #tpu.memory_space<vmem>>
        %dma_wait3A_408 = arith.constant 0 : i32
        %dma_wait3A_409 = arith.constant 0 : i32
        %dma_wait3A_410 = tpu.memref_slice %arg2[%dma_wait3A_408, %dma_wait3A_409] : memref<10000x128xf32, #tpu.memory_space<hbm>> -> memref<10000x128xf32, #tpu.memory_space<hbm>>
        tpu.wait_indirect_dma semaphore(%arg13 : memref<!tpu.dma_semaphore, #tpu.memory_space<semaphore_mem>>) src(%dma_wait3A_410 : memref<10000x128xf32, #tpu.memory_space<hbm>>) dst(%arg9 : memref<64x128xf32, #tpu.memory_space<vmem>>)
        %dma_start3A_411 = arith.constant 0 : i32
        %dma_start3A_412 = tpu.memref_slice %arg8[%add3A_320, %dma_start3A_411] : memref<40x64xi32, #tpu.memory_space<vmem>> -> memref<1x64xi32, #tpu.memory_space<vmem>>
        %dma_start3A_413 = tpu.memref_squeeze %dma_start3A_412 : memref<1x64xi32, #tpu.memory_space<vmem>> -> memref<64xi32, #tpu.memory_space<vmem>>
        %dma_start3A_414 = arith.constant 0 : i32
        %dma_start3A_415 = arith.constant 0 : i32
        %dma_start3A_416 = tpu.memref_slice %arg6[%dma_start3A_414, %dma_start3A_415] : memref<10240x128xf32, #tpu.memory_space<vmem_shared>> -> memref<10240x128xf32, #tpu.memory_space<vmem_shared>>
        tpu.enqueue_indirect_dma source(%arg9 : memref<64x128xf32, #tpu.memory_space<vmem>>) target(%dma_start3A_416 : memref<10240x128xf32, #tpu.memory_space<vmem_shared>>) offsets(%dma_start3A_413 : memref<64xi32, #tpu.memory_space<vmem>>) semaphore(%arg17 : memref<!tpu.dma_semaphore, #tpu.memory_space<semaphore_mem>>) {add = true}
      } else {
      }
      %mul3A_336 = arith.constant 4 : i32
      %mul3A_337 = arith.muli %scan3A_316, %mul3A_336 : i32
      %add3A_338 = arith.constant 1 : i32
      %add3A_339 = arith.addi %mul3A_337, %add3A_338 : i32
      %add3A_340 = arith.constant 4 : i32
      %add3A_341 = arith.addi %add3A_339, %add3A_340 : i32
      %sub3A_342 = arith.constant 1 : i32
      %sub3A_343 = arith.subi %add3A_341, %sub3A_342 : i32
      %ge3A_344 = arith.constant 1 : i32
      %ge3A_345 = arith.cmpi sge, %add3A_339, %ge3A_344 : i32
      %lt3A_346 = arith.cmpi slt, %sub3A_343, %min3A_241 : i32
      %and3A_347 = arith.andi %ge3A_345, %lt3A_346 : i1
      %convert_element_type3A_348 = arith.extui %and3A_347 : i1 to i32
      %cond3A_349 = arith.constant 0 : i32
      %cond3A_350 = arith.cmpi ne, %convert_element_type3A_348, %cond3A_349 : i32
      scf.if %cond3A_350 {
        %sub3A_405 = arith.constant 1 : i32
        %sub3A_406 = arith.subi %add3A_339, %sub3A_405 : i32
        %dma_wait3A_407 = arith.constant 0 : i32
        %dma_wait3A_408 = tpu.memref_slice %arg8[%sub3A_406, %dma_wait3A_407] : memref<40x64xi32, #tpu.memory_space<vmem>> -> memref<1x64xi32, #tpu.memory_space<vmem>>
        %dma_wait3A_409 = tpu.memref_squeeze %dma_wait3A_408 : memref<1x64xi32, #tpu.memory_space<vmem>> -> memref<64xi32, #tpu.memory_space<vmem>>
        %dma_wait3A_410 = arith.constant 0 : i32
        %dma_wait3A_411 = arith.constant 0 : i32
        %dma_wait3A_412 = tpu.memref_slice %arg6[%dma_wait3A_410, %dma_wait3A_411] : memref<10240x128xf32, #tpu.memory_space<vmem_shared>> -> memref<10240x128xf32, #tpu.memory_space<vmem_shared>>
        tpu.wait_indirect_dma semaphore(%arg17 : memref<!tpu.dma_semaphore, #tpu.memory_space<semaphore_mem>>) src(%arg9 : memref<64x128xf32, #tpu.memory_space<vmem>>) dst(%dma_wait3A_412 : memref<10240x128xf32, #tpu.memory_space<vmem_shared>>)
      } else {
      }
      %lt3A_351 = arith.cmpi slt, %sub3A_343, %min3A_241 : i32
      %convert_element_type3A_352 = arith.extui %lt3A_351 : i1 to i32
      %cond3A_353 = arith.constant 0 : i32
      %cond3A_354 = arith.cmpi ne, %convert_element_type3A_352, %cond3A_353 : i32
      scf.if %cond3A_354 {
        %dma_start3A_405 = arith.constant 0 : i32
        %dma_start3A_406 = tpu.memref_slice %arg7[%sub3A_343, %dma_start3A_405] : memref<40x64xi32, #tpu.memory_space<vmem>> -> memref<1x64xi32, #tpu.memory_space<vmem>>
        %dma_start3A_407 = tpu.memref_squeeze %dma_start3A_406 : memref<1x64xi32, #tpu.memory_space<vmem>> -> memref<64xi32, #tpu.memory_space<vmem>>
        %dma_start3A_408 = arith.constant 0 : i32
        %dma_start3A_409 = arith.constant 0 : i32
        %dma_start3A_410 = tpu.memref_slice %arg2[%dma_start3A_408, %dma_start3A_409] : memref<10000x128xf32, #tpu.memory_space<hbm>> -> memref<10000x128xf32, #tpu.memory_space<hbm>>
        tpu.enqueue_indirect_dma source(%dma_start3A_410 : memref<10000x128xf32, #tpu.memory_space<hbm>>) target(%arg9 : memref<64x128xf32, #tpu.memory_space<vmem>>) offsets(%dma_start3A_407 : memref<64xi32, #tpu.memory_space<vmem>>) semaphore(%arg13 : memref<!tpu.dma_semaphore, #tpu.memory_space<semaphore_mem>>)
      } else {
      }
      %lt3A_355 = arith.cmpi slt, %add3A_339, %min3A_241 : i32
      %convert_element_type3A_356 = arith.extui %lt3A_355 : i1 to i32
      %cond3A_357 = arith.constant 0 : i32
      %cond3A_358 = arith.cmpi ne, %convert_element_type3A_356, %cond3A_357 : i32
      scf.if %cond3A_358 {
        %dma_wait3A_405 = arith.constant 0 : i32
        %dma_wait3A_406 = tpu.memref_slice %arg7[%add3A_339, %dma_wait3A_405] : memref<40x64xi32, #tpu.memory_space<vmem>> -> memref<1x64xi32, #tpu.memory_space<vmem>>
        %dma_wait3A_407 = tpu.memref_squeeze %dma_wait3A_406 : memref<1x64xi32, #tpu.memory_space<vmem>> -> memref<64xi32, #tpu.memory_space<vmem>>
        %dma_wait3A_408 = arith.constant 0 : i32
        %dma_wait3A_409 = arith.constant 0 : i32
        %dma_wait3A_410 = tpu.memref_slice %arg2[%dma_wait3A_408, %dma_wait3A_409] : memref<10000x128xf32, #tpu.memory_space<hbm>> -> memref<10000x128xf32, #tpu.memory_space<hbm>>
        tpu.wait_indirect_dma semaphore(%arg14 : memref<!tpu.dma_semaphore, #tpu.memory_space<semaphore_mem>>) src(%dma_wait3A_410 : memref<10000x128xf32, #tpu.memory_space<hbm>>) dst(%arg10 : memref<64x128xf32, #tpu.memory_space<vmem>>)
        %dma_start3A_411 = arith.constant 0 : i32
        %dma_start3A_412 = tpu.memref_slice %arg8[%add3A_339, %dma_start3A_411] : memref<40x64xi32, #tpu.memory_space<vmem>> -> memref<1x64xi32, #tpu.memory_space<vmem>>
        %dma_start3A_413 = tpu.memref_squeeze %dma_start3A_412 : memref<1x64xi32, #tpu.memory_space<vmem>> -> memref<64xi32, #tpu.memory_space<vmem>>
        %dma_start3A_414 = arith.constant 0 : i32
        %dma_start3A_415 = arith.constant 0 : i32
        %dma_start3A_416 = tpu.memref_slice %arg6[%dma_start3A_414, %dma_start3A_415] : memref<10240x128xf32, #tpu.memory_space<vmem_shared>> -> memref<10240x128xf32, #tpu.memory_space<vmem_shared>>
        tpu.enqueue_indirect_dma source(%arg10 : memref<64x128xf32, #tpu.memory_space<vmem>>) target(%dma_start3A_416 : memref<10240x128xf32, #tpu.memory_space<vmem_shared>>) offsets(%dma_start3A_413 : memref<64xi32, #tpu.memory_space<vmem>>) semaphore(%arg18 : memref<!tpu.dma_semaphore, #tpu.memory_space<semaphore_mem>>) {add = true}
      } else {
      }
      %mul3A_359 = arith.constant 4 : i32
      %mul3A_360 = arith.muli %scan3A_316, %mul3A_359 : i32
      %add3A_361 = arith.constant 2 : i32
      %add3A_362 = arith.addi %mul3A_360, %add3A_361 : i32
      %add3A_363 = arith.constant 4 : i32
      %add3A_364 = arith.addi %add3A_362, %add3A_363 : i32
      %sub3A_365 = arith.constant 1 : i32
      %sub3A_366 = arith.subi %add3A_364, %sub3A_365 : i32
      %ge3A_367 = arith.constant 1 : i32
      %ge3A_368 = arith.cmpi sge, %add3A_362, %ge3A_367 : i32
      %lt3A_369 = arith.cmpi slt, %sub3A_366, %min3A_241 : i32
      %and3A_370 = arith.andi %ge3A_368, %lt3A_369 : i1
      %convert_element_type3A_371 = arith.extui %and3A_370 : i1 to i32
      %cond3A_372 = arith.constant 0 : i32
      %cond3A_373 = arith.cmpi ne, %convert_element_type3A_371, %cond3A_372 : i32
      scf.if %cond3A_373 {
        %sub3A_405 = arith.constant 1 : i32
        %sub3A_406 = arith.subi %add3A_362, %sub3A_405 : i32
        %dma_wait3A_407 = arith.constant 0 : i32
        %dma_wait3A_408 = tpu.memref_slice %arg8[%sub3A_406, %dma_wait3A_407] : memref<40x64xi32, #tpu.memory_space<vmem>> -> memref<1x64xi32, #tpu.memory_space<vmem>>
        %dma_wait3A_409 = tpu.memref_squeeze %dma_wait3A_408 : memref<1x64xi32, #tpu.memory_space<vmem>> -> memref<64xi32, #tpu.memory_space<vmem>>
        %dma_wait3A_410 = arith.constant 0 : i32
        %dma_wait3A_411 = arith.constant 0 : i32
        %dma_wait3A_412 = tpu.memref_slice %arg6[%dma_wait3A_410, %dma_wait3A_411] : memref<10240x128xf32, #tpu.memory_space<vmem_shared>> -> memref<10240x128xf32, #tpu.memory_space<vmem_shared>>
        tpu.wait_indirect_dma semaphore(%arg18 : memref<!tpu.dma_semaphore, #tpu.memory_space<semaphore_mem>>) src(%arg10 : memref<64x128xf32, #tpu.memory_space<vmem>>) dst(%dma_wait3A_412 : memref<10240x128xf32, #tpu.memory_space<vmem_shared>>)
      } else {
      }
      %lt3A_374 = arith.cmpi slt, %sub3A_366, %min3A_241 : i32
      %convert_element_type3A_375 = arith.extui %lt3A_374 : i1 to i32
      %cond3A_376 = arith.constant 0 : i32
      %cond3A_377 = arith.cmpi ne, %convert_element_type3A_375, %cond3A_376 : i32
      scf.if %cond3A_377 {
        %dma_start3A_405 = arith.constant 0 : i32
        %dma_start3A_406 = tpu.memref_slice %arg7[%sub3A_366, %dma_start3A_405] : memref<40x64xi32, #tpu.memory_space<vmem>> -> memref<1x64xi32, #tpu.memory_space<vmem>>
        %dma_start3A_407 = tpu.memref_squeeze %dma_start3A_406 : memref<1x64xi32, #tpu.memory_space<vmem>> -> memref<64xi32, #tpu.memory_space<vmem>>
        %dma_start3A_408 = arith.constant 0 : i32
        %dma_start3A_409 = arith.constant 0 : i32
        %dma_start3A_410 = tpu.memref_slice %arg2[%dma_start3A_408, %dma_start3A_409] : memref<10000x128xf32, #tpu.memory_space<hbm>> -> memref<10000x128xf32, #tpu.memory_space<hbm>>
        tpu.enqueue_indirect_dma source(%dma_start3A_410 : memref<10000x128xf32, #tpu.memory_space<hbm>>) target(%arg10 : memref<64x128xf32, #tpu.memory_space<vmem>>) offsets(%dma_start3A_407 : memref<64xi32, #tpu.memory_space<vmem>>) semaphore(%arg14 : memref<!tpu.dma_semaphore, #tpu.memory_space<semaphore_mem>>)
      } else {
      }
      %lt3A_378 = arith.cmpi slt, %add3A_362, %min3A_241 : i32
      %convert_element_type3A_379 = arith.extui %lt3A_378 : i1 to i32
      %cond3A_380 = arith.constant 0 : i32
      %cond3A_381 = arith.cmpi ne, %convert_element_type3A_379, %cond3A_380 : i32
      scf.if %cond3A_381 {
        %dma_wait3A_405 = arith.constant 0 : i32
        %dma_wait3A_406 = tpu.memref_slice %arg7[%add3A_362, %dma_wait3A_405] : memref<40x64xi32, #tpu.memory_space<vmem>> -> memref<1x64xi32, #tpu.memory_space<vmem>>
        %dma_wait3A_407 = tpu.memref_squeeze %dma_wait3A_406 : memref<1x64xi32, #tpu.memory_space<vmem>> -> memref<64xi32, #tpu.memory_space<vmem>>
        %dma_wait3A_408 = arith.constant 0 : i32
        %dma_wait3A_409 = arith.constant 0 : i32
        %dma_wait3A_410 = tpu.memref_slice %arg2[%dma_wait3A_408, %dma_wait3A_409] : memref<10000x128xf32, #tpu.memory_space<hbm>> -> memref<10000x128xf32, #tpu.memory_space<hbm>>
        tpu.wait_indirect_dma semaphore(%arg15 : memref<!tpu.dma_semaphore, #tpu.memory_space<semaphore_mem>>) src(%dma_wait3A_410 : memref<10000x128xf32, #tpu.memory_space<hbm>>) dst(%arg11 : memref<64x128xf32, #tpu.memory_space<vmem>>)
        %dma_start3A_411 = arith.constant 0 : i32
        %dma_start3A_412 = tpu.memref_slice %arg8[%add3A_362, %dma_start3A_411] : memref<40x64xi32, #tpu.memory_space<vmem>> -> memref<1x64xi32, #tpu.memory_space<vmem>>
        %dma_start3A_413 = tpu.memref_squeeze %dma_start3A_412 : memref<1x64xi32, #tpu.memory_space<vmem>> -> memref<64xi32, #tpu.memory_space<vmem>>
        %dma_start3A_414 = arith.constant 0 : i32
        %dma_start3A_415 = arith.constant 0 : i32
        %dma_start3A_416 = tpu.memref_slice %arg6[%dma_start3A_414, %dma_start3A_415] : memref<10240x128xf32, #tpu.memory_space<vmem_shared>> -> memref<10240x128xf32, #tpu.memory_space<vmem_shared>>
        tpu.enqueue_indirect_dma source(%arg11 : memref<64x128xf32, #tpu.memory_space<vmem>>) target(%dma_start3A_416 : memref<10240x128xf32, #tpu.memory_space<vmem_shared>>) offsets(%dma_start3A_413 : memref<64xi32, #tpu.memory_space<vmem>>) semaphore(%arg19 : memref<!tpu.dma_semaphore, #tpu.memory_space<semaphore_mem>>) {add = true}
      } else {
      }
      %mul3A_382 = arith.constant 4 : i32
      %mul3A_383 = arith.muli %scan3A_316, %mul3A_382 : i32
      %add3A_384 = arith.constant 3 : i32
      %add3A_385 = arith.addi %mul3A_383, %add3A_384 : i32
      %add3A_386 = arith.constant 4 : i32
      %add3A_387 = arith.addi %add3A_385, %add3A_386 : i32
      %sub3A_388 = arith.constant 1 : i32
      %sub3A_389 = arith.subi %add3A_387, %sub3A_388 : i32
      %ge3A_390 = arith.constant 1 : i32
      %ge3A_391 = arith.cmpi sge, %add3A_385, %ge3A_390 : i32
      %lt3A_392 = arith.cmpi slt, %sub3A_389, %min3A_241 : i32
      %and3A_393 = arith.andi %ge3A_391, %lt3A_392 : i1
      %convert_element_type3A_394 = arith.extui %and3A_393 : i1 to i32
      %cond3A_395 = arith.constant 0 : i32
      %cond3A_396 = arith.cmpi ne, %convert_element_type3A_394, %cond3A_395 : i32
      scf.if %cond3A_396 {
        %sub3A_405 = arith.constant 1 : i32
        %sub3A_406 = arith.subi %add3A_385, %sub3A_405 : i32
        %dma_wait3A_407 = arith.constant 0 : i32
        %dma_wait3A_408 = tpu.memref_slice %arg8[%sub3A_406, %dma_wait3A_407] : memref<40x64xi32, #tpu.memory_space<vmem>> -> memref<1x64xi32, #tpu.memory_space<vmem>>
        %dma_wait3A_409 = tpu.memref_squeeze %dma_wait3A_408 : memref<1x64xi32, #tpu.memory_space<vmem>> -> memref<64xi32, #tpu.memory_space<vmem>>
        %dma_wait3A_410 = arith.constant 0 : i32
        %dma_wait3A_411 = arith.constant 0 : i32
        %dma_wait3A_412 = tpu.memref_slice %arg6[%dma_wait3A_410, %dma_wait3A_411] : memref<10240x128xf32, #tpu.memory_space<vmem_shared>> -> memref<10240x128xf32, #tpu.memory_space<vmem_shared>>
        tpu.wait_indirect_dma semaphore(%arg19 : memref<!tpu.dma_semaphore, #tpu.memory_space<semaphore_mem>>) src(%arg11 : memref<64x128xf32, #tpu.memory_space<vmem>>) dst(%dma_wait3A_412 : memref<10240x128xf32, #tpu.memory_space<vmem_shared>>)
      } else {
      }
      %lt3A_397 = arith.cmpi slt, %sub3A_389, %min3A_241 : i32
      %convert_element_type3A_398 = arith.extui %lt3A_397 : i1 to i32
      %cond3A_399 = arith.constant 0 : i32
      %cond3A_400 = arith.cmpi ne, %convert_element_type3A_398, %cond3A_399 : i32
      scf.if %cond3A_400 {
        %dma_start3A_405 = arith.constant 0 : i32
        %dma_start3A_406 = tpu.memref_slice %arg7[%sub3A_389, %dma_start3A_405] : memref<40x64xi32, #tpu.memory_space<vmem>> -> memref<1x64xi32, #tpu.memory_space<vmem>>
        %dma_start3A_407 = tpu.memref_squeeze %dma_start3A_406 : memref<1x64xi32, #tpu.memory_space<vmem>> -> memref<64xi32, #tpu.memory_space<vmem>>
        %dma_start3A_408 = arith.constant 0 : i32
        %dma_start3A_409 = arith.constant 0 : i32
        %dma_start3A_410 = tpu.memref_slice %arg2[%dma_start3A_408, %dma_start3A_409] : memref<10000x128xf32, #tpu.memory_space<hbm>> -> memref<10000x128xf32, #tpu.memory_space<hbm>>
        tpu.enqueue_indirect_dma source(%dma_start3A_410 : memref<10000x128xf32, #tpu.memory_space<hbm>>) target(%arg11 : memref<64x128xf32, #tpu.memory_space<vmem>>) offsets(%dma_start3A_407 : memref<64xi32, #tpu.memory_space<vmem>>) semaphore(%arg15 : memref<!tpu.dma_semaphore, #tpu.memory_space<semaphore_mem>>)
      } else {
      }
      %lt3A_401 = arith.cmpi slt, %add3A_385, %min3A_241 : i32
      %convert_element_type3A_402 = arith.extui %lt3A_401 : i1 to i32
      %cond3A_403 = arith.constant 0 : i32
      %cond3A_404 = arith.cmpi ne, %convert_element_type3A_402, %cond3A_403 : i32
      scf.if %cond3A_404 {
        %dma_wait3A_405 = arith.constant 0 : i32
        %dma_wait3A_406 = tpu.memref_slice %arg7[%add3A_385, %dma_wait3A_405] : memref<40x64xi32, #tpu.memory_space<vmem>> -> memref<1x64xi32, #tpu.memory_space<vmem>>
        %dma_wait3A_407 = tpu.memref_squeeze %dma_wait3A_406 : memref<1x64xi32, #tpu.memory_space<vmem>> -> memref<64xi32, #tpu.memory_space<vmem>>
        %dma_wait3A_408 = arith.constant 0 : i32
        %dma_wait3A_409 = arith.constant 0 : i32
        %dma_wait3A_410 = tpu.memref_slice %arg2[%dma_wait3A_408, %dma_wait3A_409] : memref<10000x128xf32, #tpu.memory_space<hbm>> -> memref<10000x128xf32, #tpu.memory_space<hbm>>
        tpu.wait_indirect_dma semaphore(%arg16 : memref<!tpu.dma_semaphore, #tpu.memory_space<semaphore_mem>>) src(%dma_wait3A_410 : memref<10000x128xf32, #tpu.memory_space<hbm>>) dst(%arg12 : memref<64x128xf32, #tpu.memory_space<vmem>>)
        %dma_start3A_411 = arith.constant 0 : i32
        %dma_start3A_412 = tpu.memref_slice %arg8[%add3A_385, %dma_start3A_411] : memref<40x64xi32, #tpu.memory_space<vmem>> -> memref<1x64xi32, #tpu.memory_space<vmem>>
        %dma_start3A_413 = tpu.memref_squeeze %dma_start3A_412 : memref<1x64xi32, #tpu.memory_space<vmem>> -> memref<64xi32, #tpu.memory_space<vmem>>
        %dma_start3A_414 = arith.constant 0 : i32
        %dma_start3A_415 = arith.constant 0 : i32
        %dma_start3A_416 = tpu.memref_slice %arg6[%dma_start3A_414, %dma_start3A_415] : memref<10240x128xf32, #tpu.memory_space<vmem_shared>> -> memref<10240x128xf32, #tpu.memory_space<vmem_shared>>
        tpu.enqueue_indirect_dma source(%arg12 : memref<64x128xf32, #tpu.memory_space<vmem>>) target(%dma_start3A_416 : memref<10240x128xf32, #tpu.memory_space<vmem_shared>>) offsets(%dma_start3A_413 : memref<64xi32, #tpu.memory_space<vmem>>) semaphore(%arg20 : memref<!tpu.dma_semaphore, #tpu.memory_space<semaphore_mem>>) {add = true}
      } else {
      }
    }
    %scan3A_270 = arith.constant 10 : i32
    %sub3A_271 = arith.constant 4 : i32
    %sub3A_272 = arith.subi %min3A_241, %sub3A_271 : i32
    %add3A_273 = arith.constant 0 : i32
    %add3A_274 = arith.addi %sub3A_272, %add3A_273 : i32
    %dma_wait3A_275 = arith.constant 0 : i32
    %dma_wait3A_276 = tpu.memref_slice %arg8[%add3A_274, %dma_wait3A_275] : memref<40x64xi32, #tpu.memory_space<vmem>> -> memref<1x64xi32, #tpu.memory_space<vmem>>
    %dma_wait3A_277 = tpu.memref_squeeze %dma_wait3A_276 : memref<1x64xi32, #tpu.memory_space<vmem>> -> memref<64xi32, #tpu.memory_space<vmem>>
    %dma_wait3A_278 = arith.constant 0 : i32
    %dma_wait3A_279 = arith.constant 0 : i32
    %dma_wait3A_280 = tpu.memref_slice %arg6[%dma_wait3A_278, %dma_wait3A_279] : memref<10240x128xf32, #tpu.memory_space<vmem_shared>> -> memref<10240x128xf32, #tpu.memory_space<vmem_shared>>
    tpu.wait_indirect_dma semaphore(%arg17 : memref<!tpu.dma_semaphore, #tpu.memory_space<semaphore_mem>>) src(%arg9 : memref<64x128xf32, #tpu.memory_space<vmem>>) dst(%dma_wait3A_280 : memref<10240x128xf32, #tpu.memory_space<vmem_shared>>)
    %sub3A_281 = arith.constant 4 : i32
    %sub3A_282 = arith.subi %min3A_241, %sub3A_281 : i32
    %add3A_283 = arith.constant 1 : i32
    %add3A_284 = arith.addi %sub3A_282, %add3A_283 : i32
    %dma_wait3A_285 = arith.constant 0 : i32
    %dma_wait3A_286 = tpu.memref_slice %arg8[%add3A_284, %dma_wait3A_285] : memref<40x64xi32, #tpu.memory_space<vmem>> -> memref<1x64xi32, #tpu.memory_space<vmem>>
    %dma_wait3A_287 = tpu.memref_squeeze %dma_wait3A_286 : memref<1x64xi32, #tpu.memory_space<vmem>> -> memref<64xi32, #tpu.memory_space<vmem>>
    %dma_wait3A_288 = arith.constant 0 : i32
    %dma_wait3A_289 = arith.constant 0 : i32
    %dma_wait3A_290 = tpu.memref_slice %arg6[%dma_wait3A_288, %dma_wait3A_289] : memref<10240x128xf32, #tpu.memory_space<vmem_shared>> -> memref<10240x128xf32, #tpu.memory_space<vmem_shared>>
    tpu.wait_indirect_dma semaphore(%arg18 : memref<!tpu.dma_semaphore, #tpu.memory_space<semaphore_mem>>) src(%arg10 : memref<64x128xf32, #tpu.memory_space<vmem>>) dst(%dma_wait3A_290 : memref<10240x128xf32, #tpu.memory_space<vmem_shared>>)
    %sub3A_291 = arith.constant 4 : i32
    %sub3A_292 = arith.subi %min3A_241, %sub3A_291 : i32
    %add3A_293 = arith.constant 2 : i32
    %add3A_294 = arith.addi %sub3A_292, %add3A_293 : i32
    %dma_wait3A_295 = arith.constant 0 : i32
    %dma_wait3A_296 = tpu.memref_slice %arg8[%add3A_294, %dma_wait3A_295] : memref<40x64xi32, #tpu.memory_space<vmem>> -> memref<1x64xi32, #tpu.memory_space<vmem>>
    %dma_wait3A_297 = tpu.memref_squeeze %dma_wait3A_296 : memref<1x64xi32, #tpu.memory_space<vmem>> -> memref<64xi32, #tpu.memory_space<vmem>>
    %dma_wait3A_298 = arith.constant 0 : i32
    %dma_wait3A_299 = arith.constant 0 : i32
    %dma_wait3A_300 = tpu.memref_slice %arg6[%dma_wait3A_298, %dma_wait3A_299] : memref<10240x128xf32, #tpu.memory_space<vmem_shared>> -> memref<10240x128xf32, #tpu.memory_space<vmem_shared>>
    tpu.wait_indirect_dma semaphore(%arg19 : memref<!tpu.dma_semaphore, #tpu.memory_space<semaphore_mem>>) src(%arg11 : memref<64x128xf32, #tpu.memory_space<vmem>>) dst(%dma_wait3A_300 : memref<10240x128xf32, #tpu.memory_space<vmem_shared>>)
    %sub3A_301 = arith.constant 4 : i32
    %sub3A_302 = arith.subi %min3A_241, %sub3A_301 : i32
    %add3A_303 = arith.constant 3 : i32
    %add3A_304 = arith.addi %sub3A_302, %add3A_303 : i32
    %dma_wait3A_305 = arith.constant 0 : i32
    %dma_wait3A_306 = tpu.memref_slice %arg8[%add3A_304, %dma_wait3A_305] : memref<40x64xi32, #tpu.memory_space<vmem>> -> memref<1x64xi32, #tpu.memory_space<vmem>>
    %dma_wait3A_307 = tpu.memref_squeeze %dma_wait3A_306 : memref<1x64xi32, #tpu.memory_space<vmem>> -> memref<64xi32, #tpu.memory_space<vmem>>
    %dma_wait3A_308 = arith.constant 0 : i32
    %dma_wait3A_309 = arith.constant 0 : i32
    %dma_wait3A_310 = tpu.memref_slice %arg6[%dma_wait3A_308, %dma_wait3A_309] : memref<10240x128xf32, #tpu.memory_space<vmem_shared>> -> memref<10240x128xf32, #tpu.memory_space<vmem_shared>>
    tpu.wait_indirect_dma semaphore(%arg20 : memref<!tpu.dma_semaphore, #tpu.memory_space<semaphore_mem>>) src(%arg12 : memref<64x128xf32, #tpu.memory_space<vmem>>) dst(%dma_wait3A_310 : memref<10240x128xf32, #tpu.memory_space<vmem_shared>>)
    %barrier3A_311 = arith.constant 0 : index
    tpu.barrier barrier_id(%barrier3A_311)
    %mul3A_312 = arith.constant 640 : i32
    %mul3A_313 = arith.muli %arg1, %mul3A_312 : i32
    %mul3A_314 = arith.constant 640 : i32
    %mul3A_315 = arith.muli %arg1, %mul3A_314 : i32
    "tpu.region"() ({
      %run_scoped3A_316 = tpu.sem_alloc : memref<!tpu.dma_semaphore, #tpu.memory_space<semaphore_mem>>
      %dma_start3A_317 = arith.constant 0 : i32
      %dma_start3A_318 = tpu.memref_slice %arg5[%arg0, %mul3A_315, %dma_start3A_317] : memref<2x10240x128xf32, #tpu.memory_space<hbm>> -> memref<1x640x128xf32, #tpu.memory_space<hbm>>
      %dma_start3A_319 = tpu.memref_squeeze %dma_start3A_318 : memref<1x640x128xf32, #tpu.memory_space<hbm>> -> memref<640x128xf32, #tpu.memory_space<hbm>>
      %dma_start3A_320 = arith.constant 0 : i32
      %dma_start3A_321 = tpu.memref_slice %arg6[%mul3A_313, %dma_start3A_320] : memref<10240x128xf32, #tpu.memory_space<vmem_shared>> -> memref<640x128xf32, #tpu.memory_space<vmem_shared>>
      tpu.enqueue_dma source(%dma_start3A_321 : memref<640x128xf32, #tpu.memory_space<vmem_shared>>) target(%dma_start3A_319 : memref<640x128xf32, #tpu.memory_space<hbm>>) target_semaphore(%run_scoped3A_316 : memref<!tpu.dma_semaphore, #tpu.memory_space<semaphore_mem>>)
      %dma_wait3A_322 = arith.constant 0 : i32
      %dma_wait3A_323 = tpu.memref_slice %arg5[%arg0, %mul3A_315, %dma_wait3A_322] : memref<2x10240x128xf32, #tpu.memory_space<hbm>> -> memref<1x640x128xf32, #tpu.memory_space<hbm>>
      %dma_wait3A_324 = tpu.memref_squeeze %dma_wait3A_323 : memref<1x640x128xf32, #tpu.memory_space<hbm>> -> memref<640x128xf32, #tpu.memory_space<hbm>>
      %dma_wait3A_325 = arith.constant 0 : i32
      %dma_wait3A_326 = tpu.memref_slice %arg6[%mul3A_313, %dma_wait3A_325] : memref<10240x128xf32, #tpu.memory_space<vmem_shared>> -> memref<640x128xf32, #tpu.memory_space<vmem_shared>>
      tpu.wait_dma2 semaphore(%run_scoped3A_316 : memref<!tpu.dma_semaphore, #tpu.memory_space<semaphore_mem>>) src(%dma_wait3A_326 : memref<640x128xf32, #tpu.memory_space<vmem_shared>>) dst(%dma_wait3A_324 : memref<640x128xf32, #tpu.memory_space<hbm>>)
      tpu.yield
    }) : () -> ()
    return
  }
}

#map = affine_map<(d0, d1) -> (0, 0)>
#map1 = affine_map<(d0, d1) -> (0, 0, 0)>
module attributes {stable_mosaic.version = 14 : i64} {
  func.func @_agg_kernel(%arg0: i32, %arg1: i32, %arg2: memref<10000x128xf32, #tpu.memory_space<hbm>>, %arg3: memref<2x5000x64xi32, #tpu.memory_space<hbm>>, %arg4: memref<640x128xf32, #tpu.memory_space<hbm>>, %arg5: memref<2x10240x128xf32, #tpu.memory_space<hbm>>, %arg6: memref<10240x128xf32, #tpu.memory_space<vmem_shared>>, %arg7: memref<40x64xi32, #tpu.memory_space<vmem>>, %arg8: memref<40x64xi32, #tpu.memory_space<vmem>>, %arg9: memref<64x128xf32, #tpu.memory_space<vmem>>, %arg10: memref<64x128xf32, #tpu.memory_space<vmem>>, %arg11: memref<64x128xf32, #tpu.memory_space<vmem>>, %arg12: memref<64x128xf32, #tpu.memory_space<vmem>>, %arg13: memref<!tpu.dma_semaphore, #tpu.memory_space<semaphore_mem>>, %arg14: memref<!tpu.dma_semaphore, #tpu.memory_space<semaphore_mem>>, %arg15: memref<!tpu.dma_semaphore, #tpu.memory_space<semaphore_mem>>, %arg16: memref<!tpu.dma_semaphore, #tpu.memory_space<semaphore_mem>>, %arg17: memref<!tpu.dma_semaphore, #tpu.memory_space<semaphore_mem>>, %arg18: memref<!tpu.dma_semaphore, #tpu.memory_space<semaphore_mem>>, %arg19: memref<!tpu.dma_semaphore, #tpu.memory_space<semaphore_mem>>, %arg20: memref<!tpu.dma_semaphore, #tpu.memory_space<semaphore_mem>>) attributes {dimension_semantics = [#tpu.dimension_semantics<core_parallel>, #tpu.dimension_semantics<subcore_parallel>], iteration_bounds = array<i64: 2, 16>, scalar_prefetch = 0 : i64, scratch_operands = 15 : i64, tpu.core_type = #tpu.core_type<sc_vector_subcore>, window_params = [{transform_indices = #map}, {transform_indices = #map1}, {transform_indices = #map}, {transform_indices = #map1}]} {
    %mul3A = arith.constant 2 : i32
    %mul3A_0 = arith.muli %arg1, %mul3A : i32
    %add3A = arith.addi %mul3A_0, %arg0 : i32
    %lt3A = arith.constant 16 : i32
    %lt3A_1 = arith.cmpi slt, %add3A, %lt3A : i32
    %eq3A = arith.constant 31 : i32
    %eq3A_2 = arith.cmpi eq, %add3A, %eq3A : i32
    %or3A = arith.ori %lt3A_1, %eq3A_2 : i1
    %min3A = arith.constant 16 : i32
    %min3A_3 = arith.minsi %add3A, %min3A : i32
    %mul3A_4 = arith.constant 160 : i32
    %mul3A_5 = arith.muli %mul3A_4, %min3A_3 : i32
    %sub3A = arith.subi %add3A, %min3A_3 : i32
    %mul3A_6 = arith.constant 152 : i32
    %mul3A_7 = arith.muli %mul3A_6, %sub3A : i32
    %add3A_8 = arith.addi %mul3A_5, %mul3A_7 : i32
    %jit3A = arith.constant 160 : i32
    %jit3A_9 = arith.constant 152 : i32
    %select_n3A = arith.select %or3A, %jit3A, %jit3A_9 : i32
    %mul3A_10 = arith.constant 640 : i32
    %mul3A_11 = arith.muli %arg1, %mul3A_10 : i32
    "tpu.region"() ({
      %run_scoped3A_316 = tpu.sem_alloc : memref<!tpu.dma_semaphore, #tpu.memory_space<semaphore_mem>>
      %dma_start3A_317 = arith.constant 0 : i32
      %dma_start3A_318 = tpu.memref_slice %arg6[%mul3A_11, %dma_start3A_317] : memref<10240x128xf32, #tpu.memory_space<vmem_shared>> -> memref<640x128xf32, #tpu.memory_space<vmem_shared>>
      tpu.enqueue_dma source(%arg4 : memref<640x128xf32, #tpu.memory_space<hbm>>) target(%dma_start3A_318 : memref<640x128xf32, #tpu.memory_space<vmem_shared>>) target_semaphore(%run_scoped3A_316 : memref<!tpu.dma_semaphore, #tpu.memory_space<semaphore_mem>>)
      %dma_wait3A_319 = arith.constant 0 : i32
      %dma_wait3A_320 = tpu.memref_slice %arg6[%mul3A_11, %dma_wait3A_319] : memref<10240x128xf32, #tpu.memory_space<vmem_shared>> -> memref<640x128xf32, #tpu.memory_space<vmem_shared>>
      tpu.wait_dma2 semaphore(%run_scoped3A_316 : memref<!tpu.dma_semaphore, #tpu.memory_space<semaphore_mem>>) src(%arg4 : memref<640x128xf32, #tpu.memory_space<hbm>>) dst(%dma_wait3A_320 : memref<640x128xf32, #tpu.memory_space<vmem_shared>>)
      tpu.yield
    }) : () -> ()
    %barrier3A = arith.constant 0 : index
    tpu.barrier barrier_id(%barrier3A)
    %add3A_12 = arith.constant 0 : i32
    %add3A_13 = arith.addi %add3A_8, %add3A_12 : i32
    %multiple_of3A = tpu.assume_multiple %add3A_13, 8 : i32
    %sub3A_14 = arith.constant 0 : i32
    %sub3A_15 = arith.subi %select_n3A, %sub3A_14 : i32
    %min3A_16 = arith.constant 40 : i32
    %min3A_17 = arith.minsi %min3A_16, %sub3A_15 : i32
    %run_scoped3A = arith.constant 0 : i32
    "tpu.region"() ({
      %run_scoped3A_316 = tpu.sem_alloc : memref<!tpu.dma_semaphore, #tpu.memory_space<semaphore_mem>>
      %dma_start3A_317 = arith.constant 0 : i32
      %dma_start3A_318 = tpu.memref_slice %arg3[%run_scoped3A, %multiple_of3A, %dma_start3A_317] : memref<2x5000x64xi32, #tpu.memory_space<hbm>> -> memref<1x40x64xi32, #tpu.memory_space<hbm>>
      %dma_start3A_319 = tpu.memref_squeeze %dma_start3A_318 : memref<1x40x64xi32, #tpu.memory_space<hbm>> -> memref<40x64xi32, #tpu.memory_space<hbm>>
      %dma_start3A_320 = arith.constant 0 : i32
      %dma_start3A_321 = tpu.memref_slice %arg3[%run_scoped3A, %multiple_of3A, %dma_start3A_320] : memref<2x5000x64xi32, #tpu.memory_space<hbm>> -> memref<1x40x64xi32, #tpu.memory_space<hbm>>
      %dma_start3A_322 = tpu.memref_squeeze %dma_start3A_321 : memref<1x40x64xi32, #tpu.memory_space<hbm>> -> memref<40x64xi32, #tpu.memory_space<hbm>>
      tpu.enqueue_dma source(%dma_start3A_322 : memref<40x64xi32, #tpu.memory_space<hbm>>) target(%arg7 : memref<40x64xi32, #tpu.memory_space<vmem>>) target_semaphore(%run_scoped3A_316 : memref<!tpu.dma_semaphore, #tpu.memory_space<semaphore_mem>>)
      %dma_wait3A_323 = arith.constant 0 : i32
      %dma_wait3A_324 = tpu.memref_slice %arg3[%run_scoped3A, %multiple_of3A, %dma_wait3A_323] : memref<2x5000x64xi32, #tpu.memory_space<hbm>> -> memref<1x40x64xi32, #tpu.memory_space<hbm>>
      %dma_wait3A_325 = tpu.memref_squeeze %dma_wait3A_324 : memref<1x40x64xi32, #tpu.memory_space<hbm>> -> memref<40x64xi32, #tpu.memory_space<hbm>>
      %dma_wait3A_326 = arith.constant 0 : i32
      %dma_wait3A_327 = tpu.memref_slice %arg3[%run_scoped3A, %multiple_of3A, %dma_wait3A_326] : memref<2x5000x64xi32, #tpu.memory_space<hbm>> -> memref<1x40x64xi32, #tpu.memory_space<hbm>>
      %dma_wait3A_328 = tpu.memref_squeeze %dma_wait3A_327 : memref<1x40x64xi32, #tpu.memory_space<hbm>> -> memref<40x64xi32, #tpu.memory_space<hbm>>
      tpu.wait_dma2 semaphore(%run_scoped3A_316 : memref<!tpu.dma_semaphore, #tpu.memory_space<semaphore_mem>>) src(%dma_wait3A_328 : memref<40x64xi32, #tpu.memory_space<hbm>>) dst(%arg7 : memref<40x64xi32, #tpu.memory_space<vmem>>)
      tpu.yield
    }) : () -> ()
    %run_scoped3A_18 = arith.constant 1 : i32
    "tpu.region"() ({
      %run_scoped3A_316 = tpu.sem_alloc : memref<!tpu.dma_semaphore, #tpu.memory_space<semaphore_mem>>
      %dma_start3A_317 = arith.constant 0 : i32
      %dma_start3A_318 = tpu.memref_slice %arg3[%run_scoped3A_18, %multiple_of3A, %dma_start3A_317] : memref<2x5000x64xi32, #tpu.memory_space<hbm>> -> memref<1x40x64xi32, #tpu.memory_space<hbm>>
      %dma_start3A_319 = tpu.memref_squeeze %dma_start3A_318 : memref<1x40x64xi32, #tpu.memory_space<hbm>> -> memref<40x64xi32, #tpu.memory_space<hbm>>
      %dma_start3A_320 = arith.constant 0 : i32
      %dma_start3A_321 = tpu.memref_slice %arg3[%run_scoped3A_18, %multiple_of3A, %dma_start3A_320] : memref<2x5000x64xi32, #tpu.memory_space<hbm>> -> memref<1x40x64xi32, #tpu.memory_space<hbm>>
      %dma_start3A_322 = tpu.memref_squeeze %dma_start3A_321 : memref<1x40x64xi32, #tpu.memory_space<hbm>> -> memref<40x64xi32, #tpu.memory_space<hbm>>
      tpu.enqueue_dma source(%dma_start3A_322 : memref<40x64xi32, #tpu.memory_space<hbm>>) target(%arg8 : memref<40x64xi32, #tpu.memory_space<vmem>>) target_semaphore(%run_scoped3A_316 : memref<!tpu.dma_semaphore, #tpu.memory_space<semaphore_mem>>)
      %dma_wait3A_323 = arith.constant 0 : i32
      %dma_wait3A_324 = tpu.memref_slice %arg3[%run_scoped3A_18, %multiple_of3A, %dma_wait3A_323] : memref<2x5000x64xi32, #tpu.memory_space<hbm>> -> memref<1x40x64xi32, #tpu.memory_space<hbm>>
      %dma_wait3A_325 = tpu.memref_squeeze %dma_wait3A_324 : memref<1x40x64xi32, #tpu.memory_space<hbm>> -> memref<40x64xi32, #tpu.memory_space<hbm>>
      %dma_wait3A_326 = arith.constant 0 : i32
      %dma_wait3A_327 = tpu.memref_slice %arg3[%run_scoped3A_18, %multiple_of3A, %dma_wait3A_326] : memref<2x5000x64xi32, #tpu.memory_space<hbm>> -> memref<1x40x64xi32, #tpu.memory_space<hbm>>
      %dma_wait3A_328 = tpu.memref_squeeze %dma_wait3A_327 : memref<1x40x64xi32, #tpu.memory_space<hbm>> -> memref<40x64xi32, #tpu.memory_space<hbm>>
      tpu.wait_dma2 semaphore(%run_scoped3A_316 : memref<!tpu.dma_semaphore, #tpu.memory_space<semaphore_mem>>) src(%dma_wait3A_328 : memref<40x64xi32, #tpu.memory_space<hbm>>) dst(%arg8 : memref<40x64xi32, #tpu.memory_space<vmem>>)
      tpu.yield
    }) : () -> ()
    %dma_start3A = arith.constant 0 : i32
    %dma_start3A_19 = arith.constant 0 : i32
    %dma_start3A_20 = tpu.memref_slice %arg7[%dma_start3A, %dma_start3A_19] : memref<40x64xi32, #tpu.memory_space<vmem>> -> memref<1x64xi32, #tpu.memory_space<vmem>>
    %dma_start3A_21 = tpu.memref_squeeze %dma_start3A_20 : memref<1x64xi32, #tpu.memory_space<vmem>> -> memref<64xi32, #tpu.memory_space<vmem>>
    %dma_start3A_22 = arith.constant 0 : i32
    %dma_start3A_23 = arith.constant 0 : i32
    %dma_start3A_24 = tpu.memref_slice %arg2[%dma_start3A_22, %dma_start3A_23] : memref<10000x128xf32, #tpu.memory_space<hbm>> -> memref<10000x128xf32, #tpu.memory_space<hbm>>
    tpu.enqueue_indirect_dma source(%dma_start3A_24 : memref<10000x128xf32, #tpu.memory_space<hbm>>) target(%arg9 : memref<64x128xf32, #tpu.memory_space<vmem>>) offsets(%dma_start3A_21 : memref<64xi32, #tpu.memory_space<vmem>>) semaphore(%arg13 : memref<!tpu.dma_semaphore, #tpu.memory_space<semaphore_mem>>)
    %dma_start3A_25 = arith.constant 1 : i32
    %dma_start3A_26 = arith.constant 0 : i32
    %dma_start3A_27 = tpu.memref_slice %arg7[%dma_start3A_25, %dma_start3A_26] : memref<40x64xi32, #tpu.memory_space<vmem>> -> memref<1x64xi32, #tpu.memory_space<vmem>>
    %dma_start3A_28 = tpu.memref_squeeze %dma_start3A_27 : memref<1x64xi32, #tpu.memory_space<vmem>> -> memref<64xi32, #tpu.memory_space<vmem>>
    %dma_start3A_29 = arith.constant 0 : i32
    %dma_start3A_30 = arith.constant 0 : i32
    %dma_start3A_31 = tpu.memref_slice %arg2[%dma_start3A_29, %dma_start3A_30] : memref<10000x128xf32, #tpu.memory_space<hbm>> -> memref<10000x128xf32, #tpu.memory_space<hbm>>
    tpu.enqueue_indirect_dma source(%dma_start3A_31 : memref<10000x128xf32, #tpu.memory_space<hbm>>) target(%arg10 : memref<64x128xf32, #tpu.memory_space<vmem>>) offsets(%dma_start3A_28 : memref<64xi32, #tpu.memory_space<vmem>>) semaphore(%arg14 : memref<!tpu.dma_semaphore, #tpu.memory_space<semaphore_mem>>)
    %dma_start3A_32 = arith.constant 2 : i32
    %dma_start3A_33 = arith.constant 0 : i32
    %dma_start3A_34 = tpu.memref_slice %arg7[%dma_start3A_32, %dma_start3A_33] : memref<40x64xi32, #tpu.memory_space<vmem>> -> memref<1x64xi32, #tpu.memory_space<vmem>>
    %dma_start3A_35 = tpu.memref_squeeze %dma_start3A_34 : memref<1x64xi32, #tpu.memory_space<vmem>> -> memref<64xi32, #tpu.memory_space<vmem>>
    %dma_start3A_36 = arith.constant 0 : i32
    %dma_start3A_37 = arith.constant 0 : i32
    %dma_start3A_38 = tpu.memref_slice %arg2[%dma_start3A_36, %dma_start3A_37] : memref<10000x128xf32, #tpu.memory_space<hbm>> -> memref<10000x128xf32, #tpu.memory_space<hbm>>
    tpu.enqueue_indirect_dma source(%dma_start3A_38 : memref<10000x128xf32, #tpu.memory_space<hbm>>) target(%arg11 : memref<64x128xf32, #tpu.memory_space<vmem>>) offsets(%dma_start3A_35 : memref<64xi32, #tpu.memory_space<vmem>>) semaphore(%arg15 : memref<!tpu.dma_semaphore, #tpu.memory_space<semaphore_mem>>)
    %scan3A = arith.constant 0 : i32
    %scan3A_39 = arith.constant 0 : i32
    %scan3A_40 = arith.constant 10 : i32
    %scan3A_41 = arith.addi %scan3A_39, %scan3A_40 : i32
    %scan3A_42 = arith.constant 1 : i32
    scf.for %scan3A_316 = %scan3A_39 to %scan3A_41 step %scan3A_42  : i32 {
      %mul3A_317 = arith.constant 4 : i32
      %mul3A_318 = arith.muli %scan3A_316, %mul3A_317 : i32
      %add3A_319 = arith.constant 0 : i32
      %add3A_320 = arith.addi %mul3A_318, %add3A_319 : i32
      %add3A_321 = arith.constant 4 : i32
      %add3A_322 = arith.addi %add3A_320, %add3A_321 : i32
      %sub3A_323 = arith.constant 1 : i32
      %sub3A_324 = arith.subi %add3A_322, %sub3A_323 : i32
      %ge3A = arith.constant 1 : i32
      %ge3A_325 = arith.cmpi sge, %add3A_320, %ge3A : i32
      %lt3A_326 = arith.cmpi slt, %sub3A_324, %min3A_17 : i32
      %and3A = arith.andi %ge3A_325, %lt3A_326 : i1
      %convert_element_type3A = arith.extui %and3A : i1 to i32
      %cond3A = arith.constant 0 : i32
      %cond3A_327 = arith.cmpi ne, %convert_element_type3A, %cond3A : i32
      scf.if %cond3A_327 {
        %sub3A_405 = arith.constant 1 : i32
        %sub3A_406 = arith.subi %add3A_320, %sub3A_405 : i32
        %dma_wait3A_407 = arith.constant 0 : i32
        %dma_wait3A_408 = tpu.memref_slice %arg8[%sub3A_406, %dma_wait3A_407] : memref<40x64xi32, #tpu.memory_space<vmem>> -> memref<1x64xi32, #tpu.memory_space<vmem>>
        %dma_wait3A_409 = tpu.memref_squeeze %dma_wait3A_408 : memref<1x64xi32, #tpu.memory_space<vmem>> -> memref<64xi32, #tpu.memory_space<vmem>>
        %dma_wait3A_410 = arith.constant 0 : i32
        %dma_wait3A_411 = arith.constant 0 : i32
        %dma_wait3A_412 = tpu.memref_slice %arg6[%dma_wait3A_410, %dma_wait3A_411] : memref<10240x128xf32, #tpu.memory_space<vmem_shared>> -> memref<10240x128xf32, #tpu.memory_space<vmem_shared>>
        tpu.wait_indirect_dma semaphore(%arg20 : memref<!tpu.dma_semaphore, #tpu.memory_space<semaphore_mem>>) src(%arg12 : memref<64x128xf32, #tpu.memory_space<vmem>>) dst(%dma_wait3A_412 : memref<10240x128xf32, #tpu.memory_space<vmem_shared>>)
      } else {
      }
      %lt3A_328 = arith.cmpi slt, %sub3A_324, %min3A_17 : i32
      %convert_element_type3A_329 = arith.extui %lt3A_328 : i1 to i32
      %cond3A_330 = arith.constant 0 : i32
      %cond3A_331 = arith.cmpi ne, %convert_element_type3A_329, %cond3A_330 : i32
      scf.if %cond3A_331 {
        %dma_start3A_405 = arith.constant 0 : i32
        %dma_start3A_406 = tpu.memref_slice %arg7[%sub3A_324, %dma_start3A_405] : memref<40x64xi32, #tpu.memory_space<vmem>> -> memref<1x64xi32, #tpu.memory_space<vmem>>
        %dma_start3A_407 = tpu.memref_squeeze %dma_start3A_406 : memref<1x64xi32, #tpu.memory_space<vmem>> -> memref<64xi32, #tpu.memory_space<vmem>>
        %dma_start3A_408 = arith.constant 0 : i32
        %dma_start3A_409 = arith.constant 0 : i32
        %dma_start3A_410 = tpu.memref_slice %arg2[%dma_start3A_408, %dma_start3A_409] : memref<10000x128xf32, #tpu.memory_space<hbm>> -> memref<10000x128xf32, #tpu.memory_space<hbm>>
        tpu.enqueue_indirect_dma source(%dma_start3A_410 : memref<10000x128xf32, #tpu.memory_space<hbm>>) target(%arg12 : memref<64x128xf32, #tpu.memory_space<vmem>>) offsets(%dma_start3A_407 : memref<64xi32, #tpu.memory_space<vmem>>) semaphore(%arg16 : memref<!tpu.dma_semaphore, #tpu.memory_space<semaphore_mem>>)
      } else {
      }
      %lt3A_332 = arith.cmpi slt, %add3A_320, %min3A_17 : i32
      %convert_element_type3A_333 = arith.extui %lt3A_332 : i1 to i32
      %cond3A_334 = arith.constant 0 : i32
      %cond3A_335 = arith.cmpi ne, %convert_element_type3A_333, %cond3A_334 : i32
      scf.if %cond3A_335 {
        %dma_wait3A_405 = arith.constant 0 : i32
        %dma_wait3A_406 = tpu.memref_slice %arg7[%add3A_320, %dma_wait3A_405] : memref<40x64xi32, #tpu.memory_space<vmem>> -> memref<1x64xi32, #tpu.memory_space<vmem>>
        %dma_wait3A_407 = tpu.memref_squeeze %dma_wait3A_406 : memref<1x64xi32, #tpu.memory_space<vmem>> -> memref<64xi32, #tpu.memory_space<vmem>>
        %dma_wait3A_408 = arith.constant 0 : i32
        %dma_wait3A_409 = arith.constant 0 : i32
        %dma_wait3A_410 = tpu.memref_slice %arg2[%dma_wait3A_408, %dma_wait3A_409] : memref<10000x128xf32, #tpu.memory_space<hbm>> -> memref<10000x128xf32, #tpu.memory_space<hbm>>
        tpu.wait_indirect_dma semaphore(%arg13 : memref<!tpu.dma_semaphore, #tpu.memory_space<semaphore_mem>>) src(%dma_wait3A_410 : memref<10000x128xf32, #tpu.memory_space<hbm>>) dst(%arg9 : memref<64x128xf32, #tpu.memory_space<vmem>>)
        %dma_start3A_411 = arith.constant 0 : i32
        %dma_start3A_412 = tpu.memref_slice %arg8[%add3A_320, %dma_start3A_411] : memref<40x64xi32, #tpu.memory_space<vmem>> -> memref<1x64xi32, #tpu.memory_space<vmem>>
        %dma_start3A_413 = tpu.memref_squeeze %dma_start3A_412 : memref<1x64xi32, #tpu.memory_space<vmem>> -> memref<64xi32, #tpu.memory_space<vmem>>
        %dma_start3A_414 = arith.constant 0 : i32
        %dma_start3A_415 = arith.constant 0 : i32
        %dma_start3A_416 = tpu.memref_slice %arg6[%dma_start3A_414, %dma_start3A_415] : memref<10240x128xf32, #tpu.memory_space<vmem_shared>> -> memref<10240x128xf32, #tpu.memory_space<vmem_shared>>
        tpu.enqueue_indirect_dma source(%arg9 : memref<64x128xf32, #tpu.memory_space<vmem>>) target(%dma_start3A_416 : memref<10240x128xf32, #tpu.memory_space<vmem_shared>>) offsets(%dma_start3A_413 : memref<64xi32, #tpu.memory_space<vmem>>) semaphore(%arg17 : memref<!tpu.dma_semaphore, #tpu.memory_space<semaphore_mem>>) {add = true}
      } else {
      }
      %mul3A_336 = arith.constant 4 : i32
      %mul3A_337 = arith.muli %scan3A_316, %mul3A_336 : i32
      %add3A_338 = arith.constant 1 : i32
      %add3A_339 = arith.addi %mul3A_337, %add3A_338 : i32
      %add3A_340 = arith.constant 4 : i32
      %add3A_341 = arith.addi %add3A_339, %add3A_340 : i32
      %sub3A_342 = arith.constant 1 : i32
      %sub3A_343 = arith.subi %add3A_341, %sub3A_342 : i32
      %ge3A_344 = arith.constant 1 : i32
      %ge3A_345 = arith.cmpi sge, %add3A_339, %ge3A_344 : i32
      %lt3A_346 = arith.cmpi slt, %sub3A_343, %min3A_17 : i32
      %and3A_347 = arith.andi %ge3A_345, %lt3A_346 : i1
      %convert_element_type3A_348 = arith.extui %and3A_347 : i1 to i32
      %cond3A_349 = arith.constant 0 : i32
      %cond3A_350 = arith.cmpi ne, %convert_element_type3A_348, %cond3A_349 : i32
      scf.if %cond3A_350 {
        %sub3A_405 = arith.constant 1 : i32
        %sub3A_406 = arith.subi %add3A_339, %sub3A_405 : i32
        %dma_wait3A_407 = arith.constant 0 : i32
        %dma_wait3A_408 = tpu.memref_slice %arg8[%sub3A_406, %dma_wait3A_407] : memref<40x64xi32, #tpu.memory_space<vmem>> -> memref<1x64xi32, #tpu.memory_space<vmem>>
        %dma_wait3A_409 = tpu.memref_squeeze %dma_wait3A_408 : memref<1x64xi32, #tpu.memory_space<vmem>> -> memref<64xi32, #tpu.memory_space<vmem>>
        %dma_wait3A_410 = arith.constant 0 : i32
        %dma_wait3A_411 = arith.constant 0 : i32
        %dma_wait3A_412 = tpu.memref_slice %arg6[%dma_wait3A_410, %dma_wait3A_411] : memref<10240x128xf32, #tpu.memory_space<vmem_shared>> -> memref<10240x128xf32, #tpu.memory_space<vmem_shared>>
        tpu.wait_indirect_dma semaphore(%arg17 : memref<!tpu.dma_semaphore, #tpu.memory_space<semaphore_mem>>) src(%arg9 : memref<64x128xf32, #tpu.memory_space<vmem>>) dst(%dma_wait3A_412 : memref<10240x128xf32, #tpu.memory_space<vmem_shared>>)
      } else {
      }
      %lt3A_351 = arith.cmpi slt, %sub3A_343, %min3A_17 : i32
      %convert_element_type3A_352 = arith.extui %lt3A_351 : i1 to i32
      %cond3A_353 = arith.constant 0 : i32
      %cond3A_354 = arith.cmpi ne, %convert_element_type3A_352, %cond3A_353 : i32
      scf.if %cond3A_354 {
        %dma_start3A_405 = arith.constant 0 : i32
        %dma_start3A_406 = tpu.memref_slice %arg7[%sub3A_343, %dma_start3A_405] : memref<40x64xi32, #tpu.memory_space<vmem>> -> memref<1x64xi32, #tpu.memory_space<vmem>>
        %dma_start3A_407 = tpu.memref_squeeze %dma_start3A_406 : memref<1x64xi32, #tpu.memory_space<vmem>> -> memref<64xi32, #tpu.memory_space<vmem>>
        %dma_start3A_408 = arith.constant 0 : i32
        %dma_start3A_409 = arith.constant 0 : i32
        %dma_start3A_410 = tpu.memref_slice %arg2[%dma_start3A_408, %dma_start3A_409] : memref<10000x128xf32, #tpu.memory_space<hbm>> -> memref<10000x128xf32, #tpu.memory_space<hbm>>
        tpu.enqueue_indirect_dma source(%dma_start3A_410 : memref<10000x128xf32, #tpu.memory_space<hbm>>) target(%arg9 : memref<64x128xf32, #tpu.memory_space<vmem>>) offsets(%dma_start3A_407 : memref<64xi32, #tpu.memory_space<vmem>>) semaphore(%arg13 : memref<!tpu.dma_semaphore, #tpu.memory_space<semaphore_mem>>)
      } else {
      }
      %lt3A_355 = arith.cmpi slt, %add3A_339, %min3A_17 : i32
      %convert_element_type3A_356 = arith.extui %lt3A_355 : i1 to i32
      %cond3A_357 = arith.constant 0 : i32
      %cond3A_358 = arith.cmpi ne, %convert_element_type3A_356, %cond3A_357 : i32
      scf.if %cond3A_358 {
        %dma_wait3A_405 = arith.constant 0 : i32
        %dma_wait3A_406 = tpu.memref_slice %arg7[%add3A_339, %dma_wait3A_405] : memref<40x64xi32, #tpu.memory_space<vmem>> -> memref<1x64xi32, #tpu.memory_space<vmem>>
        %dma_wait3A_407 = tpu.memref_squeeze %dma_wait3A_406 : memref<1x64xi32, #tpu.memory_space<vmem>> -> memref<64xi32, #tpu.memory_space<vmem>>
        %dma_wait3A_408 = arith.constant 0 : i32
        %dma_wait3A_409 = arith.constant 0 : i32
        %dma_wait3A_410 = tpu.memref_slice %arg2[%dma_wait3A_408, %dma_wait3A_409] : memref<10000x128xf32, #tpu.memory_space<hbm>> -> memref<10000x128xf32, #tpu.memory_space<hbm>>
        tpu.wait_indirect_dma semaphore(%arg14 : memref<!tpu.dma_semaphore, #tpu.memory_space<semaphore_mem>>) src(%dma_wait3A_410 : memref<10000x128xf32, #tpu.memory_space<hbm>>) dst(%arg10 : memref<64x128xf32, #tpu.memory_space<vmem>>)
        %dma_start3A_411 = arith.constant 0 : i32
        %dma_start3A_412 = tpu.memref_slice %arg8[%add3A_339, %dma_start3A_411] : memref<40x64xi32, #tpu.memory_space<vmem>> -> memref<1x64xi32, #tpu.memory_space<vmem>>
        %dma_start3A_413 = tpu.memref_squeeze %dma_start3A_412 : memref<1x64xi32, #tpu.memory_space<vmem>> -> memref<64xi32, #tpu.memory_space<vmem>>
        %dma_start3A_414 = arith.constant 0 : i32
        %dma_start3A_415 = arith.constant 0 : i32
        %dma_start3A_416 = tpu.memref_slice %arg6[%dma_start3A_414, %dma_start3A_415] : memref<10240x128xf32, #tpu.memory_space<vmem_shared>> -> memref<10240x128xf32, #tpu.memory_space<vmem_shared>>
        tpu.enqueue_indirect_dma source(%arg10 : memref<64x128xf32, #tpu.memory_space<vmem>>) target(%dma_start3A_416 : memref<10240x128xf32, #tpu.memory_space<vmem_shared>>) offsets(%dma_start3A_413 : memref<64xi32, #tpu.memory_space<vmem>>) semaphore(%arg18 : memref<!tpu.dma_semaphore, #tpu.memory_space<semaphore_mem>>) {add = true}
      } else {
      }
      %mul3A_359 = arith.constant 4 : i32
      %mul3A_360 = arith.muli %scan3A_316, %mul3A_359 : i32
      %add3A_361 = arith.constant 2 : i32
      %add3A_362 = arith.addi %mul3A_360, %add3A_361 : i32
      %add3A_363 = arith.constant 4 : i32
      %add3A_364 = arith.addi %add3A_362, %add3A_363 : i32
      %sub3A_365 = arith.constant 1 : i32
      %sub3A_366 = arith.subi %add3A_364, %sub3A_365 : i32
      %ge3A_367 = arith.constant 1 : i32
      %ge3A_368 = arith.cmpi sge, %add3A_362, %ge3A_367 : i32
      %lt3A_369 = arith.cmpi slt, %sub3A_366, %min3A_17 : i32
      %and3A_370 = arith.andi %ge3A_368, %lt3A_369 : i1
      %convert_element_type3A_371 = arith.extui %and3A_370 : i1 to i32
      %cond3A_372 = arith.constant 0 : i32
      %cond3A_373 = arith.cmpi ne, %convert_element_type3A_371, %cond3A_372 : i32
      scf.if %cond3A_373 {
        %sub3A_405 = arith.constant 1 : i32
        %sub3A_406 = arith.subi %add3A_362, %sub3A_405 : i32
        %dma_wait3A_407 = arith.constant 0 : i32
        %dma_wait3A_408 = tpu.memref_slice %arg8[%sub3A_406, %dma_wait3A_407] : memref<40x64xi32, #tpu.memory_space<vmem>> -> memref<1x64xi32, #tpu.memory_space<vmem>>
        %dma_wait3A_409 = tpu.memref_squeeze %dma_wait3A_408 : memref<1x64xi32, #tpu.memory_space<vmem>> -> memref<64xi32, #tpu.memory_space<vmem>>
        %dma_wait3A_410 = arith.constant 0 : i32
        %dma_wait3A_411 = arith.constant 0 : i32
        %dma_wait3A_412 = tpu.memref_slice %arg6[%dma_wait3A_410, %dma_wait3A_411] : memref<10240x128xf32, #tpu.memory_space<vmem_shared>> -> memref<10240x128xf32, #tpu.memory_space<vmem_shared>>
        tpu.wait_indirect_dma semaphore(%arg18 : memref<!tpu.dma_semaphore, #tpu.memory_space<semaphore_mem>>) src(%arg10 : memref<64x128xf32, #tpu.memory_space<vmem>>) dst(%dma_wait3A_412 : memref<10240x128xf32, #tpu.memory_space<vmem_shared>>)
      } else {
      }
      %lt3A_374 = arith.cmpi slt, %sub3A_366, %min3A_17 : i32
      %convert_element_type3A_375 = arith.extui %lt3A_374 : i1 to i32
      %cond3A_376 = arith.constant 0 : i32
      %cond3A_377 = arith.cmpi ne, %convert_element_type3A_375, %cond3A_376 : i32
      scf.if %cond3A_377 {
        %dma_start3A_405 = arith.constant 0 : i32
        %dma_start3A_406 = tpu.memref_slice %arg7[%sub3A_366, %dma_start3A_405] : memref<40x64xi32, #tpu.memory_space<vmem>> -> memref<1x64xi32, #tpu.memory_space<vmem>>
        %dma_start3A_407 = tpu.memref_squeeze %dma_start3A_406 : memref<1x64xi32, #tpu.memory_space<vmem>> -> memref<64xi32, #tpu.memory_space<vmem>>
        %dma_start3A_408 = arith.constant 0 : i32
        %dma_start3A_409 = arith.constant 0 : i32
        %dma_start3A_410 = tpu.memref_slice %arg2[%dma_start3A_408, %dma_start3A_409] : memref<10000x128xf32, #tpu.memory_space<hbm>> -> memref<10000x128xf32, #tpu.memory_space<hbm>>
        tpu.enqueue_indirect_dma source(%dma_start3A_410 : memref<10000x128xf32, #tpu.memory_space<hbm>>) target(%arg10 : memref<64x128xf32, #tpu.memory_space<vmem>>) offsets(%dma_start3A_407 : memref<64xi32, #tpu.memory_space<vmem>>) semaphore(%arg14 : memref<!tpu.dma_semaphore, #tpu.memory_space<semaphore_mem>>)
      } else {
      }
      %lt3A_378 = arith.cmpi slt, %add3A_362, %min3A_17 : i32
      %convert_element_type3A_379 = arith.extui %lt3A_378 : i1 to i32
      %cond3A_380 = arith.constant 0 : i32
      %cond3A_381 = arith.cmpi ne, %convert_element_type3A_379, %cond3A_380 : i32
      scf.if %cond3A_381 {
        %dma_wait3A_405 = arith.constant 0 : i32
        %dma_wait3A_406 = tpu.memref_slice %arg7[%add3A_362, %dma_wait3A_405] : memref<40x64xi32, #tpu.memory_space<vmem>> -> memref<1x64xi32, #tpu.memory_space<vmem>>
        %dma_wait3A_407 = tpu.memref_squeeze %dma_wait3A_406 : memref<1x64xi32, #tpu.memory_space<vmem>> -> memref<64xi32, #tpu.memory_space<vmem>>
        %dma_wait3A_408 = arith.constant 0 : i32
        %dma_wait3A_409 = arith.constant 0 : i32
        %dma_wait3A_410 = tpu.memref_slice %arg2[%dma_wait3A_408, %dma_wait3A_409] : memref<10000x128xf32, #tpu.memory_space<hbm>> -> memref<10000x128xf32, #tpu.memory_space<hbm>>
        tpu.wait_indirect_dma semaphore(%arg15 : memref<!tpu.dma_semaphore, #tpu.memory_space<semaphore_mem>>) src(%dma_wait3A_410 : memref<10000x128xf32, #tpu.memory_space<hbm>>) dst(%arg11 : memref<64x128xf32, #tpu.memory_space<vmem>>)
        %dma_start3A_411 = arith.constant 0 : i32
        %dma_start3A_412 = tpu.memref_slice %arg8[%add3A_362, %dma_start3A_411] : memref<40x64xi32, #tpu.memory_space<vmem>> -> memref<1x64xi32, #tpu.memory_space<vmem>>
        %dma_start3A_413 = tpu.memref_squeeze %dma_start3A_412 : memref<1x64xi32, #tpu.memory_space<vmem>> -> memref<64xi32, #tpu.memory_space<vmem>>
        %dma_start3A_414 = arith.constant 0 : i32
        %dma_start3A_415 = arith.constant 0 : i32
        %dma_start3A_416 = tpu.memref_slice %arg6[%dma_start3A_414, %dma_start3A_415] : memref<10240x128xf32, #tpu.memory_space<vmem_shared>> -> memref<10240x128xf32, #tpu.memory_space<vmem_shared>>
        tpu.enqueue_indirect_dma source(%arg11 : memref<64x128xf32, #tpu.memory_space<vmem>>) target(%dma_start3A_416 : memref<10240x128xf32, #tpu.memory_space<vmem_shared>>) offsets(%dma_start3A_413 : memref<64xi32, #tpu.memory_space<vmem>>) semaphore(%arg19 : memref<!tpu.dma_semaphore, #tpu.memory_space<semaphore_mem>>) {add = true}
      } else {
      }
      %mul3A_382 = arith.constant 4 : i32
      %mul3A_383 = arith.muli %scan3A_316, %mul3A_382 : i32
      %add3A_384 = arith.constant 3 : i32
      %add3A_385 = arith.addi %mul3A_383, %add3A_384 : i32
      %add3A_386 = arith.constant 4 : i32
      %add3A_387 = arith.addi %add3A_385, %add3A_386 : i32
      %sub3A_388 = arith.constant 1 : i32
      %sub3A_389 = arith.subi %add3A_387, %sub3A_388 : i32
      %ge3A_390 = arith.constant 1 : i32
      %ge3A_391 = arith.cmpi sge, %add3A_385, %ge3A_390 : i32
      %lt3A_392 = arith.cmpi slt, %sub3A_389, %min3A_17 : i32
      %and3A_393 = arith.andi %ge3A_391, %lt3A_392 : i1
      %convert_element_type3A_394 = arith.extui %and3A_393 : i1 to i32
      %cond3A_395 = arith.constant 0 : i32
      %cond3A_396 = arith.cmpi ne, %convert_element_type3A_394, %cond3A_395 : i32
      scf.if %cond3A_396 {
        %sub3A_405 = arith.constant 1 : i32
        %sub3A_406 = arith.subi %add3A_385, %sub3A_405 : i32
        %dma_wait3A_407 = arith.constant 0 : i32
        %dma_wait3A_408 = tpu.memref_slice %arg8[%sub3A_406, %dma_wait3A_407] : memref<40x64xi32, #tpu.memory_space<vmem>> -> memref<1x64xi32, #tpu.memory_space<vmem>>
        %dma_wait3A_409 = tpu.memref_squeeze %dma_wait3A_408 : memref<1x64xi32, #tpu.memory_space<vmem>> -> memref<64xi32, #tpu.memory_space<vmem>>
        %dma_wait3A_410 = arith.constant 0 : i32
        %dma_wait3A_411 = arith.constant 0 : i32
        %dma_wait3A_412 = tpu.memref_slice %arg6[%dma_wait3A_410, %dma_wait3A_411] : memref<10240x128xf32, #tpu.memory_space<vmem_shared>> -> memref<10240x128xf32, #tpu.memory_space<vmem_shared>>
        tpu.wait_indirect_dma semaphore(%arg19 : memref<!tpu.dma_semaphore, #tpu.memory_space<semaphore_mem>>) src(%arg11 : memref<64x128xf32, #tpu.memory_space<vmem>>) dst(%dma_wait3A_412 : memref<10240x128xf32, #tpu.memory_space<vmem_shared>>)
      } else {
      }
      %lt3A_397 = arith.cmpi slt, %sub3A_389, %min3A_17 : i32
      %convert_element_type3A_398 = arith.extui %lt3A_397 : i1 to i32
      %cond3A_399 = arith.constant 0 : i32
      %cond3A_400 = arith.cmpi ne, %convert_element_type3A_398, %cond3A_399 : i32
      scf.if %cond3A_400 {
        %dma_start3A_405 = arith.constant 0 : i32
        %dma_start3A_406 = tpu.memref_slice %arg7[%sub3A_389, %dma_start3A_405] : memref<40x64xi32, #tpu.memory_space<vmem>> -> memref<1x64xi32, #tpu.memory_space<vmem>>
        %dma_start3A_407 = tpu.memref_squeeze %dma_start3A_406 : memref<1x64xi32, #tpu.memory_space<vmem>> -> memref<64xi32, #tpu.memory_space<vmem>>
        %dma_start3A_408 = arith.constant 0 : i32
        %dma_start3A_409 = arith.constant 0 : i32
        %dma_start3A_410 = tpu.memref_slice %arg2[%dma_start3A_408, %dma_start3A_409] : memref<10000x128xf32, #tpu.memory_space<hbm>> -> memref<10000x128xf32, #tpu.memory_space<hbm>>
        tpu.enqueue_indirect_dma source(%dma_start3A_410 : memref<10000x128xf32, #tpu.memory_space<hbm>>) target(%arg11 : memref<64x128xf32, #tpu.memory_space<vmem>>) offsets(%dma_start3A_407 : memref<64xi32, #tpu.memory_space<vmem>>) semaphore(%arg15 : memref<!tpu.dma_semaphore, #tpu.memory_space<semaphore_mem>>)
      } else {
      }
      %lt3A_401 = arith.cmpi slt, %add3A_385, %min3A_17 : i32
      %convert_element_type3A_402 = arith.extui %lt3A_401 : i1 to i32
      %cond3A_403 = arith.constant 0 : i32
      %cond3A_404 = arith.cmpi ne, %convert_element_type3A_402, %cond3A_403 : i32
      scf.if %cond3A_404 {
        %dma_wait3A_405 = arith.constant 0 : i32
        %dma_wait3A_406 = tpu.memref_slice %arg7[%add3A_385, %dma_wait3A_405] : memref<40x64xi32, #tpu.memory_space<vmem>> -> memref<1x64xi32, #tpu.memory_space<vmem>>
        %dma_wait3A_407 = tpu.memref_squeeze %dma_wait3A_406 : memref<1x64xi32, #tpu.memory_space<vmem>> -> memref<64xi32, #tpu.memory_space<vmem>>
        %dma_wait3A_408 = arith.constant 0 : i32
        %dma_wait3A_409 = arith.constant 0 : i32
        %dma_wait3A_410 = tpu.memref_slice %arg2[%dma_wait3A_408, %dma_wait3A_409] : memref<10000x128xf32, #tpu.memory_space<hbm>> -> memref<10000x128xf32, #tpu.memory_space<hbm>>
        tpu.wait_indirect_dma semaphore(%arg16 : memref<!tpu.dma_semaphore, #tpu.memory_space<semaphore_mem>>) src(%dma_wait3A_410 : memref<10000x128xf32, #tpu.memory_space<hbm>>) dst(%arg12 : memref<64x128xf32, #tpu.memory_space<vmem>>)
        %dma_start3A_411 = arith.constant 0 : i32
        %dma_start3A_412 = tpu.memref_slice %arg8[%add3A_385, %dma_start3A_411] : memref<40x64xi32, #tpu.memory_space<vmem>> -> memref<1x64xi32, #tpu.memory_space<vmem>>
        %dma_start3A_413 = tpu.memref_squeeze %dma_start3A_412 : memref<1x64xi32, #tpu.memory_space<vmem>> -> memref<64xi32, #tpu.memory_space<vmem>>
        %dma_start3A_414 = arith.constant 0 : i32
        %dma_start3A_415 = arith.constant 0 : i32
        %dma_start3A_416 = tpu.memref_slice %arg6[%dma_start3A_414, %dma_start3A_415] : memref<10240x128xf32, #tpu.memory_space<vmem_shared>> -> memref<10240x128xf32, #tpu.memory_space<vmem_shared>>
        tpu.enqueue_indirect_dma source(%arg12 : memref<64x128xf32, #tpu.memory_space<vmem>>) target(%dma_start3A_416 : memref<10240x128xf32, #tpu.memory_space<vmem_shared>>) offsets(%dma_start3A_413 : memref<64xi32, #tpu.memory_space<vmem>>) semaphore(%arg20 : memref<!tpu.dma_semaphore, #tpu.memory_space<semaphore_mem>>) {add = true}
      } else {
      }
    }
    %scan3A_43 = arith.constant 10 : i32
    %sub3A_44 = arith.constant 4 : i32
    %sub3A_45 = arith.subi %min3A_17, %sub3A_44 : i32
    %add3A_46 = arith.constant 0 : i32
    %add3A_47 = arith.addi %sub3A_45, %add3A_46 : i32
    %dma_wait3A = arith.constant 0 : i32
    %dma_wait3A_48 = tpu.memref_slice %arg8[%add3A_47, %dma_wait3A] : memref<40x64xi32, #tpu.memory_space<vmem>> -> memref<1x64xi32, #tpu.memory_space<vmem>>
    %dma_wait3A_49 = tpu.memref_squeeze %dma_wait3A_48 : memref<1x64xi32, #tpu.memory_space<vmem>> -> memref<64xi32, #tpu.memory_space<vmem>>
    %dma_wait3A_50 = arith.constant 0 : i32
    %dma_wait3A_51 = arith.constant 0 : i32
    %dma_wait3A_52 = tpu.memref_slice %arg6[%dma_wait3A_50, %dma_wait3A_51] : memref<10240x128xf32, #tpu.memory_space<vmem_shared>> -> memref<10240x128xf32, #tpu.memory_space<vmem_shared>>
    tpu.wait_indirect_dma semaphore(%arg17 : memref<!tpu.dma_semaphore, #tpu.memory_space<semaphore_mem>>) src(%arg9 : memref<64x128xf32, #tpu.memory_space<vmem>>) dst(%dma_wait3A_52 : memref<10240x128xf32, #tpu.memory_space<vmem_shared>>)
    %sub3A_53 = arith.constant 4 : i32
    %sub3A_54 = arith.subi %min3A_17, %sub3A_53 : i32
    %add3A_55 = arith.constant 1 : i32
    %add3A_56 = arith.addi %sub3A_54, %add3A_55 : i32
    %dma_wait3A_57 = arith.constant 0 : i32
    %dma_wait3A_58 = tpu.memref_slice %arg8[%add3A_56, %dma_wait3A_57] : memref<40x64xi32, #tpu.memory_space<vmem>> -> memref<1x64xi32, #tpu.memory_space<vmem>>
    %dma_wait3A_59 = tpu.memref_squeeze %dma_wait3A_58 : memref<1x64xi32, #tpu.memory_space<vmem>> -> memref<64xi32, #tpu.memory_space<vmem>>
    %dma_wait3A_60 = arith.constant 0 : i32
    %dma_wait3A_61 = arith.constant 0 : i32
    %dma_wait3A_62 = tpu.memref_slice %arg6[%dma_wait3A_60, %dma_wait3A_61] : memref<10240x128xf32, #tpu.memory_space<vmem_shared>> -> memref<10240x128xf32, #tpu.memory_space<vmem_shared>>
    tpu.wait_indirect_dma semaphore(%arg18 : memref<!tpu.dma_semaphore, #tpu.memory_space<semaphore_mem>>) src(%arg10 : memref<64x128xf32, #tpu.memory_space<vmem>>) dst(%dma_wait3A_62 : memref<10240x128xf32, #tpu.memory_space<vmem_shared>>)
    %sub3A_63 = arith.constant 4 : i32
    %sub3A_64 = arith.subi %min3A_17, %sub3A_63 : i32
    %add3A_65 = arith.constant 2 : i32
    %add3A_66 = arith.addi %sub3A_64, %add3A_65 : i32
    %dma_wait3A_67 = arith.constant 0 : i32
    %dma_wait3A_68 = tpu.memref_slice %arg8[%add3A_66, %dma_wait3A_67] : memref<40x64xi32, #tpu.memory_space<vmem>> -> memref<1x64xi32, #tpu.memory_space<vmem>>
    %dma_wait3A_69 = tpu.memref_squeeze %dma_wait3A_68 : memref<1x64xi32, #tpu.memory_space<vmem>> -> memref<64xi32, #tpu.memory_space<vmem>>
    %dma_wait3A_70 = arith.constant 0 : i32
    %dma_wait3A_71 = arith.constant 0 : i32
    %dma_wait3A_72 = tpu.memref_slice %arg6[%dma_wait3A_70, %dma_wait3A_71] : memref<10240x128xf32, #tpu.memory_space<vmem_shared>> -> memref<10240x128xf32, #tpu.memory_space<vmem_shared>>
    tpu.wait_indirect_dma semaphore(%arg19 : memref<!tpu.dma_semaphore, #tpu.memory_space<semaphore_mem>>) src(%arg11 : memref<64x128xf32, #tpu.memory_space<vmem>>) dst(%dma_wait3A_72 : memref<10240x128xf32, #tpu.memory_space<vmem_shared>>)
    %sub3A_73 = arith.constant 4 : i32
    %sub3A_74 = arith.subi %min3A_17, %sub3A_73 : i32
    %add3A_75 = arith.constant 3 : i32
    %add3A_76 = arith.addi %sub3A_74, %add3A_75 : i32
    %dma_wait3A_77 = arith.constant 0 : i32
    %dma_wait3A_78 = tpu.memref_slice %arg8[%add3A_76, %dma_wait3A_77] : memref<40x64xi32, #tpu.memory_space<vmem>> -> memref<1x64xi32, #tpu.memory_space<vmem>>
    %dma_wait3A_79 = tpu.memref_squeeze %dma_wait3A_78 : memref<1x64xi32, #tpu.memory_space<vmem>> -> memref<64xi32, #tpu.memory_space<vmem>>
    %dma_wait3A_80 = arith.constant 0 : i32
    %dma_wait3A_81 = arith.constant 0 : i32
    %dma_wait3A_82 = tpu.memref_slice %arg6[%dma_wait3A_80, %dma_wait3A_81] : memref<10240x128xf32, #tpu.memory_space<vmem_shared>> -> memref<10240x128xf32, #tpu.memory_space<vmem_shared>>
    tpu.wait_indirect_dma semaphore(%arg20 : memref<!tpu.dma_semaphore, #tpu.memory_space<semaphore_mem>>) src(%arg12 : memref<64x128xf32, #tpu.memory_space<vmem>>) dst(%dma_wait3A_82 : memref<10240x128xf32, #tpu.memory_space<vmem_shared>>)
    %add3A_83 = arith.constant 40 : i32
    %add3A_84 = arith.addi %add3A_8, %add3A_83 : i32
    %multiple_of3A_85 = tpu.assume_multiple %add3A_84, 8 : i32
    %sub3A_86 = arith.constant 40 : i32
    %sub3A_87 = arith.subi %select_n3A, %sub3A_86 : i32
    %min3A_88 = arith.constant 40 : i32
    %min3A_89 = arith.minsi %min3A_88, %sub3A_87 : i32
    %run_scoped3A_90 = arith.constant 0 : i32
    "tpu.region"() ({
      %run_scoped3A_316 = tpu.sem_alloc : memref<!tpu.dma_semaphore, #tpu.memory_space<semaphore_mem>>
      %dma_start3A_317 = arith.constant 0 : i32
      %dma_start3A_318 = tpu.memref_slice %arg3[%run_scoped3A_90, %multiple_of3A_85, %dma_start3A_317] : memref<2x5000x64xi32, #tpu.memory_space<hbm>> -> memref<1x40x64xi32, #tpu.memory_space<hbm>>
      %dma_start3A_319 = tpu.memref_squeeze %dma_start3A_318 : memref<1x40x64xi32, #tpu.memory_space<hbm>> -> memref<40x64xi32, #tpu.memory_space<hbm>>
      %dma_start3A_320 = arith.constant 0 : i32
      %dma_start3A_321 = tpu.memref_slice %arg3[%run_scoped3A_90, %multiple_of3A_85, %dma_start3A_320] : memref<2x5000x64xi32, #tpu.memory_space<hbm>> -> memref<1x40x64xi32, #tpu.memory_space<hbm>>
      %dma_start3A_322 = tpu.memref_squeeze %dma_start3A_321 : memref<1x40x64xi32, #tpu.memory_space<hbm>> -> memref<40x64xi32, #tpu.memory_space<hbm>>
      tpu.enqueue_dma source(%dma_start3A_322 : memref<40x64xi32, #tpu.memory_space<hbm>>) target(%arg7 : memref<40x64xi32, #tpu.memory_space<vmem>>) target_semaphore(%run_scoped3A_316 : memref<!tpu.dma_semaphore, #tpu.memory_space<semaphore_mem>>)
      %dma_wait3A_323 = arith.constant 0 : i32
      %dma_wait3A_324 = tpu.memref_slice %arg3[%run_scoped3A_90, %multiple_of3A_85, %dma_wait3A_323] : memref<2x5000x64xi32, #tpu.memory_space<hbm>> -> memref<1x40x64xi32, #tpu.memory_space<hbm>>
      %dma_wait3A_325 = tpu.memref_squeeze %dma_wait3A_324 : memref<1x40x64xi32, #tpu.memory_space<hbm>> -> memref<40x64xi32, #tpu.memory_space<hbm>>
      %dma_wait3A_326 = arith.constant 0 : i32
      %dma_wait3A_327 = tpu.memref_slice %arg3[%run_scoped3A_90, %multiple_of3A_85, %dma_wait3A_326] : memref<2x5000x64xi32, #tpu.memory_space<hbm>> -> memref<1x40x64xi32, #tpu.memory_space<hbm>>
      %dma_wait3A_328 = tpu.memref_squeeze %dma_wait3A_327 : memref<1x40x64xi32, #tpu.memory_space<hbm>> -> memref<40x64xi32, #tpu.memory_space<hbm>>
      tpu.wait_dma2 semaphore(%run_scoped3A_316 : memref<!tpu.dma_semaphore, #tpu.memory_space<semaphore_mem>>) src(%dma_wait3A_328 : memref<40x64xi32, #tpu.memory_space<hbm>>) dst(%arg7 : memref<40x64xi32, #tpu.memory_space<vmem>>)
      tpu.yield
    }) : () -> ()
    %run_scoped3A_91 = arith.constant 1 : i32
    "tpu.region"() ({
      %run_scoped3A_316 = tpu.sem_alloc : memref<!tpu.dma_semaphore, #tpu.memory_space<semaphore_mem>>
      %dma_start3A_317 = arith.constant 0 : i32
      %dma_start3A_318 = tpu.memref_slice %arg3[%run_scoped3A_91, %multiple_of3A_85, %dma_start3A_317] : memref<2x5000x64xi32, #tpu.memory_space<hbm>> -> memref<1x40x64xi32, #tpu.memory_space<hbm>>
      %dma_start3A_319 = tpu.memref_squeeze %dma_start3A_318 : memref<1x40x64xi32, #tpu.memory_space<hbm>> -> memref<40x64xi32, #tpu.memory_space<hbm>>
      %dma_start3A_320 = arith.constant 0 : i32
      %dma_start3A_321 = tpu.memref_slice %arg3[%run_scoped3A_91, %multiple_of3A_85, %dma_start3A_320] : memref<2x5000x64xi32, #tpu.memory_space<hbm>> -> memref<1x40x64xi32, #tpu.memory_space<hbm>>
      %dma_start3A_322 = tpu.memref_squeeze %dma_start3A_321 : memref<1x40x64xi32, #tpu.memory_space<hbm>> -> memref<40x64xi32, #tpu.memory_space<hbm>>
      tpu.enqueue_dma source(%dma_start3A_322 : memref<40x64xi32, #tpu.memory_space<hbm>>) target(%arg8 : memref<40x64xi32, #tpu.memory_space<vmem>>) target_semaphore(%run_scoped3A_316 : memref<!tpu.dma_semaphore, #tpu.memory_space<semaphore_mem>>)
      %dma_wait3A_323 = arith.constant 0 : i32
      %dma_wait3A_324 = tpu.memref_slice %arg3[%run_scoped3A_91, %multiple_of3A_85, %dma_wait3A_323] : memref<2x5000x64xi32, #tpu.memory_space<hbm>> -> memref<1x40x64xi32, #tpu.memory_space<hbm>>
      %dma_wait3A_325 = tpu.memref_squeeze %dma_wait3A_324 : memref<1x40x64xi32, #tpu.memory_space<hbm>> -> memref<40x64xi32, #tpu.memory_space<hbm>>
      %dma_wait3A_326 = arith.constant 0 : i32
      %dma_wait3A_327 = tpu.memref_slice %arg3[%run_scoped3A_91, %multiple_of3A_85, %dma_wait3A_326] : memref<2x5000x64xi32, #tpu.memory_space<hbm>> -> memref<1x40x64xi32, #tpu.memory_space<hbm>>
      %dma_wait3A_328 = tpu.memref_squeeze %dma_wait3A_327 : memref<1x40x64xi32, #tpu.memory_space<hbm>> -> memref<40x64xi32, #tpu.memory_space<hbm>>
      tpu.wait_dma2 semaphore(%run_scoped3A_316 : memref<!tpu.dma_semaphore, #tpu.memory_space<semaphore_mem>>) src(%dma_wait3A_328 : memref<40x64xi32, #tpu.memory_space<hbm>>) dst(%arg8 : memref<40x64xi32, #tpu.memory_space<vmem>>)
      tpu.yield
    }) : () -> ()
    %dma_start3A_92 = arith.constant 0 : i32
    %dma_start3A_93 = arith.constant 0 : i32
    %dma_start3A_94 = tpu.memref_slice %arg7[%dma_start3A_92, %dma_start3A_93] : memref<40x64xi32, #tpu.memory_space<vmem>> -> memref<1x64xi32, #tpu.memory_space<vmem>>
    %dma_start3A_95 = tpu.memref_squeeze %dma_start3A_94 : memref<1x64xi32, #tpu.memory_space<vmem>> -> memref<64xi32, #tpu.memory_space<vmem>>
    %dma_start3A_96 = arith.constant 0 : i32
    %dma_start3A_97 = arith.constant 0 : i32
    %dma_start3A_98 = tpu.memref_slice %arg2[%dma_start3A_96, %dma_start3A_97] : memref<10000x128xf32, #tpu.memory_space<hbm>> -> memref<10000x128xf32, #tpu.memory_space<hbm>>
    tpu.enqueue_indirect_dma source(%dma_start3A_98 : memref<10000x128xf32, #tpu.memory_space<hbm>>) target(%arg9 : memref<64x128xf32, #tpu.memory_space<vmem>>) offsets(%dma_start3A_95 : memref<64xi32, #tpu.memory_space<vmem>>) semaphore(%arg13 : memref<!tpu.dma_semaphore, #tpu.memory_space<semaphore_mem>>)
    %dma_start3A_99 = arith.constant 1 : i32
    %dma_start3A_100 = arith.constant 0 : i32
    %dma_start3A_101 = tpu.memref_slice %arg7[%dma_start3A_99, %dma_start3A_100] : memref<40x64xi32, #tpu.memory_space<vmem>> -> memref<1x64xi32, #tpu.memory_space<vmem>>
    %dma_start3A_102 = tpu.memref_squeeze %dma_start3A_101 : memref<1x64xi32, #tpu.memory_space<vmem>> -> memref<64xi32, #tpu.memory_space<vmem>>
    %dma_start3A_103 = arith.constant 0 : i32
    %dma_start3A_104 = arith.constant 0 : i32
    %dma_start3A_105 = tpu.memref_slice %arg2[%dma_start3A_103, %dma_start3A_104] : memref<10000x128xf32, #tpu.memory_space<hbm>> -> memref<10000x128xf32, #tpu.memory_space<hbm>>
    tpu.enqueue_indirect_dma source(%dma_start3A_105 : memref<10000x128xf32, #tpu.memory_space<hbm>>) target(%arg10 : memref<64x128xf32, #tpu.memory_space<vmem>>) offsets(%dma_start3A_102 : memref<64xi32, #tpu.memory_space<vmem>>) semaphore(%arg14 : memref<!tpu.dma_semaphore, #tpu.memory_space<semaphore_mem>>)
    %dma_start3A_106 = arith.constant 2 : i32
    %dma_start3A_107 = arith.constant 0 : i32
    %dma_start3A_108 = tpu.memref_slice %arg7[%dma_start3A_106, %dma_start3A_107] : memref<40x64xi32, #tpu.memory_space<vmem>> -> memref<1x64xi32, #tpu.memory_space<vmem>>
    %dma_start3A_109 = tpu.memref_squeeze %dma_start3A_108 : memref<1x64xi32, #tpu.memory_space<vmem>> -> memref<64xi32, #tpu.memory_space<vmem>>
    %dma_start3A_110 = arith.constant 0 : i32
    %dma_start3A_111 = arith.constant 0 : i32
    %dma_start3A_112 = tpu.memref_slice %arg2[%dma_start3A_110, %dma_start3A_111] : memref<10000x128xf32, #tpu.memory_space<hbm>> -> memref<10000x128xf32, #tpu.memory_space<hbm>>
    tpu.enqueue_indirect_dma source(%dma_start3A_112 : memref<10000x128xf32, #tpu.memory_space<hbm>>) target(%arg11 : memref<64x128xf32, #tpu.memory_space<vmem>>) offsets(%dma_start3A_109 : memref<64xi32, #tpu.memory_space<vmem>>) semaphore(%arg15 : memref<!tpu.dma_semaphore, #tpu.memory_space<semaphore_mem>>)
    %scan3A_113 = arith.constant 0 : i32
    %scan3A_114 = arith.constant 0 : i32
    %scan3A_115 = arith.constant 10 : i32
    %scan3A_116 = arith.addi %scan3A_114, %scan3A_115 : i32
    %scan3A_117 = arith.constant 1 : i32
    scf.for %scan3A_316 = %scan3A_114 to %scan3A_116 step %scan3A_117  : i32 {
      %mul3A_317 = arith.constant 4 : i32
      %mul3A_318 = arith.muli %scan3A_316, %mul3A_317 : i32
      %add3A_319 = arith.constant 0 : i32
      %add3A_320 = arith.addi %mul3A_318, %add3A_319 : i32
      %add3A_321 = arith.constant 4 : i32
      %add3A_322 = arith.addi %add3A_320, %add3A_321 : i32
      %sub3A_323 = arith.constant 1 : i32
      %sub3A_324 = arith.subi %add3A_322, %sub3A_323 : i32
      %ge3A = arith.constant 1 : i32
      %ge3A_325 = arith.cmpi sge, %add3A_320, %ge3A : i32
      %lt3A_326 = arith.cmpi slt, %sub3A_324, %min3A_89 : i32
      %and3A = arith.andi %ge3A_325, %lt3A_326 : i1
      %convert_element_type3A = arith.extui %and3A : i1 to i32
      %cond3A = arith.constant 0 : i32
      %cond3A_327 = arith.cmpi ne, %convert_element_type3A, %cond3A : i32
      scf.if %cond3A_327 {
        %sub3A_405 = arith.constant 1 : i32
        %sub3A_406 = arith.subi %add3A_320, %sub3A_405 : i32
        %dma_wait3A_407 = arith.constant 0 : i32
        %dma_wait3A_408 = tpu.memref_slice %arg8[%sub3A_406, %dma_wait3A_407] : memref<40x64xi32, #tpu.memory_space<vmem>> -> memref<1x64xi32, #tpu.memory_space<vmem>>
        %dma_wait3A_409 = tpu.memref_squeeze %dma_wait3A_408 : memref<1x64xi32, #tpu.memory_space<vmem>> -> memref<64xi32, #tpu.memory_space<vmem>>
        %dma_wait3A_410 = arith.constant 0 : i32
        %dma_wait3A_411 = arith.constant 0 : i32
        %dma_wait3A_412 = tpu.memref_slice %arg6[%dma_wait3A_410, %dma_wait3A_411] : memref<10240x128xf32, #tpu.memory_space<vmem_shared>> -> memref<10240x128xf32, #tpu.memory_space<vmem_shared>>
        tpu.wait_indirect_dma semaphore(%arg20 : memref<!tpu.dma_semaphore, #tpu.memory_space<semaphore_mem>>) src(%arg12 : memref<64x128xf32, #tpu.memory_space<vmem>>) dst(%dma_wait3A_412 : memref<10240x128xf32, #tpu.memory_space<vmem_shared>>)
      } else {
      }
      %lt3A_328 = arith.cmpi slt, %sub3A_324, %min3A_89 : i32
      %convert_element_type3A_329 = arith.extui %lt3A_328 : i1 to i32
      %cond3A_330 = arith.constant 0 : i32
      %cond3A_331 = arith.cmpi ne, %convert_element_type3A_329, %cond3A_330 : i32
      scf.if %cond3A_331 {
        %dma_start3A_405 = arith.constant 0 : i32
        %dma_start3A_406 = tpu.memref_slice %arg7[%sub3A_324, %dma_start3A_405] : memref<40x64xi32, #tpu.memory_space<vmem>> -> memref<1x64xi32, #tpu.memory_space<vmem>>
        %dma_start3A_407 = tpu.memref_squeeze %dma_start3A_406 : memref<1x64xi32, #tpu.memory_space<vmem>> -> memref<64xi32, #tpu.memory_space<vmem>>
        %dma_start3A_408 = arith.constant 0 : i32
        %dma_start3A_409 = arith.constant 0 : i32
        %dma_start3A_410 = tpu.memref_slice %arg2[%dma_start3A_408, %dma_start3A_409] : memref<10000x128xf32, #tpu.memory_space<hbm>> -> memref<10000x128xf32, #tpu.memory_space<hbm>>
        tpu.enqueue_indirect_dma source(%dma_start3A_410 : memref<10000x128xf32, #tpu.memory_space<hbm>>) target(%arg12 : memref<64x128xf32, #tpu.memory_space<vmem>>) offsets(%dma_start3A_407 : memref<64xi32, #tpu.memory_space<vmem>>) semaphore(%arg16 : memref<!tpu.dma_semaphore, #tpu.memory_space<semaphore_mem>>)
      } else {
      }
      %lt3A_332 = arith.cmpi slt, %add3A_320, %min3A_89 : i32
      %convert_element_type3A_333 = arith.extui %lt3A_332 : i1 to i32
      %cond3A_334 = arith.constant 0 : i32
      %cond3A_335 = arith.cmpi ne, %convert_element_type3A_333, %cond3A_334 : i32
      scf.if %cond3A_335 {
        %dma_wait3A_405 = arith.constant 0 : i32
        %dma_wait3A_406 = tpu.memref_slice %arg7[%add3A_320, %dma_wait3A_405] : memref<40x64xi32, #tpu.memory_space<vmem>> -> memref<1x64xi32, #tpu.memory_space<vmem>>
        %dma_wait3A_407 = tpu.memref_squeeze %dma_wait3A_406 : memref<1x64xi32, #tpu.memory_space<vmem>> -> memref<64xi32, #tpu.memory_space<vmem>>
        %dma_wait3A_408 = arith.constant 0 : i32
        %dma_wait3A_409 = arith.constant 0 : i32
        %dma_wait3A_410 = tpu.memref_slice %arg2[%dma_wait3A_408, %dma_wait3A_409] : memref<10000x128xf32, #tpu.memory_space<hbm>> -> memref<10000x128xf32, #tpu.memory_space<hbm>>
        tpu.wait_indirect_dma semaphore(%arg13 : memref<!tpu.dma_semaphore, #tpu.memory_space<semaphore_mem>>) src(%dma_wait3A_410 : memref<10000x128xf32, #tpu.memory_space<hbm>>) dst(%arg9 : memref<64x128xf32, #tpu.memory_space<vmem>>)
        %dma_start3A_411 = arith.constant 0 : i32
        %dma_start3A_412 = tpu.memref_slice %arg8[%add3A_320, %dma_start3A_411] : memref<40x64xi32, #tpu.memory_space<vmem>> -> memref<1x64xi32, #tpu.memory_space<vmem>>
        %dma_start3A_413 = tpu.memref_squeeze %dma_start3A_412 : memref<1x64xi32, #tpu.memory_space<vmem>> -> memref<64xi32, #tpu.memory_space<vmem>>
        %dma_start3A_414 = arith.constant 0 : i32
        %dma_start3A_415 = arith.constant 0 : i32
        %dma_start3A_416 = tpu.memref_slice %arg6[%dma_start3A_414, %dma_start3A_415] : memref<10240x128xf32, #tpu.memory_space<vmem_shared>> -> memref<10240x128xf32, #tpu.memory_space<vmem_shared>>
        tpu.enqueue_indirect_dma source(%arg9 : memref<64x128xf32, #tpu.memory_space<vmem>>) target(%dma_start3A_416 : memref<10240x128xf32, #tpu.memory_space<vmem_shared>>) offsets(%dma_start3A_413 : memref<64xi32, #tpu.memory_space<vmem>>) semaphore(%arg17 : memref<!tpu.dma_semaphore, #tpu.memory_space<semaphore_mem>>) {add = true}
      } else {
      }
      %mul3A_336 = arith.constant 4 : i32
      %mul3A_337 = arith.muli %scan3A_316, %mul3A_336 : i32
      %add3A_338 = arith.constant 1 : i32
      %add3A_339 = arith.addi %mul3A_337, %add3A_338 : i32
      %add3A_340 = arith.constant 4 : i32
      %add3A_341 = arith.addi %add3A_339, %add3A_340 : i32
      %sub3A_342 = arith.constant 1 : i32
      %sub3A_343 = arith.subi %add3A_341, %sub3A_342 : i32
      %ge3A_344 = arith.constant 1 : i32
      %ge3A_345 = arith.cmpi sge, %add3A_339, %ge3A_344 : i32
      %lt3A_346 = arith.cmpi slt, %sub3A_343, %min3A_89 : i32
      %and3A_347 = arith.andi %ge3A_345, %lt3A_346 : i1
      %convert_element_type3A_348 = arith.extui %and3A_347 : i1 to i32
      %cond3A_349 = arith.constant 0 : i32
      %cond3A_350 = arith.cmpi ne, %convert_element_type3A_348, %cond3A_349 : i32
      scf.if %cond3A_350 {
        %sub3A_405 = arith.constant 1 : i32
        %sub3A_406 = arith.subi %add3A_339, %sub3A_405 : i32
        %dma_wait3A_407 = arith.constant 0 : i32
        %dma_wait3A_408 = tpu.memref_slice %arg8[%sub3A_406, %dma_wait3A_407] : memref<40x64xi32, #tpu.memory_space<vmem>> -> memref<1x64xi32, #tpu.memory_space<vmem>>
        %dma_wait3A_409 = tpu.memref_squeeze %dma_wait3A_408 : memref<1x64xi32, #tpu.memory_space<vmem>> -> memref<64xi32, #tpu.memory_space<vmem>>
        %dma_wait3A_410 = arith.constant 0 : i32
        %dma_wait3A_411 = arith.constant 0 : i32
        %dma_wait3A_412 = tpu.memref_slice %arg6[%dma_wait3A_410, %dma_wait3A_411] : memref<10240x128xf32, #tpu.memory_space<vmem_shared>> -> memref<10240x128xf32, #tpu.memory_space<vmem_shared>>
        tpu.wait_indirect_dma semaphore(%arg17 : memref<!tpu.dma_semaphore, #tpu.memory_space<semaphore_mem>>) src(%arg9 : memref<64x128xf32, #tpu.memory_space<vmem>>) dst(%dma_wait3A_412 : memref<10240x128xf32, #tpu.memory_space<vmem_shared>>)
      } else {
      }
      %lt3A_351 = arith.cmpi slt, %sub3A_343, %min3A_89 : i32
      %convert_element_type3A_352 = arith.extui %lt3A_351 : i1 to i32
      %cond3A_353 = arith.constant 0 : i32
      %cond3A_354 = arith.cmpi ne, %convert_element_type3A_352, %cond3A_353 : i32
      scf.if %cond3A_354 {
        %dma_start3A_405 = arith.constant 0 : i32
        %dma_start3A_406 = tpu.memref_slice %arg7[%sub3A_343, %dma_start3A_405] : memref<40x64xi32, #tpu.memory_space<vmem>> -> memref<1x64xi32, #tpu.memory_space<vmem>>
        %dma_start3A_407 = tpu.memref_squeeze %dma_start3A_406 : memref<1x64xi32, #tpu.memory_space<vmem>> -> memref<64xi32, #tpu.memory_space<vmem>>
        %dma_start3A_408 = arith.constant 0 : i32
        %dma_start3A_409 = arith.constant 0 : i32
        %dma_start3A_410 = tpu.memref_slice %arg2[%dma_start3A_408, %dma_start3A_409] : memref<10000x128xf32, #tpu.memory_space<hbm>> -> memref<10000x128xf32, #tpu.memory_space<hbm>>
        tpu.enqueue_indirect_dma source(%dma_start3A_410 : memref<10000x128xf32, #tpu.memory_space<hbm>>) target(%arg9 : memref<64x128xf32, #tpu.memory_space<vmem>>) offsets(%dma_start3A_407 : memref<64xi32, #tpu.memory_space<vmem>>) semaphore(%arg13 : memref<!tpu.dma_semaphore, #tpu.memory_space<semaphore_mem>>)
      } else {
      }
      %lt3A_355 = arith.cmpi slt, %add3A_339, %min3A_89 : i32
      %convert_element_type3A_356 = arith.extui %lt3A_355 : i1 to i32
      %cond3A_357 = arith.constant 0 : i32
      %cond3A_358 = arith.cmpi ne, %convert_element_type3A_356, %cond3A_357 : i32
      scf.if %cond3A_358 {
        %dma_wait3A_405 = arith.constant 0 : i32
        %dma_wait3A_406 = tpu.memref_slice %arg7[%add3A_339, %dma_wait3A_405] : memref<40x64xi32, #tpu.memory_space<vmem>> -> memref<1x64xi32, #tpu.memory_space<vmem>>
        %dma_wait3A_407 = tpu.memref_squeeze %dma_wait3A_406 : memref<1x64xi32, #tpu.memory_space<vmem>> -> memref<64xi32, #tpu.memory_space<vmem>>
        %dma_wait3A_408 = arith.constant 0 : i32
        %dma_wait3A_409 = arith.constant 0 : i32
        %dma_wait3A_410 = tpu.memref_slice %arg2[%dma_wait3A_408, %dma_wait3A_409] : memref<10000x128xf32, #tpu.memory_space<hbm>> -> memref<10000x128xf32, #tpu.memory_space<hbm>>
        tpu.wait_indirect_dma semaphore(%arg14 : memref<!tpu.dma_semaphore, #tpu.memory_space<semaphore_mem>>) src(%dma_wait3A_410 : memref<10000x128xf32, #tpu.memory_space<hbm>>) dst(%arg10 : memref<64x128xf32, #tpu.memory_space<vmem>>)
        %dma_start3A_411 = arith.constant 0 : i32
        %dma_start3A_412 = tpu.memref_slice %arg8[%add3A_339, %dma_start3A_411] : memref<40x64xi32, #tpu.memory_space<vmem>> -> memref<1x64xi32, #tpu.memory_space<vmem>>
        %dma_start3A_413 = tpu.memref_squeeze %dma_start3A_412 : memref<1x64xi32, #tpu.memory_space<vmem>> -> memref<64xi32, #tpu.memory_space<vmem>>
        %dma_start3A_414 = arith.constant 0 : i32
        %dma_start3A_415 = arith.constant 0 : i32
        %dma_start3A_416 = tpu.memref_slice %arg6[%dma_start3A_414, %dma_start3A_415] : memref<10240x128xf32, #tpu.memory_space<vmem_shared>> -> memref<10240x128xf32, #tpu.memory_space<vmem_shared>>
        tpu.enqueue_indirect_dma source(%arg10 : memref<64x128xf32, #tpu.memory_space<vmem>>) target(%dma_start3A_416 : memref<10240x128xf32, #tpu.memory_space<vmem_shared>>) offsets(%dma_start3A_413 : memref<64xi32, #tpu.memory_space<vmem>>) semaphore(%arg18 : memref<!tpu.dma_semaphore, #tpu.memory_space<semaphore_mem>>) {add = true}
      } else {
      }
      %mul3A_359 = arith.constant 4 : i32
      %mul3A_360 = arith.muli %scan3A_316, %mul3A_359 : i32
      %add3A_361 = arith.constant 2 : i32
      %add3A_362 = arith.addi %mul3A_360, %add3A_361 : i32
      %add3A_363 = arith.constant 4 : i32
      %add3A_364 = arith.addi %add3A_362, %add3A_363 : i32
      %sub3A_365 = arith.constant 1 : i32
      %sub3A_366 = arith.subi %add3A_364, %sub3A_365 : i32
      %ge3A_367 = arith.constant 1 : i32
      %ge3A_368 = arith.cmpi sge, %add3A_362, %ge3A_367 : i32
      %lt3A_369 = arith.cmpi slt, %sub3A_366, %min3A_89 : i32
      %and3A_370 = arith.andi %ge3A_368, %lt3A_369 : i1
      %convert_element_type3A_371 = arith.extui %and3A_370 : i1 to i32
      %cond3A_372 = arith.constant 0 : i32
      %cond3A_373 = arith.cmpi ne, %convert_element_type3A_371, %cond3A_372 : i32
      scf.if %cond3A_373 {
        %sub3A_405 = arith.constant 1 : i32
        %sub3A_406 = arith.subi %add3A_362, %sub3A_405 : i32
        %dma_wait3A_407 = arith.constant 0 : i32
        %dma_wait3A_408 = tpu.memref_slice %arg8[%sub3A_406, %dma_wait3A_407] : memref<40x64xi32, #tpu.memory_space<vmem>> -> memref<1x64xi32, #tpu.memory_space<vmem>>
        %dma_wait3A_409 = tpu.memref_squeeze %dma_wait3A_408 : memref<1x64xi32, #tpu.memory_space<vmem>> -> memref<64xi32, #tpu.memory_space<vmem>>
        %dma_wait3A_410 = arith.constant 0 : i32
        %dma_wait3A_411 = arith.constant 0 : i32
        %dma_wait3A_412 = tpu.memref_slice %arg6[%dma_wait3A_410, %dma_wait3A_411] : memref<10240x128xf32, #tpu.memory_space<vmem_shared>> -> memref<10240x128xf32, #tpu.memory_space<vmem_shared>>
        tpu.wait_indirect_dma semaphore(%arg18 : memref<!tpu.dma_semaphore, #tpu.memory_space<semaphore_mem>>) src(%arg10 : memref<64x128xf32, #tpu.memory_space<vmem>>) dst(%dma_wait3A_412 : memref<10240x128xf32, #tpu.memory_space<vmem_shared>>)
      } else {
      }
      %lt3A_374 = arith.cmpi slt, %sub3A_366, %min3A_89 : i32
      %convert_element_type3A_375 = arith.extui %lt3A_374 : i1 to i32
      %cond3A_376 = arith.constant 0 : i32
      %cond3A_377 = arith.cmpi ne, %convert_element_type3A_375, %cond3A_376 : i32
      scf.if %cond3A_377 {
        %dma_start3A_405 = arith.constant 0 : i32
        %dma_start3A_406 = tpu.memref_slice %arg7[%sub3A_366, %dma_start3A_405] : memref<40x64xi32, #tpu.memory_space<vmem>> -> memref<1x64xi32, #tpu.memory_space<vmem>>
        %dma_start3A_407 = tpu.memref_squeeze %dma_start3A_406 : memref<1x64xi32, #tpu.memory_space<vmem>> -> memref<64xi32, #tpu.memory_space<vmem>>
        %dma_start3A_408 = arith.constant 0 : i32
        %dma_start3A_409 = arith.constant 0 : i32
        %dma_start3A_410 = tpu.memref_slice %arg2[%dma_start3A_408, %dma_start3A_409] : memref<10000x128xf32, #tpu.memory_space<hbm>> -> memref<10000x128xf32, #tpu.memory_space<hbm>>
        tpu.enqueue_indirect_dma source(%dma_start3A_410 : memref<10000x128xf32, #tpu.memory_space<hbm>>) target(%arg10 : memref<64x128xf32, #tpu.memory_space<vmem>>) offsets(%dma_start3A_407 : memref<64xi32, #tpu.memory_space<vmem>>) semaphore(%arg14 : memref<!tpu.dma_semaphore, #tpu.memory_space<semaphore_mem>>)
      } else {
      }
      %lt3A_378 = arith.cmpi slt, %add3A_362, %min3A_89 : i32
      %convert_element_type3A_379 = arith.extui %lt3A_378 : i1 to i32
      %cond3A_380 = arith.constant 0 : i32
      %cond3A_381 = arith.cmpi ne, %convert_element_type3A_379, %cond3A_380 : i32
      scf.if %cond3A_381 {
        %dma_wait3A_405 = arith.constant 0 : i32
        %dma_wait3A_406 = tpu.memref_slice %arg7[%add3A_362, %dma_wait3A_405] : memref<40x64xi32, #tpu.memory_space<vmem>> -> memref<1x64xi32, #tpu.memory_space<vmem>>
        %dma_wait3A_407 = tpu.memref_squeeze %dma_wait3A_406 : memref<1x64xi32, #tpu.memory_space<vmem>> -> memref<64xi32, #tpu.memory_space<vmem>>
        %dma_wait3A_408 = arith.constant 0 : i32
        %dma_wait3A_409 = arith.constant 0 : i32
        %dma_wait3A_410 = tpu.memref_slice %arg2[%dma_wait3A_408, %dma_wait3A_409] : memref<10000x128xf32, #tpu.memory_space<hbm>> -> memref<10000x128xf32, #tpu.memory_space<hbm>>
        tpu.wait_indirect_dma semaphore(%arg15 : memref<!tpu.dma_semaphore, #tpu.memory_space<semaphore_mem>>) src(%dma_wait3A_410 : memref<10000x128xf32, #tpu.memory_space<hbm>>) dst(%arg11 : memref<64x128xf32, #tpu.memory_space<vmem>>)
        %dma_start3A_411 = arith.constant 0 : i32
        %dma_start3A_412 = tpu.memref_slice %arg8[%add3A_362, %dma_start3A_411] : memref<40x64xi32, #tpu.memory_space<vmem>> -> memref<1x64xi32, #tpu.memory_space<vmem>>
        %dma_start3A_413 = tpu.memref_squeeze %dma_start3A_412 : memref<1x64xi32, #tpu.memory_space<vmem>> -> memref<64xi32, #tpu.memory_space<vmem>>
        %dma_start3A_414 = arith.constant 0 : i32
        %dma_start3A_415 = arith.constant 0 : i32
        %dma_start3A_416 = tpu.memref_slice %arg6[%dma_start3A_414, %dma_start3A_415] : memref<10240x128xf32, #tpu.memory_space<vmem_shared>> -> memref<10240x128xf32, #tpu.memory_space<vmem_shared>>
        tpu.enqueue_indirect_dma source(%arg11 : memref<64x128xf32, #tpu.memory_space<vmem>>) target(%dma_start3A_416 : memref<10240x128xf32, #tpu.memory_space<vmem_shared>>) offsets(%dma_start3A_413 : memref<64xi32, #tpu.memory_space<vmem>>) semaphore(%arg19 : memref<!tpu.dma_semaphore, #tpu.memory_space<semaphore_mem>>) {add = true}
      } else {
      }
      %mul3A_382 = arith.constant 4 : i32
      %mul3A_383 = arith.muli %scan3A_316, %mul3A_382 : i32
      %add3A_384 = arith.constant 3 : i32
      %add3A_385 = arith.addi %mul3A_383, %add3A_384 : i32
      %add3A_386 = arith.constant 4 : i32
      %add3A_387 = arith.addi %add3A_385, %add3A_386 : i32
      %sub3A_388 = arith.constant 1 : i32
      %sub3A_389 = arith.subi %add3A_387, %sub3A_388 : i32
      %ge3A_390 = arith.constant 1 : i32
      %ge3A_391 = arith.cmpi sge, %add3A_385, %ge3A_390 : i32
      %lt3A_392 = arith.cmpi slt, %sub3A_389, %min3A_89 : i32
      %and3A_393 = arith.andi %ge3A_391, %lt3A_392 : i1
      %convert_element_type3A_394 = arith.extui %and3A_393 : i1 to i32
      %cond3A_395 = arith.constant 0 : i32
      %cond3A_396 = arith.cmpi ne, %convert_element_type3A_394, %cond3A_395 : i32
      scf.if %cond3A_396 {
        %sub3A_405 = arith.constant 1 : i32
        %sub3A_406 = arith.subi %add3A_385, %sub3A_405 : i32
        %dma_wait3A_407 = arith.constant 0 : i32
        %dma_wait3A_408 = tpu.memref_slice %arg8[%sub3A_406, %dma_wait3A_407] : memref<40x64xi32, #tpu.memory_space<vmem>> -> memref<1x64xi32, #tpu.memory_space<vmem>>
        %dma_wait3A_409 = tpu.memref_squeeze %dma_wait3A_408 : memref<1x64xi32, #tpu.memory_space<vmem>> -> memref<64xi32, #tpu.memory_space<vmem>>
        %dma_wait3A_410 = arith.constant 0 : i32
        %dma_wait3A_411 = arith.constant 0 : i32
        %dma_wait3A_412 = tpu.memref_slice %arg6[%dma_wait3A_410, %dma_wait3A_411] : memref<10240x128xf32, #tpu.memory_space<vmem_shared>> -> memref<10240x128xf32, #tpu.memory_space<vmem_shared>>
        tpu.wait_indirect_dma semaphore(%arg19 : memref<!tpu.dma_semaphore, #tpu.memory_space<semaphore_mem>>) src(%arg11 : memref<64x128xf32, #tpu.memory_space<vmem>>) dst(%dma_wait3A_412 : memref<10240x128xf32, #tpu.memory_space<vmem_shared>>)
      } else {
      }
      %lt3A_397 = arith.cmpi slt, %sub3A_389, %min3A_89 : i32
      %convert_element_type3A_398 = arith.extui %lt3A_397 : i1 to i32
      %cond3A_399 = arith.constant 0 : i32
      %cond3A_400 = arith.cmpi ne, %convert_element_type3A_398, %cond3A_399 : i32
      scf.if %cond3A_400 {
        %dma_start3A_405 = arith.constant 0 : i32
        %dma_start3A_406 = tpu.memref_slice %arg7[%sub3A_389, %dma_start3A_405] : memref<40x64xi32, #tpu.memory_space<vmem>> -> memref<1x64xi32, #tpu.memory_space<vmem>>
        %dma_start3A_407 = tpu.memref_squeeze %dma_start3A_406 : memref<1x64xi32, #tpu.memory_space<vmem>> -> memref<64xi32, #tpu.memory_space<vmem>>
        %dma_start3A_408 = arith.constant 0 : i32
        %dma_start3A_409 = arith.constant 0 : i32
        %dma_start3A_410 = tpu.memref_slice %arg2[%dma_start3A_408, %dma_start3A_409] : memref<10000x128xf32, #tpu.memory_space<hbm>> -> memref<10000x128xf32, #tpu.memory_space<hbm>>
        tpu.enqueue_indirect_dma source(%dma_start3A_410 : memref<10000x128xf32, #tpu.memory_space<hbm>>) target(%arg11 : memref<64x128xf32, #tpu.memory_space<vmem>>) offsets(%dma_start3A_407 : memref<64xi32, #tpu.memory_space<vmem>>) semaphore(%arg15 : memref<!tpu.dma_semaphore, #tpu.memory_space<semaphore_mem>>)
      } else {
      }
      %lt3A_401 = arith.cmpi slt, %add3A_385, %min3A_89 : i32
      %convert_element_type3A_402 = arith.extui %lt3A_401 : i1 to i32
      %cond3A_403 = arith.constant 0 : i32
      %cond3A_404 = arith.cmpi ne, %convert_element_type3A_402, %cond3A_403 : i32
      scf.if %cond3A_404 {
        %dma_wait3A_405 = arith.constant 0 : i32
        %dma_wait3A_406 = tpu.memref_slice %arg7[%add3A_385, %dma_wait3A_405] : memref<40x64xi32, #tpu.memory_space<vmem>> -> memref<1x64xi32, #tpu.memory_space<vmem>>
        %dma_wait3A_407 = tpu.memref_squeeze %dma_wait3A_406 : memref<1x64xi32, #tpu.memory_space<vmem>> -> memref<64xi32, #tpu.memory_space<vmem>>
        %dma_wait3A_408 = arith.constant 0 : i32
        %dma_wait3A_409 = arith.constant 0 : i32
        %dma_wait3A_410 = tpu.memref_slice %arg2[%dma_wait3A_408, %dma_wait3A_409] : memref<10000x128xf32, #tpu.memory_space<hbm>> -> memref<10000x128xf32, #tpu.memory_space<hbm>>
        tpu.wait_indirect_dma semaphore(%arg16 : memref<!tpu.dma_semaphore, #tpu.memory_space<semaphore_mem>>) src(%dma_wait3A_410 : memref<10000x128xf32, #tpu.memory_space<hbm>>) dst(%arg12 : memref<64x128xf32, #tpu.memory_space<vmem>>)
        %dma_start3A_411 = arith.constant 0 : i32
        %dma_start3A_412 = tpu.memref_slice %arg8[%add3A_385, %dma_start3A_411] : memref<40x64xi32, #tpu.memory_space<vmem>> -> memref<1x64xi32, #tpu.memory_space<vmem>>
        %dma_start3A_413 = tpu.memref_squeeze %dma_start3A_412 : memref<1x64xi32, #tpu.memory_space<vmem>> -> memref<64xi32, #tpu.memory_space<vmem>>
        %dma_start3A_414 = arith.constant 0 : i32
        %dma_start3A_415 = arith.constant 0 : i32
        %dma_start3A_416 = tpu.memref_slice %arg6[%dma_start3A_414, %dma_start3A_415] : memref<10240x128xf32, #tpu.memory_space<vmem_shared>> -> memref<10240x128xf32, #tpu.memory_space<vmem_shared>>
        tpu.enqueue_indirect_dma source(%arg12 : memref<64x128xf32, #tpu.memory_space<vmem>>) target(%dma_start3A_416 : memref<10240x128xf32, #tpu.memory_space<vmem_shared>>) offsets(%dma_start3A_413 : memref<64xi32, #tpu.memory_space<vmem>>) semaphore(%arg20 : memref<!tpu.dma_semaphore, #tpu.memory_space<semaphore_mem>>) {add = true}
      } else {
      }
    }
    %scan3A_118 = arith.constant 10 : i32
    %sub3A_119 = arith.constant 4 : i32
    %sub3A_120 = arith.subi %min3A_89, %sub3A_119 : i32
    %add3A_121 = arith.constant 0 : i32
    %add3A_122 = arith.addi %sub3A_120, %add3A_121 : i32
    %dma_wait3A_123 = arith.constant 0 : i32
    %dma_wait3A_124 = tpu.memref_slice %arg8[%add3A_122, %dma_wait3A_123] : memref<40x64xi32, #tpu.memory_space<vmem>> -> memref<1x64xi32, #tpu.memory_space<vmem>>
    %dma_wait3A_125 = tpu.memref_squeeze %dma_wait3A_124 : memref<1x64xi32, #tpu.memory_space<vmem>> -> memref<64xi32, #tpu.memory_space<vmem>>
    %dma_wait3A_126 = arith.constant 0 : i32
    %dma_wait3A_127 = arith.constant 0 : i32
    %dma_wait3A_128 = tpu.memref_slice %arg6[%dma_wait3A_126, %dma_wait3A_127] : memref<10240x128xf32, #tpu.memory_space<vmem_shared>> -> memref<10240x128xf32, #tpu.memory_space<vmem_shared>>
    tpu.wait_indirect_dma semaphore(%arg17 : memref<!tpu.dma_semaphore, #tpu.memory_space<semaphore_mem>>) src(%arg9 : memref<64x128xf32, #tpu.memory_space<vmem>>) dst(%dma_wait3A_128 : memref<10240x128xf32, #tpu.memory_space<vmem_shared>>)
    %sub3A_129 = arith.constant 4 : i32
    %sub3A_130 = arith.subi %min3A_89, %sub3A_129 : i32
    %add3A_131 = arith.constant 1 : i32
    %add3A_132 = arith.addi %sub3A_130, %add3A_131 : i32
    %dma_wait3A_133 = arith.constant 0 : i32
    %dma_wait3A_134 = tpu.memref_slice %arg8[%add3A_132, %dma_wait3A_133] : memref<40x64xi32, #tpu.memory_space<vmem>> -> memref<1x64xi32, #tpu.memory_space<vmem>>
    %dma_wait3A_135 = tpu.memref_squeeze %dma_wait3A_134 : memref<1x64xi32, #tpu.memory_space<vmem>> -> memref<64xi32, #tpu.memory_space<vmem>>
    %dma_wait3A_136 = arith.constant 0 : i32
    %dma_wait3A_137 = arith.constant 0 : i32
    %dma_wait3A_138 = tpu.memref_slice %arg6[%dma_wait3A_136, %dma_wait3A_137] : memref<10240x128xf32, #tpu.memory_space<vmem_shared>> -> memref<10240x128xf32, #tpu.memory_space<vmem_shared>>
    tpu.wait_indirect_dma semaphore(%arg18 : memref<!tpu.dma_semaphore, #tpu.memory_space<semaphore_mem>>) src(%arg10 : memref<64x128xf32, #tpu.memory_space<vmem>>) dst(%dma_wait3A_138 : memref<10240x128xf32, #tpu.memory_space<vmem_shared>>)
    %sub3A_139 = arith.constant 4 : i32
    %sub3A_140 = arith.subi %min3A_89, %sub3A_139 : i32
    %add3A_141 = arith.constant 2 : i32
    %add3A_142 = arith.addi %sub3A_140, %add3A_141 : i32
    %dma_wait3A_143 = arith.constant 0 : i32
    %dma_wait3A_144 = tpu.memref_slice %arg8[%add3A_142, %dma_wait3A_143] : memref<40x64xi32, #tpu.memory_space<vmem>> -> memref<1x64xi32, #tpu.memory_space<vmem>>
    %dma_wait3A_145 = tpu.memref_squeeze %dma_wait3A_144 : memref<1x64xi32, #tpu.memory_space<vmem>> -> memref<64xi32, #tpu.memory_space<vmem>>
    %dma_wait3A_146 = arith.constant 0 : i32
    %dma_wait3A_147 = arith.constant 0 : i32
    %dma_wait3A_148 = tpu.memref_slice %arg6[%dma_wait3A_146, %dma_wait3A_147] : memref<10240x128xf32, #tpu.memory_space<vmem_shared>> -> memref<10240x128xf32, #tpu.memory_space<vmem_shared>>
    tpu.wait_indirect_dma semaphore(%arg19 : memref<!tpu.dma_semaphore, #tpu.memory_space<semaphore_mem>>) src(%arg11 : memref<64x128xf32, #tpu.memory_space<vmem>>) dst(%dma_wait3A_148 : memref<10240x128xf32, #tpu.memory_space<vmem_shared>>)
    %sub3A_149 = arith.constant 4 : i32
    %sub3A_150 = arith.subi %min3A_89, %sub3A_149 : i32
    %add3A_151 = arith.constant 3 : i32
    %add3A_152 = arith.addi %sub3A_150, %add3A_151 : i32
    %dma_wait3A_153 = arith.constant 0 : i32
    %dma_wait3A_154 = tpu.memref_slice %arg8[%add3A_152, %dma_wait3A_153] : memref<40x64xi32, #tpu.memory_space<vmem>> -> memref<1x64xi32, #tpu.memory_space<vmem>>
    %dma_wait3A_155 = tpu.memref_squeeze %dma_wait3A_154 : memref<1x64xi32, #tpu.memory_space<vmem>> -> memref<64xi32, #tpu.memory_space<vmem>>
    %dma_wait3A_156 = arith.constant 0 : i32
    %dma_wait3A_157 = arith.constant 0 : i32
    %dma_wait3A_158 = tpu.memref_slice %arg6[%dma_wait3A_156, %dma_wait3A_157] : memref<10240x128xf32, #tpu.memory_space<vmem_shared>> -> memref<10240x128xf32, #tpu.memory_space<vmem_shared>>
    tpu.wait_indirect_dma semaphore(%arg20 : memref<!tpu.dma_semaphore, #tpu.memory_space<semaphore_mem>>) src(%arg12 : memref<64x128xf32, #tpu.memory_space<vmem>>) dst(%dma_wait3A_158 : memref<10240x128xf32, #tpu.memory_space<vmem_shared>>)
    %add3A_159 = arith.constant 80 : i32
    %add3A_160 = arith.addi %add3A_8, %add3A_159 : i32
    %multiple_of3A_161 = tpu.assume_multiple %add3A_160, 8 : i32
    %sub3A_162 = arith.constant 80 : i32
    %sub3A_163 = arith.subi %select_n3A, %sub3A_162 : i32
    %min3A_164 = arith.constant 40 : i32
    %min3A_165 = arith.minsi %min3A_164, %sub3A_163 : i32
    %run_scoped3A_166 = arith.constant 0 : i32
    "tpu.region"() ({
      %run_scoped3A_316 = tpu.sem_alloc : memref<!tpu.dma_semaphore, #tpu.memory_space<semaphore_mem>>
      %dma_start3A_317 = arith.constant 0 : i32
      %dma_start3A_318 = tpu.memref_slice %arg3[%run_scoped3A_166, %multiple_of3A_161, %dma_start3A_317] : memref<2x5000x64xi32, #tpu.memory_space<hbm>> -> memref<1x40x64xi32, #tpu.memory_space<hbm>>
      %dma_start3A_319 = tpu.memref_squeeze %dma_start3A_318 : memref<1x40x64xi32, #tpu.memory_space<hbm>> -> memref<40x64xi32, #tpu.memory_space<hbm>>
      %dma_start3A_320 = arith.constant 0 : i32
      %dma_start3A_321 = tpu.memref_slice %arg3[%run_scoped3A_166, %multiple_of3A_161, %dma_start3A_320] : memref<2x5000x64xi32, #tpu.memory_space<hbm>> -> memref<1x40x64xi32, #tpu.memory_space<hbm>>
      %dma_start3A_322 = tpu.memref_squeeze %dma_start3A_321 : memref<1x40x64xi32, #tpu.memory_space<hbm>> -> memref<40x64xi32, #tpu.memory_space<hbm>>
      tpu.enqueue_dma source(%dma_start3A_322 : memref<40x64xi32, #tpu.memory_space<hbm>>) target(%arg7 : memref<40x64xi32, #tpu.memory_space<vmem>>) target_semaphore(%run_scoped3A_316 : memref<!tpu.dma_semaphore, #tpu.memory_space<semaphore_mem>>)
      %dma_wait3A_323 = arith.constant 0 : i32
      %dma_wait3A_324 = tpu.memref_slice %arg3[%run_scoped3A_166, %multiple_of3A_161, %dma_wait3A_323] : memref<2x5000x64xi32, #tpu.memory_space<hbm>> -> memref<1x40x64xi32, #tpu.memory_space<hbm>>
      %dma_wait3A_325 = tpu.memref_squeeze %dma_wait3A_324 : memref<1x40x64xi32, #tpu.memory_space<hbm>> -> memref<40x64xi32, #tpu.memory_space<hbm>>
      %dma_wait3A_326 = arith.constant 0 : i32
      %dma_wait3A_327 = tpu.memref_slice %arg3[%run_scoped3A_166, %multiple_of3A_161, %dma_wait3A_326] : memref<2x5000x64xi32, #tpu.memory_space<hbm>> -> memref<1x40x64xi32, #tpu.memory_space<hbm>>
      %dma_wait3A_328 = tpu.memref_squeeze %dma_wait3A_327 : memref<1x40x64xi32, #tpu.memory_space<hbm>> -> memref<40x64xi32, #tpu.memory_space<hbm>>
      tpu.wait_dma2 semaphore(%run_scoped3A_316 : memref<!tpu.dma_semaphore, #tpu.memory_space<semaphore_mem>>) src(%dma_wait3A_328 : memref<40x64xi32, #tpu.memory_space<hbm>>) dst(%arg7 : memref<40x64xi32, #tpu.memory_space<vmem>>)
      tpu.yield
    }) : () -> ()
    %run_scoped3A_167 = arith.constant 1 : i32
    "tpu.region"() ({
      %run_scoped3A_316 = tpu.sem_alloc : memref<!tpu.dma_semaphore, #tpu.memory_space<semaphore_mem>>
      %dma_start3A_317 = arith.constant 0 : i32
      %dma_start3A_318 = tpu.memref_slice %arg3[%run_scoped3A_167, %multiple_of3A_161, %dma_start3A_317] : memref<2x5000x64xi32, #tpu.memory_space<hbm>> -> memref<1x40x64xi32, #tpu.memory_space<hbm>>
      %dma_start3A_319 = tpu.memref_squeeze %dma_start3A_318 : memref<1x40x64xi32, #tpu.memory_space<hbm>> -> memref<40x64xi32, #tpu.memory_space<hbm>>
      %dma_start3A_320 = arith.constant 0 : i32
      %dma_start3A_321 = tpu.memref_slice %arg3[%run_scoped3A_167, %multiple_of3A_161, %dma_start3A_320] : memref<2x5000x64xi32, #tpu.memory_space<hbm>> -> memref<1x40x64xi32, #tpu.memory_space<hbm>>
      %dma_start3A_322 = tpu.memref_squeeze %dma_start3A_321 : memref<1x40x64xi32, #tpu.memory_space<hbm>> -> memref<40x64xi32, #tpu.memory_space<hbm>>
      tpu.enqueue_dma source(%dma_start3A_322 : memref<40x64xi32, #tpu.memory_space<hbm>>) target(%arg8 : memref<40x64xi32, #tpu.memory_space<vmem>>) target_semaphore(%run_scoped3A_316 : memref<!tpu.dma_semaphore, #tpu.memory_space<semaphore_mem>>)
      %dma_wait3A_323 = arith.constant 0 : i32
      %dma_wait3A_324 = tpu.memref_slice %arg3[%run_scoped3A_167, %multiple_of3A_161, %dma_wait3A_323] : memref<2x5000x64xi32, #tpu.memory_space<hbm>> -> memref<1x40x64xi32, #tpu.memory_space<hbm>>
      %dma_wait3A_325 = tpu.memref_squeeze %dma_wait3A_324 : memref<1x40x64xi32, #tpu.memory_space<hbm>> -> memref<40x64xi32, #tpu.memory_space<hbm>>
      %dma_wait3A_326 = arith.constant 0 : i32
      %dma_wait3A_327 = tpu.memref_slice %arg3[%run_scoped3A_167, %multiple_of3A_161, %dma_wait3A_326] : memref<2x5000x64xi32, #tpu.memory_space<hbm>> -> memref<1x40x64xi32, #tpu.memory_space<hbm>>
      %dma_wait3A_328 = tpu.memref_squeeze %dma_wait3A_327 : memref<1x40x64xi32, #tpu.memory_space<hbm>> -> memref<40x64xi32, #tpu.memory_space<hbm>>
      tpu.wait_dma2 semaphore(%run_scoped3A_316 : memref<!tpu.dma_semaphore, #tpu.memory_space<semaphore_mem>>) src(%dma_wait3A_328 : memref<40x64xi32, #tpu.memory_space<hbm>>) dst(%arg8 : memref<40x64xi32, #tpu.memory_space<vmem>>)
      tpu.yield
    }) : () -> ()
    %dma_start3A_168 = arith.constant 0 : i32
    %dma_start3A_169 = arith.constant 0 : i32
    %dma_start3A_170 = tpu.memref_slice %arg7[%dma_start3A_168, %dma_start3A_169] : memref<40x64xi32, #tpu.memory_space<vmem>> -> memref<1x64xi32, #tpu.memory_space<vmem>>
    %dma_start3A_171 = tpu.memref_squeeze %dma_start3A_170 : memref<1x64xi32, #tpu.memory_space<vmem>> -> memref<64xi32, #tpu.memory_space<vmem>>
    %dma_start3A_172 = arith.constant 0 : i32
    %dma_start3A_173 = arith.constant 0 : i32
    %dma_start3A_174 = tpu.memref_slice %arg2[%dma_start3A_172, %dma_start3A_173] : memref<10000x128xf32, #tpu.memory_space<hbm>> -> memref<10000x128xf32, #tpu.memory_space<hbm>>
    tpu.enqueue_indirect_dma source(%dma_start3A_174 : memref<10000x128xf32, #tpu.memory_space<hbm>>) target(%arg9 : memref<64x128xf32, #tpu.memory_space<vmem>>) offsets(%dma_start3A_171 : memref<64xi32, #tpu.memory_space<vmem>>) semaphore(%arg13 : memref<!tpu.dma_semaphore, #tpu.memory_space<semaphore_mem>>)
    %dma_start3A_175 = arith.constant 1 : i32
    %dma_start3A_176 = arith.constant 0 : i32
    %dma_start3A_177 = tpu.memref_slice %arg7[%dma_start3A_175, %dma_start3A_176] : memref<40x64xi32, #tpu.memory_space<vmem>> -> memref<1x64xi32, #tpu.memory_space<vmem>>
    %dma_start3A_178 = tpu.memref_squeeze %dma_start3A_177 : memref<1x64xi32, #tpu.memory_space<vmem>> -> memref<64xi32, #tpu.memory_space<vmem>>
    %dma_start3A_179 = arith.constant 0 : i32
    %dma_start3A_180 = arith.constant 0 : i32
    %dma_start3A_181 = tpu.memref_slice %arg2[%dma_start3A_179, %dma_start3A_180] : memref<10000x128xf32, #tpu.memory_space<hbm>> -> memref<10000x128xf32, #tpu.memory_space<hbm>>
    tpu.enqueue_indirect_dma source(%dma_start3A_181 : memref<10000x128xf32, #tpu.memory_space<hbm>>) target(%arg10 : memref<64x128xf32, #tpu.memory_space<vmem>>) offsets(%dma_start3A_178 : memref<64xi32, #tpu.memory_space<vmem>>) semaphore(%arg14 : memref<!tpu.dma_semaphore, #tpu.memory_space<semaphore_mem>>)
    %dma_start3A_182 = arith.constant 2 : i32
    %dma_start3A_183 = arith.constant 0 : i32
    %dma_start3A_184 = tpu.memref_slice %arg7[%dma_start3A_182, %dma_start3A_183] : memref<40x64xi32, #tpu.memory_space<vmem>> -> memref<1x64xi32, #tpu.memory_space<vmem>>
    %dma_start3A_185 = tpu.memref_squeeze %dma_start3A_184 : memref<1x64xi32, #tpu.memory_space<vmem>> -> memref<64xi32, #tpu.memory_space<vmem>>
    %dma_start3A_186 = arith.constant 0 : i32
    %dma_start3A_187 = arith.constant 0 : i32
    %dma_start3A_188 = tpu.memref_slice %arg2[%dma_start3A_186, %dma_start3A_187] : memref<10000x128xf32, #tpu.memory_space<hbm>> -> memref<10000x128xf32, #tpu.memory_space<hbm>>
    tpu.enqueue_indirect_dma source(%dma_start3A_188 : memref<10000x128xf32, #tpu.memory_space<hbm>>) target(%arg11 : memref<64x128xf32, #tpu.memory_space<vmem>>) offsets(%dma_start3A_185 : memref<64xi32, #tpu.memory_space<vmem>>) semaphore(%arg15 : memref<!tpu.dma_semaphore, #tpu.memory_space<semaphore_mem>>)
    %scan3A_189 = arith.constant 0 : i32
    %scan3A_190 = arith.constant 0 : i32
    %scan3A_191 = arith.constant 10 : i32
    %scan3A_192 = arith.addi %scan3A_190, %scan3A_191 : i32
    %scan3A_193 = arith.constant 1 : i32
    scf.for %scan3A_316 = %scan3A_190 to %scan3A_192 step %scan3A_193  : i32 {
      %mul3A_317 = arith.constant 4 : i32
      %mul3A_318 = arith.muli %scan3A_316, %mul3A_317 : i32
      %add3A_319 = arith.constant 0 : i32
      %add3A_320 = arith.addi %mul3A_318, %add3A_319 : i32
      %add3A_321 = arith.constant 4 : i32
      %add3A_322 = arith.addi %add3A_320, %add3A_321 : i32
      %sub3A_323 = arith.constant 1 : i32
      %sub3A_324 = arith.subi %add3A_322, %sub3A_323 : i32
      %ge3A = arith.constant 1 : i32
      %ge3A_325 = arith.cmpi sge, %add3A_320, %ge3A : i32
      %lt3A_326 = arith.cmpi slt, %sub3A_324, %min3A_165 : i32
      %and3A = arith.andi %ge3A_325, %lt3A_326 : i1
      %convert_element_type3A = arith.extui %and3A : i1 to i32
      %cond3A = arith.constant 0 : i32
      %cond3A_327 = arith.cmpi ne, %convert_element_type3A, %cond3A : i32
      scf.if %cond3A_327 {
        %sub3A_405 = arith.constant 1 : i32
        %sub3A_406 = arith.subi %add3A_320, %sub3A_405 : i32
        %dma_wait3A_407 = arith.constant 0 : i32
        %dma_wait3A_408 = tpu.memref_slice %arg8[%sub3A_406, %dma_wait3A_407] : memref<40x64xi32, #tpu.memory_space<vmem>> -> memref<1x64xi32, #tpu.memory_space<vmem>>
        %dma_wait3A_409 = tpu.memref_squeeze %dma_wait3A_408 : memref<1x64xi32, #tpu.memory_space<vmem>> -> memref<64xi32, #tpu.memory_space<vmem>>
        %dma_wait3A_410 = arith.constant 0 : i32
        %dma_wait3A_411 = arith.constant 0 : i32
        %dma_wait3A_412 = tpu.memref_slice %arg6[%dma_wait3A_410, %dma_wait3A_411] : memref<10240x128xf32, #tpu.memory_space<vmem_shared>> -> memref<10240x128xf32, #tpu.memory_space<vmem_shared>>
        tpu.wait_indirect_dma semaphore(%arg20 : memref<!tpu.dma_semaphore, #tpu.memory_space<semaphore_mem>>) src(%arg12 : memref<64x128xf32, #tpu.memory_space<vmem>>) dst(%dma_wait3A_412 : memref<10240x128xf32, #tpu.memory_space<vmem_shared>>)
      } else {
      }
      %lt3A_328 = arith.cmpi slt, %sub3A_324, %min3A_165 : i32
      %convert_element_type3A_329 = arith.extui %lt3A_328 : i1 to i32
      %cond3A_330 = arith.constant 0 : i32
      %cond3A_331 = arith.cmpi ne, %convert_element_type3A_329, %cond3A_330 : i32
      scf.if %cond3A_331 {
        %dma_start3A_405 = arith.constant 0 : i32
        %dma_start3A_406 = tpu.memref_slice %arg7[%sub3A_324, %dma_start3A_405] : memref<40x64xi32, #tpu.memory_space<vmem>> -> memref<1x64xi32, #tpu.memory_space<vmem>>
        %dma_start3A_407 = tpu.memref_squeeze %dma_start3A_406 : memref<1x64xi32, #tpu.memory_space<vmem>> -> memref<64xi32, #tpu.memory_space<vmem>>
        %dma_start3A_408 = arith.constant 0 : i32
        %dma_start3A_409 = arith.constant 0 : i32
        %dma_start3A_410 = tpu.memref_slice %arg2[%dma_start3A_408, %dma_start3A_409] : memref<10000x128xf32, #tpu.memory_space<hbm>> -> memref<10000x128xf32, #tpu.memory_space<hbm>>
        tpu.enqueue_indirect_dma source(%dma_start3A_410 : memref<10000x128xf32, #tpu.memory_space<hbm>>) target(%arg12 : memref<64x128xf32, #tpu.memory_space<vmem>>) offsets(%dma_start3A_407 : memref<64xi32, #tpu.memory_space<vmem>>) semaphore(%arg16 : memref<!tpu.dma_semaphore, #tpu.memory_space<semaphore_mem>>)
      } else {
      }
      %lt3A_332 = arith.cmpi slt, %add3A_320, %min3A_165 : i32
      %convert_element_type3A_333 = arith.extui %lt3A_332 : i1 to i32
      %cond3A_334 = arith.constant 0 : i32
      %cond3A_335 = arith.cmpi ne, %convert_element_type3A_333, %cond3A_334 : i32
      scf.if %cond3A_335 {
        %dma_wait3A_405 = arith.constant 0 : i32
        %dma_wait3A_406 = tpu.memref_slice %arg7[%add3A_320, %dma_wait3A_405] : memref<40x64xi32, #tpu.memory_space<vmem>> -> memref<1x64xi32, #tpu.memory_space<vmem>>
        %dma_wait3A_407 = tpu.memref_squeeze %dma_wait3A_406 : memref<1x64xi32, #tpu.memory_space<vmem>> -> memref<64xi32, #tpu.memory_space<vmem>>
        %dma_wait3A_408 = arith.constant 0 : i32
        %dma_wait3A_409 = arith.constant 0 : i32
        %dma_wait3A_410 = tpu.memref_slice %arg2[%dma_wait3A_408, %dma_wait3A_409] : memref<10000x128xf32, #tpu.memory_space<hbm>> -> memref<10000x128xf32, #tpu.memory_space<hbm>>
        tpu.wait_indirect_dma semaphore(%arg13 : memref<!tpu.dma_semaphore, #tpu.memory_space<semaphore_mem>>) src(%dma_wait3A_410 : memref<10000x128xf32, #tpu.memory_space<hbm>>) dst(%arg9 : memref<64x128xf32, #tpu.memory_space<vmem>>)
        %dma_start3A_411 = arith.constant 0 : i32
        %dma_start3A_412 = tpu.memref_slice %arg8[%add3A_320, %dma_start3A_411] : memref<40x64xi32, #tpu.memory_space<vmem>> -> memref<1x64xi32, #tpu.memory_space<vmem>>
        %dma_start3A_413 = tpu.memref_squeeze %dma_start3A_412 : memref<1x64xi32, #tpu.memory_space<vmem>> -> memref<64xi32, #tpu.memory_space<vmem>>
        %dma_start3A_414 = arith.constant 0 : i32
        %dma_start3A_415 = arith.constant 0 : i32
        %dma_start3A_416 = tpu.memref_slice %arg6[%dma_start3A_414, %dma_start3A_415] : memref<10240x128xf32, #tpu.memory_space<vmem_shared>> -> memref<10240x128xf32, #tpu.memory_space<vmem_shared>>
        tpu.enqueue_indirect_dma source(%arg9 : memref<64x128xf32, #tpu.memory_space<vmem>>) target(%dma_start3A_416 : memref<10240x128xf32, #tpu.memory_space<vmem_shared>>) offsets(%dma_start3A_413 : memref<64xi32, #tpu.memory_space<vmem>>) semaphore(%arg17 : memref<!tpu.dma_semaphore, #tpu.memory_space<semaphore_mem>>) {add = true}
      } else {
      }
      %mul3A_336 = arith.constant 4 : i32
      %mul3A_337 = arith.muli %scan3A_316, %mul3A_336 : i32
      %add3A_338 = arith.constant 1 : i32
      %add3A_339 = arith.addi %mul3A_337, %add3A_338 : i32
      %add3A_340 = arith.constant 4 : i32
      %add3A_341 = arith.addi %add3A_339, %add3A_340 : i32
      %sub3A_342 = arith.constant 1 : i32
      %sub3A_343 = arith.subi %add3A_341, %sub3A_342 : i32
      %ge3A_344 = arith.constant 1 : i32
      %ge3A_345 = arith.cmpi sge, %add3A_339, %ge3A_344 : i32
      %lt3A_346 = arith.cmpi slt, %sub3A_343, %min3A_165 : i32
      %and3A_347 = arith.andi %ge3A_345, %lt3A_346 : i1
      %convert_element_type3A_348 = arith.extui %and3A_347 : i1 to i32
      %cond3A_349 = arith.constant 0 : i32
      %cond3A_350 = arith.cmpi ne, %convert_element_type3A_348, %cond3A_349 : i32
      scf.if %cond3A_350 {
        %sub3A_405 = arith.constant 1 : i32
        %sub3A_406 = arith.subi %add3A_339, %sub3A_405 : i32
        %dma_wait3A_407 = arith.constant 0 : i32
        %dma_wait3A_408 = tpu.memref_slice %arg8[%sub3A_406, %dma_wait3A_407] : memref<40x64xi32, #tpu.memory_space<vmem>> -> memref<1x64xi32, #tpu.memory_space<vmem>>
        %dma_wait3A_409 = tpu.memref_squeeze %dma_wait3A_408 : memref<1x64xi32, #tpu.memory_space<vmem>> -> memref<64xi32, #tpu.memory_space<vmem>>
        %dma_wait3A_410 = arith.constant 0 : i32
        %dma_wait3A_411 = arith.constant 0 : i32
        %dma_wait3A_412 = tpu.memref_slice %arg6[%dma_wait3A_410, %dma_wait3A_411] : memref<10240x128xf32, #tpu.memory_space<vmem_shared>> -> memref<10240x128xf32, #tpu.memory_space<vmem_shared>>
        tpu.wait_indirect_dma semaphore(%arg17 : memref<!tpu.dma_semaphore, #tpu.memory_space<semaphore_mem>>) src(%arg9 : memref<64x128xf32, #tpu.memory_space<vmem>>) dst(%dma_wait3A_412 : memref<10240x128xf32, #tpu.memory_space<vmem_shared>>)
      } else {
      }
      %lt3A_351 = arith.cmpi slt, %sub3A_343, %min3A_165 : i32
      %convert_element_type3A_352 = arith.extui %lt3A_351 : i1 to i32
      %cond3A_353 = arith.constant 0 : i32
      %cond3A_354 = arith.cmpi ne, %convert_element_type3A_352, %cond3A_353 : i32
      scf.if %cond3A_354 {
        %dma_start3A_405 = arith.constant 0 : i32
        %dma_start3A_406 = tpu.memref_slice %arg7[%sub3A_343, %dma_start3A_405] : memref<40x64xi32, #tpu.memory_space<vmem>> -> memref<1x64xi32, #tpu.memory_space<vmem>>
        %dma_start3A_407 = tpu.memref_squeeze %dma_start3A_406 : memref<1x64xi32, #tpu.memory_space<vmem>> -> memref<64xi32, #tpu.memory_space<vmem>>
        %dma_start3A_408 = arith.constant 0 : i32
        %dma_start3A_409 = arith.constant 0 : i32
        %dma_start3A_410 = tpu.memref_slice %arg2[%dma_start3A_408, %dma_start3A_409] : memref<10000x128xf32, #tpu.memory_space<hbm>> -> memref<10000x128xf32, #tpu.memory_space<hbm>>
        tpu.enqueue_indirect_dma source(%dma_start3A_410 : memref<10000x128xf32, #tpu.memory_space<hbm>>) target(%arg9 : memref<64x128xf32, #tpu.memory_space<vmem>>) offsets(%dma_start3A_407 : memref<64xi32, #tpu.memory_space<vmem>>) semaphore(%arg13 : memref<!tpu.dma_semaphore, #tpu.memory_space<semaphore_mem>>)
      } else {
      }
      %lt3A_355 = arith.cmpi slt, %add3A_339, %min3A_165 : i32
      %convert_element_type3A_356 = arith.extui %lt3A_355 : i1 to i32
      %cond3A_357 = arith.constant 0 : i32
      %cond3A_358 = arith.cmpi ne, %convert_element_type3A_356, %cond3A_357 : i32
      scf.if %cond3A_358 {
        %dma_wait3A_405 = arith.constant 0 : i32
        %dma_wait3A_406 = tpu.memref_slice %arg7[%add3A_339, %dma_wait3A_405] : memref<40x64xi32, #tpu.memory_space<vmem>> -> memref<1x64xi32, #tpu.memory_space<vmem>>
        %dma_wait3A_407 = tpu.memref_squeeze %dma_wait3A_406 : memref<1x64xi32, #tpu.memory_space<vmem>> -> memref<64xi32, #tpu.memory_space<vmem>>
        %dma_wait3A_408 = arith.constant 0 : i32
        %dma_wait3A_409 = arith.constant 0 : i32
        %dma_wait3A_410 = tpu.memref_slice %arg2[%dma_wait3A_408, %dma_wait3A_409] : memref<10000x128xf32, #tpu.memory_space<hbm>> -> memref<10000x128xf32, #tpu.memory_space<hbm>>
        tpu.wait_indirect_dma semaphore(%arg14 : memref<!tpu.dma_semaphore, #tpu.memory_space<semaphore_mem>>) src(%dma_wait3A_410 : memref<10000x128xf32, #tpu.memory_space<hbm>>) dst(%arg10 : memref<64x128xf32, #tpu.memory_space<vmem>>)
        %dma_start3A_411 = arith.constant 0 : i32
        %dma_start3A_412 = tpu.memref_slice %arg8[%add3A_339, %dma_start3A_411] : memref<40x64xi32, #tpu.memory_space<vmem>> -> memref<1x64xi32, #tpu.memory_space<vmem>>
        %dma_start3A_413 = tpu.memref_squeeze %dma_start3A_412 : memref<1x64xi32, #tpu.memory_space<vmem>> -> memref<64xi32, #tpu.memory_space<vmem>>
        %dma_start3A_414 = arith.constant 0 : i32
        %dma_start3A_415 = arith.constant 0 : i32
        %dma_start3A_416 = tpu.memref_slice %arg6[%dma_start3A_414, %dma_start3A_415] : memref<10240x128xf32, #tpu.memory_space<vmem_shared>> -> memref<10240x128xf32, #tpu.memory_space<vmem_shared>>
        tpu.enqueue_indirect_dma source(%arg10 : memref<64x128xf32, #tpu.memory_space<vmem>>) target(%dma_start3A_416 : memref<10240x128xf32, #tpu.memory_space<vmem_shared>>) offsets(%dma_start3A_413 : memref<64xi32, #tpu.memory_space<vmem>>) semaphore(%arg18 : memref<!tpu.dma_semaphore, #tpu.memory_space<semaphore_mem>>) {add = true}
      } else {
      }
      %mul3A_359 = arith.constant 4 : i32
      %mul3A_360 = arith.muli %scan3A_316, %mul3A_359 : i32
      %add3A_361 = arith.constant 2 : i32
      %add3A_362 = arith.addi %mul3A_360, %add3A_361 : i32
      %add3A_363 = arith.constant 4 : i32
      %add3A_364 = arith.addi %add3A_362, %add3A_363 : i32
      %sub3A_365 = arith.constant 1 : i32
      %sub3A_366 = arith.subi %add3A_364, %sub3A_365 : i32
      %ge3A_367 = arith.constant 1 : i32
      %ge3A_368 = arith.cmpi sge, %add3A_362, %ge3A_367 : i32
      %lt3A_369 = arith.cmpi slt, %sub3A_366, %min3A_165 : i32
      %and3A_370 = arith.andi %ge3A_368, %lt3A_369 : i1
      %convert_element_type3A_371 = arith.extui %and3A_370 : i1 to i32
      %cond3A_372 = arith.constant 0 : i32
      %cond3A_373 = arith.cmpi ne, %convert_element_type3A_371, %cond3A_372 : i32
      scf.if %cond3A_373 {
        %sub3A_405 = arith.constant 1 : i32
        %sub3A_406 = arith.subi %add3A_362, %sub3A_405 : i32
        %dma_wait3A_407 = arith.constant 0 : i32
        %dma_wait3A_408 = tpu.memref_slice %arg8[%sub3A_406, %dma_wait3A_407] : memref<40x64xi32, #tpu.memory_space<vmem>> -> memref<1x64xi32, #tpu.memory_space<vmem>>
        %dma_wait3A_409 = tpu.memref_squeeze %dma_wait3A_408 : memref<1x64xi32, #tpu.memory_space<vmem>> -> memref<64xi32, #tpu.memory_space<vmem>>
        %dma_wait3A_410 = arith.constant 0 : i32
        %dma_wait3A_411 = arith.constant 0 : i32
        %dma_wait3A_412 = tpu.memref_slice %arg6[%dma_wait3A_410, %dma_wait3A_411] : memref<10240x128xf32, #tpu.memory_space<vmem_shared>> -> memref<10240x128xf32, #tpu.memory_space<vmem_shared>>
        tpu.wait_indirect_dma semaphore(%arg18 : memref<!tpu.dma_semaphore, #tpu.memory_space<semaphore_mem>>) src(%arg10 : memref<64x128xf32, #tpu.memory_space<vmem>>) dst(%dma_wait3A_412 : memref<10240x128xf32, #tpu.memory_space<vmem_shared>>)
      } else {
      }
      %lt3A_374 = arith.cmpi slt, %sub3A_366, %min3A_165 : i32
      %convert_element_type3A_375 = arith.extui %lt3A_374 : i1 to i32
      %cond3A_376 = arith.constant 0 : i32
      %cond3A_377 = arith.cmpi ne, %convert_element_type3A_375, %cond3A_376 : i32
      scf.if %cond3A_377 {
        %dma_start3A_405 = arith.constant 0 : i32
        %dma_start3A_406 = tpu.memref_slice %arg7[%sub3A_366, %dma_start3A_405] : memref<40x64xi32, #tpu.memory_space<vmem>> -> memref<1x64xi32, #tpu.memory_space<vmem>>
        %dma_start3A_407 = tpu.memref_squeeze %dma_start3A_406 : memref<1x64xi32, #tpu.memory_space<vmem>> -> memref<64xi32, #tpu.memory_space<vmem>>
        %dma_start3A_408 = arith.constant 0 : i32
        %dma_start3A_409 = arith.constant 0 : i32
        %dma_start3A_410 = tpu.memref_slice %arg2[%dma_start3A_408, %dma_start3A_409] : memref<10000x128xf32, #tpu.memory_space<hbm>> -> memref<10000x128xf32, #tpu.memory_space<hbm>>
        tpu.enqueue_indirect_dma source(%dma_start3A_410 : memref<10000x128xf32, #tpu.memory_space<hbm>>) target(%arg10 : memref<64x128xf32, #tpu.memory_space<vmem>>) offsets(%dma_start3A_407 : memref<64xi32, #tpu.memory_space<vmem>>) semaphore(%arg14 : memref<!tpu.dma_semaphore, #tpu.memory_space<semaphore_mem>>)
      } else {
      }
      %lt3A_378 = arith.cmpi slt, %add3A_362, %min3A_165 : i32
      %convert_element_type3A_379 = arith.extui %lt3A_378 : i1 to i32
      %cond3A_380 = arith.constant 0 : i32
      %cond3A_381 = arith.cmpi ne, %convert_element_type3A_379, %cond3A_380 : i32
      scf.if %cond3A_381 {
        %dma_wait3A_405 = arith.constant 0 : i32
        %dma_wait3A_406 = tpu.memref_slice %arg7[%add3A_362, %dma_wait3A_405] : memref<40x64xi32, #tpu.memory_space<vmem>> -> memref<1x64xi32, #tpu.memory_space<vmem>>
        %dma_wait3A_407 = tpu.memref_squeeze %dma_wait3A_406 : memref<1x64xi32, #tpu.memory_space<vmem>> -> memref<64xi32, #tpu.memory_space<vmem>>
        %dma_wait3A_408 = arith.constant 0 : i32
        %dma_wait3A_409 = arith.constant 0 : i32
        %dma_wait3A_410 = tpu.memref_slice %arg2[%dma_wait3A_408, %dma_wait3A_409] : memref<10000x128xf32, #tpu.memory_space<hbm>> -> memref<10000x128xf32, #tpu.memory_space<hbm>>
        tpu.wait_indirect_dma semaphore(%arg15 : memref<!tpu.dma_semaphore, #tpu.memory_space<semaphore_mem>>) src(%dma_wait3A_410 : memref<10000x128xf32, #tpu.memory_space<hbm>>) dst(%arg11 : memref<64x128xf32, #tpu.memory_space<vmem>>)
        %dma_start3A_411 = arith.constant 0 : i32
        %dma_start3A_412 = tpu.memref_slice %arg8[%add3A_362, %dma_start3A_411] : memref<40x64xi32, #tpu.memory_space<vmem>> -> memref<1x64xi32, #tpu.memory_space<vmem>>
        %dma_start3A_413 = tpu.memref_squeeze %dma_start3A_412 : memref<1x64xi32, #tpu.memory_space<vmem>> -> memref<64xi32, #tpu.memory_space<vmem>>
        %dma_start3A_414 = arith.constant 0 : i32
        %dma_start3A_415 = arith.constant 0 : i32
        %dma_start3A_416 = tpu.memref_slice %arg6[%dma_start3A_414, %dma_start3A_415] : memref<10240x128xf32, #tpu.memory_space<vmem_shared>> -> memref<10240x128xf32, #tpu.memory_space<vmem_shared>>
        tpu.enqueue_indirect_dma source(%arg11 : memref<64x128xf32, #tpu.memory_space<vmem>>) target(%dma_start3A_416 : memref<10240x128xf32, #tpu.memory_space<vmem_shared>>) offsets(%dma_start3A_413 : memref<64xi32, #tpu.memory_space<vmem>>) semaphore(%arg19 : memref<!tpu.dma_semaphore, #tpu.memory_space<semaphore_mem>>) {add = true}
      } else {
      }
      %mul3A_382 = arith.constant 4 : i32
      %mul3A_383 = arith.muli %scan3A_316, %mul3A_382 : i32
      %add3A_384 = arith.constant 3 : i32
      %add3A_385 = arith.addi %mul3A_383, %add3A_384 : i32
      %add3A_386 = arith.constant 4 : i32
      %add3A_387 = arith.addi %add3A_385, %add3A_386 : i32
      %sub3A_388 = arith.constant 1 : i32
      %sub3A_389 = arith.subi %add3A_387, %sub3A_388 : i32
      %ge3A_390 = arith.constant 1 : i32
      %ge3A_391 = arith.cmpi sge, %add3A_385, %ge3A_390 : i32
      %lt3A_392 = arith.cmpi slt, %sub3A_389, %min3A_165 : i32
      %and3A_393 = arith.andi %ge3A_391, %lt3A_392 : i1
      %convert_element_type3A_394 = arith.extui %and3A_393 : i1 to i32
      %cond3A_395 = arith.constant 0 : i32
      %cond3A_396 = arith.cmpi ne, %convert_element_type3A_394, %cond3A_395 : i32
      scf.if %cond3A_396 {
        %sub3A_405 = arith.constant 1 : i32
        %sub3A_406 = arith.subi %add3A_385, %sub3A_405 : i32
        %dma_wait3A_407 = arith.constant 0 : i32
        %dma_wait3A_408 = tpu.memref_slice %arg8[%sub3A_406, %dma_wait3A_407] : memref<40x64xi32, #tpu.memory_space<vmem>> -> memref<1x64xi32, #tpu.memory_space<vmem>>
        %dma_wait3A_409 = tpu.memref_squeeze %dma_wait3A_408 : memref<1x64xi32, #tpu.memory_space<vmem>> -> memref<64xi32, #tpu.memory_space<vmem>>
        %dma_wait3A_410 = arith.constant 0 : i32
        %dma_wait3A_411 = arith.constant 0 : i32
        %dma_wait3A_412 = tpu.memref_slice %arg6[%dma_wait3A_410, %dma_wait3A_411] : memref<10240x128xf32, #tpu.memory_space<vmem_shared>> -> memref<10240x128xf32, #tpu.memory_space<vmem_shared>>
        tpu.wait_indirect_dma semaphore(%arg19 : memref<!tpu.dma_semaphore, #tpu.memory_space<semaphore_mem>>) src(%arg11 : memref<64x128xf32, #tpu.memory_space<vmem>>) dst(%dma_wait3A_412 : memref<10240x128xf32, #tpu.memory_space<vmem_shared>>)
      } else {
      }
      %lt3A_397 = arith.cmpi slt, %sub3A_389, %min3A_165 : i32
      %convert_element_type3A_398 = arith.extui %lt3A_397 : i1 to i32
      %cond3A_399 = arith.constant 0 : i32
      %cond3A_400 = arith.cmpi ne, %convert_element_type3A_398, %cond3A_399 : i32
      scf.if %cond3A_400 {
        %dma_start3A_405 = arith.constant 0 : i32
        %dma_start3A_406 = tpu.memref_slice %arg7[%sub3A_389, %dma_start3A_405] : memref<40x64xi32, #tpu.memory_space<vmem>> -> memref<1x64xi32, #tpu.memory_space<vmem>>
        %dma_start3A_407 = tpu.memref_squeeze %dma_start3A_406 : memref<1x64xi32, #tpu.memory_space<vmem>> -> memref<64xi32, #tpu.memory_space<vmem>>
        %dma_start3A_408 = arith.constant 0 : i32
        %dma_start3A_409 = arith.constant 0 : i32
        %dma_start3A_410 = tpu.memref_slice %arg2[%dma_start3A_408, %dma_start3A_409] : memref<10000x128xf32, #tpu.memory_space<hbm>> -> memref<10000x128xf32, #tpu.memory_space<hbm>>
        tpu.enqueue_indirect_dma source(%dma_start3A_410 : memref<10000x128xf32, #tpu.memory_space<hbm>>) target(%arg11 : memref<64x128xf32, #tpu.memory_space<vmem>>) offsets(%dma_start3A_407 : memref<64xi32, #tpu.memory_space<vmem>>) semaphore(%arg15 : memref<!tpu.dma_semaphore, #tpu.memory_space<semaphore_mem>>)
      } else {
      }
      %lt3A_401 = arith.cmpi slt, %add3A_385, %min3A_165 : i32
      %convert_element_type3A_402 = arith.extui %lt3A_401 : i1 to i32
      %cond3A_403 = arith.constant 0 : i32
      %cond3A_404 = arith.cmpi ne, %convert_element_type3A_402, %cond3A_403 : i32
      scf.if %cond3A_404 {
        %dma_wait3A_405 = arith.constant 0 : i32
        %dma_wait3A_406 = tpu.memref_slice %arg7[%add3A_385, %dma_wait3A_405] : memref<40x64xi32, #tpu.memory_space<vmem>> -> memref<1x64xi32, #tpu.memory_space<vmem>>
        %dma_wait3A_407 = tpu.memref_squeeze %dma_wait3A_406 : memref<1x64xi32, #tpu.memory_space<vmem>> -> memref<64xi32, #tpu.memory_space<vmem>>
        %dma_wait3A_408 = arith.constant 0 : i32
        %dma_wait3A_409 = arith.constant 0 : i32
        %dma_wait3A_410 = tpu.memref_slice %arg2[%dma_wait3A_408, %dma_wait3A_409] : memref<10000x128xf32, #tpu.memory_space<hbm>> -> memref<10000x128xf32, #tpu.memory_space<hbm>>
        tpu.wait_indirect_dma semaphore(%arg16 : memref<!tpu.dma_semaphore, #tpu.memory_space<semaphore_mem>>) src(%dma_wait3A_410 : memref<10000x128xf32, #tpu.memory_space<hbm>>) dst(%arg12 : memref<64x128xf32, #tpu.memory_space<vmem>>)
        %dma_start3A_411 = arith.constant 0 : i32
        %dma_start3A_412 = tpu.memref_slice %arg8[%add3A_385, %dma_start3A_411] : memref<40x64xi32, #tpu.memory_space<vmem>> -> memref<1x64xi32, #tpu.memory_space<vmem>>
        %dma_start3A_413 = tpu.memref_squeeze %dma_start3A_412 : memref<1x64xi32, #tpu.memory_space<vmem>> -> memref<64xi32, #tpu.memory_space<vmem>>
        %dma_start3A_414 = arith.constant 0 : i32
        %dma_start3A_415 = arith.constant 0 : i32
        %dma_start3A_416 = tpu.memref_slice %arg6[%dma_start3A_414, %dma_start3A_415] : memref<10240x128xf32, #tpu.memory_space<vmem_shared>> -> memref<10240x128xf32, #tpu.memory_space<vmem_shared>>
        tpu.enqueue_indirect_dma source(%arg12 : memref<64x128xf32, #tpu.memory_space<vmem>>) target(%dma_start3A_416 : memref<10240x128xf32, #tpu.memory_space<vmem_shared>>) offsets(%dma_start3A_413 : memref<64xi32, #tpu.memory_space<vmem>>) semaphore(%arg20 : memref<!tpu.dma_semaphore, #tpu.memory_space<semaphore_mem>>) {add = true}
      } else {
      }
    }
    %scan3A_194 = arith.constant 10 : i32
    %sub3A_195 = arith.constant 4 : i32
    %sub3A_196 = arith.subi %min3A_165, %sub3A_195 : i32
    %add3A_197 = arith.constant 0 : i32
    %add3A_198 = arith.addi %sub3A_196, %add3A_197 : i32
    %dma_wait3A_199 = arith.constant 0 : i32
    %dma_wait3A_200 = tpu.memref_slice %arg8[%add3A_198, %dma_wait3A_199] : memref<40x64xi32, #tpu.memory_space<vmem>> -> memref<1x64xi32, #tpu.memory_space<vmem>>
    %dma_wait3A_201 = tpu.memref_squeeze %dma_wait3A_200 : memref<1x64xi32, #tpu.memory_space<vmem>> -> memref<64xi32, #tpu.memory_space<vmem>>
    %dma_wait3A_202 = arith.constant 0 : i32
    %dma_wait3A_203 = arith.constant 0 : i32
    %dma_wait3A_204 = tpu.memref_slice %arg6[%dma_wait3A_202, %dma_wait3A_203] : memref<10240x128xf32, #tpu.memory_space<vmem_shared>> -> memref<10240x128xf32, #tpu.memory_space<vmem_shared>>
    tpu.wait_indirect_dma semaphore(%arg17 : memref<!tpu.dma_semaphore, #tpu.memory_space<semaphore_mem>>) src(%arg9 : memref<64x128xf32, #tpu.memory_space<vmem>>) dst(%dma_wait3A_204 : memref<10240x128xf32, #tpu.memory_space<vmem_shared>>)
    %sub3A_205 = arith.constant 4 : i32
    %sub3A_206 = arith.subi %min3A_165, %sub3A_205 : i32
    %add3A_207 = arith.constant 1 : i32
    %add3A_208 = arith.addi %sub3A_206, %add3A_207 : i32
    %dma_wait3A_209 = arith.constant 0 : i32
    %dma_wait3A_210 = tpu.memref_slice %arg8[%add3A_208, %dma_wait3A_209] : memref<40x64xi32, #tpu.memory_space<vmem>> -> memref<1x64xi32, #tpu.memory_space<vmem>>
    %dma_wait3A_211 = tpu.memref_squeeze %dma_wait3A_210 : memref<1x64xi32, #tpu.memory_space<vmem>> -> memref<64xi32, #tpu.memory_space<vmem>>
    %dma_wait3A_212 = arith.constant 0 : i32
    %dma_wait3A_213 = arith.constant 0 : i32
    %dma_wait3A_214 = tpu.memref_slice %arg6[%dma_wait3A_212, %dma_wait3A_213] : memref<10240x128xf32, #tpu.memory_space<vmem_shared>> -> memref<10240x128xf32, #tpu.memory_space<vmem_shared>>
    tpu.wait_indirect_dma semaphore(%arg18 : memref<!tpu.dma_semaphore, #tpu.memory_space<semaphore_mem>>) src(%arg10 : memref<64x128xf32, #tpu.memory_space<vmem>>) dst(%dma_wait3A_214 : memref<10240x128xf32, #tpu.memory_space<vmem_shared>>)
    %sub3A_215 = arith.constant 4 : i32
    %sub3A_216 = arith.subi %min3A_165, %sub3A_215 : i32
    %add3A_217 = arith.constant 2 : i32
    %add3A_218 = arith.addi %sub3A_216, %add3A_217 : i32
    %dma_wait3A_219 = arith.constant 0 : i32
    %dma_wait3A_220 = tpu.memref_slice %arg8[%add3A_218, %dma_wait3A_219] : memref<40x64xi32, #tpu.memory_space<vmem>> -> memref<1x64xi32, #tpu.memory_space<vmem>>
    %dma_wait3A_221 = tpu.memref_squeeze %dma_wait3A_220 : memref<1x64xi32, #tpu.memory_space<vmem>> -> memref<64xi32, #tpu.memory_space<vmem>>
    %dma_wait3A_222 = arith.constant 0 : i32
    %dma_wait3A_223 = arith.constant 0 : i32
    %dma_wait3A_224 = tpu.memref_slice %arg6[%dma_wait3A_222, %dma_wait3A_223] : memref<10240x128xf32, #tpu.memory_space<vmem_shared>> -> memref<10240x128xf32, #tpu.memory_space<vmem_shared>>
    tpu.wait_indirect_dma semaphore(%arg19 : memref<!tpu.dma_semaphore, #tpu.memory_space<semaphore_mem>>) src(%arg11 : memref<64x128xf32, #tpu.memory_space<vmem>>) dst(%dma_wait3A_224 : memref<10240x128xf32, #tpu.memory_space<vmem_shared>>)
    %sub3A_225 = arith.constant 4 : i32
    %sub3A_226 = arith.subi %min3A_165, %sub3A_225 : i32
    %add3A_227 = arith.constant 3 : i32
    %add3A_228 = arith.addi %sub3A_226, %add3A_227 : i32
    %dma_wait3A_229 = arith.constant 0 : i32
    %dma_wait3A_230 = tpu.memref_slice %arg8[%add3A_228, %dma_wait3A_229] : memref<40x64xi32, #tpu.memory_space<vmem>> -> memref<1x64xi32, #tpu.memory_space<vmem>>
    %dma_wait3A_231 = tpu.memref_squeeze %dma_wait3A_230 : memref<1x64xi32, #tpu.memory_space<vmem>> -> memref<64xi32, #tpu.memory_space<vmem>>
    %dma_wait3A_232 = arith.constant 0 : i32
    %dma_wait3A_233 = arith.constant 0 : i32
    %dma_wait3A_234 = tpu.memref_slice %arg6[%dma_wait3A_232, %dma_wait3A_233] : memref<10240x128xf32, #tpu.memory_space<vmem_shared>> -> memref<10240x128xf32, #tpu.memory_space<vmem_shared>>
    tpu.wait_indirect_dma semaphore(%arg20 : memref<!tpu.dma_semaphore, #tpu.memory_space<semaphore_mem>>) src(%arg12 : memref<64x128xf32, #tpu.memory_space<vmem>>) dst(%dma_wait3A_234 : memref<10240x128xf32, #tpu.memory_space<vmem_shared>>)
    %add3A_235 = arith.constant 120 : i32
    %add3A_236 = arith.addi %add3A_8, %add3A_235 : i32
    %multiple_of3A_237 = tpu.assume_multiple %add3A_236, 8 : i32
    %sub3A_238 = arith.constant 120 : i32
    %sub3A_239 = arith.subi %select_n3A, %sub3A_238 : i32
    %min3A_240 = arith.constant 40 : i32
    %min3A_241 = arith.minsi %min3A_240, %sub3A_239 : i32
    %run_scoped3A_242 = arith.constant 0 : i32
    "tpu.region"() ({
      %run_scoped3A_316 = tpu.sem_alloc : memref<!tpu.dma_semaphore, #tpu.memory_space<semaphore_mem>>
      %dma_start3A_317 = arith.constant 0 : i32
      %dma_start3A_318 = tpu.memref_slice %arg3[%run_scoped3A_242, %multiple_of3A_237, %dma_start3A_317] : memref<2x5000x64xi32, #tpu.memory_space<hbm>> -> memref<1x40x64xi32, #tpu.memory_space<hbm>>
      %dma_start3A_319 = tpu.memref_squeeze %dma_start3A_318 : memref<1x40x64xi32, #tpu.memory_space<hbm>> -> memref<40x64xi32, #tpu.memory_space<hbm>>
      %dma_start3A_320 = arith.constant 0 : i32
      %dma_start3A_321 = tpu.memref_slice %arg3[%run_scoped3A_242, %multiple_of3A_237, %dma_start3A_320] : memref<2x5000x64xi32, #tpu.memory_space<hbm>> -> memref<1x40x64xi32, #tpu.memory_space<hbm>>
      %dma_start3A_322 = tpu.memref_squeeze %dma_start3A_321 : memref<1x40x64xi32, #tpu.memory_space<hbm>> -> memref<40x64xi32, #tpu.memory_space<hbm>>
      tpu.enqueue_dma source(%dma_start3A_322 : memref<40x64xi32, #tpu.memory_space<hbm>>) target(%arg7 : memref<40x64xi32, #tpu.memory_space<vmem>>) target_semaphore(%run_scoped3A_316 : memref<!tpu.dma_semaphore, #tpu.memory_space<semaphore_mem>>)
      %dma_wait3A_323 = arith.constant 0 : i32
      %dma_wait3A_324 = tpu.memref_slice %arg3[%run_scoped3A_242, %multiple_of3A_237, %dma_wait3A_323] : memref<2x5000x64xi32, #tpu.memory_space<hbm>> -> memref<1x40x64xi32, #tpu.memory_space<hbm>>
      %dma_wait3A_325 = tpu.memref_squeeze %dma_wait3A_324 : memref<1x40x64xi32, #tpu.memory_space<hbm>> -> memref<40x64xi32, #tpu.memory_space<hbm>>
      %dma_wait3A_326 = arith.constant 0 : i32
      %dma_wait3A_327 = tpu.memref_slice %arg3[%run_scoped3A_242, %multiple_of3A_237, %dma_wait3A_326] : memref<2x5000x64xi32, #tpu.memory_space<hbm>> -> memref<1x40x64xi32, #tpu.memory_space<hbm>>
      %dma_wait3A_328 = tpu.memref_squeeze %dma_wait3A_327 : memref<1x40x64xi32, #tpu.memory_space<hbm>> -> memref<40x64xi32, #tpu.memory_space<hbm>>
      tpu.wait_dma2 semaphore(%run_scoped3A_316 : memref<!tpu.dma_semaphore, #tpu.memory_space<semaphore_mem>>) src(%dma_wait3A_328 : memref<40x64xi32, #tpu.memory_space<hbm>>) dst(%arg7 : memref<40x64xi32, #tpu.memory_space<vmem>>)
      tpu.yield
    }) : () -> ()
    %run_scoped3A_243 = arith.constant 1 : i32
    "tpu.region"() ({
      %run_scoped3A_316 = tpu.sem_alloc : memref<!tpu.dma_semaphore, #tpu.memory_space<semaphore_mem>>
      %dma_start3A_317 = arith.constant 0 : i32
      %dma_start3A_318 = tpu.memref_slice %arg3[%run_scoped3A_243, %multiple_of3A_237, %dma_start3A_317] : memref<2x5000x64xi32, #tpu.memory_space<hbm>> -> memref<1x40x64xi32, #tpu.memory_space<hbm>>
      %dma_start3A_319 = tpu.memref_squeeze %dma_start3A_318 : memref<1x40x64xi32, #tpu.memory_space<hbm>> -> memref<40x64xi32, #tpu.memory_space<hbm>>
      %dma_start3A_320 = arith.constant 0 : i32
      %dma_start3A_321 = tpu.memref_slice %arg3[%run_scoped3A_243, %multiple_of3A_237, %dma_start3A_320] : memref<2x5000x64xi32, #tpu.memory_space<hbm>> -> memref<1x40x64xi32, #tpu.memory_space<hbm>>
      %dma_start3A_322 = tpu.memref_squeeze %dma_start3A_321 : memref<1x40x64xi32, #tpu.memory_space<hbm>> -> memref<40x64xi32, #tpu.memory_space<hbm>>
      tpu.enqueue_dma source(%dma_start3A_322 : memref<40x64xi32, #tpu.memory_space<hbm>>) target(%arg8 : memref<40x64xi32, #tpu.memory_space<vmem>>) target_semaphore(%run_scoped3A_316 : memref<!tpu.dma_semaphore, #tpu.memory_space<semaphore_mem>>)
      %dma_wait3A_323 = arith.constant 0 : i32
      %dma_wait3A_324 = tpu.memref_slice %arg3[%run_scoped3A_243, %multiple_of3A_237, %dma_wait3A_323] : memref<2x5000x64xi32, #tpu.memory_space<hbm>> -> memref<1x40x64xi32, #tpu.memory_space<hbm>>
      %dma_wait3A_325 = tpu.memref_squeeze %dma_wait3A_324 : memref<1x40x64xi32, #tpu.memory_space<hbm>> -> memref<40x64xi32, #tpu.memory_space<hbm>>
      %dma_wait3A_326 = arith.constant 0 : i32
      %dma_wait3A_327 = tpu.memref_slice %arg3[%run_scoped3A_243, %multiple_of3A_237, %dma_wait3A_326] : memref<2x5000x64xi32, #tpu.memory_space<hbm>> -> memref<1x40x64xi32, #tpu.memory_space<hbm>>
      %dma_wait3A_328 = tpu.memref_squeeze %dma_wait3A_327 : memref<1x40x64xi32, #tpu.memory_space<hbm>> -> memref<40x64xi32, #tpu.memory_space<hbm>>
      tpu.wait_dma2 semaphore(%run_scoped3A_316 : memref<!tpu.dma_semaphore, #tpu.memory_space<semaphore_mem>>) src(%dma_wait3A_328 : memref<40x64xi32, #tpu.memory_space<hbm>>) dst(%arg8 : memref<40x64xi32, #tpu.memory_space<vmem>>)
      tpu.yield
    }) : () -> ()
    %dma_start3A_244 = arith.constant 0 : i32
    %dma_start3A_245 = arith.constant 0 : i32
    %dma_start3A_246 = tpu.memref_slice %arg7[%dma_start3A_244, %dma_start3A_245] : memref<40x64xi32, #tpu.memory_space<vmem>> -> memref<1x64xi32, #tpu.memory_space<vmem>>
    %dma_start3A_247 = tpu.memref_squeeze %dma_start3A_246 : memref<1x64xi32, #tpu.memory_space<vmem>> -> memref<64xi32, #tpu.memory_space<vmem>>
    %dma_start3A_248 = arith.constant 0 : i32
    %dma_start3A_249 = arith.constant 0 : i32
    %dma_start3A_250 = tpu.memref_slice %arg2[%dma_start3A_248, %dma_start3A_249] : memref<10000x128xf32, #tpu.memory_space<hbm>> -> memref<10000x128xf32, #tpu.memory_space<hbm>>
    tpu.enqueue_indirect_dma source(%dma_start3A_250 : memref<10000x128xf32, #tpu.memory_space<hbm>>) target(%arg9 : memref<64x128xf32, #tpu.memory_space<vmem>>) offsets(%dma_start3A_247 : memref<64xi32, #tpu.memory_space<vmem>>) semaphore(%arg13 : memref<!tpu.dma_semaphore, #tpu.memory_space<semaphore_mem>>)
    %dma_start3A_251 = arith.constant 1 : i32
    %dma_start3A_252 = arith.constant 0 : i32
    %dma_start3A_253 = tpu.memref_slice %arg7[%dma_start3A_251, %dma_start3A_252] : memref<40x64xi32, #tpu.memory_space<vmem>> -> memref<1x64xi32, #tpu.memory_space<vmem>>
    %dma_start3A_254 = tpu.memref_squeeze %dma_start3A_253 : memref<1x64xi32, #tpu.memory_space<vmem>> -> memref<64xi32, #tpu.memory_space<vmem>>
    %dma_start3A_255 = arith.constant 0 : i32
    %dma_start3A_256 = arith.constant 0 : i32
    %dma_start3A_257 = tpu.memref_slice %arg2[%dma_start3A_255, %dma_start3A_256] : memref<10000x128xf32, #tpu.memory_space<hbm>> -> memref<10000x128xf32, #tpu.memory_space<hbm>>
    tpu.enqueue_indirect_dma source(%dma_start3A_257 : memref<10000x128xf32, #tpu.memory_space<hbm>>) target(%arg10 : memref<64x128xf32, #tpu.memory_space<vmem>>) offsets(%dma_start3A_254 : memref<64xi32, #tpu.memory_space<vmem>>) semaphore(%arg14 : memref<!tpu.dma_semaphore, #tpu.memory_space<semaphore_mem>>)
    %dma_start3A_258 = arith.constant 2 : i32
    %dma_start3A_259 = arith.constant 0 : i32
    %dma_start3A_260 = tpu.memref_slice %arg7[%dma_start3A_258, %dma_start3A_259] : memref<40x64xi32, #tpu.memory_space<vmem>> -> memref<1x64xi32, #tpu.memory_space<vmem>>
    %dma_start3A_261 = tpu.memref_squeeze %dma_start3A_260 : memref<1x64xi32, #tpu.memory_space<vmem>> -> memref<64xi32, #tpu.memory_space<vmem>>
    %dma_start3A_262 = arith.constant 0 : i32
    %dma_start3A_263 = arith.constant 0 : i32
    %dma_start3A_264 = tpu.memref_slice %arg2[%dma_start3A_262, %dma_start3A_263] : memref<10000x128xf32, #tpu.memory_space<hbm>> -> memref<10000x128xf32, #tpu.memory_space<hbm>>
    tpu.enqueue_indirect_dma source(%dma_start3A_264 : memref<10000x128xf32, #tpu.memory_space<hbm>>) target(%arg11 : memref<64x128xf32, #tpu.memory_space<vmem>>) offsets(%dma_start3A_261 : memref<64xi32, #tpu.memory_space<vmem>>) semaphore(%arg15 : memref<!tpu.dma_semaphore, #tpu.memory_space<semaphore_mem>>)
    %scan3A_265 = arith.constant 0 : i32
    %scan3A_266 = arith.constant 0 : i32
    %scan3A_267 = arith.constant 10 : i32
    %scan3A_268 = arith.addi %scan3A_266, %scan3A_267 : i32
    %scan3A_269 = arith.constant 1 : i32
    scf.for %scan3A_316 = %scan3A_266 to %scan3A_268 step %scan3A_269  : i32 {
      %mul3A_317 = arith.constant 4 : i32
      %mul3A_318 = arith.muli %scan3A_316, %mul3A_317 : i32
      %add3A_319 = arith.constant 0 : i32
      %add3A_320 = arith.addi %mul3A_318, %add3A_319 : i32
      %add3A_321 = arith.constant 4 : i32
      %add3A_322 = arith.addi %add3A_320, %add3A_321 : i32
      %sub3A_323 = arith.constant 1 : i32
      %sub3A_324 = arith.subi %add3A_322, %sub3A_323 : i32
      %ge3A = arith.constant 1 : i32
      %ge3A_325 = arith.cmpi sge, %add3A_320, %ge3A : i32
      %lt3A_326 = arith.cmpi slt, %sub3A_324, %min3A_241 : i32
      %and3A = arith.andi %ge3A_325, %lt3A_326 : i1
      %convert_element_type3A = arith.extui %and3A : i1 to i32
      %cond3A = arith.constant 0 : i32
      %cond3A_327 = arith.cmpi ne, %convert_element_type3A, %cond3A : i32
      scf.if %cond3A_327 {
        %sub3A_405 = arith.constant 1 : i32
        %sub3A_406 = arith.subi %add3A_320, %sub3A_405 : i32
        %dma_wait3A_407 = arith.constant 0 : i32
        %dma_wait3A_408 = tpu.memref_slice %arg8[%sub3A_406, %dma_wait3A_407] : memref<40x64xi32, #tpu.memory_space<vmem>> -> memref<1x64xi32, #tpu.memory_space<vmem>>
        %dma_wait3A_409 = tpu.memref_squeeze %dma_wait3A_408 : memref<1x64xi32, #tpu.memory_space<vmem>> -> memref<64xi32, #tpu.memory_space<vmem>>
        %dma_wait3A_410 = arith.constant 0 : i32
        %dma_wait3A_411 = arith.constant 0 : i32
        %dma_wait3A_412 = tpu.memref_slice %arg6[%dma_wait3A_410, %dma_wait3A_411] : memref<10240x128xf32, #tpu.memory_space<vmem_shared>> -> memref<10240x128xf32, #tpu.memory_space<vmem_shared>>
        tpu.wait_indirect_dma semaphore(%arg20 : memref<!tpu.dma_semaphore, #tpu.memory_space<semaphore_mem>>) src(%arg12 : memref<64x128xf32, #tpu.memory_space<vmem>>) dst(%dma_wait3A_412 : memref<10240x128xf32, #tpu.memory_space<vmem_shared>>)
      } else {
      }
      %lt3A_328 = arith.cmpi slt, %sub3A_324, %min3A_241 : i32
      %convert_element_type3A_329 = arith.extui %lt3A_328 : i1 to i32
      %cond3A_330 = arith.constant 0 : i32
      %cond3A_331 = arith.cmpi ne, %convert_element_type3A_329, %cond3A_330 : i32
      scf.if %cond3A_331 {
        %dma_start3A_405 = arith.constant 0 : i32
        %dma_start3A_406 = tpu.memref_slice %arg7[%sub3A_324, %dma_start3A_405] : memref<40x64xi32, #tpu.memory_space<vmem>> -> memref<1x64xi32, #tpu.memory_space<vmem>>
        %dma_start3A_407 = tpu.memref_squeeze %dma_start3A_406 : memref<1x64xi32, #tpu.memory_space<vmem>> -> memref<64xi32, #tpu.memory_space<vmem>>
        %dma_start3A_408 = arith.constant 0 : i32
        %dma_start3A_409 = arith.constant 0 : i32
        %dma_start3A_410 = tpu.memref_slice %arg2[%dma_start3A_408, %dma_start3A_409] : memref<10000x128xf32, #tpu.memory_space<hbm>> -> memref<10000x128xf32, #tpu.memory_space<hbm>>
        tpu.enqueue_indirect_dma source(%dma_start3A_410 : memref<10000x128xf32, #tpu.memory_space<hbm>>) target(%arg12 : memref<64x128xf32, #tpu.memory_space<vmem>>) offsets(%dma_start3A_407 : memref<64xi32, #tpu.memory_space<vmem>>) semaphore(%arg16 : memref<!tpu.dma_semaphore, #tpu.memory_space<semaphore_mem>>)
      } else {
      }
      %lt3A_332 = arith.cmpi slt, %add3A_320, %min3A_241 : i32
      %convert_element_type3A_333 = arith.extui %lt3A_332 : i1 to i32
      %cond3A_334 = arith.constant 0 : i32
      %cond3A_335 = arith.cmpi ne, %convert_element_type3A_333, %cond3A_334 : i32
      scf.if %cond3A_335 {
        %dma_wait3A_405 = arith.constant 0 : i32
        %dma_wait3A_406 = tpu.memref_slice %arg7[%add3A_320, %dma_wait3A_405] : memref<40x64xi32, #tpu.memory_space<vmem>> -> memref<1x64xi32, #tpu.memory_space<vmem>>
        %dma_wait3A_407 = tpu.memref_squeeze %dma_wait3A_406 : memref<1x64xi32, #tpu.memory_space<vmem>> -> memref<64xi32, #tpu.memory_space<vmem>>
        %dma_wait3A_408 = arith.constant 0 : i32
        %dma_wait3A_409 = arith.constant 0 : i32
        %dma_wait3A_410 = tpu.memref_slice %arg2[%dma_wait3A_408, %dma_wait3A_409] : memref<10000x128xf32, #tpu.memory_space<hbm>> -> memref<10000x128xf32, #tpu.memory_space<hbm>>
        tpu.wait_indirect_dma semaphore(%arg13 : memref<!tpu.dma_semaphore, #tpu.memory_space<semaphore_mem>>) src(%dma_wait3A_410 : memref<10000x128xf32, #tpu.memory_space<hbm>>) dst(%arg9 : memref<64x128xf32, #tpu.memory_space<vmem>>)
        %dma_start3A_411 = arith.constant 0 : i32
        %dma_start3A_412 = tpu.memref_slice %arg8[%add3A_320, %dma_start3A_411] : memref<40x64xi32, #tpu.memory_space<vmem>> -> memref<1x64xi32, #tpu.memory_space<vmem>>
        %dma_start3A_413 = tpu.memref_squeeze %dma_start3A_412 : memref<1x64xi32, #tpu.memory_space<vmem>> -> memref<64xi32, #tpu.memory_space<vmem>>
        %dma_start3A_414 = arith.constant 0 : i32
        %dma_start3A_415 = arith.constant 0 : i32
        %dma_start3A_416 = tpu.memref_slice %arg6[%dma_start3A_414, %dma_start3A_415] : memref<10240x128xf32, #tpu.memory_space<vmem_shared>> -> memref<10240x128xf32, #tpu.memory_space<vmem_shared>>
        tpu.enqueue_indirect_dma source(%arg9 : memref<64x128xf32, #tpu.memory_space<vmem>>) target(%dma_start3A_416 : memref<10240x128xf32, #tpu.memory_space<vmem_shared>>) offsets(%dma_start3A_413 : memref<64xi32, #tpu.memory_space<vmem>>) semaphore(%arg17 : memref<!tpu.dma_semaphore, #tpu.memory_space<semaphore_mem>>) {add = true}
      } else {
      }
      %mul3A_336 = arith.constant 4 : i32
      %mul3A_337 = arith.muli %scan3A_316, %mul3A_336 : i32
      %add3A_338 = arith.constant 1 : i32
      %add3A_339 = arith.addi %mul3A_337, %add3A_338 : i32
      %add3A_340 = arith.constant 4 : i32
      %add3A_341 = arith.addi %add3A_339, %add3A_340 : i32
      %sub3A_342 = arith.constant 1 : i32
      %sub3A_343 = arith.subi %add3A_341, %sub3A_342 : i32
      %ge3A_344 = arith.constant 1 : i32
      %ge3A_345 = arith.cmpi sge, %add3A_339, %ge3A_344 : i32
      %lt3A_346 = arith.cmpi slt, %sub3A_343, %min3A_241 : i32
      %and3A_347 = arith.andi %ge3A_345, %lt3A_346 : i1
      %convert_element_type3A_348 = arith.extui %and3A_347 : i1 to i32
      %cond3A_349 = arith.constant 0 : i32
      %cond3A_350 = arith.cmpi ne, %convert_element_type3A_348, %cond3A_349 : i32
      scf.if %cond3A_350 {
        %sub3A_405 = arith.constant 1 : i32
        %sub3A_406 = arith.subi %add3A_339, %sub3A_405 : i32
        %dma_wait3A_407 = arith.constant 0 : i32
        %dma_wait3A_408 = tpu.memref_slice %arg8[%sub3A_406, %dma_wait3A_407] : memref<40x64xi32, #tpu.memory_space<vmem>> -> memref<1x64xi32, #tpu.memory_space<vmem>>
        %dma_wait3A_409 = tpu.memref_squeeze %dma_wait3A_408 : memref<1x64xi32, #tpu.memory_space<vmem>> -> memref<64xi32, #tpu.memory_space<vmem>>
        %dma_wait3A_410 = arith.constant 0 : i32
        %dma_wait3A_411 = arith.constant 0 : i32
        %dma_wait3A_412 = tpu.memref_slice %arg6[%dma_wait3A_410, %dma_wait3A_411] : memref<10240x128xf32, #tpu.memory_space<vmem_shared>> -> memref<10240x128xf32, #tpu.memory_space<vmem_shared>>
        tpu.wait_indirect_dma semaphore(%arg17 : memref<!tpu.dma_semaphore, #tpu.memory_space<semaphore_mem>>) src(%arg9 : memref<64x128xf32, #tpu.memory_space<vmem>>) dst(%dma_wait3A_412 : memref<10240x128xf32, #tpu.memory_space<vmem_shared>>)
      } else {
      }
      %lt3A_351 = arith.cmpi slt, %sub3A_343, %min3A_241 : i32
      %convert_element_type3A_352 = arith.extui %lt3A_351 : i1 to i32
      %cond3A_353 = arith.constant 0 : i32
      %cond3A_354 = arith.cmpi ne, %convert_element_type3A_352, %cond3A_353 : i32
      scf.if %cond3A_354 {
        %dma_start3A_405 = arith.constant 0 : i32
        %dma_start3A_406 = tpu.memref_slice %arg7[%sub3A_343, %dma_start3A_405] : memref<40x64xi32, #tpu.memory_space<vmem>> -> memref<1x64xi32, #tpu.memory_space<vmem>>
        %dma_start3A_407 = tpu.memref_squeeze %dma_start3A_406 : memref<1x64xi32, #tpu.memory_space<vmem>> -> memref<64xi32, #tpu.memory_space<vmem>>
        %dma_start3A_408 = arith.constant 0 : i32
        %dma_start3A_409 = arith.constant 0 : i32
        %dma_start3A_410 = tpu.memref_slice %arg2[%dma_start3A_408, %dma_start3A_409] : memref<10000x128xf32, #tpu.memory_space<hbm>> -> memref<10000x128xf32, #tpu.memory_space<hbm>>
        tpu.enqueue_indirect_dma source(%dma_start3A_410 : memref<10000x128xf32, #tpu.memory_space<hbm>>) target(%arg9 : memref<64x128xf32, #tpu.memory_space<vmem>>) offsets(%dma_start3A_407 : memref<64xi32, #tpu.memory_space<vmem>>) semaphore(%arg13 : memref<!tpu.dma_semaphore, #tpu.memory_space<semaphore_mem>>)
      } else {
      }
      %lt3A_355 = arith.cmpi slt, %add3A_339, %min3A_241 : i32
      %convert_element_type3A_356 = arith.extui %lt3A_355 : i1 to i32
      %cond3A_357 = arith.constant 0 : i32
      %cond3A_358 = arith.cmpi ne, %convert_element_type3A_356, %cond3A_357 : i32
      scf.if %cond3A_358 {
        %dma_wait3A_405 = arith.constant 0 : i32
        %dma_wait3A_406 = tpu.memref_slice %arg7[%add3A_339, %dma_wait3A_405] : memref<40x64xi32, #tpu.memory_space<vmem>> -> memref<1x64xi32, #tpu.memory_space<vmem>>
        %dma_wait3A_407 = tpu.memref_squeeze %dma_wait3A_406 : memref<1x64xi32, #tpu.memory_space<vmem>> -> memref<64xi32, #tpu.memory_space<vmem>>
        %dma_wait3A_408 = arith.constant 0 : i32
        %dma_wait3A_409 = arith.constant 0 : i32
        %dma_wait3A_410 = tpu.memref_slice %arg2[%dma_wait3A_408, %dma_wait3A_409] : memref<10000x128xf32, #tpu.memory_space<hbm>> -> memref<10000x128xf32, #tpu.memory_space<hbm>>
        tpu.wait_indirect_dma semaphore(%arg14 : memref<!tpu.dma_semaphore, #tpu.memory_space<semaphore_mem>>) src(%dma_wait3A_410 : memref<10000x128xf32, #tpu.memory_space<hbm>>) dst(%arg10 : memref<64x128xf32, #tpu.memory_space<vmem>>)
        %dma_start3A_411 = arith.constant 0 : i32
        %dma_start3A_412 = tpu.memref_slice %arg8[%add3A_339, %dma_start3A_411] : memref<40x64xi32, #tpu.memory_space<vmem>> -> memref<1x64xi32, #tpu.memory_space<vmem>>
        %dma_start3A_413 = tpu.memref_squeeze %dma_start3A_412 : memref<1x64xi32, #tpu.memory_space<vmem>> -> memref<64xi32, #tpu.memory_space<vmem>>
        %dma_start3A_414 = arith.constant 0 : i32
        %dma_start3A_415 = arith.constant 0 : i32
        %dma_start3A_416 = tpu.memref_slice %arg6[%dma_start3A_414, %dma_start3A_415] : memref<10240x128xf32, #tpu.memory_space<vmem_shared>> -> memref<10240x128xf32, #tpu.memory_space<vmem_shared>>
        tpu.enqueue_indirect_dma source(%arg10 : memref<64x128xf32, #tpu.memory_space<vmem>>) target(%dma_start3A_416 : memref<10240x128xf32, #tpu.memory_space<vmem_shared>>) offsets(%dma_start3A_413 : memref<64xi32, #tpu.memory_space<vmem>>) semaphore(%arg18 : memref<!tpu.dma_semaphore, #tpu.memory_space<semaphore_mem>>) {add = true}
      } else {
      }
      %mul3A_359 = arith.constant 4 : i32
      %mul3A_360 = arith.muli %scan3A_316, %mul3A_359 : i32
      %add3A_361 = arith.constant 2 : i32
      %add3A_362 = arith.addi %mul3A_360, %add3A_361 : i32
      %add3A_363 = arith.constant 4 : i32
      %add3A_364 = arith.addi %add3A_362, %add3A_363 : i32
      %sub3A_365 = arith.constant 1 : i32
      %sub3A_366 = arith.subi %add3A_364, %sub3A_365 : i32
      %ge3A_367 = arith.constant 1 : i32
      %ge3A_368 = arith.cmpi sge, %add3A_362, %ge3A_367 : i32
      %lt3A_369 = arith.cmpi slt, %sub3A_366, %min3A_241 : i32
      %and3A_370 = arith.andi %ge3A_368, %lt3A_369 : i1
      %convert_element_type3A_371 = arith.extui %and3A_370 : i1 to i32
      %cond3A_372 = arith.constant 0 : i32
      %cond3A_373 = arith.cmpi ne, %convert_element_type3A_371, %cond3A_372 : i32
      scf.if %cond3A_373 {
        %sub3A_405 = arith.constant 1 : i32
        %sub3A_406 = arith.subi %add3A_362, %sub3A_405 : i32
        %dma_wait3A_407 = arith.constant 0 : i32
        %dma_wait3A_408 = tpu.memref_slice %arg8[%sub3A_406, %dma_wait3A_407] : memref<40x64xi32, #tpu.memory_space<vmem>> -> memref<1x64xi32, #tpu.memory_space<vmem>>
        %dma_wait3A_409 = tpu.memref_squeeze %dma_wait3A_408 : memref<1x64xi32, #tpu.memory_space<vmem>> -> memref<64xi32, #tpu.memory_space<vmem>>
        %dma_wait3A_410 = arith.constant 0 : i32
        %dma_wait3A_411 = arith.constant 0 : i32
        %dma_wait3A_412 = tpu.memref_slice %arg6[%dma_wait3A_410, %dma_wait3A_411] : memref<10240x128xf32, #tpu.memory_space<vmem_shared>> -> memref<10240x128xf32, #tpu.memory_space<vmem_shared>>
        tpu.wait_indirect_dma semaphore(%arg18 : memref<!tpu.dma_semaphore, #tpu.memory_space<semaphore_mem>>) src(%arg10 : memref<64x128xf32, #tpu.memory_space<vmem>>) dst(%dma_wait3A_412 : memref<10240x128xf32, #tpu.memory_space<vmem_shared>>)
      } else {
      }
      %lt3A_374 = arith.cmpi slt, %sub3A_366, %min3A_241 : i32
      %convert_element_type3A_375 = arith.extui %lt3A_374 : i1 to i32
      %cond3A_376 = arith.constant 0 : i32
      %cond3A_377 = arith.cmpi ne, %convert_element_type3A_375, %cond3A_376 : i32
      scf.if %cond3A_377 {
        %dma_start3A_405 = arith.constant 0 : i32
        %dma_start3A_406 = tpu.memref_slice %arg7[%sub3A_366, %dma_start3A_405] : memref<40x64xi32, #tpu.memory_space<vmem>> -> memref<1x64xi32, #tpu.memory_space<vmem>>
        %dma_start3A_407 = tpu.memref_squeeze %dma_start3A_406 : memref<1x64xi32, #tpu.memory_space<vmem>> -> memref<64xi32, #tpu.memory_space<vmem>>
        %dma_start3A_408 = arith.constant 0 : i32
        %dma_start3A_409 = arith.constant 0 : i32
        %dma_start3A_410 = tpu.memref_slice %arg2[%dma_start3A_408, %dma_start3A_409] : memref<10000x128xf32, #tpu.memory_space<hbm>> -> memref<10000x128xf32, #tpu.memory_space<hbm>>
        tpu.enqueue_indirect_dma source(%dma_start3A_410 : memref<10000x128xf32, #tpu.memory_space<hbm>>) target(%arg10 : memref<64x128xf32, #tpu.memory_space<vmem>>) offsets(%dma_start3A_407 : memref<64xi32, #tpu.memory_space<vmem>>) semaphore(%arg14 : memref<!tpu.dma_semaphore, #tpu.memory_space<semaphore_mem>>)
      } else {
      }
      %lt3A_378 = arith.cmpi slt, %add3A_362, %min3A_241 : i32
      %convert_element_type3A_379 = arith.extui %lt3A_378 : i1 to i32
      %cond3A_380 = arith.constant 0 : i32
      %cond3A_381 = arith.cmpi ne, %convert_element_type3A_379, %cond3A_380 : i32
      scf.if %cond3A_381 {
        %dma_wait3A_405 = arith.constant 0 : i32
        %dma_wait3A_406 = tpu.memref_slice %arg7[%add3A_362, %dma_wait3A_405] : memref<40x64xi32, #tpu.memory_space<vmem>> -> memref<1x64xi32, #tpu.memory_space<vmem>>
        %dma_wait3A_407 = tpu.memref_squeeze %dma_wait3A_406 : memref<1x64xi32, #tpu.memory_space<vmem>> -> memref<64xi32, #tpu.memory_space<vmem>>
        %dma_wait3A_408 = arith.constant 0 : i32
        %dma_wait3A_409 = arith.constant 0 : i32
        %dma_wait3A_410 = tpu.memref_slice %arg2[%dma_wait3A_408, %dma_wait3A_409] : memref<10000x128xf32, #tpu.memory_space<hbm>> -> memref<10000x128xf32, #tpu.memory_space<hbm>>
        tpu.wait_indirect_dma semaphore(%arg15 : memref<!tpu.dma_semaphore, #tpu.memory_space<semaphore_mem>>) src(%dma_wait3A_410 : memref<10000x128xf32, #tpu.memory_space<hbm>>) dst(%arg11 : memref<64x128xf32, #tpu.memory_space<vmem>>)
        %dma_start3A_411 = arith.constant 0 : i32
        %dma_start3A_412 = tpu.memref_slice %arg8[%add3A_362, %dma_start3A_411] : memref<40x64xi32, #tpu.memory_space<vmem>> -> memref<1x64xi32, #tpu.memory_space<vmem>>
        %dma_start3A_413 = tpu.memref_squeeze %dma_start3A_412 : memref<1x64xi32, #tpu.memory_space<vmem>> -> memref<64xi32, #tpu.memory_space<vmem>>
        %dma_start3A_414 = arith.constant 0 : i32
        %dma_start3A_415 = arith.constant 0 : i32
        %dma_start3A_416 = tpu.memref_slice %arg6[%dma_start3A_414, %dma_start3A_415] : memref<10240x128xf32, #tpu.memory_space<vmem_shared>> -> memref<10240x128xf32, #tpu.memory_space<vmem_shared>>
        tpu.enqueue_indirect_dma source(%arg11 : memref<64x128xf32, #tpu.memory_space<vmem>>) target(%dma_start3A_416 : memref<10240x128xf32, #tpu.memory_space<vmem_shared>>) offsets(%dma_start3A_413 : memref<64xi32, #tpu.memory_space<vmem>>) semaphore(%arg19 : memref<!tpu.dma_semaphore, #tpu.memory_space<semaphore_mem>>) {add = true}
      } else {
      }
      %mul3A_382 = arith.constant 4 : i32
      %mul3A_383 = arith.muli %scan3A_316, %mul3A_382 : i32
      %add3A_384 = arith.constant 3 : i32
      %add3A_385 = arith.addi %mul3A_383, %add3A_384 : i32
      %add3A_386 = arith.constant 4 : i32
      %add3A_387 = arith.addi %add3A_385, %add3A_386 : i32
      %sub3A_388 = arith.constant 1 : i32
      %sub3A_389 = arith.subi %add3A_387, %sub3A_388 : i32
      %ge3A_390 = arith.constant 1 : i32
      %ge3A_391 = arith.cmpi sge, %add3A_385, %ge3A_390 : i32
      %lt3A_392 = arith.cmpi slt, %sub3A_389, %min3A_241 : i32
      %and3A_393 = arith.andi %ge3A_391, %lt3A_392 : i1
      %convert_element_type3A_394 = arith.extui %and3A_393 : i1 to i32
      %cond3A_395 = arith.constant 0 : i32
      %cond3A_396 = arith.cmpi ne, %convert_element_type3A_394, %cond3A_395 : i32
      scf.if %cond3A_396 {
        %sub3A_405 = arith.constant 1 : i32
        %sub3A_406 = arith.subi %add3A_385, %sub3A_405 : i32
        %dma_wait3A_407 = arith.constant 0 : i32
        %dma_wait3A_408 = tpu.memref_slice %arg8[%sub3A_406, %dma_wait3A_407] : memref<40x64xi32, #tpu.memory_space<vmem>> -> memref<1x64xi32, #tpu.memory_space<vmem>>
        %dma_wait3A_409 = tpu.memref_squeeze %dma_wait3A_408 : memref<1x64xi32, #tpu.memory_space<vmem>> -> memref<64xi32, #tpu.memory_space<vmem>>
        %dma_wait3A_410 = arith.constant 0 : i32
        %dma_wait3A_411 = arith.constant 0 : i32
        %dma_wait3A_412 = tpu.memref_slice %arg6[%dma_wait3A_410, %dma_wait3A_411] : memref<10240x128xf32, #tpu.memory_space<vmem_shared>> -> memref<10240x128xf32, #tpu.memory_space<vmem_shared>>
        tpu.wait_indirect_dma semaphore(%arg19 : memref<!tpu.dma_semaphore, #tpu.memory_space<semaphore_mem>>) src(%arg11 : memref<64x128xf32, #tpu.memory_space<vmem>>) dst(%dma_wait3A_412 : memref<10240x128xf32, #tpu.memory_space<vmem_shared>>)
      } else {
      }
      %lt3A_397 = arith.cmpi slt, %sub3A_389, %min3A_241 : i32
      %convert_element_type3A_398 = arith.extui %lt3A_397 : i1 to i32
      %cond3A_399 = arith.constant 0 : i32
      %cond3A_400 = arith.cmpi ne, %convert_element_type3A_398, %cond3A_399 : i32
      scf.if %cond3A_400 {
        %dma_start3A_405 = arith.constant 0 : i32
        %dma_start3A_406 = tpu.memref_slice %arg7[%sub3A_389, %dma_start3A_405] : memref<40x64xi32, #tpu.memory_space<vmem>> -> memref<1x64xi32, #tpu.memory_space<vmem>>
        %dma_start3A_407 = tpu.memref_squeeze %dma_start3A_406 : memref<1x64xi32, #tpu.memory_space<vmem>> -> memref<64xi32, #tpu.memory_space<vmem>>
        %dma_start3A_408 = arith.constant 0 : i32
        %dma_start3A_409 = arith.constant 0 : i32
        %dma_start3A_410 = tpu.memref_slice %arg2[%dma_start3A_408, %dma_start3A_409] : memref<10000x128xf32, #tpu.memory_space<hbm>> -> memref<10000x128xf32, #tpu.memory_space<hbm>>
        tpu.enqueue_indirect_dma source(%dma_start3A_410 : memref<10000x128xf32, #tpu.memory_space<hbm>>) target(%arg11 : memref<64x128xf32, #tpu.memory_space<vmem>>) offsets(%dma_start3A_407 : memref<64xi32, #tpu.memory_space<vmem>>) semaphore(%arg15 : memref<!tpu.dma_semaphore, #tpu.memory_space<semaphore_mem>>)
      } else {
      }
      %lt3A_401 = arith.cmpi slt, %add3A_385, %min3A_241 : i32
      %convert_element_type3A_402 = arith.extui %lt3A_401 : i1 to i32
      %cond3A_403 = arith.constant 0 : i32
      %cond3A_404 = arith.cmpi ne, %convert_element_type3A_402, %cond3A_403 : i32
      scf.if %cond3A_404 {
        %dma_wait3A_405 = arith.constant 0 : i32
        %dma_wait3A_406 = tpu.memref_slice %arg7[%add3A_385, %dma_wait3A_405] : memref<40x64xi32, #tpu.memory_space<vmem>> -> memref<1x64xi32, #tpu.memory_space<vmem>>
        %dma_wait3A_407 = tpu.memref_squeeze %dma_wait3A_406 : memref<1x64xi32, #tpu.memory_space<vmem>> -> memref<64xi32, #tpu.memory_space<vmem>>
        %dma_wait3A_408 = arith.constant 0 : i32
        %dma_wait3A_409 = arith.constant 0 : i32
        %dma_wait3A_410 = tpu.memref_slice %arg2[%dma_wait3A_408, %dma_wait3A_409] : memref<10000x128xf32, #tpu.memory_space<hbm>> -> memref<10000x128xf32, #tpu.memory_space<hbm>>
        tpu.wait_indirect_dma semaphore(%arg16 : memref<!tpu.dma_semaphore, #tpu.memory_space<semaphore_mem>>) src(%dma_wait3A_410 : memref<10000x128xf32, #tpu.memory_space<hbm>>) dst(%arg12 : memref<64x128xf32, #tpu.memory_space<vmem>>)
        %dma_start3A_411 = arith.constant 0 : i32
        %dma_start3A_412 = tpu.memref_slice %arg8[%add3A_385, %dma_start3A_411] : memref<40x64xi32, #tpu.memory_space<vmem>> -> memref<1x64xi32, #tpu.memory_space<vmem>>
        %dma_start3A_413 = tpu.memref_squeeze %dma_start3A_412 : memref<1x64xi32, #tpu.memory_space<vmem>> -> memref<64xi32, #tpu.memory_space<vmem>>
        %dma_start3A_414 = arith.constant 0 : i32
        %dma_start3A_415 = arith.constant 0 : i32
        %dma_start3A_416 = tpu.memref_slice %arg6[%dma_start3A_414, %dma_start3A_415] : memref<10240x128xf32, #tpu.memory_space<vmem_shared>> -> memref<10240x128xf32, #tpu.memory_space<vmem_shared>>
        tpu.enqueue_indirect_dma source(%arg12 : memref<64x128xf32, #tpu.memory_space<vmem>>) target(%dma_start3A_416 : memref<10240x128xf32, #tpu.memory_space<vmem_shared>>) offsets(%dma_start3A_413 : memref<64xi32, #tpu.memory_space<vmem>>) semaphore(%arg20 : memref<!tpu.dma_semaphore, #tpu.memory_space<semaphore_mem>>) {add = true}
      } else {
      }
    }
    %scan3A_270 = arith.constant 10 : i32
    %sub3A_271 = arith.constant 4 : i32
    %sub3A_272 = arith.subi %min3A_241, %sub3A_271 : i32
    %add3A_273 = arith.constant 0 : i32
    %add3A_274 = arith.addi %sub3A_272, %add3A_273 : i32
    %dma_wait3A_275 = arith.constant 0 : i32
    %dma_wait3A_276 = tpu.memref_slice %arg8[%add3A_274, %dma_wait3A_275] : memref<40x64xi32, #tpu.memory_space<vmem>> -> memref<1x64xi32, #tpu.memory_space<vmem>>
    %dma_wait3A_277 = tpu.memref_squeeze %dma_wait3A_276 : memref<1x64xi32, #tpu.memory_space<vmem>> -> memref<64xi32, #tpu.memory_space<vmem>>
    %dma_wait3A_278 = arith.constant 0 : i32
    %dma_wait3A_279 = arith.constant 0 : i32
    %dma_wait3A_280 = tpu.memref_slice %arg6[%dma_wait3A_278, %dma_wait3A_279] : memref<10240x128xf32, #tpu.memory_space<vmem_shared>> -> memref<10240x128xf32, #tpu.memory_space<vmem_shared>>
    tpu.wait_indirect_dma semaphore(%arg17 : memref<!tpu.dma_semaphore, #tpu.memory_space<semaphore_mem>>) src(%arg9 : memref<64x128xf32, #tpu.memory_space<vmem>>) dst(%dma_wait3A_280 : memref<10240x128xf32, #tpu.memory_space<vmem_shared>>)
    %sub3A_281 = arith.constant 4 : i32
    %sub3A_282 = arith.subi %min3A_241, %sub3A_281 : i32
    %add3A_283 = arith.constant 1 : i32
    %add3A_284 = arith.addi %sub3A_282, %add3A_283 : i32
    %dma_wait3A_285 = arith.constant 0 : i32
    %dma_wait3A_286 = tpu.memref_slice %arg8[%add3A_284, %dma_wait3A_285] : memref<40x64xi32, #tpu.memory_space<vmem>> -> memref<1x64xi32, #tpu.memory_space<vmem>>
    %dma_wait3A_287 = tpu.memref_squeeze %dma_wait3A_286 : memref<1x64xi32, #tpu.memory_space<vmem>> -> memref<64xi32, #tpu.memory_space<vmem>>
    %dma_wait3A_288 = arith.constant 0 : i32
    %dma_wait3A_289 = arith.constant 0 : i32
    %dma_wait3A_290 = tpu.memref_slice %arg6[%dma_wait3A_288, %dma_wait3A_289] : memref<10240x128xf32, #tpu.memory_space<vmem_shared>> -> memref<10240x128xf32, #tpu.memory_space<vmem_shared>>
    tpu.wait_indirect_dma semaphore(%arg18 : memref<!tpu.dma_semaphore, #tpu.memory_space<semaphore_mem>>) src(%arg10 : memref<64x128xf32, #tpu.memory_space<vmem>>) dst(%dma_wait3A_290 : memref<10240x128xf32, #tpu.memory_space<vmem_shared>>)
    %sub3A_291 = arith.constant 4 : i32
    %sub3A_292 = arith.subi %min3A_241, %sub3A_291 : i32
    %add3A_293 = arith.constant 2 : i32
    %add3A_294 = arith.addi %sub3A_292, %add3A_293 : i32
    %dma_wait3A_295 = arith.constant 0 : i32
    %dma_wait3A_296 = tpu.memref_slice %arg8[%add3A_294, %dma_wait3A_295] : memref<40x64xi32, #tpu.memory_space<vmem>> -> memref<1x64xi32, #tpu.memory_space<vmem>>
    %dma_wait3A_297 = tpu.memref_squeeze %dma_wait3A_296 : memref<1x64xi32, #tpu.memory_space<vmem>> -> memref<64xi32, #tpu.memory_space<vmem>>
    %dma_wait3A_298 = arith.constant 0 : i32
    %dma_wait3A_299 = arith.constant 0 : i32
    %dma_wait3A_300 = tpu.memref_slice %arg6[%dma_wait3A_298, %dma_wait3A_299] : memref<10240x128xf32, #tpu.memory_space<vmem_shared>> -> memref<10240x128xf32, #tpu.memory_space<vmem_shared>>
    tpu.wait_indirect_dma semaphore(%arg19 : memref<!tpu.dma_semaphore, #tpu.memory_space<semaphore_mem>>) src(%arg11 : memref<64x128xf32, #tpu.memory_space<vmem>>) dst(%dma_wait3A_300 : memref<10240x128xf32, #tpu.memory_space<vmem_shared>>)
    %sub3A_301 = arith.constant 4 : i32
    %sub3A_302 = arith.subi %min3A_241, %sub3A_301 : i32
    %add3A_303 = arith.constant 3 : i32
    %add3A_304 = arith.addi %sub3A_302, %add3A_303 : i32
    %dma_wait3A_305 = arith.constant 0 : i32
    %dma_wait3A_306 = tpu.memref_slice %arg8[%add3A_304, %dma_wait3A_305] : memref<40x64xi32, #tpu.memory_space<vmem>> -> memref<1x64xi32, #tpu.memory_space<vmem>>
    %dma_wait3A_307 = tpu.memref_squeeze %dma_wait3A_306 : memref<1x64xi32, #tpu.memory_space<vmem>> -> memref<64xi32, #tpu.memory_space<vmem>>
    %dma_wait3A_308 = arith.constant 0 : i32
    %dma_wait3A_309 = arith.constant 0 : i32
    %dma_wait3A_310 = tpu.memref_slice %arg6[%dma_wait3A_308, %dma_wait3A_309] : memref<10240x128xf32, #tpu.memory_space<vmem_shared>> -> memref<10240x128xf32, #tpu.memory_space<vmem_shared>>
    tpu.wait_indirect_dma semaphore(%arg20 : memref<!tpu.dma_semaphore, #tpu.memory_space<semaphore_mem>>) src(%arg12 : memref<64x128xf32, #tpu.memory_space<vmem>>) dst(%dma_wait3A_310 : memref<10240x128xf32, #tpu.memory_space<vmem_shared>>)
    %barrier3A_311 = arith.constant 0 : index
    tpu.barrier barrier_id(%barrier3A_311)
    %mul3A_312 = arith.constant 640 : i32
    %mul3A_313 = arith.muli %arg1, %mul3A_312 : i32
    %mul3A_314 = arith.constant 640 : i32
    %mul3A_315 = arith.muli %arg1, %mul3A_314 : i32
    "tpu.region"() ({
      %run_scoped3A_316 = tpu.sem_alloc : memref<!tpu.dma_semaphore, #tpu.memory_space<semaphore_mem>>
      %dma_start3A_317 = arith.constant 0 : i32
      %dma_start3A_318 = tpu.memref_slice %arg5[%arg0, %mul3A_315, %dma_start3A_317] : memref<2x10240x128xf32, #tpu.memory_space<hbm>> -> memref<1x640x128xf32, #tpu.memory_space<hbm>>
      %dma_start3A_319 = tpu.memref_squeeze %dma_start3A_318 : memref<1x640x128xf32, #tpu.memory_space<hbm>> -> memref<640x128xf32, #tpu.memory_space<hbm>>
      %dma_start3A_320 = arith.constant 0 : i32
      %dma_start3A_321 = tpu.memref_slice %arg6[%mul3A_313, %dma_start3A_320] : memref<10240x128xf32, #tpu.memory_space<vmem_shared>> -> memref<640x128xf32, #tpu.memory_space<vmem_shared>>
      tpu.enqueue_dma source(%dma_start3A_321 : memref<640x128xf32, #tpu.memory_space<vmem_shared>>) target(%dma_start3A_319 : memref<640x128xf32, #tpu.memory_space<hbm>>) target_semaphore(%run_scoped3A_316 : memref<!tpu.dma_semaphore, #tpu.memory_space<semaphore_mem>>)
      %dma_wait3A_322 = arith.constant 0 : i32
      %dma_wait3A_323 = tpu.memref_slice %arg5[%arg0, %mul3A_315, %dma_wait3A_322] : memref<2x10240x128xf32, #tpu.memory_space<hbm>> -> memref<1x640x128xf32, #tpu.memory_space<hbm>>
      %dma_wait3A_324 = tpu.memref_squeeze %dma_wait3A_323 : memref<1x640x128xf32, #tpu.memory_space<hbm>> -> memref<640x128xf32, #tpu.memory_space<hbm>>
      %dma_wait3A_325 = arith.constant 0 : i32
      %dma_wait3A_326 = tpu.memref_slice %arg6[%mul3A_313, %dma_wait3A_325] : memref<10240x128xf32, #tpu.memory_space<vmem_shared>> -> memref<640x128xf32, #tpu.memory_space<vmem_shared>>
      tpu.wait_dma2 semaphore(%run_scoped3A_316 : memref<!tpu.dma_semaphore, #tpu.memory_space<semaphore_mem>>) src(%dma_wait3A_326 : memref<640x128xf32, #tpu.memory_space<vmem_shared>>) dst(%dma_wait3A_324 : memref<640x128xf32, #tpu.memory_space<hbm>>)
      tpu.yield
    }) : () -> ()
    return
  }
}

module attributes {stable_mosaic.version = 14 : i64} {
  func.func @_tc0_body(%arg0: memref<10000x128xf32, #tpu.memory_space<vmem>>, %arg1: memref<128x128xf32, #tpu.memory_space<vmem>>, %arg2: memref<10000x128xf32, #tpu.memory_space<vmem>>) attributes {dimension_semantics = [], scalar_prefetch = 0 : i64, scratch_operands = 0 : i64, tpu.core_type = #tpu.core_type<tc>} {
    %get3A = arith.constant 0 : index
    %get3A_0 = arith.constant 0 : index
    %get3A_1 = vector.load %arg0[%get3A, %get3A_0] : memref<10000x128xf32, #tpu.memory_space<vmem>>, vector<10000x128xf32>
    %get3A_2 = arith.constant 0 : index
    %get3A_3 = arith.constant 0 : index
    %get3A_4 = vector.load %arg1[%get3A_2, %get3A_3] : memref<128x128xf32, #tpu.memory_space<vmem>>, vector<128x128xf32>
    %dot_general3A = arith.constant dense<0.000000e+00> : vector<10000x128xf32>
    %dot_general3A_5 = tpu.matmul %get3A_1, %get3A_4, %dot_general3A {dimension_numbers = #tpu.dot_dimension_numbers<[1], [0], [0], [1], [0, 0, 1, 1], [], []>, transpose_lhs_hint = false} : vector<10000x128xf32>, vector<128x128xf32>, vector<10000x128xf32> -> vector<10000x128xf32>
    %swap3A = arith.constant 0 : index
    %swap3A_6 = arith.constant 0 : index
    %swap3A_7 = vector.load %arg2[%swap3A, %swap3A_6] : memref<10000x128xf32, #tpu.memory_space<vmem>>, vector<10000x128xf32>
    tpu.vector_store %arg2[%swap3A, %swap3A_6], %dot_general3A_5 {strides = array<i32>} : memref<10000x128xf32, #tpu.memory_space<vmem>>, vector<10000x128xf32>,
    return
  }
}

module attributes {stable_mosaic.version = 14 : i64} {
  func.func @_tc2_body(%arg0: memref<2x10240x128xf32, #tpu.memory_space<vmem>>, %arg1: memref<10000x128xf32, #tpu.memory_space<vmem>>, %arg2: memref<10000x1xf32, #tpu.memory_space<vmem>>, %arg3: memref<1x128xf32, #tpu.memory_space<vmem>>, %arg4: memref<1x128xf32, #tpu.memory_space<vmem>>, %arg5: memref<1x128xf32, #tpu.memory_space<vmem>>, %arg6: memref<128x128xf32, #tpu.memory_space<vmem>>, %arg7: memref<10000x128xf32, #tpu.memory_space<vmem>>) attributes {dimension_semantics = [], scalar_prefetch = 0 : i64, scratch_operands = 0 : i64, tpu.core_type = #tpu.core_type<tc>} {
    %get3A = arith.constant 0 : index
    %get3A_0 = arith.constant 0 : index
    %get3A_1 = vector.load %arg2[%get3A, %get3A_0] : memref<10000x1xf32, #tpu.memory_space<vmem>>, vector<10000x1xf32>
    %get3A_2 = arith.constant 0 : index
    %get3A_3 = arith.constant 0 : index
    %get3A_4 = arith.constant 0 : index
    %get3A_5 = vector.load %arg0[%get3A_2, %get3A_3, %get3A_4] : memref<2x10240x128xf32, #tpu.memory_space<vmem>>, vector<1x10000x128xf32>
    %get3A_6 = vector.shape_cast %get3A_5 : vector<1x10000x128xf32> to vector<10000x128xf32>
    %get3A_7 = arith.constant 1 : index
    %get3A_8 = arith.constant 0 : index
    %get3A_9 = arith.constant 0 : index
    %get3A_10 = vector.load %arg0[%get3A_7, %get3A_8, %get3A_9] : memref<2x10240x128xf32, #tpu.memory_space<vmem>>, vector<1x10000x128xf32>
    %get3A_11 = vector.shape_cast %get3A_10 : vector<1x10000x128xf32> to vector<10000x128xf32>
    %add3A = arith.addf %get3A_6, %get3A_11 : vector<10000x128xf32>
    %get3A_12 = arith.constant 0 : index
    %get3A_13 = arith.constant 0 : index
    %get3A_14 = vector.load %arg1[%get3A_12, %get3A_13] : memref<10000x128xf32, #tpu.memory_space<vmem>>, vector<10000x128xf32>
    %add3A_15 = arith.addf %add3A, %get3A_14 : vector<10000x128xf32>
    %mul3A = vector.broadcast %get3A_1 : vector<10000x1xf32> to vector<10000x128xf32>
    %mul3A_16 = arith.mulf %add3A_15, %mul3A : vector<10000x128xf32>
    %get3A_17 = arith.constant 0 : index
    %get3A_18 = arith.constant 0 : index
    %get3A_19 = vector.load %arg3[%get3A_17, %get3A_18] : memref<1x128xf32, #tpu.memory_space<vmem>>, vector<1x128xf32>
    %add3A_20 = vector.broadcast %get3A_19 : vector<1x128xf32> to vector<10000x128xf32>
    %add3A_21 = arith.addf %mul3A_16, %add3A_20 : vector<10000x128xf32>
    %reduce_sum3A = arith.constant dense<0.000000e+00> : vector<128xf32>
    %reduce_sum3A_22 = vector.multi_reduction <add>, %add3A_21, %reduce_sum3A [0] : vector<10000x128xf32> to vector<128xf32>
    %broadcast_in_dim3A = vector.shape_cast %reduce_sum3A_22 : vector<128xf32> to vector<1x128xf32>
    %div3A = arith.constant 1.000000e+04 : f32
    %div3A_23 = vector.broadcast %div3A : f32 to vector<1x128xf32>
    %div3A_24 = arith.divf %broadcast_in_dim3A, %div3A_23 : vector<1x128xf32>
    %sub3A = vector.broadcast %div3A_24 : vector<1x128xf32> to vector<10000x128xf32>
    %sub3A_25 = arith.subf %add3A_21, %sub3A : vector<10000x128xf32>
    %sub3A_26 = vector.broadcast %div3A_24 : vector<1x128xf32> to vector<10000x128xf32>
    %sub3A_27 = arith.subf %add3A_21, %sub3A_26 : vector<10000x128xf32>
    %mul3A_28 = arith.mulf %sub3A_25, %sub3A_27 : vector<10000x128xf32>
    %reduce_sum3A_29 = arith.constant dense<0.000000e+00> : vector<128xf32>
    %reduce_sum3A_30 = vector.multi_reduction <add>, %mul3A_28, %reduce_sum3A_29 [0] : vector<10000x128xf32> to vector<128xf32>
    %broadcast_in_dim3A_31 = vector.shape_cast %reduce_sum3A_30 : vector<128xf32> to vector<1x128xf32>
    %div3A_32 = arith.constant 1.000000e+04 : f32
    %div3A_33 = vector.broadcast %div3A_32 : f32 to vector<1x128xf32>
    %div3A_34 = arith.divf %broadcast_in_dim3A_31, %div3A_33 : vector<1x128xf32>
    %sub3A_35 = vector.broadcast %div3A_24 : vector<1x128xf32> to vector<10000x128xf32>
    %sub3A_36 = arith.subf %add3A_21, %sub3A_35 : vector<10000x128xf32>
    %add3A_37 = arith.constant 9.99999974E-6 : f32
    %add3A_38 = vector.broadcast %add3A_37 : f32 to vector<1x128xf32>
    %add3A_39 = arith.addf %div3A_34, %add3A_38 : vector<1x128xf32>
    %rsqrt3A = math.rsqrt %add3A_39 : vector<1x128xf32>
    %mul3A_40 = vector.broadcast %rsqrt3A : vector<1x128xf32> to vector<10000x128xf32>
    %mul3A_41 = arith.mulf %sub3A_36, %mul3A_40 : vector<10000x128xf32>
    %get3A_42 = arith.constant 0 : index
    %get3A_43 = arith.constant 0 : index
    %get3A_44 = vector.load %arg4[%get3A_42, %get3A_43] : memref<1x128xf32, #tpu.memory_space<vmem>>, vector<1x128xf32>
    %mul3A_45 = vector.broadcast %get3A_44 : vector<1x128xf32> to vector<10000x128xf32>
    %mul3A_46 = arith.mulf %mul3A_41, %mul3A_45 : vector<10000x128xf32>
    %get3A_47 = arith.constant 0 : index
    %get3A_48 = arith.constant 0 : index
    %get3A_49 = vector.load %arg5[%get3A_47, %get3A_48] : memref<1x128xf32, #tpu.memory_space<vmem>>, vector<1x128xf32>
    %add3A_50 = vector.broadcast %get3A_49 : vector<1x128xf32> to vector<10000x128xf32>
    %add3A_51 = arith.addf %mul3A_46, %add3A_50 : vector<10000x128xf32>
    %max3A = arith.constant 0.000000e+00 : f32
    %max3A_52 = vector.broadcast %max3A : f32 to vector<10000x128xf32>
    %max3A_53 = arith.maximumf %add3A_51, %max3A_52 : vector<10000x128xf32>
    %get3A_54 = arith.constant 0 : index
    %get3A_55 = arith.constant 0 : index
    %get3A_56 = vector.load %arg6[%get3A_54, %get3A_55] : memref<128x128xf32, #tpu.memory_space<vmem>>, vector<128x128xf32>
    %dot_general3A = arith.constant dense<0.000000e+00> : vector<10000x128xf32>
    %dot_general3A_57 = tpu.matmul %max3A_53, %get3A_56, %dot_general3A {dimension_numbers = #tpu.dot_dimension_numbers<[1], [0], [0], [1], [0, 0, 1, 1], [], []>, transpose_lhs_hint = false} : vector<10000x128xf32>, vector<128x128xf32>, vector<10000x128xf32> -> vector<10000x128xf32>
    %mul3A_58 = vector.broadcast %get3A_1 : vector<10000x1xf32> to vector<10000x128xf32>
    %mul3A_59 = arith.mulf %dot_general3A_57, %mul3A_58 : vector<10000x128xf32>
    %swap3A = arith.constant 0 : index
    %swap3A_60 = arith.constant 0 : index
    %swap3A_61 = vector.load %arg7[%swap3A, %swap3A_60] : memref<10000x128xf32, #tpu.memory_space<vmem>>, vector<10000x128xf32>
    tpu.vector_store %arg7[%swap3A, %swap3A_60], %mul3A_59 {strides = array<i32>} : memref<10000x128xf32, #tpu.memory_space<vmem>>, vector<10000x128xf32>,
    return
  }
}

module attributes {stable_mosaic.version = 14 : i64} {
  func.func @_tc1_body(%arg0: memref<2x10240x128xf32, #tpu.memory_space<vmem>>, %arg1: memref<10000x128xf32, #tpu.memory_space<vmem>>, %arg2: memref<10000x1xf32, #tpu.memory_space<vmem>>, %arg3: memref<10000x128xf32, #tpu.memory_space<vmem>>) attributes {dimension_semantics = [], scalar_prefetch = 0 : i64, scratch_operands = 0 : i64, tpu.core_type = #tpu.core_type<tc>} {
    %get3A = arith.constant 0 : index
    %get3A_0 = arith.constant 0 : index
    %get3A_1 = arith.constant 0 : index
    %get3A_2 = vector.load %arg0[%get3A, %get3A_0, %get3A_1] : memref<2x10240x128xf32, #tpu.memory_space<vmem>>, vector<1x10000x1xf32>
    %get3A_3 = vector.shape_cast %get3A_2 : vector<1x10000x1xf32> to vector<10000x1xf32>
    %get3A_4 = arith.constant 1 : index
    %get3A_5 = arith.constant 0 : index
    %get3A_6 = arith.constant 0 : index
    %get3A_7 = vector.load %arg0[%get3A_4, %get3A_5, %get3A_6] : memref<2x10240x128xf32, #tpu.memory_space<vmem>>, vector<1x10000x1xf32>
    %get3A_8 = vector.shape_cast %get3A_7 : vector<1x10000x1xf32> to vector<10000x1xf32>
    %add3A = arith.addf %get3A_3, %get3A_8 : vector<10000x1xf32>
    %add3A_9 = arith.constant 1.000000e+00 : f32
    %add3A_10 = vector.broadcast %add3A_9 : f32 to vector<10000x1xf32>
    %add3A_11 = arith.addf %add3A, %add3A_10 : vector<10000x1xf32>
    %rsqrt3A = math.rsqrt %add3A_11 : vector<10000x1xf32>
    %swap3A = arith.constant 0 : index
    %swap3A_12 = arith.constant 0 : index
    %swap3A_13 = vector.load %arg2[%swap3A, %swap3A_12] : memref<10000x1xf32, #tpu.memory_space<vmem>>, vector<10000x1xf32>
    tpu.vector_store %arg2[%swap3A, %swap3A_12], %rsqrt3A {strides = array<i32>} : memref<10000x1xf32, #tpu.memory_space<vmem>>, vector<10000x1xf32>,
    %get3A_14 = arith.constant 0 : index
    %get3A_15 = arith.constant 0 : index
    %get3A_16 = vector.load %arg1[%get3A_14, %get3A_15] : memref<10000x128xf32, #tpu.memory_space<vmem>>, vector<10000x128xf32>
    %mul3A = vector.broadcast %rsqrt3A : vector<10000x1xf32> to vector<10000x128xf32>
    %mul3A_17 = arith.mulf %get3A_16, %mul3A : vector<10000x128xf32>
    %swap3A_18 = arith.constant 0 : index
    %swap3A_19 = arith.constant 0 : index
    %swap3A_20 = vector.load %arg3[%swap3A_18, %swap3A_19] : memref<10000x128xf32, #tpu.memory_space<vmem>>, vector<10000x128xf32>
    tpu.vector_store %arg3[%swap3A_18, %swap3A_19], %mul3A_17 {strides = array<i32>} : memref<10000x128xf32, #tpu.memory_space<vmem>>, vector<10000x128xf32>,
    return
  }
}

module attributes {stable_mosaic.version = 14 : i64} {
  func.func @_tc3_body(%arg0: memref<2x10240x128xf32, #tpu.memory_space<vmem>>, %arg1: memref<10000x128xf32, #tpu.memory_space<vmem>>, %arg2: memref<10000x1xf32, #tpu.memory_space<vmem>>, %arg3: memref<1x128xf32, #tpu.memory_space<vmem>>, %arg4: memref<1x128xf32, #tpu.memory_space<vmem>>, %arg5: memref<1x128xf32, #tpu.memory_space<vmem>>, %arg6: memref<10000x128xf32, #tpu.memory_space<vmem>>) attributes {dimension_semantics = [], scalar_prefetch = 0 : i64, scratch_operands = 0 : i64, tpu.core_type = #tpu.core_type<tc>} {
    %get3A = arith.constant 0 : index
    %get3A_0 = arith.constant 0 : index
    %get3A_1 = arith.constant 0 : index
    %get3A_2 = vector.load %arg0[%get3A, %get3A_0, %get3A_1] : memref<2x10240x128xf32, #tpu.memory_space<vmem>>, vector<1x10000x128xf32>
    %get3A_3 = vector.shape_cast %get3A_2 : vector<1x10000x128xf32> to vector<10000x128xf32>
    %get3A_4 = arith.constant 1 : index
    %get3A_5 = arith.constant 0 : index
    %get3A_6 = arith.constant 0 : index
    %get3A_7 = vector.load %arg0[%get3A_4, %get3A_5, %get3A_6] : memref<2x10240x128xf32, #tpu.memory_space<vmem>>, vector<1x10000x128xf32>
    %get3A_8 = vector.shape_cast %get3A_7 : vector<1x10000x128xf32> to vector<10000x128xf32>
    %add3A = arith.addf %get3A_3, %get3A_8 : vector<10000x128xf32>
    %get3A_9 = arith.constant 0 : index
    %get3A_10 = arith.constant 0 : index
    %get3A_11 = vector.load %arg1[%get3A_9, %get3A_10] : memref<10000x128xf32, #tpu.memory_space<vmem>>, vector<10000x128xf32>
    %add3A_12 = arith.addf %add3A, %get3A_11 : vector<10000x128xf32>
    %get3A_13 = arith.constant 0 : index
    %get3A_14 = arith.constant 0 : index
    %get3A_15 = vector.load %arg2[%get3A_13, %get3A_14] : memref<10000x1xf32, #tpu.memory_space<vmem>>, vector<10000x1xf32>
    %mul3A = vector.broadcast %get3A_15 : vector<10000x1xf32> to vector<10000x128xf32>
    %mul3A_16 = arith.mulf %add3A_12, %mul3A : vector<10000x128xf32>
    %get3A_17 = arith.constant 0 : index
    %get3A_18 = arith.constant 0 : index
    %get3A_19 = vector.load %arg3[%get3A_17, %get3A_18] : memref<1x128xf32, #tpu.memory_space<vmem>>, vector<1x128xf32>
    %add3A_20 = vector.broadcast %get3A_19 : vector<1x128xf32> to vector<10000x128xf32>
    %add3A_21 = arith.addf %mul3A_16, %add3A_20 : vector<10000x128xf32>
    %reduce_sum3A = arith.constant dense<0.000000e+00> : vector<128xf32>
    %reduce_sum3A_22 = vector.multi_reduction <add>, %add3A_21, %reduce_sum3A [0] : vector<10000x128xf32> to vector<128xf32>
    %broadcast_in_dim3A = vector.shape_cast %reduce_sum3A_22 : vector<128xf32> to vector<1x128xf32>
    %div3A = arith.constant 1.000000e+04 : f32
    %div3A_23 = vector.broadcast %div3A : f32 to vector<1x128xf32>
    %div3A_24 = arith.divf %broadcast_in_dim3A, %div3A_23 : vector<1x128xf32>
    %sub3A = vector.broadcast %div3A_24 : vector<1x128xf32> to vector<10000x128xf32>
    %sub3A_25 = arith.subf %add3A_21, %sub3A : vector<10000x128xf32>
    %sub3A_26 = vector.broadcast %div3A_24 : vector<1x128xf32> to vector<10000x128xf32>
    %sub3A_27 = arith.subf %add3A_21, %sub3A_26 : vector<10000x128xf32>
    %mul3A_28 = arith.mulf %sub3A_25, %sub3A_27 : vector<10000x128xf32>
    %reduce_sum3A_29 = arith.constant dense<0.000000e+00> : vector<128xf32>
    %reduce_sum3A_30 = vector.multi_reduction <add>, %mul3A_28, %reduce_sum3A_29 [0] : vector<10000x128xf32> to vector<128xf32>
    %broadcast_in_dim3A_31 = vector.shape_cast %reduce_sum3A_30 : vector<128xf32> to vector<1x128xf32>
    %div3A_32 = arith.constant 1.000000e+04 : f32
    %div3A_33 = vector.broadcast %div3A_32 : f32 to vector<1x128xf32>
    %div3A_34 = arith.divf %broadcast_in_dim3A_31, %div3A_33 : vector<1x128xf32>
    %sub3A_35 = vector.broadcast %div3A_24 : vector<1x128xf32> to vector<10000x128xf32>
    %sub3A_36 = arith.subf %add3A_21, %sub3A_35 : vector<10000x128xf32>
    %add3A_37 = arith.constant 9.99999974E-6 : f32
    %add3A_38 = vector.broadcast %add3A_37 : f32 to vector<1x128xf32>
    %add3A_39 = arith.addf %div3A_34, %add3A_38 : vector<1x128xf32>
    %rsqrt3A = math.rsqrt %add3A_39 : vector<1x128xf32>
    %mul3A_40 = vector.broadcast %rsqrt3A : vector<1x128xf32> to vector<10000x128xf32>
    %mul3A_41 = arith.mulf %sub3A_36, %mul3A_40 : vector<10000x128xf32>
    %get3A_42 = arith.constant 0 : index
    %get3A_43 = arith.constant 0 : index
    %get3A_44 = vector.load %arg4[%get3A_42, %get3A_43] : memref<1x128xf32, #tpu.memory_space<vmem>>, vector<1x128xf32>
    %mul3A_45 = vector.broadcast %get3A_44 : vector<1x128xf32> to vector<10000x128xf32>
    %mul3A_46 = arith.mulf %mul3A_41, %mul3A_45 : vector<10000x128xf32>
    %get3A_47 = arith.constant 0 : index
    %get3A_48 = arith.constant 0 : index
    %get3A_49 = vector.load %arg5[%get3A_47, %get3A_48] : memref<1x128xf32, #tpu.memory_space<vmem>>, vector<1x128xf32>
    %add3A_50 = vector.broadcast %get3A_49 : vector<1x128xf32> to vector<10000x128xf32>
    %add3A_51 = arith.addf %mul3A_46, %add3A_50 : vector<10000x128xf32>
    %swap3A = arith.constant 0 : index
    %swap3A_52 = arith.constant 0 : index
    %swap3A_53 = vector.load %arg6[%swap3A, %swap3A_52] : memref<10000x128xf32, #tpu.memory_space<vmem>>, vector<10000x128xf32>
    tpu.vector_store %arg6[%swap3A, %swap3A_52], %add3A_51 {strides = array<i32>} : memref<10000x128xf32, #tpu.memory_space<vmem>>, vector<10000x128xf32>,
    return
  }
}

</mosaic_0001>

<sc_bundles>
// kernel: kernel.12.cloned.1.call-start
scs
__scs_entry_jumppad:
0x0: {  	(pc) =	sbr.rel $0x88, $3  }
0x1: {  	(tag) =	ssettag $0x0;
	lr =	simm.s32 $0x1  }
0x2: {  	[smem:$0x3F97] =	sst lr;
	_ =	strace $0xD0000000  }
0x3: {  	_ = 	snop  }
0x4: {  	_ = 	snop  }
0x5: {  	_ = 	snop  }
0x6: {  	_ = 	snop  }
0x7: {  	_ = 	snop  }
__scs_overlays_trampoline_lowered:
0x8: {  	[smem:$0x3FA6] =	sst s0  }
0x9: {  	[smem:$0x3FA7] =	sst s1  }
0xa: {  	[smem:$0x3FA8] =	sst s2  }
0xb: {  	[smem:$0x3FA9] =	sst s3  }
0xc: {  	[smem:$0x3FAA] =	sst s4  }
0xd: {  	[smem:$0x3FAB] =	sst s5  }
0xe: {  	[smem:$0x3FAC] =	sst s6  }
0xf: {  	[smem:$0x3FAD] =	sst s7  }
0x10: {  	[smem:$0x3FAE] =	sst s8  }
0x11: {  	[smem:$0x3FAF] =	sst s9;
	s0 =	simm.s32 @!p0 $0x0  }
0x12: {  	s1 =	sld [smem:$0x3F95];
	s0 =	simm.s32 @p0 $0x1  }
0x13: {  	[smem:$0x3FB0] =	sst s0;
	s0 =	simm.s32 @!p1 $0x0  }
0x14: {  	s2 =	sld [smem:$0x3F94];
	s0 =	simm.s32 @p1 $0x1  }
0x15: {  	[smem:$0x3FB1] =	sst s0;
	s0 =	simm.s32 @!p2 $0x0  }
0x16: {  	s3 =	sld [smem:$0x3FDB];
	s0 =	simm.s32 @p2 $0x1  }
0x17: {  	s4 =	simm.s32 $0x1BF5;
	[smem:$0x3FB3] =	sst s0  }
0x18: {  	s0 =	sld [smem:$0x3F96];
	_ =	swait.ge [sflag:s4], $0x0  }
0x19: {  	s7 =	sld [smem:$0x3F97]  }
0x1a: {  	s8 =	sadd.s32 $0xFFFFE003, lr  }
0x1b: {  	s9 =	sadd.s32 $0xFFFFFEF7, lr;
	s5 =	simm.s32 $0xFFFFFFFF;
	p2 =	slt.u32 s8, $0xFFFFF086  }
0x1c: {  	p1 =	slt.u32 s9, $0xF7A;
	s5 =	simm.s32 @!p2 $0x0  }
0x1d: {  	s5 =	simm.s32 @p1 $0x1;
	p0 =	seq.s32 s7, s2  }
0x1e: {  	s7 =	smul.u32 @!p0 $0xF7A, s2;
	p2 =	seq.s32 @!p0 s5, $0x0  }
0x1f: {  	s9 =	smul.u32 $0xF7A, s1;
	s8 =	simm.s32 @!p0 $0x1BF5;
	p2 =	por !p2, p0  }
0x20: {  	[sflag:s8] =	ssyncset.s32 @!p0 $0xFFFFF086;
	s6 =	sadd.s32 @!p0 s3, s7;
	s7 =	simm.s32 @!p0 $0x108  }
0x21: {  	s3 =	sadd.s32 s3, s9;
	s6 =	sadd.s32 @!p0 $0x88, s6;
	s7 =	simm.s32 @p2 $0x1082  }
0x22: {  	[simem:s7], [sflag:s8] =	dma.local @!p0 [hbm:s6], $0xF7A  }
0x23: {  	s9 =	sor.u32 $0xD0000000, s2;
	s6 =	simm.s32 $0x108;
	_ =	swait.ge @!p0 [sflag:s8], $0x0  }
0x24: {  	s3 =	sadd.s32 $0x88, s3;
	s6 =	simm.s32 @!p1 $0x1082;
	[sflag:s4] =	ssyncset.s32 $0xFFFFF086  }
0x25: {  	[simem:s6], [sflag:s4] =	dma.local [hbm:s3], $0xF7A  }
0x26: {  	[smem:$0x3F97] =	sst s1;
	(tag) =	ssettag s2;
	_ =	strace s9  }
0x27: {  	s1 =	sld [smem:$0x3FA7]  }
0x28: {  	s2 =	sld [smem:$0x3FA8]  }
0x29: {  	s4 =	sld [smem:$0x3FAA]  }
0x2a: {  	p0 =	seq.s32 s5, $0x0;
	s5 =	sld [smem:$0x3FAB]  }
0x2b: {  	s6 =	sld [smem:$0x3FAC]  }
0x2c: {  	s7 =	sld [smem:$0x3FAD]  }
0x2d: {  	s3 =	simm.s32 $0x108;
	s8 =	sld [smem:$0x3FAE]  }
0x2e: {  	s3 =	simm.s32 @!p0 $0x1082;
	s9 =	sld [smem:$0x3FAF]  }
0x2f: {  	lr =	sadd.s32 s0, s3;
	s0 =	sld [smem:$0x3FA6]  }
0x30: {  	s3 =	sld [smem:$0x3FA9]  }
0x31: {  	[smem:$0x3FB2] =	sst s10  }
0x32: {  	s10 =	sld [smem:$0x3FB0];
	_ =	sdelay $0x3  }
0x33: {  	p0 =	seq.s32 s10, $0x1;
	s10 =	sld [smem:$0x3FB2];
	_ =	sdelay $0x3  }
0x34: {  	[smem:$0x3FB2] =	sst s10  }
0x35: {  	s10 =	sld [smem:$0x3FB1];
	_ =	sdelay $0x3  }
0x36: {  	p1 =	seq.s32 s10, $0x1;
	s10 =	sld [smem:$0x3FB2];
	_ =	sdelay $0x3  }
0x37: {  	[smem:$0x3FB2] =	sst s10  }
0x38: {  	s10 =	sld [smem:$0x3FB3]  }
0x39: {  	_ = 	snop;
	(pc) =	sbr.ind lr, $3  }
0x3a: {  	_ = 	snop  }
0x3b: {  	_ = 	snop  }
0x3c: {  	p2 =	seq.s32 s10, $0x1;
	s10 =	sld [smem:$0x3FB2]  }
0x3d: {  	_ =	shalt  }
0x3e: {  	_ =	shalt  }
0x3f: {  	_ =	shalt  }
0x40: {  	_ =	shalt  }
0x41: {  	_ =	shalt  }
0x42: {  	_ =	shalt  }
0x43: {  	_ =	shalt  }
0x44: {  	_ =	shalt  }
0x45: {  	_ =	shalt  }
0x46: {  	_ =	shalt  }
0x47: {  	_ =	shalt  }
0x48: {  	_ =	shalt  }
0x49: {  	_ =	shalt  }
0x4a: {  	_ =	shalt  }
0x4b: {  	_ =	shalt  }
0x4c: {  	_ =	shalt  }
0x4d: {  	_ =	shalt  }
0x4e: {  	_ =	shalt  }
0x4f: {  	_ =	shalt  }
0x50: {  	_ =	shalt  }
0x51: {  	_ =	shalt  }
0x52: {  	_ =	shalt  }
0x53: {  	_ =	shalt  }
0x54: {  	_ =	shalt  }
0x55: {  	_ =	shalt  }
0x56: {  	_ =	shalt  }
0x57: {  	_ =	shalt  }
0x58: {  	_ =	shalt  }
0x59: {  	_ =	shalt  }
0x5a: {  	_ =	shalt  }
0x5b: {  	_ =	shalt  }
0x5c: {  	_ =	shalt  }
0x5d: {  	_ =	shalt  }
0x5e: {  	_ =	shalt  }
0x5f: {  	_ =	shalt  }
0x60: {  	_ =	shalt  }
0x61: {  	_ =	shalt  }
0x62: {  	_ =	shalt  }
0x63: {  	_ =	shalt  }
0x64: {  	_ =	shalt  }
0x65: {  	_ =	shalt  }
0x66: {  	_ =	shalt  }
0x67: {  	_ =	shalt  }
0x68: {  	_ =	shalt  }
0x69: {  	_ =	shalt  }
0x6a: {  	_ =	shalt  }
0x6b: {  	_ =	shalt  }
0x6c: {  	_ =	shalt  }
0x6d: {  	_ =	shalt  }
0x6e: {  	_ =	shalt  }
0x6f: {  	_ =	shalt  }
0x70: {  	_ =	shalt  }
0x71: {  	_ =	shalt  }
0x72: {  	_ =	shalt  }
0x73: {  	_ =	shalt  }
0x74: {  	_ =	shalt  }
0x75: {  	_ =	shalt  }
0x76: {  	_ =	shalt  }
0x77: {  	_ =	shalt  }
0x78: {  	_ =	shalt  }
0x79: {  	_ =	shalt  }
0x7a: {  	_ =	shalt  }
0x7b: {  	_ =	shalt  }
0x7c: {  	_ =	shalt  }
0x7d: {  	_ =	shalt  }
0x7e: {  	_ =	shalt  }
0x7f: {  	_ =	shalt  }
0x80: {  	_ =	shalt  }
0x81: {  	_ =	shalt  }
0x82: {  	_ =	shalt  }
0x83: {  	_ =	shalt  }
0x84: {  	_ =	shalt  }
0x85: {  	_ =	shalt  }
0x86: {  	_ =	shalt  }
0x87: {  	_ =	shalt  }
.Lfunc_end0:
.L_simem_size_0:
called_computation.1_lowered:
.L_overlay_start_0:
0x88: {  	s2 =	sld [smem:$0x3FD9]  }
0x89: {  	s3 =	sld [smem:$0x3FFE];
	_ =	sdelay $0x1  }
0x8a: {  	s1 =	srdreg.scid  }
0x8b: {  	s0 =	sand.u32 $0x1, s1  }
0x8c: {  	s17 =	sshll.u32 s0, $0xA;
	s2 =	sadd.s32 s3, s2  }
0x8d: {  	s2 =	sadd.s32 s2, s17  }
0x8e: {  	[smem:$0x3FBE] =	sst s2  }
0x8f: {  	_ = 	snop  }
0x90: {  	s2 =	sld [smem:$0x3FD0];
	(tm) =	ssettm $0x1  }
0x91: {  	s18 =	sld [smem:$0x3FFB];
	_ =	sdelay $0x3  }
0x92: {  	_ =	strace s18  }
0x93: {  	s3 =	sld [smem:$0x3FFC];
	_ =	sdelay $0x3  }
0x94: {  	_ =	strace s3  }
0x95: {  	s3 =	sld [smem:$0x3FFD];
	_ =	sdelay $0x3  }
0x96: {  	_ =	strace s3  }
0x97: {  	_ =	strace $0x8FFFFFFF  }
0x98: {  	s19 =	sld [smem:$0x3FDB];
	_ =	sdelay $0x1  }
0x99: {  	s4 =	simm.s32 $_scs_section_size  }
0x9a: {  	s5 =	simm.s32 $_size__tile_overlayer_lowered;
	s6 =	simm.s32 $_tile_overlayer_lowered  }
0x9b: {  	s22 =	simm.s32 $0x1BFF;
	s21 =	sshll.u32 s6, $0x1;
	s3 =	sadd.s32 s4, s19  }
0x9c: {  	s7 =	simm.s32 $0x0;
	s20 =	sshll.u32 s5, $0x1;
	s5 =	sadd.s32 s21, s3  }
0x9d: {  	[timem:s7], [sflag:s22] =	dma.local [hbm:s5], s20  }
0x9e: {  	_ =	swait.ge [sflag:s22], s20  }
0x9f: {  	s4 =	ssub.s32 $0x0, s20;
	[sflag:s22] =	ssyncset.done $0x0  }
0xa0: {  	[sflag:s22] =	ssyncadd.s32 s4;
	_ =	sdelay $0x1  }
0xa1: {  	s23 =	simm.s32 $0x1B8B  }
0xa2: {  	_ =	swait.ge [sflag:s23], $0x1  }
0xa3: {  	[sflag:s23] =	ssyncset.done $0x0  }
0xa4: {  	s25 =	simm.s32 $0x1B8E;
	s24 =	sld [smem:$0x3FFE];
	[sflag:s23] =	ssyncadd.s32 $0xFFFFFFFF  }
0xa5: {  	s26 =	simm.s32 $execute0_lowered;
	[smem:$0x3FD2] =	sst s25  }
0xa6: {  	s5 =	sshll.u32 s26, $0x1;
	_ =	strace $0x80000049;
	[dreg:$0x1] =	wrdreg $0xFFFFFFFF  }
0xa7: {  	s28 =	simm.s32 $_size_execute0_lowered;
	s3 =	sadd.s32 s3, s5;
	[dreg:$0x0] =	wrdreg $0x0  }
0xa8: {  	s5 =	sshll.u32 s28, $0x1;
	[dreg:$0x2] =	wrdreg s3  }
0xa9: {  	[dreg:$0x3] =	wrdreg s5  }
0xaa: {  	[dreg:$0x4] =	wrdreg $0xC0  }
0xab: {  	_ =	task [dreg:s7], $0x5FFFF  }
0xac: {  	[dreg:$0x1] =	wrdreg $0xFFFFFFFF  }
0xad: {  	[dreg:$0x0] =	wrdreg $0x60  }
0xae: {  	[dreg:$0x2] =	wrdreg s24  }
0xaf: {  	[dreg:$0x3] =	wrdreg s2  }
0xb0: {  	[dreg:$0x4] =	wrdreg $0x0  }
0xb1: {  	[dreg:$0x5] =	wrdreg $0x9  }
0xb2: {  	_ =	task.clear_ibuf [dreg:s7], $0x6FFFF;
	_ =	strace $0x90000049  }
0xb3: {  	s29 =	simm.s32 $0x9;
	_ =	strace $0x8000004B  }
0xb4: {  	_ =	swait.ge [sflag:s29], $0x1  }
0xb5: {  	[sflag:s29] =	ssyncadd.s32 $0xFFFFFFFF  }
0xb6: {  	_ =	strace $0x9000004B  }
0xb7: {  	_ =	sfence  }
0xb8: {  	s30 =	sld [smem:$0x0];
	_ =	sdelay $0x2  }
0xb9: {  	s31 =	sshll.u32 s1, $0xD;
	s1 =	sshrl.u32 s1, $0x2  }
0xba: {  	s3 =	sand.u32 $0x4000, s31;
	s1 =	sadd.s32 s1, s30  }
0xbb: {  	s0 =	sor.u32 s3, s0;
	s1 =	sshll.u32 s1, $0x11  }
0xbc: {  	s0 =	sor.u32 s1, s0  }
0xbd: {  	s0 =	sadd.s32 $0x8F2B, s0  }
0xbe: {  	[sflag:s0] =	ssyncadd.remote.s32 $0x1  }
0xbf: {  	_ =	sfence.sel $0xFFFF  }
0xc0: {  	[dreg:$0x0] =	wrdreg $0xFFFFFFFF;
	(pc) =	sbr.abs _section_cstart, $3  }
0xc1: {  	[dreg:$0x1] =	wrdreg $0xFFFFFFFF  }
0xc2: {  	_ =	task.clear_ibuf [dreg:s7], $0x2FFFF;
	_ =	strace $0x9FFFFFFF  }
0xc3: {  	(tm) =	ssettm $0x7FFFFFFF  }
tec
execute0_lowered:
.L_overlay_start_1:
0x0: {  	(tag) =	ssettag $0x1  }
0x1: {  	s0 =	rddreg [dreg:$0x0]  }
0x2: {  	s1 =	rddreg [dreg:$0x1];
	s3 =	srdreg.scid  }
0x3: {  	s2 =	rddreg [dreg:$0x2];
	s10 =	stileid.u32;
	s6 =	simm.s32 $0x0  }
0x4: {  	s12 =	simm.s32 $0x15400;
	s14 =	simm.s32 $0x14080;
	s28 =	simm.s32 $0x1A800  }
0x5: {  	s30 =	simm.s32 $0x1C800;
	s31 =	simm.s32 $0x1;
	s11 =	simm.s32 $0x3  }
0x6: {  	s13 =	simm.s32 $0x7;
	s29 =	simm.s32 $0x15580;
	s3 =	sand.u32 $0x1, s3  }
0x7: {  	s5 =	smul.u32 $0x14000, s10;
	[smem:$0x7FF] =	sst s6;
	s15 =	sshll.u32 s10, $0x1  }
0x8: {  	s7 =	sadd.s32 $0x3400, s0;
	s9 =	smul.u32 $0x50000, s10;
	p0 =	slt.u32 s10, $0x8  }
0x9: {  	s19 =	sshll.u32 s10, $0x6;
	s10 =	simm.s32 $0x14000;
	s4 =	smul.u32 $0x140000, s3  }
0xa: {  	_ =	strace $0x8000004A;
	[dreg:$0x4] =	wrdreg s7;
	s16 =	sor.u32 s3, s15  }
0xb: {  	s3 =	ssub.s32 $0x2, s3;
	s7 =	simm.s32 $0x9;
	s15 =	simm.s32 $0x4  }
0xc: {  	s6 =	smin.u32 s16, $0x10;
	s17 =	smul.u32 $0x98, s16;
	s8 =	sshrl.u32 s3, $0x1  }
0xd: {  	p1 =	seq.s32 s16, $0x1F;
	s18 =	sshrl.u32 s9, $0x2;
	s9 =	simm.s32 $0x28  }
0xe: {  	s16 =	simm.s32 $0x14100;
	s5 =	sadd.s32 s5, s4;
	s6 =	sshll.u32 s6, $0x3  }
0xf: {  	s4 =	sadd.s32 $0x5C00, s0;
	s3 =	ssub.s32 s3, s8;
	s6 =	sadd.s32 s17, s6  }
0x10: {  	s5 =	sshrl.u32 s5, $0x3;
	s26 =	smax.u32 s3, $0x1;
	s6 =	sshll.u32 s6, $0x4  }
0x11: {  	s0 =	sadd.s32 s5, s0;
	[dreg:$0xf] =	wrdreg s26;
	s1 =	sadd.s32 s1, s6  }
0x12: {  	s9 =	simm.s32 @!p1 $0x20;
	s0 =	sadd.s32 $0x2CE00, s0;
	[dreg:$0x5] =	wrdreg s1  }
0x13: {  	s5 =	sadd.s32 s18, s2;
	s6 =	sor.u32 $0x1C09, s19;
	[dreg:$0xe] =	wrdreg s0  }
0x14: {  	s8 =	simm.s32 $0x6;
	s5 =	sshrl.u32 s5, $0x3;
	[dreg:$0x6] =	wrdreg s6  }
0x15: {  	s9 =	simm.s32 @p0 $0x28;
	s20 =	sadd.s32 $0x13880, s1;
	[dreg:$0x10] =	wrdreg s5  }
0x16: {  	s3 =	simm.s32 $0x2;
	s21 =	sadd.s32 $0x280, s1;
	[dreg:$0x7] =	wrdreg s20  }
0x17: {  	s17 =	simm.s32 $0x8;
	s22 =	sadd.s32 $0x13B00, s1;
	[dreg:$0x8] =	wrdreg s21  }
0x18: {  	s18 =	simm.s32 $0x14180;
	s23 =	sadd.s32 $0x500, s1;
	[dreg:$0x9] =	wrdreg s22  }
0x19: {  	s26 =	simm.s32 $0x14300;
	s24 =	sadd.s32 $0x13D80, s1;
	[dreg:$0xa] =	wrdreg s23  }
0x1a: {  	s19 =	simm.s32 $0x14200;
	s25 =	sadd.s32 $0x780, s1;
	[dreg:$0xb] =	wrdreg s24  }
0x1b: {  	s1 =	sadd.s32 $0x14000, s1;
	s0 =	simm.s32 $0x5;
	[dreg:$0xc] =	wrdreg s25  }
0x1c: {  	[dreg:$0xd] =	wrdreg s1;
	s22 =	simm.s32 $0x40;
	s23 =	simm.s32 $0x16800  }
0x1d: {  	s25 =	simm.s32 $0x18800;
	s20 =	simm.s32 $0x15480;
	s1 =	simm.s32 $0x0  }
0x1e: {  	s21 =	simm.s32 $0x14280;
	s24 =	simm.s32 $0x15500;
	[dreg:$0x11] =	wrdreg s1  }
.LBB2_1:
0x1f: {  	s1 =	rddreg [dreg:$0x4]  }
0x20: {  	[spmem:s5], [sflag:s6] =	dma.local [hbm:s1], $0x2800  }
0x21: {  	_ =	swait.ge [sflag:s7], $0x2800  }
0x22: {  	[sflag:s7] =	ssyncset.done $0x0  }
0x23: {  	[sflag:s7] =	ssyncadd.s32 $0xFFFFD800  }
0x24: {  	[bflag:$0x0] =	sbarrier.arrive $0xFFFF  }
0x25: {  	s1 =	simm.s32 $0x0;
	s6 =	rddreg [dreg:$0x5]  }
0x26: {  	[tilespmem:s10], [sflag:$0x9] =	stream.linear.gather [hbm4b:s6+s1], $0x1400, $0x38;
	[tilespmem:$0x1E800] =	vst v63  }
0x27: {  	_ =	swait.ge [sflag:s7], $0x1400  }
0x28: {  	[sflag:s7] =	ssyncset.done $0x0  }
0x29: {  	s6 =	rddreg [dreg:$0x7];
	[sflag:s7] =	ssyncadd.s32 $0xFFFFEC00  }
0x2a: {  	[tilespmem:s12], [sflag:$0x9] =	stream.linear.gather [hbm4b:s6+s1], $0x1400, $0x38;
	[tilespmem:$0x1E800] =	vst v63  }
0x2b: {  	_ =	swait.ge [sflag:s7], $0x1400  }
0x2c: {  	[sflag:s7] =	ssyncset.done $0x0  }
0x2d: {  	[sflag:s7] =	ssyncadd.s32 $0xFFFFEC00  }
0x2e: {  	[tilespmem:s23], [sflag:$0x1] =	stream.indirect.gather [hbm4b:s4+s22], $0x80, s10, s22, $0xb8;
	[tilespmem:$0x1E800] =	vst v63  }
0x2f: {  	_ = 	snop  }
0x30: {  	[tilespmem:s25], [sflag:$0x2] =	stream.indirect.gather [hbm4b:s4+s22], $0x80, s14, s22, $0xb8;
	[tilespmem:$0x1E800] =	vst v63  }
0x31: {  	_ = 	snop  }
0x32: {  	[tilespmem:s28], [sflag:$0x3] =	stream.indirect.gather [hbm4b:s4+s22], $0x80, s16, s22, $0xb8;
	[tilespmem:$0x1E800] =	vst v63  }
0x33: {  	_ = 	snop  }
0x34: {  	[tilespmem:s30], [sflag:$0x4] =	stream.indirect.gather [hbm4b:s4+s22], $0x80, s18, s22, $0xb8;
	[tilespmem:$0x1E800] =	vst v63  }
0x35: {  	_ =	swait.ge [sflag:s31], $0x2000  }
0x36: {  	[sflag:s31] =	ssyncset.done $0x0  }
0x37: {  	[sflag:s31] =	ssyncadd.s32 $0xFFFFE000  }
0x38: {  	[spmem:s2] =	stream.indirect.scatter.add.f32 [tilespmem:s23], [sflag:$0x5], $0x80, s12, s22, $0xb8;
	[tilespmem:$0x1E800] =	vst v63  }
0x39: {  	_ =	swait.ge [sflag:s0], $0x2000  }
0x3a: {  	[sflag:s0] =	ssyncset.done $0x0  }
0x3b: {  	[sflag:s0] =	ssyncadd.s32 $0xFFFFE000  }
0x3c: {  	[tilespmem:s23], [sflag:$0x1] =	stream.indirect.gather [hbm4b:s4+s22], $0x80, s19, s22, $0xb8;
	[tilespmem:$0x1E800] =	vst v63  }
0x3d: {  	_ =	swait.ge [sflag:s3], $0x2000  }
0x3e: {  	[sflag:s3] =	ssyncset.done $0x0  }
0x3f: {  	[sflag:s3] =	ssyncadd.s32 $0xFFFFE000  }
0x40: {  	[spmem:s2] =	stream.indirect.scatter.add.f32 [tilespmem:s25], [sflag:$0x6], $0x80, s20, s22, $0xb8;
	[tilespmem:$0x1E800] =	vst v63  }
0x41: {  	_ =	swait.ge [sflag:s8], $0x2000  }
0x42: {  	[sflag:s8] =	ssyncset.done $0x0  }
0x43: {  	[sflag:s8] =	ssyncadd.s32 $0xFFFFE000  }
0x44: {  	[tilespmem:s25], [sflag:$0x2] =	stream.indirect.gather [hbm4b:s4+s22], $0x80, s21, s22, $0xb8;
	[tilespmem:$0x1E800] =	vst v63  }
0x45: {  	_ =	swait.ge [sflag:s11], $0x2000  }
0x46: {  	[sflag:s11] =	ssyncset.done $0x0  }
0x47: {  	[sflag:s11] =	ssyncadd.s32 $0xFFFFE000  }
0x48: {  	[spmem:s2] =	stream.indirect.scatter.add.f32 [tilespmem:s28], [sflag:$0x7], $0x80, s24, s22, $0xb8;
	[tilespmem:$0x1E800] =	vst v63  }
0x49: {  	_ =	swait.ge [sflag:s13], $0x2000  }
0x4a: {  	[sflag:s13] =	ssyncset.done $0x0  }
0x4b: {  	[sflag:s13] =	ssyncadd.s32 $0xFFFFE000  }
0x4c: {  	[tilespmem:s28], [sflag:$0x3] =	stream.indirect.gather [hbm4b:s4+s22], $0x80, s26, s22, $0xb8;
	[tilespmem:$0x1E800] =	vst v63  }
0x4d: {  	_ =	swait.ge [sflag:s15], $0x2000  }
0x4e: {  	[sflag:s15] =	ssyncset.done $0x0  }
0x4f: {  	[sflag:s15] =	ssyncadd.s32 $0xFFFFE000  }
0x50: {  	[spmem:s2] =	stream.indirect.scatter.add.f32 [tilespmem:s30], [sflag:$0x8], $0x80, s29, s22, $0xb8;
	[tilespmem:$0x1E800] =	vst v63  }
0x51: {  	_ =	swait.ge [sflag:s17], $0x2000  }
0x52: {  	[sflag:s17] =	ssyncset.done $0x0  }
0x53: {  	s6 =	simm.s32 $0x14380;
	[sflag:s17] =	ssyncadd.s32 $0xFFFFE000  }
0x54: {  	[tilespmem:s30], [sflag:$0x4] =	stream.indirect.gather [hbm4b:s4+s22], $0x80, s6, s22, $0xb8;
	[tilespmem:$0x1E800] =	vst v63  }
0x55: {  	_ =	swait.ge [sflag:s31], $0x2000  }
0x56: {  	[sflag:s31] =	ssyncset.done $0x0  }
0x57: {  	s5 =	simm.s32 $0x15600;
	[sflag:s31] =	ssyncadd.s32 $0xFFFFE000  }
0x58: {  	[spmem:s2] =	stream.indirect.scatter.add.f32 [tilespmem:s23], [sflag:$0x5], $0x80, s5, s22, $0xb8;
	[tilespmem:$0x1E800] =	vst v63  }
0x59: {  	_ =	swait.ge [sflag:s0], $0x2000  }
0x5a: {  	[sflag:s0] =	ssyncset.done $0x0  }
0x5b: {  	s6 =	simm.s32 $0x14400;
	[sflag:s0] =	ssyncadd.s32 $0xFFFFE000  }
0x5c: {  	[tilespmem:s23], [sflag:$0x1] =	stream.indirect.gather [hbm4b:s4+s22], $0x80, s6, s22, $0xb8;
	[tilespmem:$0x1E800] =	vst v63  }
0x5d: {  	_ =	swait.ge [sflag:s3], $0x2000  }
0x5e: {  	[sflag:s3] =	ssyncset.done $0x0  }
0x5f: {  	s5 =	simm.s32 $0x15680;
	[sflag:s3] =	ssyncadd.s32 $0xFFFFE000  }
0x60: {  	[spmem:s2] =	stream.indirect.scatter.add.f32 [tilespmem:s25], [sflag:$0x6], $0x80, s5, s22, $0xb8;
	[tilespmem:$0x1E800] =	vst v63  }
0x61: {  	_ =	swait.ge [sflag:s8], $0x2000  }
0x62: {  	[sflag:s8] =	ssyncset.done $0x0  }
0x63: {  	s6 =	simm.s32 $0x14480;
	[sflag:s8] =	ssyncadd.s32 $0xFFFFE000  }
0x64: {  	[tilespmem:s25], [sflag:$0x2] =	stream.indirect.gather [hbm4b:s4+s22], $0x80, s6, s22, $0xb8;
	[tilespmem:$0x1E800] =	vst v63  }
0x65: {  	_ =	swait.ge [sflag:s11], $0x2000  }
0x66: {  	[sflag:s11] =	ssyncset.done $0x0  }
0x67: {  	s5 =	simm.s32 $0x15700;
	[sflag:s11] =	ssyncadd.s32 $0xFFFFE000  }
0x68: {  	[spmem:s2] =	stream.indirect.scatter.add.f32 [tilespmem:s28], [sflag:$0x7], $0x80, s5, s22, $0xb8;
	[tilespmem:$0x1E800] =	vst v63  }
0x69: {  	_ =	swait.ge [sflag:s13], $0x2000  }
0x6a: {  	[sflag:s13] =	ssyncset.done $0x0  }
0x6b: {  	s6 =	simm.s32 $0x14500;
	[sflag:s13] =	ssyncadd.s32 $0xFFFFE000  }
0x6c: {  	[tilespmem:s28], [sflag:$0x3] =	stream.indirect.gather [hbm4b:s4+s22], $0x80, s6, s22, $0xb8;
	[tilespmem:$0x1E800] =	vst v63  }
0x6d: {  	_ =	swait.ge [sflag:s15], $0x2000  }
0x6e: {  	[sflag:s15] =	ssyncset.done $0x0  }
0x6f: {  	s1 =	simm.s32 $0x800;
	s5 =	simm.s32 $0x15780;
	[sflag:s15] =	ssyncadd.s32 $0xFFFFE000  }
.LBB2_2:
0x70: {  	[spmem:s2] =	stream.indirect.scatter.add.f32 [tilespmem:s30], [sflag:$0x8], $0x80, s5, s22, $0xb8;
	[tilespmem:$0x1E800] =	vst v63  }
0x71: {  	s5 =	smov.u32 s1  }
0x72: {  	p0 =	sne.s32 s1, $0x3800;
	s1 =	sadd.s32 $0x800, s1;
	_ =	swait.ge [sflag:s17], $0x2000  }
0x73: {  	s5 =	sshra.s32 s5, $0x2;
	[sflag:s17] =	ssyncset.done $0x0  }
0x74: {  	s6 =	sadd.s32 $0x14380, s5;
	[sflag:s17] =	ssyncadd.s32 $0xFFFFE000  }
0x75: {  	[tilespmem:s30], [sflag:$0x4] =	stream.indirect.gather [hbm4b:s4+s22], $0x80, s6, s22, $0xb8;
	[tilespmem:$0x1E800] =	vst v63  }
0x76: {  	_ =	swait.ge [sflag:s31], $0x2000  }
0x77: {  	[sflag:s31] =	ssyncset.done $0x0  }
0x78: {  	s6 =	sadd.s32 $0x15600, s5;
	[sflag:s31] =	ssyncadd.s32 $0xFFFFE000  }
0x79: {  	[spmem:s2] =	stream.indirect.scatter.add.f32 [tilespmem:s23], [sflag:$0x5], $0x80, s6, s22, $0xb8;
	[tilespmem:$0x1E800] =	vst v63  }
0x7a: {  	_ =	swait.ge [sflag:s0], $0x2000  }
0x7b: {  	[sflag:s0] =	ssyncset.done $0x0  }
0x7c: {  	s6 =	sadd.s32 $0x14400, s5;
	[sflag:s0] =	ssyncadd.s32 $0xFFFFE000  }
0x7d: {  	[tilespmem:s23], [sflag:$0x1] =	stream.indirect.gather [hbm4b:s4+s22], $0x80, s6, s22, $0xb8;
	[tilespmem:$0x1E800] =	vst v63  }
0x7e: {  	_ =	swait.ge [sflag:s3], $0x2000  }
0x7f: {  	[sflag:s3] =	ssyncset.done $0x0  }
0x80: {  	s6 =	sadd.s32 $0x15680, s5;
	[sflag:s3] =	ssyncadd.s32 $0xFFFFE000  }
0x81: {  	[spmem:s2] =	stream.indirect.scatter.add.f32 [tilespmem:s25], [sflag:$0x6], $0x80, s6, s22, $0xb8;
	[tilespmem:$0x1E800] =	vst v63  }
0x82: {  	_ =	swait.ge [sflag:s8], $0x2000  }
0x83: {  	[sflag:s8] =	ssyncset.done $0x0  }
0x84: {  	s6 =	sadd.s32 $0x14480, s5;
	[sflag:s8] =	ssyncadd.s32 $0xFFFFE000  }
0x85: {  	[tilespmem:s25], [sflag:$0x2] =	stream.indirect.gather [hbm4b:s4+s22], $0x80, s6, s22, $0xb8;
	[tilespmem:$0x1E800] =	vst v63  }
0x86: {  	_ =	swait.ge [sflag:s11], $0x2000  }
0x87: {  	[sflag:s11] =	ssyncset.done $0x0  }
0x88: {  	s6 =	sadd.s32 $0x15700, s5;
	[sflag:s11] =	ssyncadd.s32 $0xFFFFE000  }
0x89: {  	[spmem:s2] =	stream.indirect.scatter.add.f32 [tilespmem:s28], [sflag:$0x7], $0x80, s6, s22, $0xb8;
	[tilespmem:$0x1E800] =	vst v63  }
0x8a: {  	_ =	swait.ge [sflag:s13], $0x2000  }
0x8b: {  	[sflag:s13] =	ssyncset.done $0x0  }
.Ltmp0:
0x8c: {  	s6 =	sadd.s32 $0x14500, s5;
	[sflag:s13] =	ssyncadd.s32 $0xFFFFE000;
	(pc) =	sbr.rel @p0 .LBB2_2-.Ltmp0, $4  }
0x8d: {  	[tilespmem:s28], [sflag:$0x3] =	stream.indirect.gather [hbm4b:s4+s22], $0x80, s6, s22, $0xb8;
	[tilespmem:$0x1E800] =	vst v63  }
0x8e: {  	_ =	swait.ge [sflag:s15], $0x2000  }
0x8f: {  	[sflag:s15] =	ssyncset.done $0x0  }
0x90: {  	s5 =	sadd.s32 $0x15780, s5;
	[sflag:s15] =	ssyncadd.s32 $0xFFFFE000  }
0x91: {  	[spmem:s2] =	stream.indirect.scatter.add.f32 [tilespmem:s30], [sflag:$0x8], $0x80, s5, s22, $0xb8;
	[tilespmem:$0x1E800] =	vst v63  }
0x92: {  	_ =	swait.ge [sflag:s17], $0x2000  }
0x93: {  	[sflag:s17] =	ssyncset.done $0x0  }
0x94: {  	s1 =	simm.s32 $0x15380;
	[sflag:s17] =	ssyncadd.s32 $0xFFFFE000  }
0x95: {  	[tilespmem:s30], [sflag:$0x4] =	stream.indirect.gather [hbm4b:s4+s22], $0x80, s1, s22, $0xb8;
	[tilespmem:$0x1E800] =	vst v63  }
0x96: {  	_ =	swait.ge [sflag:s31], $0x2000  }
0x97: {  	[sflag:s31] =	ssyncset.done $0x0  }
0x98: {  	s6 =	simm.s32 $0x16600;
	[sflag:s31] =	ssyncadd.s32 $0xFFFFE000  }
0x99: {  	[spmem:s2] =	stream.indirect.scatter.add.f32 [tilespmem:s23], [sflag:$0x5], $0x80, s6, s22, $0xb8;
	[tilespmem:$0x1E800] =	vst v63  }
0x9a: {  	_ =	swait.ge [sflag:s3], $0x2000  }
0x9b: {  	[sflag:s3] =	ssyncset.done $0x0  }
0x9c: {  	s5 =	simm.s32 $0x16680;
	[sflag:s3] =	ssyncadd.s32 $0xFFFFE000  }
0x9d: {  	[spmem:s2] =	stream.indirect.scatter.add.f32 [tilespmem:s25], [sflag:$0x6], $0x80, s5, s22, $0xb8;
	[tilespmem:$0x1E800] =	vst v63  }
0x9e: {  	_ =	swait.ge [sflag:s11], $0x2000  }
0x9f: {  	[sflag:s11] =	ssyncset.done $0x0  }
0xa0: {  	s6 =	simm.s32 $0x16700;
	[sflag:s11] =	ssyncadd.s32 $0xFFFFE000  }
0xa1: {  	[spmem:s2] =	stream.indirect.scatter.add.f32 [tilespmem:s28], [sflag:$0x7], $0x80, s6, s22, $0xb8;
	[tilespmem:$0x1E800] =	vst v63  }
0xa2: {  	_ =	swait.ge [sflag:s15], $0x2000  }
0xa3: {  	[sflag:s15] =	ssyncset.done $0x0  }
0xa4: {  	s5 =	simm.s32 $0x16780;
	[sflag:s15] =	ssyncadd.s32 $0xFFFFE000  }
0xa5: {  	[spmem:s2] =	stream.indirect.scatter.add.f32 [tilespmem:s30], [sflag:$0x8], $0x80, s5, s22, $0xb8;
	[tilespmem:$0x1E800] =	vst v63  }
0xa6: {  	_ =	swait.ge [sflag:s0], $0x2000  }
0xa7: {  	[sflag:s0] =	ssyncset.done $0x0  }
0xa8: {  	[sflag:s0] =	ssyncadd.s32 $0xFFFFE000  }
0xa9: {  	_ =	swait.ge [sflag:s8], $0x2000  }
0xaa: {  	[sflag:s8] =	ssyncset.done $0x0  }
0xab: {  	[sflag:s8] =	ssyncadd.s32 $0xFFFFE000  }
0xac: {  	_ =	swait.ge [sflag:s13], $0x2000  }
0xad: {  	[sflag:s13] =	ssyncset.done $0x0  }
0xae: {  	[sflag:s13] =	ssyncadd.s32 $0xFFFFE000  }
0xaf: {  	_ =	swait.ge [sflag:s17], $0x2000  }
0xb0: {  	[sflag:s17] =	ssyncset.done $0x0  }
0xb1: {  	s1 =	simm.s32 $0x0;
	s6 =	rddreg [dreg:$0x8];
	[sflag:s17] =	ssyncadd.s32 $0xFFFFE000  }
0xb2: {  	[tilespmem:s10], [sflag:$0x9] =	stream.linear.gather [hbm4b:s6+s1], $0x1400, $0x38;
	[tilespmem:$0x1E800] =	vst v63  }
0xb3: {  	_ =	swait.ge [sflag:s7], $0x1400  }
0xb4: {  	[sflag:s7] =	ssyncset.done $0x0  }
0xb5: {  	s6 =	rddreg [dreg:$0x9];
	[sflag:s7] =	ssyncadd.s32 $0xFFFFEC00  }
0xb6: {  	[tilespmem:s12], [sflag:$0x9] =	stream.linear.gather [hbm4b:s6+s1], $0x1400, $0x38;
	[tilespmem:$0x1E800] =	vst v63  }
0xb7: {  	_ =	swait.ge [sflag:s7], $0x1400  }
0xb8: {  	[sflag:s7] =	ssyncset.done $0x0  }
0xb9: {  	[sflag:s7] =	ssyncadd.s32 $0xFFFFEC00  }
0xba: {  	[tilespmem:s23], [sflag:$0x1] =	stream.indirect.gather [hbm4b:s4+s22], $0x80, s10, s22, $0xb8;
	[tilespmem:$0x1E800] =	vst v63  }
0xbb: {  	_ = 	snop  }
0xbc: {  	[tilespmem:s25], [sflag:$0x2] =	stream.indirect.gather [hbm4b:s4+s22], $0x80, s14, s22, $0xb8;
	[tilespmem:$0x1E800] =	vst v63  }
0xbd: {  	_ = 	snop  }
0xbe: {  	[tilespmem:s28], [sflag:$0x3] =	stream.indirect.gather [hbm4b:s4+s22], $0x80, s16, s22, $0xb8;
	[tilespmem:$0x1E800] =	vst v63  }
0xbf: {  	_ = 	snop  }
0xc0: {  	[tilespmem:s30], [sflag:$0x4] =	stream.indirect.gather [hbm4b:s4+s22], $0x80, s18, s22, $0xb8;
	[tilespmem:$0x1E800] =	vst v63  }
0xc1: {  	_ =	swait.ge [sflag:s31], $0x2000  }
0xc2: {  	[sflag:s31] =	ssyncset.done $0x0  }
0xc3: {  	[sflag:s31] =	ssyncadd.s32 $0xFFFFE000  }
0xc4: {  	[spmem:s2] =	stream.indirect.scatter.add.f32 [tilespmem:s23], [sflag:$0x5], $0x80, s12, s22, $0xb8;
	[tilespmem:$0x1E800] =	vst v63  }
0xc5: {  	_ =	swait.ge [sflag:s0], $0x2000  }
0xc6: {  	[sflag:s0] =	ssyncset.done $0x0  }
0xc7: {  	[sflag:s0] =	ssyncadd.s32 $0xFFFFE000  }
0xc8: {  	[tilespmem:s23], [sflag:$0x1] =	stream.indirect.gather [hbm4b:s4+s22], $0x80, s19, s22, $0xb8;
	[tilespmem:$0x1E800] =	vst v63  }
0xc9: {  	_ =	swait.ge [sflag:s3], $0x2000  }
0xca: {  	[sflag:s3] =	ssyncset.done $0x0  }
0xcb: {  	[sflag:s3] =	ssyncadd.s32 $0xFFFFE000  }
0xcc: {  	[spmem:s2] =	stream.indirect.scatter.add.f32 [tilespmem:s25], [sflag:$0x6], $0x80, s20, s22, $0xb8;
	[tilespmem:$0x1E800] =	vst v63  }
0xcd: {  	_ =	swait.ge [sflag:s8], $0x2000  }
0xce: {  	[sflag:s8] =	ssyncset.done $0x0  }
0xcf: {  	[sflag:s8] =	ssyncadd.s32 $0xFFFFE000  }
0xd0: {  	[tilespmem:s25], [sflag:$0x2] =	stream.indirect.gather [hbm4b:s4+s22], $0x80, s21, s22, $0xb8;
	[tilespmem:$0x1E800] =	vst v63  }
0xd1: {  	_ =	swait.ge [sflag:s11], $0x2000  }
0xd2: {  	[sflag:s11] =	ssyncset.done $0x0  }
0xd3: {  	[sflag:s11] =	ssyncadd.s32 $0xFFFFE000  }
0xd4: {  	[spmem:s2] =	stream.indirect.scatter.add.f32 [tilespmem:s28], [sflag:$0x7], $0x80, s24, s22, $0xb8;
	[tilespmem:$0x1E800] =	vst v63  }
0xd5: {  	_ =	swait.ge [sflag:s13], $0x2000  }
0xd6: {  	[sflag:s13] =	ssyncset.done $0x0  }
0xd7: {  	[sflag:s13] =	ssyncadd.s32 $0xFFFFE000  }
0xd8: {  	[tilespmem:s28], [sflag:$0x3] =	stream.indirect.gather [hbm4b:s4+s22], $0x80, s26, s22, $0xb8;
	[tilespmem:$0x1E800] =	vst v63  }
0xd9: {  	_ =	swait.ge [sflag:s15], $0x2000  }
0xda: {  	[sflag:s15] =	ssyncset.done $0x0  }
0xdb: {  	[sflag:s15] =	ssyncadd.s32 $0xFFFFE000  }
0xdc: {  	[spmem:s2] =	stream.indirect.scatter.add.f32 [tilespmem:s30], [sflag:$0x8], $0x80, s29, s22, $0xb8;
	[tilespmem:$0x1E800] =	vst v63  }
0xdd: {  	_ =	swait.ge [sflag:s17], $0x2000  }
0xde: {  	[sflag:s17] =	ssyncset.done $0x0  }
0xdf: {  	s6 =	simm.s32 $0x14380;
	[sflag:s17] =	ssyncadd.s32 $0xFFFFE000  }
0xe0: {  	[tilespmem:s30], [sflag:$0x4] =	stream.indirect.gather [hbm4b:s4+s22], $0x80, s6, s22, $0xb8;
	[tilespmem:$0x1E800] =	vst v63  }
0xe1: {  	_ =	swait.ge [sflag:s31], $0x2000  }
0xe2: {  	[sflag:s31] =	ssyncset.done $0x0  }
0xe3: {  	s5 =	simm.s32 $0x15600;
	[sflag:s31] =	ssyncadd.s32 $0xFFFFE000  }
0xe4: {  	[spmem:s2] =	stream.indirect.scatter.add.f32 [tilespmem:s23], [sflag:$0x5], $0x80, s5, s22, $0xb8;
	[tilespmem:$0x1E800] =	vst v63  }
0xe5: {  	_ =	swait.ge [sflag:s0], $0x2000  }
0xe6: {  	[sflag:s0] =	ssyncset.done $0x0  }
0xe7: {  	s6 =	simm.s32 $0x14400;
	[sflag:s0] =	ssyncadd.s32 $0xFFFFE000  }
0xe8: {  	[tilespmem:s23], [sflag:$0x1] =	stream.indirect.gather [hbm4b:s4+s22], $0x80, s6, s22, $0xb8;
	[tilespmem:$0x1E800] =	vst v63  }
0xe9: {  	_ =	swait.ge [sflag:s3], $0x2000  }
0xea: {  	[sflag:s3] =	ssyncset.done $0x0  }
0xeb: {  	s5 =	simm.s32 $0x15680;
	[sflag:s3] =	ssyncadd.s32 $0xFFFFE000  }
0xec: {  	[spmem:s2] =	stream.indirect.scatter.add.f32 [tilespmem:s25], [sflag:$0x6], $0x80, s5, s22, $0xb8;
	[tilespmem:$0x1E800] =	vst v63  }
0xed: {  	_ =	swait.ge [sflag:s8], $0x2000  }
0xee: {  	[sflag:s8] =	ssyncset.done $0x0  }
0xef: {  	s6 =	simm.s32 $0x14480;
	[sflag:s8] =	ssyncadd.s32 $0xFFFFE000  }
0xf0: {  	[tilespmem:s25], [sflag:$0x2] =	stream.indirect.gather [hbm4b:s4+s22], $0x80, s6, s22, $0xb8;
	[tilespmem:$0x1E800] =	vst v63  }
0xf1: {  	_ =	swait.ge [sflag:s11], $0x2000  }
0xf2: {  	[sflag:s11] =	ssyncset.done $0x0  }
0xf3: {  	s5 =	simm.s32 $0x15700;
	[sflag:s11] =	ssyncadd.s32 $0xFFFFE000  }
0xf4: {  	[spmem:s2] =	stream.indirect.scatter.add.f32 [tilespmem:s28], [sflag:$0x7], $0x80, s5, s22, $0xb8;
	[tilespmem:$0x1E800] =	vst v63  }
0xf5: {  	_ =	swait.ge [sflag:s13], $0x2000  }
0xf6: {  	[sflag:s13] =	ssyncset.done $0x0  }
0xf7: {  	s6 =	simm.s32 $0x14500;
	[sflag:s13] =	ssyncadd.s32 $0xFFFFE000  }
0xf8: {  	[tilespmem:s28], [sflag:$0x3] =	stream.indirect.gather [hbm4b:s4+s22], $0x80, s6, s22, $0xb8;
	[tilespmem:$0x1E800] =	vst v63  }
0xf9: {  	_ =	swait.ge [sflag:s15], $0x2000  }
0xfa: {  	[sflag:s15] =	ssyncset.done $0x0  }
0xfb: {  	s1 =	simm.s32 $0x800;
	s5 =	simm.s32 $0x15780;
	[sflag:s15] =	ssyncadd.s32 $0xFFFFE000  }
.LBB2_4:
0xfc: {  	[spmem:s2] =	stream.indirect.scatter.add.f32 [tilespmem:s30], [sflag:$0x8], $0x80, s5, s22, $0xb8;
	[tilespmem:$0x1E800] =	vst v63  }
0xfd: {  	s5 =	smov.u32 s1  }
0xfe: {  	p0 =	sne.s32 s1, $0x3800;
	s1 =	sadd.s32 $0x800, s1;
	_ =	swait.ge [sflag:s17], $0x2000  }
0xff: {  	s5 =	sshra.s32 s5, $0x2;
	[sflag:s17] =	ssyncset.done $0x0  }
0x100: {  	s6 =	sadd.s32 $0x14380, s5;
	[sflag:s17] =	ssyncadd.s32 $0xFFFFE000  }
0x101: {  	[tilespmem:s30], [sflag:$0x4] =	stream.indirect.gather [hbm4b:s4+s22], $0x80, s6, s22, $0xb8;
	[tilespmem:$0x1E800] =	vst v63  }
0x102: {  	_ =	swait.ge [sflag:s31], $0x2000  }
0x103: {  	[sflag:s31] =	ssyncset.done $0x0  }
0x104: {  	s6 =	sadd.s32 $0x15600, s5;
	[sflag:s31] =	ssyncadd.s32 $0xFFFFE000  }
0x105: {  	[spmem:s2] =	stream.indirect.scatter.add.f32 [tilespmem:s23], [sflag:$0x5], $0x80, s6, s22, $0xb8;
	[tilespmem:$0x1E800] =	vst v63  }
0x106: {  	_ =	swait.ge [sflag:s0], $0x2000  }
0x107: {  	[sflag:s0] =	ssyncset.done $0x0  }
0x108: {  	s6 =	sadd.s32 $0x14400, s5;
	[sflag:s0] =	ssyncadd.s32 $0xFFFFE000  }
0x109: {  	[tilespmem:s23], [sflag:$0x1] =	stream.indirect.gather [hbm4b:s4+s22], $0x80, s6, s22, $0xb8;
	[tilespmem:$0x1E800] =	vst v63  }
0x10a: {  	_ =	swait.ge [sflag:s3], $0x2000  }
0x10b: {  	[sflag:s3] =	ssyncset.done $0x0  }
0x10c: {  	s6 =	sadd.s32 $0x15680, s5;
	[sflag:s3] =	ssyncadd.s32 $0xFFFFE000  }
0x10d: {  	[spmem:s2] =	stream.indirect.scatter.add.f32 [tilespmem:s25], [sflag:$0x6], $0x80, s6, s22, $0xb8;
	[tilespmem:$0x1E800] =	vst v63  }
0x10e: {  	_ =	swait.ge [sflag:s8], $0x2000  }
0x10f: {  	[sflag:s8] =	ssyncset.done $0x0  }
0x110: {  	s6 =	sadd.s32 $0x14480, s5;
	[sflag:s8] =	ssyncadd.s32 $0xFFFFE000  }
0x111: {  	[tilespmem:s25], [sflag:$0x2] =	stream.indirect.gather [hbm4b:s4+s22], $0x80, s6, s22, $0xb8;
	[tilespmem:$0x1E800] =	vst v63  }
0x112: {  	_ =	swait.ge [sflag:s11], $0x2000  }
0x113: {  	[sflag:s11] =	ssyncset.done $0x0  }
0x114: {  	s6 =	sadd.s32 $0x15700, s5;
	[sflag:s11] =	ssyncadd.s32 $0xFFFFE000  }
0x115: {  	[spmem:s2] =	stream.indirect.scatter.add.f32 [tilespmem:s28], [sflag:$0x7], $0x80, s6, s22, $0xb8;
	[tilespmem:$0x1E800] =	vst v63  }
0x116: {  	_ =	swait.ge [sflag:s13], $0x2000  }
0x117: {  	[sflag:s13] =	ssyncset.done $0x0  }
.Ltmp1:
0x118: {  	s6 =	sadd.s32 $0x14500, s5;
	[sflag:s13] =	ssyncadd.s32 $0xFFFFE000;
	(pc) =	sbr.rel @p0 .LBB2_4-.Ltmp1, $4  }
0x119: {  	[tilespmem:s28], [sflag:$0x3] =	stream.indirect.gather [hbm4b:s4+s22], $0x80, s6, s22, $0xb8;
	[tilespmem:$0x1E800] =	vst v63  }
0x11a: {  	_ =	swait.ge [sflag:s15], $0x2000  }
0x11b: {  	[sflag:s15] =	ssyncset.done $0x0  }
0x11c: {  	s5 =	sadd.s32 $0x15780, s5;
	[sflag:s15] =	ssyncadd.s32 $0xFFFFE000  }
0x11d: {  	[spmem:s2] =	stream.indirect.scatter.add.f32 [tilespmem:s30], [sflag:$0x8], $0x80, s5, s22, $0xb8;
	[tilespmem:$0x1E800] =	vst v63  }
0x11e: {  	_ =	swait.ge [sflag:s17], $0x2000  }
0x11f: {  	[sflag:s17] =	ssyncset.done $0x0  }
0x120: {  	s1 =	simm.s32 $0x15380;
	[sflag:s17] =	ssyncadd.s32 $0xFFFFE000  }
0x121: {  	[tilespmem:s30], [sflag:$0x4] =	stream.indirect.gather [hbm4b:s4+s22], $0x80, s1, s22, $0xb8;
	[tilespmem:$0x1E800] =	vst v63  }
0x122: {  	_ =	swait.ge [sflag:s31], $0x2000  }
0x123: {  	[sflag:s31] =	ssyncset.done $0x0  }
0x124: {  	s6 =	simm.s32 $0x16600;
	[sflag:s31] =	ssyncadd.s32 $0xFFFFE000  }
0x125: {  	[spmem:s2] =	stream.indirect.scatter.add.f32 [tilespmem:s23], [sflag:$0x5], $0x80, s6, s22, $0xb8;
	[tilespmem:$0x1E800] =	vst v63  }
0x126: {  	_ =	swait.ge [sflag:s3], $0x2000  }
0x127: {  	[sflag:s3] =	ssyncset.done $0x0  }
0x128: {  	s5 =	simm.s32 $0x16680;
	[sflag:s3] =	ssyncadd.s32 $0xFFFFE000  }
0x129: {  	[spmem:s2] =	stream.indirect.scatter.add.f32 [tilespmem:s25], [sflag:$0x6], $0x80, s5, s22, $0xb8;
	[tilespmem:$0x1E800] =	vst v63  }
0x12a: {  	_ =	swait.ge [sflag:s11], $0x2000  }
0x12b: {  	[sflag:s11] =	ssyncset.done $0x0  }
0x12c: {  	s6 =	simm.s32 $0x16700;
	[sflag:s11] =	ssyncadd.s32 $0xFFFFE000  }
0x12d: {  	[spmem:s2] =	stream.indirect.scatter.add.f32 [tilespmem:s28], [sflag:$0x7], $0x80, s6, s22, $0xb8;
	[tilespmem:$0x1E800] =	vst v63  }
0x12e: {  	_ =	swait.ge [sflag:s15], $0x2000  }
0x12f: {  	[sflag:s15] =	ssyncset.done $0x0  }
0x130: {  	s5 =	simm.s32 $0x16780;
	[sflag:s15] =	ssyncadd.s32 $0xFFFFE000  }
0x131: {  	[spmem:s2] =	stream.indirect.scatter.add.f32 [tilespmem:s30], [sflag:$0x8], $0x80, s5, s22, $0xb8;
	[tilespmem:$0x1E800] =	vst v63  }
0x132: {  	_ =	swait.ge [sflag:s0], $0x2000  }
0x133: {  	[sflag:s0] =	ssyncset.done $0x0  }
0x134: {  	[sflag:s0] =	ssyncadd.s32 $0xFFFFE000  }
0x135: {  	_ =	swait.ge [sflag:s8], $0x2000  }
0x136: {  	[sflag:s8] =	ssyncset.done $0x0  }
0x137: {  	[sflag:s8] =	ssyncadd.s32 $0xFFFFE000  }
0x138: {  	_ =	swait.ge [sflag:s13], $0x2000  }
0x139: {  	[sflag:s13] =	ssyncset.done $0x0  }
0x13a: {  	[sflag:s13] =	ssyncadd.s32 $0xFFFFE000  }
0x13b: {  	_ =	swait.ge [sflag:s17], $0x2000  }
0x13c: {  	[sflag:s17] =	ssyncset.done $0x0  }
0x13d: {  	s1 =	simm.s32 $0x0;
	s6 =	rddreg [dreg:$0xa];
	[sflag:s17] =	ssyncadd.s32 $0xFFFFE000  }
0x13e: {  	[tilespmem:s10], [sflag:$0x9] =	stream.linear.gather [hbm4b:s6+s1], $0x1400, $0x38;
	[tilespmem:$0x1E800] =	vst v63  }
0x13f: {  	_ =	swait.ge [sflag:s7], $0x1400  }
0x140: {  	[sflag:s7] =	ssyncset.done $0x0  }
0x141: {  	s6 =	rddreg [dreg:$0xb];
	[sflag:s7] =	ssyncadd.s32 $0xFFFFEC00  }
0x142: {  	[tilespmem:s12], [sflag:$0x9] =	stream.linear.gather [hbm4b:s6+s1], $0x1400, $0x38;
	[tilespmem:$0x1E800] =	vst v63  }
0x143: {  	_ =	swait.ge [sflag:s7], $0x1400  }
0x144: {  	[sflag:s7] =	ssyncset.done $0x0  }
0x145: {  	[sflag:s7] =	ssyncadd.s32 $0xFFFFEC00  }
0x146: {  	[tilespmem:s23], [sflag:$0x1] =	stream.indirect.gather [hbm4b:s4+s22], $0x80, s10, s22, $0xb8;
	[tilespmem:$0x1E800] =	vst v63  }
0x147: {  	_ = 	snop  }
0x148: {  	[tilespmem:s25], [sflag:$0x2] =	stream.indirect.gather [hbm4b:s4+s22], $0x80, s14, s22, $0xb8;
	[tilespmem:$0x1E800] =	vst v63  }
0x149: {  	_ = 	snop  }
0x14a: {  	[tilespmem:s28], [sflag:$0x3] =	stream.indirect.gather [hbm4b:s4+s22], $0x80, s16, s22, $0xb8;
	[tilespmem:$0x1E800] =	vst v63  }
0x14b: {  	_ = 	snop  }
0x14c: {  	[tilespmem:s30], [sflag:$0x4] =	stream.indirect.gather [hbm4b:s4+s22], $0x80, s18, s22, $0xb8;
	[tilespmem:$0x1E800] =	vst v63  }
0x14d: {  	_ =	swait.ge [sflag:s31], $0x2000  }
0x14e: {  	[sflag:s31] =	ssyncset.done $0x0  }
0x14f: {  	[sflag:s31] =	ssyncadd.s32 $0xFFFFE000  }
0x150: {  	[spmem:s2] =	stream.indirect.scatter.add.f32 [tilespmem:s23], [sflag:$0x5], $0x80, s12, s22, $0xb8;
	[tilespmem:$0x1E800] =	vst v63  }
0x151: {  	_ =	swait.ge [sflag:s0], $0x2000  }
0x152: {  	[sflag:s0] =	ssyncset.done $0x0  }
0x153: {  	[sflag:s0] =	ssyncadd.s32 $0xFFFFE000  }
0x154: {  	[tilespmem:s23], [sflag:$0x1] =	stream.indirect.gather [hbm4b:s4+s22], $0x80, s19, s22, $0xb8;
	[tilespmem:$0x1E800] =	vst v63  }
0x155: {  	_ =	swait.ge [sflag:s3], $0x2000  }
0x156: {  	[sflag:s3] =	ssyncset.done $0x0  }
0x157: {  	[sflag:s3] =	ssyncadd.s32 $0xFFFFE000  }
0x158: {  	[spmem:s2] =	stream.indirect.scatter.add.f32 [tilespmem:s25], [sflag:$0x6], $0x80, s20, s22, $0xb8;
	[tilespmem:$0x1E800] =	vst v63  }
0x159: {  	_ =	swait.ge [sflag:s8], $0x2000  }
0x15a: {  	[sflag:s8] =	ssyncset.done $0x0  }
0x15b: {  	[sflag:s8] =	ssyncadd.s32 $0xFFFFE000  }
0x15c: {  	[tilespmem:s25], [sflag:$0x2] =	stream.indirect.gather [hbm4b:s4+s22], $0x80, s21, s22, $0xb8;
	[tilespmem:$0x1E800] =	vst v63  }
0x15d: {  	_ =	swait.ge [sflag:s11], $0x2000  }
0x15e: {  	[sflag:s11] =	ssyncset.done $0x0  }
0x15f: {  	[sflag:s11] =	ssyncadd.s32 $0xFFFFE000  }
0x160: {  	[spmem:s2] =	stream.indirect.scatter.add.f32 [tilespmem:s28], [sflag:$0x7], $0x80, s24, s22, $0xb8;
	[tilespmem:$0x1E800] =	vst v63  }
0x161: {  	_ =	swait.ge [sflag:s13], $0x2000  }
0x162: {  	[sflag:s13] =	ssyncset.done $0x0  }
0x163: {  	[sflag:s13] =	ssyncadd.s32 $0xFFFFE000  }
0x164: {  	[tilespmem:s28], [sflag:$0x3] =	stream.indirect.gather [hbm4b:s4+s22], $0x80, s26, s22, $0xb8;
	[tilespmem:$0x1E800] =	vst v63  }
0x165: {  	_ =	swait.ge [sflag:s15], $0x2000  }
0x166: {  	[sflag:s15] =	ssyncset.done $0x0  }
0x167: {  	[sflag:s15] =	ssyncadd.s32 $0xFFFFE000  }
0x168: {  	[spmem:s2] =	stream.indirect.scatter.add.f32 [tilespmem:s30], [sflag:$0x8], $0x80, s29, s22, $0xb8;
	[tilespmem:$0x1E800] =	vst v63  }
0x169: {  	_ =	swait.ge [sflag:s17], $0x2000  }
0x16a: {  	[sflag:s17] =	ssyncset.done $0x0  }
0x16b: {  	s18 =	simm.s32 $0x14380;
	[sflag:s17] =	ssyncadd.s32 $0xFFFFE000  }
0x16c: {  	[tilespmem:s30], [sflag:$0x4] =	stream.indirect.gather [hbm4b:s4+s22], $0x80, s18, s22, $0xb8;
	[tilespmem:$0x1E800] =	vst v63  }
0x16d: {  	_ =	swait.ge [sflag:s31], $0x2000  }
0x16e: {  	[sflag:s31] =	ssyncset.done $0x0  }
0x16f: {  	s19 =	simm.s32 $0x15600;
	[sflag:s31] =	ssyncadd.s32 $0xFFFFE000  }
0x170: {  	[spmem:s2] =	stream.indirect.scatter.add.f32 [tilespmem:s23], [sflag:$0x5], $0x80, s19, s22, $0xb8;
	[tilespmem:$0x1E800] =	vst v63  }
0x171: {  	_ =	swait.ge [sflag:s0], $0x2000  }
0x172: {  	[sflag:s0] =	ssyncset.done $0x0  }
0x173: {  	s20 =	simm.s32 $0x14400;
	[sflag:s0] =	ssyncadd.s32 $0xFFFFE000  }
0x174: {  	[tilespmem:s23], [sflag:$0x1] =	stream.indirect.gather [hbm4b:s4+s22], $0x80, s20, s22, $0xb8;
	[tilespmem:$0x1E800] =	vst v63  }
0x175: {  	_ =	swait.ge [sflag:s3], $0x2000  }
0x176: {  	[sflag:s3] =	ssyncset.done $0x0  }
0x177: {  	s21 =	simm.s32 $0x15680;
	[sflag:s3] =	ssyncadd.s32 $0xFFFFE000  }
0x178: {  	[spmem:s2] =	stream.indirect.scatter.add.f32 [tilespmem:s25], [sflag:$0x6], $0x80, s21, s22, $0xb8;
	[tilespmem:$0x1E800] =	vst v63  }
0x179: {  	_ =	swait.ge [sflag:s8], $0x2000  }
0x17a: {  	[sflag:s8] =	ssyncset.done $0x0  }
0x17b: {  	s24 =	simm.s32 $0x14480;
	[sflag:s8] =	ssyncadd.s32 $0xFFFFE000  }
0x17c: {  	[tilespmem:s25], [sflag:$0x2] =	stream.indirect.gather [hbm4b:s4+s22], $0x80, s24, s22, $0xb8;
	[tilespmem:$0x1E800] =	vst v63  }
0x17d: {  	_ =	swait.ge [sflag:s11], $0x2000  }
0x17e: {  	[sflag:s11] =	ssyncset.done $0x0  }
0x17f: {  	s26 =	simm.s32 $0x15700;
	[sflag:s11] =	ssyncadd.s32 $0xFFFFE000  }
0x180: {  	[spmem:s2] =	stream.indirect.scatter.add.f32 [tilespmem:s28], [sflag:$0x7], $0x80, s26, s22, $0xb8;
	[tilespmem:$0x1E800] =	vst v63  }
0x181: {  	_ =	swait.ge [sflag:s13], $0x2000  }
0x182: {  	[sflag:s13] =	ssyncset.done $0x0  }
0x183: {  	s29 =	simm.s32 $0x14500;
	[sflag:s13] =	ssyncadd.s32 $0xFFFFE000  }
0x184: {  	[tilespmem:s28], [sflag:$0x3] =	stream.indirect.gather [hbm4b:s4+s22], $0x80, s29, s22, $0xb8;
	[tilespmem:$0x1E800] =	vst v63  }
0x185: {  	_ =	swait.ge [sflag:s15], $0x2000  }
0x186: {  	[sflag:s15] =	ssyncset.done $0x0  }
0x187: {  	s5 =	simm.s32 $0x15780;
	s1 =	simm.s32 $0x800;
	[sflag:s15] =	ssyncadd.s32 $0xFFFFE000  }
.LBB2_6:
0x188: {  	[spmem:s2] =	stream.indirect.scatter.add.f32 [tilespmem:s30], [sflag:$0x8], $0x80, s5, s22, $0xb8;
	[tilespmem:$0x1E800] =	vst v63  }
0x189: {  	s5 =	smov.u32 s1  }
0x18a: {  	p0 =	sne.s32 s1, $0x3800;
	s1 =	sadd.s32 $0x800, s1;
	_ =	swait.ge [sflag:s17], $0x2000  }
0x18b: {  	s5 =	sshra.s32 s5, $0x2;
	[sflag:s17] =	ssyncset.done $0x0  }
0x18c: {  	s6 =	sadd.s32 $0x14380, s5;
	[sflag:s17] =	ssyncadd.s32 $0xFFFFE000  }
0x18d: {  	[tilespmem:s30], [sflag:$0x4] =	stream.indirect.gather [hbm4b:s4+s22], $0x80, s6, s22, $0xb8;
	[tilespmem:$0x1E800] =	vst v63  }
0x18e: {  	_ =	swait.ge [sflag:s31], $0x2000  }
0x18f: {  	[sflag:s31] =	ssyncset.done $0x0  }
0x190: {  	s6 =	sadd.s32 $0x15600, s5;
	[sflag:s31] =	ssyncadd.s32 $0xFFFFE000  }
0x191: {  	[spmem:s2] =	stream.indirect.scatter.add.f32 [tilespmem:s23], [sflag:$0x5], $0x80, s6, s22, $0xb8;
	[tilespmem:$0x1E800] =	vst v63  }
0x192: {  	_ =	swait.ge [sflag:s0], $0x2000  }
0x193: {  	[sflag:s0] =	ssyncset.done $0x0  }
0x194: {  	s6 =	sadd.s32 $0x14400, s5;
	[sflag:s0] =	ssyncadd.s32 $0xFFFFE000  }
0x195: {  	[tilespmem:s23], [sflag:$0x1] =	stream.indirect.gather [hbm4b:s4+s22], $0x80, s6, s22, $0xb8;
	[tilespmem:$0x1E800] =	vst v63  }
0x196: {  	_ =	swait.ge [sflag:s3], $0x2000  }
0x197: {  	[sflag:s3] =	ssyncset.done $0x0  }
0x198: {  	s6 =	sadd.s32 $0x15680, s5;
	[sflag:s3] =	ssyncadd.s32 $0xFFFFE000  }
0x199: {  	[spmem:s2] =	stream.indirect.scatter.add.f32 [tilespmem:s25], [sflag:$0x6], $0x80, s6, s22, $0xb8;
	[tilespmem:$0x1E800] =	vst v63  }
0x19a: {  	_ =	swait.ge [sflag:s8], $0x2000  }
0x19b: {  	[sflag:s8] =	ssyncset.done $0x0  }
0x19c: {  	s6 =	sadd.s32 $0x14480, s5;
	[sflag:s8] =	ssyncadd.s32 $0xFFFFE000  }
0x19d: {  	[tilespmem:s25], [sflag:$0x2] =	stream.indirect.gather [hbm4b:s4+s22], $0x80, s6, s22, $0xb8;
	[tilespmem:$0x1E800] =	vst v63  }
0x19e: {  	_ =	swait.ge [sflag:s11], $0x2000  }
0x19f: {  	[sflag:s11] =	ssyncset.done $0x0  }
0x1a0: {  	s6 =	sadd.s32 $0x15700, s5;
	[sflag:s11] =	ssyncadd.s32 $0xFFFFE000  }
0x1a1: {  	[spmem:s2] =	stream.indirect.scatter.add.f32 [tilespmem:s28], [sflag:$0x7], $0x80, s6, s22, $0xb8;
	[tilespmem:$0x1E800] =	vst v63  }
0x1a2: {  	_ =	swait.ge [sflag:s13], $0x2000  }
0x1a3: {  	[sflag:s13] =	ssyncset.done $0x0  }
.Ltmp2:
0x1a4: {  	s6 =	sadd.s32 $0x14500, s5;
	[sflag:s13] =	ssyncadd.s32 $0xFFFFE000;
	(pc) =	sbr.rel @p0 .LBB2_6-.Ltmp2, $4  }
0x1a5: {  	[tilespmem:s28], [sflag:$0x3] =	stream.indirect.gather [hbm4b:s4+s22], $0x80, s6, s22, $0xb8;
	[tilespmem:$0x1E800] =	vst v63  }
0x1a6: {  	_ =	swait.ge [sflag:s15], $0x2000  }
0x1a7: {  	[sflag:s15] =	ssyncset.done $0x0  }
0x1a8: {  	s5 =	sadd.s32 $0x15780, s5;
	[sflag:s15] =	ssyncadd.s32 $0xFFFFE000  }
0x1a9: {  	[spmem:s2] =	stream.indirect.scatter.add.f32 [tilespmem:s30], [sflag:$0x8], $0x80, s5, s22, $0xb8;
	[tilespmem:$0x1E800] =	vst v63  }
0x1aa: {  	_ =	swait.ge [sflag:s17], $0x2000  }
0x1ab: {  	[sflag:s17] =	ssyncset.done $0x0  }
0x1ac: {  	s1 =	simm.s32 $0x15380;
	[sflag:s17] =	ssyncadd.s32 $0xFFFFE000  }
0x1ad: {  	[tilespmem:s30], [sflag:$0x4] =	stream.indirect.gather [hbm4b:s4+s22], $0x80, s1, s22, $0xb8;
	[tilespmem:$0x1E800] =	vst v63  }
0x1ae: {  	_ =	swait.ge [sflag:s31], $0x2000  }
0x1af: {  	[sflag:s31] =	ssyncset.done $0x0  }
0x1b0: {  	s6 =	simm.s32 $0x16600;
	[sflag:s31] =	ssyncadd.s32 $0xFFFFE000  }
0x1b1: {  	[spmem:s2] =	stream.indirect.scatter.add.f32 [tilespmem:s23], [sflag:$0x5], $0x80, s6, s22, $0xb8;
	[tilespmem:$0x1E800] =	vst v63  }
0x1b2: {  	_ =	swait.ge [sflag:s3], $0x2000  }
0x1b3: {  	[sflag:s3] =	ssyncset.done $0x0  }
0x1b4: {  	s18 =	simm.s32 $0x16680;
	[sflag:s3] =	ssyncadd.s32 $0xFFFFE000  }
0x1b5: {  	[spmem:s2] =	stream.indirect.scatter.add.f32 [tilespmem:s25], [sflag:$0x6], $0x80, s18, s22, $0xb8;
	[tilespmem:$0x1E800] =	vst v63  }
0x1b6: {  	_ =	swait.ge [sflag:s11], $0x2000  }
0x1b7: {  	[sflag:s11] =	ssyncset.done $0x0  }
0x1b8: {  	s19 =	simm.s32 $0x16700;
	[sflag:s11] =	ssyncadd.s32 $0xFFFFE000  }
0x1b9: {  	[spmem:s2] =	stream.indirect.scatter.add.f32 [tilespmem:s28], [sflag:$0x7], $0x80, s19, s22, $0xb8;
	[tilespmem:$0x1E800] =	vst v63  }
0x1ba: {  	_ =	swait.ge [sflag:s15], $0x2000  }
0x1bb: {  	[sflag:s15] =	ssyncset.done $0x0  }
0x1bc: {  	s20 =	simm.s32 $0x16780;
	[sflag:s15] =	ssyncadd.s32 $0xFFFFE000  }
0x1bd: {  	[spmem:s2] =	stream.indirect.scatter.add.f32 [tilespmem:s30], [sflag:$0x8], $0x80, s20, s22, $0xb8;
	[tilespmem:$0x1E800] =	vst v63  }
0x1be: {  	_ =	swait.ge [sflag:s0], $0x2000  }
0x1bf: {  	[sflag:s0] =	ssyncset.done $0x0  }
0x1c0: {  	[sflag:s0] =	ssyncadd.s32 $0xFFFFE000  }
0x1c1: {  	_ =	swait.ge [sflag:s8], $0x2000  }
0x1c2: {  	[sflag:s8] =	ssyncset.done $0x0  }
0x1c3: {  	[sflag:s8] =	ssyncadd.s32 $0xFFFFE000  }
0x1c4: {  	_ =	swait.ge [sflag:s13], $0x2000  }
0x1c5: {  	[sflag:s13] =	ssyncset.done $0x0  }
0x1c6: {  	[sflag:s13] =	ssyncadd.s32 $0xFFFFE000  }
0x1c7: {  	_ =	swait.ge [sflag:s17], $0x2000  }
0x1c8: {  	[sflag:s17] =	ssyncset.done $0x0  }
0x1c9: {  	s21 =	simm.s32 $0x0;
	s24 =	rddreg [dreg:$0xc];
	[sflag:s17] =	ssyncadd.s32 $0xFFFFE000  }
0x1ca: {  	[tilespmem:s10], [sflag:$0x9] =	stream.linear.gather [hbm4b:s24+s21], $0x1400, $0x38;
	[tilespmem:$0x1E800] =	vst v63  }
0x1cb: {  	_ =	swait.ge [sflag:s7], $0x1400  }
0x1cc: {  	[sflag:s7] =	ssyncset.done $0x0  }
0x1cd: {  	s26 =	rddreg [dreg:$0xd];
	[sflag:s7] =	ssyncadd.s32 $0xFFFFEC00  }
0x1ce: {  	[tilespmem:s12], [sflag:$0x9] =	stream.linear.gather [hbm4b:s26+s21], $0x1400, $0x38;
	[tilespmem:$0x1E800] =	vst v63  }
0x1cf: {  	_ =	swait.ge [sflag:s7], $0x1400  }
0x1d0: {  	p0 =	por $0x1, $0x1;
	[sflag:s7] =	ssyncset.done $0x0  }
0x1d1: {  	p1 =	sle.u32 @!p0 s9, $0x3;
	[sflag:s7] =	ssyncadd.s32 $0xFFFFEC00  }
0x1d2: {  	[tilespmem:s23], [sflag:$0x1] =	stream.indirect.gather [hbm4b:s4+s22], $0x80, s10, s22, $0xb8;
	[tilespmem:$0x1E800] =	vst v63  }
0x1d3: {  	p2 =	por p1, p0  }
0x1d4: {  	[tilespmem:s25], [sflag:$0x2] =	stream.indirect.gather [hbm4b:s4+s22], $0x80, s14, s22, $0xb8;
	[tilespmem:$0x1E800] =	vst v63  }
0x1d5: {  	s1 =	simm.s32 @!p2 $0x8  }
0x1d6: {  	[tilespmem:s28], [sflag:$0x3] =	stream.indirect.gather [hbm4b:s4+s22], $0x80, s16, s22, $0xb8;
	[tilespmem:$0x1E800] =	vst v63  }
0x1d7: {  	p0 =	sle.u32 s9, $0x3;
	_ =	swait.ge @!p2 [sflag:s1], $0x2000  }
0x1d8: {  	p1 =	sle.u32 s9, $0x0;
	s14 =	simm.s32 @!p0 $0x40;
	[sflag:s1] =	ssyncset.done @!p2 $0x0  }
0x1d9: {  	s16 =	simm.s32 @!p0 $0x1C800;
	[sflag:s1] =	ssyncadd.s32 @!p2 $0xFFFFE000;
	s1 =	simm.s32 @!p0 $0x14180  }
0x1da: {  	[tilespmem:s16], [sflag:$0x4] =	stream.indirect.gather @!p0 [hbm4b:s4+s14], $0x80, s1, s14, $0xb8;
	[tilespmem:$0x1E800] =	vst v63  }
0x1db: {  	s1 =	simm.s32 @!p1 $0x1  }
0x1dc: {  	s5 =	simm.s32 @!p1 $0x16800;
	_ =	swait.ge @!p1 [sflag:s1], $0x2000  }
0x1dd: {  	s6 =	simm.s32 @!p1 $0x15400;
	p2 =	sle.u32 s9, $0x4;
	[sflag:s1] =	ssyncset.done @!p1 $0x0  }
0x1de: {  	s7 =	simm.s32 @!p1 $0x40;
	[sflag:s1] =	ssyncadd.s32 @!p1 $0xFFFFE000;
	s1 =	simm.s32 @!p2 $0x5  }
0x1df: {  	[spmem:s2] =	stream.indirect.scatter.add.f32 @!p1 [tilespmem:s5], [sflag:$0x5], $0x80, s6, s7, $0xb8;
	[tilespmem:$0x1E800] =	vst v63  }
0x1e0: {  	s5 =	simm.s32 @!p2 $0x14200;
	_ =	swait.ge @!p2 [sflag:s1], $0x2000  }
0x1e1: {  	s6 =	simm.s32 @!p2 $0x16800;
	p1 =	sle.u32 s9, $0x1;
	[sflag:s1] =	ssyncset.done @!p2 $0x0  }
0x1e2: {  	s7 =	simm.s32 @!p2 $0x40;
	[sflag:s1] =	ssyncadd.s32 @!p2 $0xFFFFE000;
	s1 =	simm.s32 @!p1 $0x2  }
0x1e3: {  	[tilespmem:s6], [sflag:$0x1] =	stream.indirect.gather @!p2 [hbm4b:s4+s7], $0x80, s5, s7, $0xb8;
	[tilespmem:$0x1E800] =	vst v63  }
0x1e4: {  	s5 =	simm.s32 @!p1 $0x15480;
	_ =	swait.ge @!p1 [sflag:s1], $0x2000  }
0x1e5: {  	s6 =	simm.s32 @!p1 $0x18800;
	p2 =	sle.u32 s9, $0x5;
	[sflag:s1] =	ssyncset.done @!p1 $0x0  }
0x1e6: {  	s7 =	simm.s32 @!p1 $0x40;
	[sflag:s1] =	ssyncadd.s32 @!p1 $0xFFFFE000;
	s1 =	simm.s32 @!p2 $0x6  }
0x1e7: {  	[spmem:s2] =	stream.indirect.scatter.add.f32 @!p1 [tilespmem:s6], [sflag:$0x6], $0x80, s5, s7, $0xb8;
	[tilespmem:$0x1E800] =	vst v63  }
0x1e8: {  	s5 =	simm.s32 @!p2 $0x14280;
	_ =	swait.ge @!p2 [sflag:s1], $0x2000  }
0x1e9: {  	s6 =	simm.s32 @!p2 $0x18800;
	p1 =	sle.u32 s9, $0x2;
	[sflag:s1] =	ssyncset.done @!p2 $0x0  }
0x1ea: {  	s7 =	simm.s32 @!p2 $0x40;
	[sflag:s1] =	ssyncadd.s32 @!p2 $0xFFFFE000;
	s1 =	simm.s32 @!p1 $0x3  }
0x1eb: {  	[tilespmem:s6], [sflag:$0x2] =	stream.indirect.gather @!p2 [hbm4b:s4+s7], $0x80, s5, s7, $0xb8;
	[tilespmem:$0x1E800] =	vst v63  }
0x1ec: {  	s5 =	simm.s32 @!p1 $0x15500;
	_ =	swait.ge @!p1 [sflag:s1], $0x2000  }
0x1ed: {  	s6 =	simm.s32 @!p1 $0x1A800;
	p2 =	sle.u32 s9, $0x6;
	[sflag:s1] =	ssyncset.done @!p1 $0x0  }
0x1ee: {  	s7 =	simm.s32 @!p1 $0x40;
	[sflag:s1] =	ssyncadd.s32 @!p1 $0xFFFFE000;
	s1 =	simm.s32 @!p2 $0x7  }
0x1ef: {  	[spmem:s2] =	stream.indirect.scatter.add.f32 @!p1 [tilespmem:s6], [sflag:$0x7], $0x80, s5, s7, $0xb8;
	[tilespmem:$0x1E800] =	vst v63  }
0x1f0: {  	_ =	swait.ge @!p2 [sflag:s1], $0x2000  }
0x1f1: {  	s5 =	simm.s32 @!p2 $0x14300;
	s6 =	simm.s32 @!p2 $0x1A800;
	[sflag:s1] =	ssyncset.done @!p2 $0x0  }
0x1f2: {  	s7 =	simm.s32 @!p2 $0x40;
	[sflag:s1] =	ssyncadd.s32 @!p2 $0xFFFFE000;
	s1 =	simm.s32 @!p0 $0x4  }
0x1f3: {  	[tilespmem:s6], [sflag:$0x3] =	stream.indirect.gather @!p2 [hbm4b:s4+s7], $0x80, s5, s7, $0xb8;
	[tilespmem:$0x1E800] =	vst v63  }
0x1f4: {  	s29 =	simm.s32 $0x4;
	_ =	swait.ge @!p0 [sflag:s1], $0x2000  }
0x1f5: {  	s6 =	simm.s32 $0x800;
	s5 =	simm.s32 @!p0 $0x15580;
	[sflag:s1] =	ssyncset.done @!p0 $0x0  }
.LBB2_8:
0x1f6: {  	s24 =	sadd.s32 $0x3, s29;
	p1 =	seq.s32 s6, $0x0;
	[sflag:s1] =	ssyncadd.s32 @!p0 $0xFFFFE000  }
0x1f7: {  	[spmem:s2] =	stream.indirect.scatter.add.f32 @!p0 [tilespmem:s16], [sflag:$0x8], $0x80, s5, s14, $0xb8;
	[tilespmem:$0x1E800] =	vst v63  }
0x1f8: {  	s1 =	smov.u32 s6;
	s6 =	sadd.s32 $0x800, s6;
	p0 =	sge.u32 @!p1 s24, s9  }
0x1f9: {  	s7 =	sadd.s32 $0x2, s29;
	s10 =	sadd.s32 $0x6, s29;
	p2 =	por p0, p1  }
0x1fa: {  	s18 =	sadd.s32 $0x1, s29;
	s26 =	sadd.s32 $0x5, s29;
	s16 =	simm.s32 @!p2 $0x8  }
0x1fb: {  	p0 =	sge.u32 s24, s9;
	p1 =	sge.u32 s29, s9;
	_ =	swait.ge @!p2 [sflag:s16], $0x2000  }
0x1fc: {  	s5 =	sshra.s32 @!p0 s1, $0x2;
	s14 =	simm.s32 @!p0 $0x40;
	[sflag:s16] =	ssyncset.done @!p2 $0x0  }
0x1fd: {  	s24 =	sadd.s32 @!p0 $0x14180, s5;
	[sflag:s16] =	ssyncadd.s32 @!p2 $0xFFFFE000;
	s16 =	simm.s32 @!p0 $0x1C800  }
0x1fe: {  	[tilespmem:s16], [sflag:$0x4] =	stream.indirect.gather @!p0 [hbm4b:s4+s14], $0x80, s24, s14, $0xb8;
	[tilespmem:$0x1E800] =	vst v63  }
0x1ff: {  	s21 =	sshra.s32 @!p1 s1, $0x2;
	s20 =	simm.s32 @!p1 $0x16800;
	s24 =	simm.s32 @!p1 $0x1  }
0x200: {  	s29 =	sadd.s32 $0x4, s29;
	s21 =	sadd.s32 @!p1 $0x15400, s21;
	_ =	swait.ge @!p1 [sflag:s24], $0x2000  }
0x201: {  	s12 =	simm.s32 @!p1 $0x40;
	p2 =	sge.u32 s29, s9;
	[sflag:s24] =	ssyncset.done @!p1 $0x0  }
0x202: {  	s19 =	sshra.s32 @!p2 s1, $0x2;
	[sflag:s24] =	ssyncadd.s32 @!p1 $0xFFFFE000;
	s24 =	simm.s32 @!p2 $0x5  }
0x203: {  	[spmem:s2] =	stream.indirect.scatter.add.f32 @!p1 [tilespmem:s20], [sflag:$0x5], $0x80, s21, s12, $0xb8;
	[tilespmem:$0x1E800] =	vst v63  }
0x204: {  	s12 =	sadd.s32 @!p2 $0x14200, s19;
	s19 =	simm.s32 @!p2 $0x16800;
	_ =	swait.ge @!p2 [sflag:s24], $0x2000  }
0x205: {  	s20 =	simm.s32 @!p2 $0x40;
	p1 =	sge.u32 s18, s9;
	[sflag:s24] =	ssyncset.done @!p2 $0x0  }
0x206: {  	s18 =	simm.s32 @!p1 $0x2;
	s21 =	sshra.s32 @!p1 s1, $0x2;
	[sflag:s24] =	ssyncadd.s32 @!p2 $0xFFFFE000  }
0x207: {  	[tilespmem:s19], [sflag:$0x1] =	stream.indirect.gather @!p2 [hbm4b:s4+s20], $0x80, s12, s20, $0xb8;
	[tilespmem:$0x1E800] =	vst v63  }
0x208: {  	s12 =	sadd.s32 @!p1 $0x15480, s21;
	s19 =	simm.s32 @!p1 $0x18800;
	_ =	swait.ge @!p1 [sflag:s18], $0x2000  }
0x209: {  	s20 =	simm.s32 @!p1 $0x40;
	p2 =	sge.u32 s26, s9;
	[sflag:s18] =	ssyncset.done @!p1 $0x0  }
0x20a: {  	s21 =	sshra.s32 @!p2 s1, $0x2;
	[sflag:s18] =	ssyncadd.s32 @!p1 $0xFFFFE000;
	s18 =	simm.s32 @!p2 $0x6  }
0x20b: {  	[spmem:s2] =	stream.indirect.scatter.add.f32 @!p1 [tilespmem:s19], [sflag:$0x6], $0x80, s12, s20, $0xb8;
	[tilespmem:$0x1E800] =	vst v63  }
0x20c: {  	s12 =	sadd.s32 @!p2 $0x14280, s21;
	s19 =	simm.s32 @!p2 $0x18800;
	_ =	swait.ge @!p2 [sflag:s18], $0x2000  }
0x20d: {  	s20 =	simm.s32 @!p2 $0x40;
	p1 =	sge.u32 s7, s9;
	[sflag:s18] =	ssyncset.done @!p2 $0x0  }
0x20e: {  	s7 =	simm.s32 @!p1 $0x3;
	[sflag:s18] =	ssyncadd.s32 @!p2 $0xFFFFE000;
	s18 =	sshra.s32 @!p1 s1, $0x2  }
0x20f: {  	[tilespmem:s19], [sflag:$0x2] =	stream.indirect.gather @!p2 [hbm4b:s4+s20], $0x80, s12, s20, $0xb8;
	[tilespmem:$0x1E800] =	vst v63  }
0x210: {  	s12 =	sadd.s32 @!p1 $0x15500, s18  }
0x211: {  	s18 =	simm.s32 @!p1 $0x1A800;
	p2 =	sge.u32 s10, s9;
	_ =	swait.ge @!p1 [sflag:s7], $0x2000  }
0x212: {  	s19 =	simm.s32 @!p1 $0x40;
	s1 =	sshra.s32 @!p2 s1, $0x2;
	[sflag:s7] =	ssyncset.done @!p1 $0x0  }
0x213: {  	s10 =	sadd.s32 @!p2 $0x14300, s1;
	[sflag:s7] =	ssyncadd.s32 @!p1 $0xFFFFE000;
	s7 =	simm.s32 @!p2 $0x7  }
0x214: {  	[spmem:s2] =	stream.indirect.scatter.add.f32 @!p1 [tilespmem:s18], [sflag:$0x7], $0x80, s12, s19, $0xb8;
	[tilespmem:$0x1E800] =	vst v63  }
0x215: {  	s12 =	simm.s32 @!p2 $0x1A800;
	p1 =	sne.s32 s6, $0x5000;
	_ =	swait.ge @!p2 [sflag:s7], $0x2000  }
.Ltmp3:
0x216: {  	s18 =	simm.s32 @!p2 $0x40;
	[sflag:s7] =	ssyncset.done @!p2 $0x0;
	(pc) =	sbr.rel @p1 .LBB2_8-.Ltmp3, $4  }
0x217: {  	s5 =	sadd.s32 @!p0 $0x15580, s5;
	s1 =	simm.s32 @!p0 $0x4;
	[sflag:s7] =	ssyncadd.s32 @!p2 $0xFFFFE000  }
0x218: {  	[tilespmem:s12], [sflag:$0x3] =	stream.indirect.gather @!p2 [hbm4b:s4+s18], $0x80, s10, s18, $0xb8;
	[tilespmem:$0x1E800] =	vst v63  }
0x219: {  	_ =	swait.ge @!p0 [sflag:s1], $0x2000  }
0x21a: {  	[sflag:s1] =	ssyncset.done @!p0 $0x0  }
0x21b: {  	[sflag:s1] =	ssyncadd.s32 @!p0 $0xFFFFE000  }
0x21c: {  	[spmem:s2] =	stream.indirect.scatter.add.f32 @!p0 [tilespmem:s16], [sflag:$0x8], $0x80, s5, s14, $0xb8;
	[tilespmem:$0x1E800] =	vst v63  }
0x21d: {  	_ =	swait.ge [sflag:s0], $0x2000  }
0x21e: {  	[sflag:s0] =	ssyncset.done $0x0  }
0x21f: {  	[sflag:s0] =	ssyncadd.s32 $0xFFFFE000  }
0x220: {  	_ =	swait.ge [sflag:s8], $0x2000  }
0x221: {  	[sflag:s8] =	ssyncset.done $0x0  }
0x222: {  	[sflag:s8] =	ssyncadd.s32 $0xFFFFE000  }
0x223: {  	_ =	swait.ge [sflag:s13], $0x2000  }
0x224: {  	[sflag:s13] =	ssyncset.done $0x0  }
0x225: {  	[sflag:s13] =	ssyncadd.s32 $0xFFFFE000  }
0x226: {  	_ =	swait.ge [sflag:s17], $0x2000  }
0x227: {  	[sflag:s17] =	ssyncset.done $0x0  }
0x228: {  	[sflag:s17] =	ssyncadd.s32 $0xFFFFE000  }
0x229: {  	[bflag:$0x0] =	sbarrier.arrive $0xFFFF  }
0x22a: {  	s6 =	rddreg [dreg:$0x6]  }
0x22b: {  	s24 =	rddreg [dreg:$0xe]  }
0x22c: {  	s7 =	simm.s32 $0x9;
	s5 =	rddreg [dreg:$0x10]  }
0x22d: {  	[hbm:s24], [sflag:s6] =	dma.local [spmem:s5], $0x2800  }
0x22e: {  	_ =	swait.ge [sflag:s7], $0x2800  }
0x22f: {  	s10 =	rddreg [dreg:$0x11]  }
0x230: {  	s26 =	rddreg [dreg:$0xf];
	s10 =	sadd.s32 $0x1, s10  }
0x231: {  	p0 =	sne.s32 s10, s26  }
.Ltmp4:
0x232: {  	s12 =	simm.s32 $0x15400;
	s18 =	simm.s32 $0x14180;
	(pc) =	sbr.rel @p0 .LBB2_1-.Ltmp4, $4  }
0x233: {  	s19 =	simm.s32 $0x14200;
	s20 =	simm.s32 $0x15480;
	s21 =	simm.s32 $0x14280  }
0x234: {  	s29 =	simm.s32 $0x15580;
	s14 =	simm.s32 $0x14080;
	[sflag:s7] =	ssyncset.done $0x0  }
0x235: {  	s16 =	simm.s32 $0x14100;
	s24 =	simm.s32 $0x15500;
	[sflag:s7] =	ssyncadd.s32 $0xFFFFD800  }
0x236: {  	[dreg:$0x11] =	wrdreg s10;
	s10 =	simm.s32 $0x14000;
	s26 =	simm.s32 $0x14300  }
0x237: {  	_ =	sfence.sel $0x180000  }
0x238: {  	[bflag:$0x0] =	sbarrier.arrive $0xFFFF  }
0x239: {  	_ =	strace $0x9000004A  }
0x23a: {  	s0 =	stileid.u32;
	[bflag:$0x2] =	sbarrier.arrive $0xFFFF  }
0x23b: {  	p0 =	sne.s32 s0, $0x0;
	s0 =	rddreg [dreg:$0x3]  }
0x23c: {  	s0 =	sadd.s32 @!p0 $0x100000, s0  }
0x23d: {  	[sflag:s0] =	ssyncadd.tile.s32 @!p0 $0x1;
	_ =	shalt  }
.Lfunc_end2:
_tile_overlayer_lowered:
.L_overlay_start_2:
0x23e: {  	(tag) =	ssettag $0x2  }
0x23f: {  	s0 =	rddreg [dreg:$0x0];
	s2 =	stileid.u32  }
0x240: {  	s1 =	rddreg [dreg:$0x1];
	p0 =	sne.s32 s2, $0x0  }
0x241: {  	s3 =	rddreg [dreg:$0x2];
	[bflag:$0x3] =	sbarrier.arrive $0xFFFF;
	s2 =	simm.s32 @!p0 $0x1C09  }
0x242: {  	[timem:s3], [sflag:s2] =	dma.local @!p0 [hbm:s0], s1  }
0x243: {  	s0 =	simm.s32 @!p0 $0x9  }
0x244: {  	_ =	swait.ge @!p0 [sflag:s0], s1  }
0x245: {  	s1 =	ssub.s32 @!p0 $0x0, s1;
	[sflag:s0] =	ssyncset.done @!p0 $0x0  }
0x246: {  	[sflag:s0] =	ssyncadd.s32 @!p0 s1  }
0x247: {  	[bflag:$0x3] =	sbarrier.arrive $0xFFFF  }
0x248: {  	_ =	shalt  }

// kernel: kernel.15.cloned.1.call-start
scs
__scs_entry_jumppad:
0x0: {  	(pc) =	sbr.rel $0x88, $3  }
0x1: {  	(tag) =	ssettag $0x0;
	lr =	simm.s32 $0x1  }
0x2: {  	[smem:$0x3F97] =	sst lr;
	_ =	strace $0xD0000000  }
0x3: {  	_ = 	snop  }
0x4: {  	_ = 	snop  }
0x5: {  	_ = 	snop  }
0x6: {  	_ = 	snop  }
0x7: {  	_ = 	snop  }
__scs_overlays_trampoline_lowered:
0x8: {  	[smem:$0x3FA6] =	sst s0  }
0x9: {  	[smem:$0x3FA7] =	sst s1  }
0xa: {  	[smem:$0x3FA8] =	sst s2  }
0xb: {  	[smem:$0x3FA9] =	sst s3  }
0xc: {  	[smem:$0x3FAA] =	sst s4  }
0xd: {  	[smem:$0x3FAB] =	sst s5  }
0xe: {  	[smem:$0x3FAC] =	sst s6  }
0xf: {  	[smem:$0x3FAD] =	sst s7  }
0x10: {  	[smem:$0x3FAE] =	sst s8  }
0x11: {  	[smem:$0x3FAF] =	sst s9;
	s0 =	simm.s32 @!p0 $0x0  }
0x12: {  	s1 =	sld [smem:$0x3F95];
	s0 =	simm.s32 @p0 $0x1  }
0x13: {  	[smem:$0x3FB0] =	sst s0;
	s0 =	simm.s32 @!p1 $0x0  }
0x14: {  	s2 =	sld [smem:$0x3F94];
	s0 =	simm.s32 @p1 $0x1  }
0x15: {  	[smem:$0x3FB1] =	sst s0;
	s0 =	simm.s32 @!p2 $0x0  }
0x16: {  	s3 =	sld [smem:$0x3FDB];
	s0 =	simm.s32 @p2 $0x1  }
0x17: {  	s4 =	simm.s32 $0x1BF5;
	[smem:$0x3FB3] =	sst s0  }
0x18: {  	s0 =	sld [smem:$0x3F96];
	_ =	swait.ge [sflag:s4], $0x0  }
0x19: {  	s7 =	sld [smem:$0x3F97]  }
0x1a: {  	s8 =	sadd.s32 $0xFFFFE003, lr  }
0x1b: {  	s9 =	sadd.s32 $0xFFFFFEF7, lr;
	s5 =	simm.s32 $0xFFFFFFFF;
	p2 =	slt.u32 s8, $0xFFFFF086  }
0x1c: {  	p1 =	slt.u32 s9, $0xF7A;
	s5 =	simm.s32 @!p2 $0x0  }
0x1d: {  	s5 =	simm.s32 @p1 $0x1;
	p0 =	seq.s32 s7, s2  }
0x1e: {  	s7 =	smul.u32 @!p0 $0xF7A, s2;
	p2 =	seq.s32 @!p0 s5, $0x0  }
0x1f: {  	s9 =	smul.u32 $0xF7A, s1;
	s8 =	simm.s32 @!p0 $0x1BF5;
	p2 =	por !p2, p0  }
0x20: {  	[sflag:s8] =	ssyncset.s32 @!p0 $0xFFFFF086;
	s6 =	sadd.s32 @!p0 s3, s7;
	s7 =	simm.s32 @!p0 $0x108  }
0x21: {  	s3 =	sadd.s32 s3, s9;
	s6 =	sadd.s32 @!p0 $0x88, s6;
	s7 =	simm.s32 @p2 $0x1082  }
0x22: {  	[simem:s7], [sflag:s8] =	dma.local @!p0 [hbm:s6], $0xF7A  }
0x23: {  	s9 =	sor.u32 $0xD0000000, s2;
	s6 =	simm.s32 $0x108;
	_ =	swait.ge @!p0 [sflag:s8], $0x0  }
0x24: {  	s3 =	sadd.s32 $0x88, s3;
	s6 =	simm.s32 @!p1 $0x1082;
	[sflag:s4] =	ssyncset.s32 $0xFFFFF086  }
0x25: {  	[simem:s6], [sflag:s4] =	dma.local [hbm:s3], $0xF7A  }
0x26: {  	[smem:$0x3F97] =	sst s1;
	(tag) =	ssettag s2;
	_ =	strace s9  }
0x27: {  	s1 =	sld [smem:$0x3FA7]  }
0x28: {  	s2 =	sld [smem:$0x3FA8]  }
0x29: {  	s4 =	sld [smem:$0x3FAA]  }
0x2a: {  	p0 =	seq.s32 s5, $0x0;
	s5 =	sld [smem:$0x3FAB]  }
0x2b: {  	s6 =	sld [smem:$0x3FAC]  }
0x2c: {  	s7 =	sld [smem:$0x3FAD]  }
0x2d: {  	s3 =	simm.s32 $0x108;
	s8 =	sld [smem:$0x3FAE]  }
0x2e: {  	s3 =	simm.s32 @!p0 $0x1082;
	s9 =	sld [smem:$0x3FAF]  }
0x2f: {  	lr =	sadd.s32 s0, s3;
	s0 =	sld [smem:$0x3FA6]  }
0x30: {  	s3 =	sld [smem:$0x3FA9]  }
0x31: {  	[smem:$0x3FB2] =	sst s10  }
0x32: {  	s10 =	sld [smem:$0x3FB0];
	_ =	sdelay $0x3  }
0x33: {  	p0 =	seq.s32 s10, $0x1;
	s10 =	sld [smem:$0x3FB2];
	_ =	sdelay $0x3  }
0x34: {  	[smem:$0x3FB2] =	sst s10  }
0x35: {  	s10 =	sld [smem:$0x3FB1];
	_ =	sdelay $0x3  }
0x36: {  	p1 =	seq.s32 s10, $0x1;
	s10 =	sld [smem:$0x3FB2];
	_ =	sdelay $0x3  }
0x37: {  	[smem:$0x3FB2] =	sst s10  }
0x38: {  	s10 =	sld [smem:$0x3FB3]  }
0x39: {  	_ = 	snop;
	(pc) =	sbr.ind lr, $3  }
0x3a: {  	_ = 	snop  }
0x3b: {  	_ = 	snop  }
0x3c: {  	p2 =	seq.s32 s10, $0x1;
	s10 =	sld [smem:$0x3FB2]  }
0x3d: {  	_ =	shalt  }
0x3e: {  	_ =	shalt  }
0x3f: {  	_ =	shalt  }
0x40: {  	_ =	shalt  }
0x41: {  	_ =	shalt  }
0x42: {  	_ =	shalt  }
0x43: {  	_ =	shalt  }
0x44: {  	_ =	shalt  }
0x45: {  	_ =	shalt  }
0x46: {  	_ =	shalt  }
0x47: {  	_ =	shalt  }
0x48: {  	_ =	shalt  }
0x49: {  	_ =	shalt  }
0x4a: {  	_ =	shalt  }
0x4b: {  	_ =	shalt  }
0x4c: {  	_ =	shalt  }
0x4d: {  	_ =	shalt  }
0x4e: {  	_ =	shalt  }
0x4f: {  	_ =	shalt  }
0x50: {  	_ =	shalt  }
0x51: {  	_ =	shalt  }
0x52: {  	_ =	shalt  }
0x53: {  	_ =	shalt  }
0x54: {  	_ =	shalt  }
0x55: {  	_ =	shalt  }
0x56: {  	_ =	shalt  }
0x57: {  	_ =	shalt  }
0x58: {  	_ =	shalt  }
0x59: {  	_ =	shalt  }
0x5a: {  	_ =	shalt  }
0x5b: {  	_ =	shalt  }
0x5c: {  	_ =	shalt  }
0x5d: {  	_ =	shalt  }
0x5e: {  	_ =	shalt  }
0x5f: {  	_ =	shalt  }
0x60: {  	_ =	shalt  }
0x61: {  	_ =	shalt  }
0x62: {  	_ =	shalt  }
0x63: {  	_ =	shalt  }
0x64: {  	_ =	shalt  }
0x65: {  	_ =	shalt  }
0x66: {  	_ =	shalt  }
0x67: {  	_ =	shalt  }
0x68: {  	_ =	shalt  }
0x69: {  	_ =	shalt  }
0x6a: {  	_ =	shalt  }
0x6b: {  	_ =	shalt  }
0x6c: {  	_ =	shalt  }
0x6d: {  	_ =	shalt  }
0x6e: {  	_ =	shalt  }
0x6f: {  	_ =	shalt  }
0x70: {  	_ =	shalt  }
0x71: {  	_ =	shalt  }
0x72: {  	_ =	shalt  }
0x73: {  	_ =	shalt  }
0x74: {  	_ =	shalt  }
0x75: {  	_ =	shalt  }
0x76: {  	_ =	shalt  }
0x77: {  	_ =	shalt  }
0x78: {  	_ =	shalt  }
0x79: {  	_ =	shalt  }
0x7a: {  	_ =	shalt  }
0x7b: {  	_ =	shalt  }
0x7c: {  	_ =	shalt  }
0x7d: {  	_ =	shalt  }
0x7e: {  	_ =	shalt  }
0x7f: {  	_ =	shalt  }
0x80: {  	_ =	shalt  }
0x81: {  	_ =	shalt  }
0x82: {  	_ =	shalt  }
0x83: {  	_ =	shalt  }
0x84: {  	_ =	shalt  }
0x85: {  	_ =	shalt  }
0x86: {  	_ =	shalt  }
0x87: {  	_ =	shalt  }
.Lfunc_end0:
.L_simem_size_0:
called_computation.2_lowered:
.L_overlay_start_0:
0x88: {  	s2 =	sld [smem:$0x3FD9]  }
0x89: {  	s3 =	sld [smem:$0x3FFE];
	_ =	sdelay $0x1  }
0x8a: {  	s1 =	srdreg.scid  }
0x8b: {  	s0 =	sand.u32 $0x1, s1  }
0x8c: {  	s17 =	sshll.u32 s0, $0xA;
	s2 =	sadd.s32 s3, s2  }
0x8d: {  	s2 =	sadd.s32 s2, s17  }
0x8e: {  	[smem:$0x3FBE] =	sst s2  }
0x8f: {  	_ = 	snop  }
0x90: {  	s2 =	sld [smem:$0x3FD0];
	(tm) =	ssettm $0x1  }
0x91: {  	s18 =	sld [smem:$0x3FFB];
	_ =	sdelay $0x3  }
0x92: {  	_ =	strace s18  }
0x93: {  	s3 =	sld [smem:$0x3FFC];
	_ =	sdelay $0x3  }
0x94: {  	_ =	strace s3  }
0x95: {  	s3 =	sld [smem:$0x3FFD];
	_ =	sdelay $0x3  }
0x96: {  	_ =	strace s3  }
0x97: {  	_ =	strace $0x8FFFFFFF  }
0x98: {  	s19 =	sld [smem:$0x3FDB];
	_ =	sdelay $0x1  }
0x99: {  	s4 =	simm.s32 $_scs_section_size  }
0x9a: {  	s5 =	simm.s32 $_size__tile_overlayer_lowered;
	s6 =	simm.s32 $_tile_overlayer_lowered  }
0x9b: {  	s22 =	simm.s32 $0x1BFF;
	s21 =	sshll.u32 s6, $0x1;
	s3 =	sadd.s32 s4, s19  }
0x9c: {  	s7 =	simm.s32 $0x0;
	s20 =	sshll.u32 s5, $0x1;
	s5 =	sadd.s32 s21, s3  }
0x9d: {  	[timem:s7], [sflag:s22] =	dma.local [hbm:s5], s20  }
0x9e: {  	_ =	swait.ge [sflag:s22], s20  }
0x9f: {  	s4 =	ssub.s32 $0x0, s20;
	[sflag:s22] =	ssyncset.done $0x0  }
0xa0: {  	[sflag:s22] =	ssyncadd.s32 s4;
	_ =	sdelay $0x1  }
0xa1: {  	s23 =	simm.s32 $0x1B8B  }
0xa2: {  	_ =	swait.ge [sflag:s23], $0x1  }
0xa3: {  	[sflag:s23] =	ssyncset.done $0x0  }
0xa4: {  	s25 =	simm.s32 $0x1B8E;
	s24 =	sld [smem:$0x3FFE];
	[sflag:s23] =	ssyncadd.s32 $0xFFFFFFFF  }
0xa5: {  	s26 =	simm.s32 $execute0_lowered;
	[smem:$0x3FD2] =	sst s25  }
0xa6: {  	s5 =	sshll.u32 s26, $0x1;
	_ =	strace $0x8000004C;
	[dreg:$0x1] =	wrdreg $0xFFFFFFFF  }
0xa7: {  	s28 =	simm.s32 $_size_execute0_lowered;
	s3 =	sadd.s32 s3, s5;
	[dreg:$0x0] =	wrdreg $0x0  }
0xa8: {  	s5 =	sshll.u32 s28, $0x1;
	[dreg:$0x2] =	wrdreg s3  }
0xa9: {  	[dreg:$0x3] =	wrdreg s5  }
0xaa: {  	[dreg:$0x4] =	wrdreg $0xC0  }
0xab: {  	_ =	task [dreg:s7], $0x5FFFF  }
0xac: {  	[dreg:$0x1] =	wrdreg $0xFFFFFFFF  }
0xad: {  	[dreg:$0x0] =	wrdreg $0x60  }
0xae: {  	[dreg:$0x2] =	wrdreg s24  }
0xaf: {  	[dreg:$0x3] =	wrdreg s2  }
0xb0: {  	[dreg:$0x4] =	wrdreg $0x0  }
0xb1: {  	[dreg:$0x5] =	wrdreg $0x9  }
0xb2: {  	_ =	task.clear_ibuf [dreg:s7], $0x6FFFF;
	_ =	strace $0x9000004C  }
0xb3: {  	s29 =	simm.s32 $0x9;
	_ =	strace $0x8000004E  }
0xb4: {  	_ =	swait.ge [sflag:s29], $0x1  }
0xb5: {  	[sflag:s29] =	ssyncadd.s32 $0xFFFFFFFF  }
0xb6: {  	_ =	strace $0x9000004E  }
0xb7: {  	_ =	sfence  }
0xb8: {  	s30 =	sld [smem:$0x0];
	_ =	sdelay $0x2  }
0xb9: {  	s31 =	sshll.u32 s1, $0xD;
	s1 =	sshrl.u32 s1, $0x2  }
0xba: {  	s3 =	sand.u32 $0x4000, s31;
	s1 =	sadd.s32 s1, s30  }
0xbb: {  	s0 =	sor.u32 s3, s0;
	s1 =	sshll.u32 s1, $0x11  }
0xbc: {  	s0 =	sor.u32 s1, s0  }
0xbd: {  	s0 =	sadd.s32 $0x8F2B, s0  }
0xbe: {  	[sflag:s0] =	ssyncadd.remote.s32 $0x1  }
0xbf: {  	_ =	sfence.sel $0xFFFF  }
0xc0: {  	[dreg:$0x0] =	wrdreg $0xFFFFFFFF;
	(pc) =	sbr.abs _section_cstart, $3  }
0xc1: {  	[dreg:$0x1] =	wrdreg $0xFFFFFFFF  }
0xc2: {  	_ =	task.clear_ibuf [dreg:s7], $0x2FFFF;
	_ =	strace $0x9FFFFFFF  }
0xc3: {  	(tm) =	ssettm $0x7FFFFFFF  }
tec
execute0_lowered:
.L_overlay_start_1:
0x0: {  	(tag) =	ssettag $0x1  }
0x1: {  	s0 =	rddreg [dreg:$0x0]  }
0x2: {  	s1 =	rddreg [dreg:$0x1];
	s3 =	srdreg.scid  }
0x3: {  	s2 =	rddreg [dreg:$0x2];
	s10 =	stileid.u32;
	s6 =	simm.s32 $0x0  }
0x4: {  	s12 =	simm.s32 $0x15400;
	s14 =	simm.s32 $0x14080;
	s28 =	simm.s32 $0x1A800  }
0x5: {  	s30 =	simm.s32 $0x1C800;
	s31 =	simm.s32 $0x1;
	s11 =	simm.s32 $0x3  }
0x6: {  	s13 =	simm.s32 $0x7;
	s29 =	simm.s32 $0x15580;
	s3 =	sand.u32 $0x1, s3  }
0x7: {  	s5 =	smul.u32 $0x14000, s10;
	[smem:$0x7FF] =	sst s6;
	s15 =	sshll.u32 s10, $0x1  }
0x8: {  	s7 =	sadd.s32 $0x3400, s0;
	s9 =	smul.u32 $0x50000, s10;
	p0 =	slt.u32 s10, $0x8  }
0x9: {  	s19 =	sshll.u32 s10, $0x6;
	s10 =	simm.s32 $0x14000;
	s4 =	smul.u32 $0x140000, s3  }
0xa: {  	_ =	strace $0x8000004D;
	[dreg:$0x4] =	wrdreg s7;
	s16 =	sor.u32 s3, s15  }
0xb: {  	s3 =	ssub.s32 $0x2, s3;
	s7 =	simm.s32 $0x9;
	s15 =	simm.s32 $0x4  }
0xc: {  	s6 =	smin.u32 s16, $0x10;
	s17 =	smul.u32 $0x98, s16;
	s8 =	sshrl.u32 s3, $0x1  }
0xd: {  	p1 =	seq.s32 s16, $0x1F;
	s18 =	sshrl.u32 s9, $0x2;
	s9 =	simm.s32 $0x28  }
0xe: {  	s16 =	simm.s32 $0x14100;
	s5 =	sadd.s32 s5, s4;
	s6 =	sshll.u32 s6, $0x3  }
0xf: {  	s4 =	sadd.s32 $0x5C00, s0;
	s3 =	ssub.s32 s3, s8;
	s6 =	sadd.s32 s17, s6  }
0x10: {  	s5 =	sshrl.u32 s5, $0x3;
	s26 =	smax.u32 s3, $0x1;
	s6 =	sshll.u32 s6, $0x4  }
0x11: {  	s0 =	sadd.s32 s5, s0;
	[dreg:$0xf] =	wrdreg s26;
	s1 =	sadd.s32 s1, s6  }
0x12: {  	s9 =	simm.s32 @!p1 $0x20;
	s0 =	sadd.s32 $0x2CE00, s0;
	[dreg:$0x5] =	wrdreg s1  }
0x13: {  	s5 =	sadd.s32 s18, s2;
	s6 =	sor.u32 $0x1C09, s19;
	[dreg:$0xe] =	wrdreg s0  }
0x14: {  	s8 =	simm.s32 $0x6;
	s5 =	sshrl.u32 s5, $0x3;
	[dreg:$0x6] =	wrdreg s6  }
0x15: {  	s9 =	simm.s32 @p0 $0x28;
	s20 =	sadd.s32 $0x13880, s1;
	[dreg:$0x10] =	wrdreg s5  }
0x16: {  	s3 =	simm.s32 $0x2;
	s21 =	sadd.s32 $0x280, s1;
	[dreg:$0x7] =	wrdreg s20  }
0x17: {  	s17 =	simm.s32 $0x8;
	s22 =	sadd.s32 $0x13B00, s1;
	[dreg:$0x8] =	wrdreg s21  }
0x18: {  	s18 =	simm.s32 $0x14180;
	s23 =	sadd.s32 $0x500, s1;
	[dreg:$0x9] =	wrdreg s22  }
0x19: {  	s26 =	simm.s32 $0x14300;
	s24 =	sadd.s32 $0x13D80, s1;
	[dreg:$0xa] =	wrdreg s23  }
0x1a: {  	s19 =	simm.s32 $0x14200;
	s25 =	sadd.s32 $0x780, s1;
	[dreg:$0xb] =	wrdreg s24  }
0x1b: {  	s1 =	sadd.s32 $0x14000, s1;
	s0 =	simm.s32 $0x5;
	[dreg:$0xc] =	wrdreg s25  }
0x1c: {  	[dreg:$0xd] =	wrdreg s1;
	s22 =	simm.s32 $0x40;
	s23 =	simm.s32 $0x16800  }
0x1d: {  	s25 =	simm.s32 $0x18800;
	s20 =	simm.s32 $0x15480;
	s1 =	simm.s32 $0x0  }
0x1e: {  	s21 =	simm.s32 $0x14280;
	s24 =	simm.s32 $0x15500;
	[dreg:$0x11] =	wrdreg s1  }
.LBB2_1:
0x1f: {  	s1 =	rddreg [dreg:$0x4]  }
0x20: {  	[spmem:s5], [sflag:s6] =	dma.local [hbm:s1], $0x2800  }
0x21: {  	_ =	swait.ge [sflag:s7], $0x2800  }
0x22: {  	[sflag:s7] =	ssyncset.done $0x0  }
0x23: {  	[sflag:s7] =	ssyncadd.s32 $0xFFFFD800  }
0x24: {  	[bflag:$0x0] =	sbarrier.arrive $0xFFFF  }
0x25: {  	s1 =	simm.s32 $0x0;
	s6 =	rddreg [dreg:$0x5]  }
0x26: {  	[tilespmem:s10], [sflag:$0x9] =	stream.linear.gather [hbm4b:s6+s1], $0x1400, $0x38;
	[tilespmem:$0x1E800] =	vst v63  }
0x27: {  	_ =	swait.ge [sflag:s7], $0x1400  }
0x28: {  	[sflag:s7] =	ssyncset.done $0x0  }
0x29: {  	s6 =	rddreg [dreg:$0x7];
	[sflag:s7] =	ssyncadd.s32 $0xFFFFEC00  }
0x2a: {  	[tilespmem:s12], [sflag:$0x9] =	stream.linear.gather [hbm4b:s6+s1], $0x1400, $0x38;
	[tilespmem:$0x1E800] =	vst v63  }
0x2b: {  	_ =	swait.ge [sflag:s7], $0x1400  }
0x2c: {  	[sflag:s7] =	ssyncset.done $0x0  }
0x2d: {  	[sflag:s7] =	ssyncadd.s32 $0xFFFFEC00  }
0x2e: {  	[tilespmem:s23], [sflag:$0x1] =	stream.indirect.gather [hbm4b:s4+s22], $0x80, s10, s22, $0xb8;
	[tilespmem:$0x1E800] =	vst v63  }
0x2f: {  	_ = 	snop  }
0x30: {  	[tilespmem:s25], [sflag:$0x2] =	stream.indirect.gather [hbm4b:s4+s22], $0x80, s14, s22, $0xb8;
	[tilespmem:$0x1E800] =	vst v63  }
0x31: {  	_ = 	snop  }
0x32: {  	[tilespmem:s28], [sflag:$0x3] =	stream.indirect.gather [hbm4b:s4+s22], $0x80, s16, s22, $0xb8;
	[tilespmem:$0x1E800] =	vst v63  }
0x33: {  	_ = 	snop  }
0x34: {  	[tilespmem:s30], [sflag:$0x4] =	stream.indirect.gather [hbm4b:s4+s22], $0x80, s18, s22, $0xb8;
	[tilespmem:$0x1E800] =	vst v63  }
0x35: {  	_ =	swait.ge [sflag:s31], $0x2000  }
0x36: {  	[sflag:s31] =	ssyncset.done $0x0  }
0x37: {  	[sflag:s31] =	ssyncadd.s32 $0xFFFFE000  }
0x38: {  	[spmem:s2] =	stream.indirect.scatter.add.f32 [tilespmem:s23], [sflag:$0x5], $0x80, s12, s22, $0xb8;
	[tilespmem:$0x1E800] =	vst v63  }
0x39: {  	_ =	swait.ge [sflag:s0], $0x2000  }
0x3a: {  	[sflag:s0] =	ssyncset.done $0x0  }
0x3b: {  	[sflag:s0] =	ssyncadd.s32 $0xFFFFE000  }
0x3c: {  	[tilespmem:s23], [sflag:$0x1] =	stream.indirect.gather [hbm4b:s4+s22], $0x80, s19, s22, $0xb8;
	[tilespmem:$0x1E800] =	vst v63  }
0x3d: {  	_ =	swait.ge [sflag:s3], $0x2000  }
0x3e: {  	[sflag:s3] =	ssyncset.done $0x0  }
0x3f: {  	[sflag:s3] =	ssyncadd.s32 $0xFFFFE000  }
0x40: {  	[spmem:s2] =	stream.indirect.scatter.add.f32 [tilespmem:s25], [sflag:$0x6], $0x80, s20, s22, $0xb8;
	[tilespmem:$0x1E800] =	vst v63  }
0x41: {  	_ =	swait.ge [sflag:s8], $0x2000  }
0x42: {  	[sflag:s8] =	ssyncset.done $0x0  }
0x43: {  	[sflag:s8] =	ssyncadd.s32 $0xFFFFE000  }
0x44: {  	[tilespmem:s25], [sflag:$0x2] =	stream.indirect.gather [hbm4b:s4+s22], $0x80, s21, s22, $0xb8;
	[tilespmem:$0x1E800] =	vst v63  }
0x45: {  	_ =	swait.ge [sflag:s11], $0x2000  }
0x46: {  	[sflag:s11] =	ssyncset.done $0x0  }
0x47: {  	[sflag:s11] =	ssyncadd.s32 $0xFFFFE000  }
0x48: {  	[spmem:s2] =	stream.indirect.scatter.add.f32 [tilespmem:s28], [sflag:$0x7], $0x80, s24, s22, $0xb8;
	[tilespmem:$0x1E800] =	vst v63  }
0x49: {  	_ =	swait.ge [sflag:s13], $0x2000  }
0x4a: {  	[sflag:s13] =	ssyncset.done $0x0  }
0x4b: {  	[sflag:s13] =	ssyncadd.s32 $0xFFFFE000  }
0x4c: {  	[tilespmem:s28], [sflag:$0x3] =	stream.indirect.gather [hbm4b:s4+s22], $0x80, s26, s22, $0xb8;
	[tilespmem:$0x1E800] =	vst v63  }
0x4d: {  	_ =	swait.ge [sflag:s15], $0x2000  }
0x4e: {  	[sflag:s15] =	ssyncset.done $0x0  }
0x4f: {  	[sflag:s15] =	ssyncadd.s32 $0xFFFFE000  }
0x50: {  	[spmem:s2] =	stream.indirect.scatter.add.f32 [tilespmem:s30], [sflag:$0x8], $0x80, s29, s22, $0xb8;
	[tilespmem:$0x1E800] =	vst v63  }
0x51: {  	_ =	swait.ge [sflag:s17], $0x2000  }
0x52: {  	[sflag:s17] =	ssyncset.done $0x0  }
0x53: {  	s6 =	simm.s32 $0x14380;
	[sflag:s17] =	ssyncadd.s32 $0xFFFFE000  }
0x54: {  	[tilespmem:s30], [sflag:$0x4] =	stream.indirect.gather [hbm4b:s4+s22], $0x80, s6, s22, $0xb8;
	[tilespmem:$0x1E800] =	vst v63  }
0x55: {  	_ =	swait.ge [sflag:s31], $0x2000  }
0x56: {  	[sflag:s31] =	ssyncset.done $0x0  }
0x57: {  	s5 =	simm.s32 $0x15600;
	[sflag:s31] =	ssyncadd.s32 $0xFFFFE000  }
0x58: {  	[spmem:s2] =	stream.indirect.scatter.add.f32 [tilespmem:s23], [sflag:$0x5], $0x80, s5, s22, $0xb8;
	[tilespmem:$0x1E800] =	vst v63  }
0x59: {  	_ =	swait.ge [sflag:s0], $0x2000  }
0x5a: {  	[sflag:s0] =	ssyncset.done $0x0  }
0x5b: {  	s6 =	simm.s32 $0x14400;
	[sflag:s0] =	ssyncadd.s32 $0xFFFFE000  }
0x5c: {  	[tilespmem:s23], [sflag:$0x1] =	stream.indirect.gather [hbm4b:s4+s22], $0x80, s6, s22, $0xb8;
	[tilespmem:$0x1E800] =	vst v63  }
0x5d: {  	_ =	swait.ge [sflag:s3], $0x2000  }
0x5e: {  	[sflag:s3] =	ssyncset.done $0x0  }
0x5f: {  	s5 =	simm.s32 $0x15680;
	[sflag:s3] =	ssyncadd.s32 $0xFFFFE000  }
0x60: {  	[spmem:s2] =	stream.indirect.scatter.add.f32 [tilespmem:s25], [sflag:$0x6], $0x80, s5, s22, $0xb8;
	[tilespmem:$0x1E800] =	vst v63  }
0x61: {  	_ =	swait.ge [sflag:s8], $0x2000  }
0x62: {  	[sflag:s8] =	ssyncset.done $0x0  }
0x63: {  	s6 =	simm.s32 $0x14480;
	[sflag:s8] =	ssyncadd.s32 $0xFFFFE000  }
0x64: {  	[tilespmem:s25], [sflag:$0x2] =	stream.indirect.gather [hbm4b:s4+s22], $0x80, s6, s22, $0xb8;
	[tilespmem:$0x1E800] =	vst v63  }
0x65: {  	_ =	swait.ge [sflag:s11], $0x2000  }
0x66: {  	[sflag:s11] =	ssyncset.done $0x0  }
0x67: {  	s5 =	simm.s32 $0x15700;
	[sflag:s11] =	ssyncadd.s32 $0xFFFFE000  }
0x68: {  	[spmem:s2] =	stream.indirect.scatter.add.f32 [tilespmem:s28], [sflag:$0x7], $0x80, s5, s22, $0xb8;
	[tilespmem:$0x1E800] =	vst v63  }
0x69: {  	_ =	swait.ge [sflag:s13], $0x2000  }
0x6a: {  	[sflag:s13] =	ssyncset.done $0x0  }
0x6b: {  	s6 =	simm.s32 $0x14500;
	[sflag:s13] =	ssyncadd.s32 $0xFFFFE000  }
0x6c: {  	[tilespmem:s28], [sflag:$0x3] =	stream.indirect.gather [hbm4b:s4+s22], $0x80, s6, s22, $0xb8;
	[tilespmem:$0x1E800] =	vst v63  }
0x6d: {  	_ =	swait.ge [sflag:s15], $0x2000  }
0x6e: {  	[sflag:s15] =	ssyncset.done $0x0  }
0x6f: {  	s1 =	simm.s32 $0x800;
	s5 =	simm.s32 $0x15780;
	[sflag:s15] =	ssyncadd.s32 $0xFFFFE000  }
.LBB2_2:
0x70: {  	[spmem:s2] =	stream.indirect.scatter.add.f32 [tilespmem:s30], [sflag:$0x8], $0x80, s5, s22, $0xb8;
	[tilespmem:$0x1E800] =	vst v63  }
0x71: {  	s5 =	smov.u32 s1  }
0x72: {  	p0 =	sne.s32 s1, $0x3800;
	s1 =	sadd.s32 $0x800, s1;
	_ =	swait.ge [sflag:s17], $0x2000  }
0x73: {  	s5 =	sshra.s32 s5, $0x2;
	[sflag:s17] =	ssyncset.done $0x0  }
0x74: {  	s6 =	sadd.s32 $0x14380, s5;
	[sflag:s17] =	ssyncadd.s32 $0xFFFFE000  }
0x75: {  	[tilespmem:s30], [sflag:$0x4] =	stream.indirect.gather [hbm4b:s4+s22], $0x80, s6, s22, $0xb8;
	[tilespmem:$0x1E800] =	vst v63  }
0x76: {  	_ =	swait.ge [sflag:s31], $0x2000  }
0x77: {  	[sflag:s31] =	ssyncset.done $0x0  }
0x78: {  	s6 =	sadd.s32 $0x15600, s5;
	[sflag:s31] =	ssyncadd.s32 $0xFFFFE000  }
0x79: {  	[spmem:s2] =	stream.indirect.scatter.add.f32 [tilespmem:s23], [sflag:$0x5], $0x80, s6, s22, $0xb8;
	[tilespmem:$0x1E800] =	vst v63  }
0x7a: {  	_ =	swait.ge [sflag:s0], $0x2000  }
0x7b: {  	[sflag:s0] =	ssyncset.done $0x0  }
0x7c: {  	s6 =	sadd.s32 $0x14400, s5;
	[sflag:s0] =	ssyncadd.s32 $0xFFFFE000  }
0x7d: {  	[tilespmem:s23], [sflag:$0x1] =	stream.indirect.gather [hbm4b:s4+s22], $0x80, s6, s22, $0xb8;
	[tilespmem:$0x1E800] =	vst v63  }
0x7e: {  	_ =	swait.ge [sflag:s3], $0x2000  }
0x7f: {  	[sflag:s3] =	ssyncset.done $0x0  }
0x80: {  	s6 =	sadd.s32 $0x15680, s5;
	[sflag:s3] =	ssyncadd.s32 $0xFFFFE000  }
0x81: {  	[spmem:s2] =	stream.indirect.scatter.add.f32 [tilespmem:s25], [sflag:$0x6], $0x80, s6, s22, $0xb8;
	[tilespmem:$0x1E800] =	vst v63  }
0x82: {  	_ =	swait.ge [sflag:s8], $0x2000  }
0x83: {  	[sflag:s8] =	ssyncset.done $0x0  }
0x84: {  	s6 =	sadd.s32 $0x14480, s5;
	[sflag:s8] =	ssyncadd.s32 $0xFFFFE000  }
0x85: {  	[tilespmem:s25], [sflag:$0x2] =	stream.indirect.gather [hbm4b:s4+s22], $0x80, s6, s22, $0xb8;
	[tilespmem:$0x1E800] =	vst v63  }
0x86: {  	_ =	swait.ge [sflag:s11], $0x2000  }
0x87: {  	[sflag:s11] =	ssyncset.done $0x0  }
0x88: {  	s6 =	sadd.s32 $0x15700, s5;
	[sflag:s11] =	ssyncadd.s32 $0xFFFFE000  }
0x89: {  	[spmem:s2] =	stream.indirect.scatter.add.f32 [tilespmem:s28], [sflag:$0x7], $0x80, s6, s22, $0xb8;
	[tilespmem:$0x1E800] =	vst v63  }
0x8a: {  	_ =	swait.ge [sflag:s13], $0x2000  }
0x8b: {  	[sflag:s13] =	ssyncset.done $0x0  }
.Ltmp0:
0x8c: {  	s6 =	sadd.s32 $0x14500, s5;
	[sflag:s13] =	ssyncadd.s32 $0xFFFFE000;
	(pc) =	sbr.rel @p0 .LBB2_2-.Ltmp0, $4  }
0x8d: {  	[tilespmem:s28], [sflag:$0x3] =	stream.indirect.gather [hbm4b:s4+s22], $0x80, s6, s22, $0xb8;
	[tilespmem:$0x1E800] =	vst v63  }
0x8e: {  	_ =	swait.ge [sflag:s15], $0x2000  }
0x8f: {  	[sflag:s15] =	ssyncset.done $0x0  }
0x90: {  	s5 =	sadd.s32 $0x15780, s5;
	[sflag:s15] =	ssyncadd.s32 $0xFFFFE000  }
0x91: {  	[spmem:s2] =	stream.indirect.scatter.add.f32 [tilespmem:s30], [sflag:$0x8], $0x80, s5, s22, $0xb8;
	[tilespmem:$0x1E800] =	vst v63  }
0x92: {  	_ =	swait.ge [sflag:s17], $0x2000  }
0x93: {  	[sflag:s17] =	ssyncset.done $0x0  }
0x94: {  	s1 =	simm.s32 $0x15380;
	[sflag:s17] =	ssyncadd.s32 $0xFFFFE000  }
0x95: {  	[tilespmem:s30], [sflag:$0x4] =	stream.indirect.gather [hbm4b:s4+s22], $0x80, s1, s22, $0xb8;
	[tilespmem:$0x1E800] =	vst v63  }
0x96: {  	_ =	swait.ge [sflag:s31], $0x2000  }
0x97: {  	[sflag:s31] =	ssyncset.done $0x0  }
0x98: {  	s6 =	simm.s32 $0x16600;
	[sflag:s31] =	ssyncadd.s32 $0xFFFFE000  }
0x99: {  	[spmem:s2] =	stream.indirect.scatter.add.f32 [tilespmem:s23], [sflag:$0x5], $0x80, s6, s22, $0xb8;
	[tilespmem:$0x1E800] =	vst v63  }
0x9a: {  	_ =	swait.ge [sflag:s3], $0x2000  }
0x9b: {  	[sflag:s3] =	ssyncset.done $0x0  }
0x9c: {  	s5 =	simm.s32 $0x16680;
	[sflag:s3] =	ssyncadd.s32 $0xFFFFE000  }
0x9d: {  	[spmem:s2] =	stream.indirect.scatter.add.f32 [tilespmem:s25], [sflag:$0x6], $0x80, s5, s22, $0xb8;
	[tilespmem:$0x1E800] =	vst v63  }
0x9e: {  	_ =	swait.ge [sflag:s11], $0x2000  }
0x9f: {  	[sflag:s11] =	ssyncset.done $0x0  }
0xa0: {  	s6 =	simm.s32 $0x16700;
	[sflag:s11] =	ssyncadd.s32 $0xFFFFE000  }
0xa1: {  	[spmem:s2] =	stream.indirect.scatter.add.f32 [tilespmem:s28], [sflag:$0x7], $0x80, s6, s22, $0xb8;
	[tilespmem:$0x1E800] =	vst v63  }
0xa2: {  	_ =	swait.ge [sflag:s15], $0x2000  }
0xa3: {  	[sflag:s15] =	ssyncset.done $0x0  }
0xa4: {  	s5 =	simm.s32 $0x16780;
	[sflag:s15] =	ssyncadd.s32 $0xFFFFE000  }
0xa5: {  	[spmem:s2] =	stream.indirect.scatter.add.f32 [tilespmem:s30], [sflag:$0x8], $0x80, s5, s22, $0xb8;
	[tilespmem:$0x1E800] =	vst v63  }
0xa6: {  	_ =	swait.ge [sflag:s0], $0x2000  }
0xa7: {  	[sflag:s0] =	ssyncset.done $0x0  }
0xa8: {  	[sflag:s0] =	ssyncadd.s32 $0xFFFFE000  }
0xa9: {  	_ =	swait.ge [sflag:s8], $0x2000  }
0xaa: {  	[sflag:s8] =	ssyncset.done $0x0  }
0xab: {  	[sflag:s8] =	ssyncadd.s32 $0xFFFFE000  }
0xac: {  	_ =	swait.ge [sflag:s13], $0x2000  }
0xad: {  	[sflag:s13] =	ssyncset.done $0x0  }
0xae: {  	[sflag:s13] =	ssyncadd.s32 $0xFFFFE000  }
0xaf: {  	_ =	swait.ge [sflag:s17], $0x2000  }
0xb0: {  	[sflag:s17] =	ssyncset.done $0x0  }
0xb1: {  	s1 =	simm.s32 $0x0;
	s6 =	rddreg [dreg:$0x8];
	[sflag:s17] =	ssyncadd.s32 $0xFFFFE000  }
0xb2: {  	[tilespmem:s10], [sflag:$0x9] =	stream.linear.gather [hbm4b:s6+s1], $0x1400, $0x38;
	[tilespmem:$0x1E800] =	vst v63  }
0xb3: {  	_ =	swait.ge [sflag:s7], $0x1400  }
0xb4: {  	[sflag:s7] =	ssyncset.done $0x0  }
0xb5: {  	s6 =	rddreg [dreg:$0x9];
	[sflag:s7] =	ssyncadd.s32 $0xFFFFEC00  }
0xb6: {  	[tilespmem:s12], [sflag:$0x9] =	stream.linear.gather [hbm4b:s6+s1], $0x1400, $0x38;
	[tilespmem:$0x1E800] =	vst v63  }
0xb7: {  	_ =	swait.ge [sflag:s7], $0x1400  }
0xb8: {  	[sflag:s7] =	ssyncset.done $0x0  }
0xb9: {  	[sflag:s7] =	ssyncadd.s32 $0xFFFFEC00  }
0xba: {  	[tilespmem:s23], [sflag:$0x1] =	stream.indirect.gather [hbm4b:s4+s22], $0x80, s10, s22, $0xb8;
	[tilespmem:$0x1E800] =	vst v63  }
0xbb: {  	_ = 	snop  }
0xbc: {  	[tilespmem:s25], [sflag:$0x2] =	stream.indirect.gather [hbm4b:s4+s22], $0x80, s14, s22, $0xb8;
	[tilespmem:$0x1E800] =	vst v63  }
0xbd: {  	_ = 	snop  }
0xbe: {  	[tilespmem:s28], [sflag:$0x3] =	stream.indirect.gather [hbm4b:s4+s22], $0x80, s16, s22, $0xb8;
	[tilespmem:$0x1E800] =	vst v63  }
0xbf: {  	_ = 	snop  }
0xc0: {  	[tilespmem:s30], [sflag:$0x4] =	stream.indirect.gather [hbm4b:s4+s22], $0x80, s18, s22, $0xb8;
	[tilespmem:$0x1E800] =	vst v63  }
0xc1: {  	_ =	swait.ge [sflag:s31], $0x2000  }
0xc2: {  	[sflag:s31] =	ssyncset.done $0x0  }
0xc3: {  	[sflag:s31] =	ssyncadd.s32 $0xFFFFE000  }
0xc4: {  	[spmem:s2] =	stream.indirect.scatter.add.f32 [tilespmem:s23], [sflag:$0x5], $0x80, s12, s22, $0xb8;
	[tilespmem:$0x1E800] =	vst v63  }
0xc5: {  	_ =	swait.ge [sflag:s0], $0x2000  }
0xc6: {  	[sflag:s0] =	ssyncset.done $0x0  }
0xc7: {  	[sflag:s0] =	ssyncadd.s32 $0xFFFFE000  }
0xc8: {  	[tilespmem:s23], [sflag:$0x1] =	stream.indirect.gather [hbm4b:s4+s22], $0x80, s19, s22, $0xb8;
	[tilespmem:$0x1E800] =	vst v63  }
0xc9: {  	_ =	swait.ge [sflag:s3], $0x2000  }
0xca: {  	[sflag:s3] =	ssyncset.done $0x0  }
0xcb: {  	[sflag:s3] =	ssyncadd.s32 $0xFFFFE000  }
0xcc: {  	[spmem:s2] =	stream.indirect.scatter.add.f32 [tilespmem:s25], [sflag:$0x6], $0x80, s20, s22, $0xb8;
	[tilespmem:$0x1E800] =	vst v63  }
0xcd: {  	_ =	swait.ge [sflag:s8], $0x2000  }
0xce: {  	[sflag:s8] =	ssyncset.done $0x0  }
0xcf: {  	[sflag:s8] =	ssyncadd.s32 $0xFFFFE000  }
0xd0: {  	[tilespmem:s25], [sflag:$0x2] =	stream.indirect.gather [hbm4b:s4+s22], $0x80, s21, s22, $0xb8;
	[tilespmem:$0x1E800] =	vst v63  }
0xd1: {  	_ =	swait.ge [sflag:s11], $0x2000  }
0xd2: {  	[sflag:s11] =	ssyncset.done $0x0  }
0xd3: {  	[sflag:s11] =	ssyncadd.s32 $0xFFFFE000  }
0xd4: {  	[spmem:s2] =	stream.indirect.scatter.add.f32 [tilespmem:s28], [sflag:$0x7], $0x80, s24, s22, $0xb8;
	[tilespmem:$0x1E800] =	vst v63  }
0xd5: {  	_ =	swait.ge [sflag:s13], $0x2000  }
0xd6: {  	[sflag:s13] =	ssyncset.done $0x0  }
0xd7: {  	[sflag:s13] =	ssyncadd.s32 $0xFFFFE000  }
0xd8: {  	[tilespmem:s28], [sflag:$0x3] =	stream.indirect.gather [hbm4b:s4+s22], $0x80, s26, s22, $0xb8;
	[tilespmem:$0x1E800] =	vst v63  }
0xd9: {  	_ =	swait.ge [sflag:s15], $0x2000  }
0xda: {  	[sflag:s15] =	ssyncset.done $0x0  }
0xdb: {  	[sflag:s15] =	ssyncadd.s32 $0xFFFFE000  }
0xdc: {  	[spmem:s2] =	stream.indirect.scatter.add.f32 [tilespmem:s30], [sflag:$0x8], $0x80, s29, s22, $0xb8;
	[tilespmem:$0x1E800] =	vst v63  }
0xdd: {  	_ =	swait.ge [sflag:s17], $0x2000  }
0xde: {  	[sflag:s17] =	ssyncset.done $0x0  }
0xdf: {  	s6 =	simm.s32 $0x14380;
	[sflag:s17] =	ssyncadd.s32 $0xFFFFE000  }
0xe0: {  	[tilespmem:s30], [sflag:$0x4] =	stream.indirect.gather [hbm4b:s4+s22], $0x80, s6, s22, $0xb8;
	[tilespmem:$0x1E800] =	vst v63  }
0xe1: {  	_ =	swait.ge [sflag:s31], $0x2000  }
0xe2: {  	[sflag:s31] =	ssyncset.done $0x0  }
0xe3: {  	s5 =	simm.s32 $0x15600;
	[sflag:s31] =	ssyncadd.s32 $0xFFFFE000  }
0xe4: {  	[spmem:s2] =	stream.indirect.scatter.add.f32 [tilespmem:s23], [sflag:$0x5], $0x80, s5, s22, $0xb8;
	[tilespmem:$0x1E800] =	vst v63  }
0xe5: {  	_ =	swait.ge [sflag:s0], $0x2000  }
0xe6: {  	[sflag:s0] =	ssyncset.done $0x0  }
0xe7: {  	s6 =	simm.s32 $0x14400;
	[sflag:s0] =	ssyncadd.s32 $0xFFFFE000  }
0xe8: {  	[tilespmem:s23], [sflag:$0x1] =	stream.indirect.gather [hbm4b:s4+s22], $0x80, s6, s22, $0xb8;
	[tilespmem:$0x1E800] =	vst v63  }
0xe9: {  	_ =	swait.ge [sflag:s3], $0x2000  }
0xea: {  	[sflag:s3] =	ssyncset.done $0x0  }
0xeb: {  	s5 =	simm.s32 $0x15680;
	[sflag:s3] =	ssyncadd.s32 $0xFFFFE000  }
0xec: {  	[spmem:s2] =	stream.indirect.scatter.add.f32 [tilespmem:s25], [sflag:$0x6], $0x80, s5, s22, $0xb8;
	[tilespmem:$0x1E800] =	vst v63  }
0xed: {  	_ =	swait.ge [sflag:s8], $0x2000  }
0xee: {  	[sflag:s8] =	ssyncset.done $0x0  }
0xef: {  	s6 =	simm.s32 $0x14480;
	[sflag:s8] =	ssyncadd.s32 $0xFFFFE000  }
0xf0: {  	[tilespmem:s25], [sflag:$0x2] =	stream.indirect.gather [hbm4b:s4+s22], $0x80, s6, s22, $0xb8;
	[tilespmem:$0x1E800] =	vst v63  }
0xf1: {  	_ =	swait.ge [sflag:s11], $0x2000  }
0xf2: {  	[sflag:s11] =	ssyncset.done $0x0  }
0xf3: {  	s5 =	simm.s32 $0x15700;
	[sflag:s11] =	ssyncadd.s32 $0xFFFFE000  }
0xf4: {  	[spmem:s2] =	stream.indirect.scatter.add.f32 [tilespmem:s28], [sflag:$0x7], $0x80, s5, s22, $0xb8;
	[tilespmem:$0x1E800] =	vst v63  }
0xf5: {  	_ =	swait.ge [sflag:s13], $0x2000  }
0xf6: {  	[sflag:s13] =	ssyncset.done $0x0  }
0xf7: {  	s6 =	simm.s32 $0x14500;
	[sflag:s13] =	ssyncadd.s32 $0xFFFFE000  }
0xf8: {  	[tilespmem:s28], [sflag:$0x3] =	stream.indirect.gather [hbm4b:s4+s22], $0x80, s6, s22, $0xb8;
	[tilespmem:$0x1E800] =	vst v63  }
0xf9: {  	_ =	swait.ge [sflag:s15], $0x2000  }
0xfa: {  	[sflag:s15] =	ssyncset.done $0x0  }
0xfb: {  	s1 =	simm.s32 $0x800;
	s5 =	simm.s32 $0x15780;
	[sflag:s15] =	ssyncadd.s32 $0xFFFFE000  }
.LBB2_4:
0xfc: {  	[spmem:s2] =	stream.indirect.scatter.add.f32 [tilespmem:s30], [sflag:$0x8], $0x80, s5, s22, $0xb8;
	[tilespmem:$0x1E800] =	vst v63  }
0xfd: {  	s5 =	smov.u32 s1  }
0xfe: {  	p0 =	sne.s32 s1, $0x3800;
	s1 =	sadd.s32 $0x800, s1;
	_ =	swait.ge [sflag:s17], $0x2000  }
0xff: {  	s5 =	sshra.s32 s5, $0x2;
	[sflag:s17] =	ssyncset.done $0x0  }
0x100: {  	s6 =	sadd.s32 $0x14380, s5;
	[sflag:s17] =	ssyncadd.s32 $0xFFFFE000  }
0x101: {  	[tilespmem:s30], [sflag:$0x4] =	stream.indirect.gather [hbm4b:s4+s22], $0x80, s6, s22, $0xb8;
	[tilespmem:$0x1E800] =	vst v63  }
0x102: {  	_ =	swait.ge [sflag:s31], $0x2000  }
0x103: {  	[sflag:s31] =	ssyncset.done $0x0  }
0x104: {  	s6 =	sadd.s32 $0x15600, s5;
	[sflag:s31] =	ssyncadd.s32 $0xFFFFE000  }
0x105: {  	[spmem:s2] =	stream.indirect.scatter.add.f32 [tilespmem:s23], [sflag:$0x5], $0x80, s6, s22, $0xb8;
	[tilespmem:$0x1E800] =	vst v63  }
0x106: {  	_ =	swait.ge [sflag:s0], $0x2000  }
0x107: {  	[sflag:s0] =	ssyncset.done $0x0  }
0x108: {  	s6 =	sadd.s32 $0x14400, s5;
	[sflag:s0] =	ssyncadd.s32 $0xFFFFE000  }
0x109: {  	[tilespmem:s23], [sflag:$0x1] =	stream.indirect.gather [hbm4b:s4+s22], $0x80, s6, s22, $0xb8;
	[tilespmem:$0x1E800] =	vst v63  }
0x10a: {  	_ =	swait.ge [sflag:s3], $0x2000  }
0x10b: {  	[sflag:s3] =	ssyncset.done $0x0  }
0x10c: {  	s6 =	sadd.s32 $0x15680, s5;
	[sflag:s3] =	ssyncadd.s32 $0xFFFFE000  }
0x10d: {  	[spmem:s2] =	stream.indirect.scatter.add.f32 [tilespmem:s25], [sflag:$0x6], $0x80, s6, s22, $0xb8;
	[tilespmem:$0x1E800] =	vst v63  }
0x10e: {  	_ =	swait.ge [sflag:s8], $0x2000  }
0x10f: {  	[sflag:s8] =	ssyncset.done $0x0  }
0x110: {  	s6 =	sadd.s32 $0x14480, s5;
	[sflag:s8] =	ssyncadd.s32 $0xFFFFE000  }
0x111: {  	[tilespmem:s25], [sflag:$0x2] =	stream.indirect.gather [hbm4b:s4+s22], $0x80, s6, s22, $0xb8;
	[tilespmem:$0x1E800] =	vst v63  }
0x112: {  	_ =	swait.ge [sflag:s11], $0x2000  }
0x113: {  	[sflag:s11] =	ssyncset.done $0x0  }
0x114: {  	s6 =	sadd.s32 $0x15700, s5;
	[sflag:s11] =	ssyncadd.s32 $0xFFFFE000  }
0x115: {  	[spmem:s2] =	stream.indirect.scatter.add.f32 [tilespmem:s28], [sflag:$0x7], $0x80, s6, s22, $0xb8;
	[tilespmem:$0x1E800] =	vst v63  }
0x116: {  	_ =	swait.ge [sflag:s13], $0x2000  }
0x117: {  	[sflag:s13] =	ssyncset.done $0x0  }
.Ltmp1:
0x118: {  	s6 =	sadd.s32 $0x14500, s5;
	[sflag:s13] =	ssyncadd.s32 $0xFFFFE000;
	(pc) =	sbr.rel @p0 .LBB2_4-.Ltmp1, $4  }
0x119: {  	[tilespmem:s28], [sflag:$0x3] =	stream.indirect.gather [hbm4b:s4+s22], $0x80, s6, s22, $0xb8;
	[tilespmem:$0x1E800] =	vst v63  }
0x11a: {  	_ =	swait.ge [sflag:s15], $0x2000  }
0x11b: {  	[sflag:s15] =	ssyncset.done $0x0  }
0x11c: {  	s5 =	sadd.s32 $0x15780, s5;
	[sflag:s15] =	ssyncadd.s32 $0xFFFFE000  }
0x11d: {  	[spmem:s2] =	stream.indirect.scatter.add.f32 [tilespmem:s30], [sflag:$0x8], $0x80, s5, s22, $0xb8;
	[tilespmem:$0x1E800] =	vst v63  }
0x11e: {  	_ =	swait.ge [sflag:s17], $0x2000  }
0x11f: {  	[sflag:s17] =	ssyncset.done $0x0  }
0x120: {  	s1 =	simm.s32 $0x15380;
	[sflag:s17] =	ssyncadd.s32 $0xFFFFE000  }
0x121: {  	[tilespmem:s30], [sflag:$0x4] =	stream.indirect.gather [hbm4b:s4+s22], $0x80, s1, s22, $0xb8;
	[tilespmem:$0x1E800] =	vst v63  }
0x122: {  	_ =	swait.ge [sflag:s31], $0x2000  }
0x123: {  	[sflag:s31] =	ssyncset.done $0x0  }
0x124: {  	s6 =	simm.s32 $0x16600;
	[sflag:s31] =	ssyncadd.s32 $0xFFFFE000  }
0x125: {  	[spmem:s2] =	stream.indirect.scatter.add.f32 [tilespmem:s23], [sflag:$0x5], $0x80, s6, s22, $0xb8;
	[tilespmem:$0x1E800] =	vst v63  }
0x126: {  	_ =	swait.ge [sflag:s3], $0x2000  }
0x127: {  	[sflag:s3] =	ssyncset.done $0x0  }
0x128: {  	s5 =	simm.s32 $0x16680;
	[sflag:s3] =	ssyncadd.s32 $0xFFFFE000  }
0x129: {  	[spmem:s2] =	stream.indirect.scatter.add.f32 [tilespmem:s25], [sflag:$0x6], $0x80, s5, s22, $0xb8;
	[tilespmem:$0x1E800] =	vst v63  }
0x12a: {  	_ =	swait.ge [sflag:s11], $0x2000  }
0x12b: {  	[sflag:s11] =	ssyncset.done $0x0  }
0x12c: {  	s6 =	simm.s32 $0x16700;
	[sflag:s11] =	ssyncadd.s32 $0xFFFFE000  }
0x12d: {  	[spmem:s2] =	stream.indirect.scatter.add.f32 [tilespmem:s28], [sflag:$0x7], $0x80, s6, s22, $0xb8;
	[tilespmem:$0x1E800] =	vst v63  }
0x12e: {  	_ =	swait.ge [sflag:s15], $0x2000  }
0x12f: {  	[sflag:s15] =	ssyncset.done $0x0  }
0x130: {  	s5 =	simm.s32 $0x16780;
	[sflag:s15] =	ssyncadd.s32 $0xFFFFE000  }
0x131: {  	[spmem:s2] =	stream.indirect.scatter.add.f32 [tilespmem:s30], [sflag:$0x8], $0x80, s5, s22, $0xb8;
	[tilespmem:$0x1E800] =	vst v63  }
0x132: {  	_ =	swait.ge [sflag:s0], $0x2000  }
0x133: {  	[sflag:s0] =	ssyncset.done $0x0  }
0x134: {  	[sflag:s0] =	ssyncadd.s32 $0xFFFFE000  }
0x135: {  	_ =	swait.ge [sflag:s8], $0x2000  }
0x136: {  	[sflag:s8] =	ssyncset.done $0x0  }
0x137: {  	[sflag:s8] =	ssyncadd.s32 $0xFFFFE000  }
0x138: {  	_ =	swait.ge [sflag:s13], $0x2000  }
0x139: {  	[sflag:s13] =	ssyncset.done $0x0  }
0x13a: {  	[sflag:s13] =	ssyncadd.s32 $0xFFFFE000  }
0x13b: {  	_ =	swait.ge [sflag:s17], $0x2000  }
0x13c: {  	[sflag:s17] =	ssyncset.done $0x0  }
0x13d: {  	s1 =	simm.s32 $0x0;
	s6 =	rddreg [dreg:$0xa];
	[sflag:s17] =	ssyncadd.s32 $0xFFFFE000  }
0x13e: {  	[tilespmem:s10], [sflag:$0x9] =	stream.linear.gather [hbm4b:s6+s1], $0x1400, $0x38;
	[tilespmem:$0x1E800] =	vst v63  }
0x13f: {  	_ =	swait.ge [sflag:s7], $0x1400  }
0x140: {  	[sflag:s7] =	ssyncset.done $0x0  }
0x141: {  	s6 =	rddreg [dreg:$0xb];
	[sflag:s7] =	ssyncadd.s32 $0xFFFFEC00  }
0x142: {  	[tilespmem:s12], [sflag:$0x9] =	stream.linear.gather [hbm4b:s6+s1], $0x1400, $0x38;
	[tilespmem:$0x1E800] =	vst v63  }
0x143: {  	_ =	swait.ge [sflag:s7], $0x1400  }
0x144: {  	[sflag:s7] =	ssyncset.done $0x0  }
0x145: {  	[sflag:s7] =	ssyncadd.s32 $0xFFFFEC00  }
0x146: {  	[tilespmem:s23], [sflag:$0x1] =	stream.indirect.gather [hbm4b:s4+s22], $0x80, s10, s22, $0xb8;
	[tilespmem:$0x1E800] =	vst v63  }
0x147: {  	_ = 	snop  }
0x148: {  	[tilespmem:s25], [sflag:$0x2] =	stream.indirect.gather [hbm4b:s4+s22], $0x80, s14, s22, $0xb8;
	[tilespmem:$0x1E800] =	vst v63  }
0x149: {  	_ = 	snop  }
0x14a: {  	[tilespmem:s28], [sflag:$0x3] =	stream.indirect.gather [hbm4b:s4+s22], $0x80, s16, s22, $0xb8;
	[tilespmem:$0x1E800] =	vst v63  }
0x14b: {  	_ = 	snop  }
0x14c: {  	[tilespmem:s30], [sflag:$0x4] =	stream.indirect.gather [hbm4b:s4+s22], $0x80, s18, s22, $0xb8;
	[tilespmem:$0x1E800] =	vst v63  }
0x14d: {  	_ =	swait.ge [sflag:s31], $0x2000  }
0x14e: {  	[sflag:s31] =	ssyncset.done $0x0  }
0x14f: {  	[sflag:s31] =	ssyncadd.s32 $0xFFFFE000  }
0x150: {  	[spmem:s2] =	stream.indirect.scatter.add.f32 [tilespmem:s23], [sflag:$0x5], $0x80, s12, s22, $0xb8;
	[tilespmem:$0x1E800] =	vst v63  }
0x151: {  	_ =	swait.ge [sflag:s0], $0x2000  }
0x152: {  	[sflag:s0] =	ssyncset.done $0x0  }
0x153: {  	[sflag:s0] =	ssyncadd.s32 $0xFFFFE000  }
0x154: {  	[tilespmem:s23], [sflag:$0x1] =	stream.indirect.gather [hbm4b:s4+s22], $0x80, s19, s22, $0xb8;
	[tilespmem:$0x1E800] =	vst v63  }
0x155: {  	_ =	swait.ge [sflag:s3], $0x2000  }
0x156: {  	[sflag:s3] =	ssyncset.done $0x0  }
0x157: {  	[sflag:s3] =	ssyncadd.s32 $0xFFFFE000  }
0x158: {  	[spmem:s2] =	stream.indirect.scatter.add.f32 [tilespmem:s25], [sflag:$0x6], $0x80, s20, s22, $0xb8;
	[tilespmem:$0x1E800] =	vst v63  }
0x159: {  	_ =	swait.ge [sflag:s8], $0x2000  }
0x15a: {  	[sflag:s8] =	ssyncset.done $0x0  }
0x15b: {  	[sflag:s8] =	ssyncadd.s32 $0xFFFFE000  }
0x15c: {  	[tilespmem:s25], [sflag:$0x2] =	stream.indirect.gather [hbm4b:s4+s22], $0x80, s21, s22, $0xb8;
	[tilespmem:$0x1E800] =	vst v63  }
0x15d: {  	_ =	swait.ge [sflag:s11], $0x2000  }
0x15e: {  	[sflag:s11] =	ssyncset.done $0x0  }
0x15f: {  	[sflag:s11] =	ssyncadd.s32 $0xFFFFE000  }
0x160: {  	[spmem:s2] =	stream.indirect.scatter.add.f32 [tilespmem:s28], [sflag:$0x7], $0x80, s24, s22, $0xb8;
	[tilespmem:$0x1E800] =	vst v63  }
0x161: {  	_ =	swait.ge [sflag:s13], $0x2000  }
0x162: {  	[sflag:s13] =	ssyncset.done $0x0  }
0x163: {  	[sflag:s13] =	ssyncadd.s32 $0xFFFFE000  }
0x164: {  	[tilespmem:s28], [sflag:$0x3] =	stream.indirect.gather [hbm4b:s4+s22], $0x80, s26, s22, $0xb8;
	[tilespmem:$0x1E800] =	vst v63  }
0x165: {  	_ =	swait.ge [sflag:s15], $0x2000  }
0x166: {  	[sflag:s15] =	ssyncset.done $0x0  }
0x167: {  	[sflag:s15] =	ssyncadd.s32 $0xFFFFE000  }
0x168: {  	[spmem:s2] =	stream.indirect.scatter.add.f32 [tilespmem:s30], [sflag:$0x8], $0x80, s29, s22, $0xb8;
	[tilespmem:$0x1E800] =	vst v63  }
0x169: {  	_ =	swait.ge [sflag:s17], $0x2000  }
0x16a: {  	[sflag:s17] =	ssyncset.done $0x0  }
0x16b: {  	s18 =	simm.s32 $0x14380;
	[sflag:s17] =	ssyncadd.s32 $0xFFFFE000  }
0x16c: {  	[tilespmem:s30], [sflag:$0x4] =	stream.indirect.gather [hbm4b:s4+s22], $0x80, s18, s22, $0xb8;
	[tilespmem:$0x1E800] =	vst v63  }
0x16d: {  	_ =	swait.ge [sflag:s31], $0x2000  }
0x16e: {  	[sflag:s31] =	ssyncset.done $0x0  }
0x16f: {  	s19 =	simm.s32 $0x15600;
	[sflag:s31] =	ssyncadd.s32 $0xFFFFE000  }
0x170: {  	[spmem:s2] =	stream.indirect.scatter.add.f32 [tilespmem:s23], [sflag:$0x5], $0x80, s19, s22, $0xb8;
	[tilespmem:$0x1E800] =	vst v63  }
0x171: {  	_ =	swait.ge [sflag:s0], $0x2000  }
0x172: {  	[sflag:s0] =	ssyncset.done $0x0  }
0x173: {  	s20 =	simm.s32 $0x14400;
	[sflag:s0] =	ssyncadd.s32 $0xFFFFE000  }
0x174: {  	[tilespmem:s23], [sflag:$0x1] =	stream.indirect.gather [hbm4b:s4+s22], $0x80, s20, s22, $0xb8;
	[tilespmem:$0x1E800] =	vst v63  }
0x175: {  	_ =	swait.ge [sflag:s3], $0x2000  }
0x176: {  	[sflag:s3] =	ssyncset.done $0x0  }
0x177: {  	s21 =	simm.s32 $0x15680;
	[sflag:s3] =	ssyncadd.s32 $0xFFFFE000  }
0x178: {  	[spmem:s2] =	stream.indirect.scatter.add.f32 [tilespmem:s25], [sflag:$0x6], $0x80, s21, s22, $0xb8;
	[tilespmem:$0x1E800] =	vst v63  }
0x179: {  	_ =	swait.ge [sflag:s8], $0x2000  }
0x17a: {  	[sflag:s8] =	ssyncset.done $0x0  }
0x17b: {  	s24 =	simm.s32 $0x14480;
	[sflag:s8] =	ssyncadd.s32 $0xFFFFE000  }
0x17c: {  	[tilespmem:s25], [sflag:$0x2] =	stream.indirect.gather [hbm4b:s4+s22], $0x80, s24, s22, $0xb8;
	[tilespmem:$0x1E800] =	vst v63  }
0x17d: {  	_ =	swait.ge [sflag:s11], $0x2000  }
0x17e: {  	[sflag:s11] =	ssyncset.done $0x0  }
0x17f: {  	s26 =	simm.s32 $0x15700;
	[sflag:s11] =	ssyncadd.s32 $0xFFFFE000  }
0x180: {  	[spmem:s2] =	stream.indirect.scatter.add.f32 [tilespmem:s28], [sflag:$0x7], $0x80, s26, s22, $0xb8;
	[tilespmem:$0x1E800] =	vst v63  }
0x181: {  	_ =	swait.ge [sflag:s13], $0x2000  }
0x182: {  	[sflag:s13] =	ssyncset.done $0x0  }
0x183: {  	s29 =	simm.s32 $0x14500;
	[sflag:s13] =	ssyncadd.s32 $0xFFFFE000  }
0x184: {  	[tilespmem:s28], [sflag:$0x3] =	stream.indirect.gather [hbm4b:s4+s22], $0x80, s29, s22, $0xb8;
	[tilespmem:$0x1E800] =	vst v63  }
0x185: {  	_ =	swait.ge [sflag:s15], $0x2000  }
0x186: {  	[sflag:s15] =	ssyncset.done $0x0  }
0x187: {  	s5 =	simm.s32 $0x15780;
	s1 =	simm.s32 $0x800;
	[sflag:s15] =	ssyncadd.s32 $0xFFFFE000  }
.LBB2_6:
0x188: {  	[spmem:s2] =	stream.indirect.scatter.add.f32 [tilespmem:s30], [sflag:$0x8], $0x80, s5, s22, $0xb8;
	[tilespmem:$0x1E800] =	vst v63  }
0x189: {  	s5 =	smov.u32 s1  }
0x18a: {  	p0 =	sne.s32 s1, $0x3800;
	s1 =	sadd.s32 $0x800, s1;
	_ =	swait.ge [sflag:s17], $0x2000  }
0x18b: {  	s5 =	sshra.s32 s5, $0x2;
	[sflag:s17] =	ssyncset.done $0x0  }
0x18c: {  	s6 =	sadd.s32 $0x14380, s5;
	[sflag:s17] =	ssyncadd.s32 $0xFFFFE000  }
0x18d: {  	[tilespmem:s30], [sflag:$0x4] =	stream.indirect.gather [hbm4b:s4+s22], $0x80, s6, s22, $0xb8;
	[tilespmem:$0x1E800] =	vst v63  }
0x18e: {  	_ =	swait.ge [sflag:s31], $0x2000  }
0x18f: {  	[sflag:s31] =	ssyncset.done $0x0  }
0x190: {  	s6 =	sadd.s32 $0x15600, s5;
	[sflag:s31] =	ssyncadd.s32 $0xFFFFE000  }
0x191: {  	[spmem:s2] =	stream.indirect.scatter.add.f32 [tilespmem:s23], [sflag:$0x5], $0x80, s6, s22, $0xb8;
	[tilespmem:$0x1E800] =	vst v63  }
0x192: {  	_ =	swait.ge [sflag:s0], $0x2000  }
0x193: {  	[sflag:s0] =	ssyncset.done $0x0  }
0x194: {  	s6 =	sadd.s32 $0x14400, s5;
	[sflag:s0] =	ssyncadd.s32 $0xFFFFE000  }
0x195: {  	[tilespmem:s23], [sflag:$0x1] =	stream.indirect.gather [hbm4b:s4+s22], $0x80, s6, s22, $0xb8;
	[tilespmem:$0x1E800] =	vst v63  }
0x196: {  	_ =	swait.ge [sflag:s3], $0x2000  }
0x197: {  	[sflag:s3] =	ssyncset.done $0x0  }
0x198: {  	s6 =	sadd.s32 $0x15680, s5;
	[sflag:s3] =	ssyncadd.s32 $0xFFFFE000  }
0x199: {  	[spmem:s2] =	stream.indirect.scatter.add.f32 [tilespmem:s25], [sflag:$0x6], $0x80, s6, s22, $0xb8;
	[tilespmem:$0x1E800] =	vst v63  }
0x19a: {  	_ =	swait.ge [sflag:s8], $0x2000  }
0x19b: {  	[sflag:s8] =	ssyncset.done $0x0  }
0x19c: {  	s6 =	sadd.s32 $0x14480, s5;
	[sflag:s8] =	ssyncadd.s32 $0xFFFFE000  }
0x19d: {  	[tilespmem:s25], [sflag:$0x2] =	stream.indirect.gather [hbm4b:s4+s22], $0x80, s6, s22, $0xb8;
	[tilespmem:$0x1E800] =	vst v63  }
0x19e: {  	_ =	swait.ge [sflag:s11], $0x2000  }
0x19f: {  	[sflag:s11] =	ssyncset.done $0x0  }
0x1a0: {  	s6 =	sadd.s32 $0x15700, s5;
	[sflag:s11] =	ssyncadd.s32 $0xFFFFE000  }
0x1a1: {  	[spmem:s2] =	stream.indirect.scatter.add.f32 [tilespmem:s28], [sflag:$0x7], $0x80, s6, s22, $0xb8;
	[tilespmem:$0x1E800] =	vst v63  }
0x1a2: {  	_ =	swait.ge [sflag:s13], $0x2000  }
0x1a3: {  	[sflag:s13] =	ssyncset.done $0x0  }
.Ltmp2:
0x1a4: {  	s6 =	sadd.s32 $0x14500, s5;
	[sflag:s13] =	ssyncadd.s32 $0xFFFFE000;
	(pc) =	sbr.rel @p0 .LBB2_6-.Ltmp2, $4  }
0x1a5: {  	[tilespmem:s28], [sflag:$0x3] =	stream.indirect.gather [hbm4b:s4+s22], $0x80, s6, s22, $0xb8;
	[tilespmem:$0x1E800] =	vst v63  }
0x1a6: {  	_ =	swait.ge [sflag:s15], $0x2000  }
0x1a7: {  	[sflag:s15] =	ssyncset.done $0x0  }
0x1a8: {  	s5 =	sadd.s32 $0x15780, s5;
	[sflag:s15] =	ssyncadd.s32 $0xFFFFE000  }
0x1a9: {  	[spmem:s2] =	stream.indirect.scatter.add.f32 [tilespmem:s30], [sflag:$0x8], $0x80, s5, s22, $0xb8;
	[tilespmem:$0x1E800] =	vst v63  }
0x1aa: {  	_ =	swait.ge [sflag:s17], $0x2000  }
0x1ab: {  	[sflag:s17] =	ssyncset.done $0x0  }
0x1ac: {  	s1 =	simm.s32 $0x15380;
	[sflag:s17] =	ssyncadd.s32 $0xFFFFE000  }
0x1ad: {  	[tilespmem:s30], [sflag:$0x4] =	stream.indirect.gather [hbm4b:s4+s22], $0x80, s1, s22, $0xb8;
	[tilespmem:$0x1E800] =	vst v63  }
0x1ae: {  	_ =	swait.ge [sflag:s31], $0x2000  }
0x1af: {  	[sflag:s31] =	ssyncset.done $0x0  }
0x1b0: {  	s6 =	simm.s32 $0x16600;
	[sflag:s31] =	ssyncadd.s32 $0xFFFFE000  }
0x1b1: {  	[spmem:s2] =	stream.indirect.scatter.add.f32 [tilespmem:s23], [sflag:$0x5], $0x80, s6, s22, $0xb8;
	[tilespmem:$0x1E800] =	vst v63  }
0x1b2: {  	_ =	swait.ge [sflag:s3], $0x2000  }
0x1b3: {  	[sflag:s3] =	ssyncset.done $0x0  }
0x1b4: {  	s18 =	simm.s32 $0x16680;
	[sflag:s3] =	ssyncadd.s32 $0xFFFFE000  }
0x1b5: {  	[spmem:s2] =	stream.indirect.scatter.add.f32 [tilespmem:s25], [sflag:$0x6], $0x80, s18, s22, $0xb8;
	[tilespmem:$0x1E800] =	vst v63  }
0x1b6: {  	_ =	swait.ge [sflag:s11], $0x2000  }
0x1b7: {  	[sflag:s11] =	ssyncset.done $0x0  }
0x1b8: {  	s19 =	simm.s32 $0x16700;
	[sflag:s11] =	ssyncadd.s32 $0xFFFFE000  }
0x1b9: {  	[spmem:s2] =	stream.indirect.scatter.add.f32 [tilespmem:s28], [sflag:$0x7], $0x80, s19, s22, $0xb8;
	[tilespmem:$0x1E800] =	vst v63  }
0x1ba: {  	_ =	swait.ge [sflag:s15], $0x2000  }
0x1bb: {  	[sflag:s15] =	ssyncset.done $0x0  }
0x1bc: {  	s20 =	simm.s32 $0x16780;
	[sflag:s15] =	ssyncadd.s32 $0xFFFFE000  }
0x1bd: {  	[spmem:s2] =	stream.indirect.scatter.add.f32 [tilespmem:s30], [sflag:$0x8], $0x80, s20, s22, $0xb8;
	[tilespmem:$0x1E800] =	vst v63  }
0x1be: {  	_ =	swait.ge [sflag:s0], $0x2000  }
0x1bf: {  	[sflag:s0] =	ssyncset.done $0x0  }
0x1c0: {  	[sflag:s0] =	ssyncadd.s32 $0xFFFFE000  }
0x1c1: {  	_ =	swait.ge [sflag:s8], $0x2000  }
0x1c2: {  	[sflag:s8] =	ssyncset.done $0x0  }
0x1c3: {  	[sflag:s8] =	ssyncadd.s32 $0xFFFFE000  }
0x1c4: {  	_ =	swait.ge [sflag:s13], $0x2000  }
0x1c5: {  	[sflag:s13] =	ssyncset.done $0x0  }
0x1c6: {  	[sflag:s13] =	ssyncadd.s32 $0xFFFFE000  }
0x1c7: {  	_ =	swait.ge [sflag:s17], $0x2000  }
0x1c8: {  	[sflag:s17] =	ssyncset.done $0x0  }
0x1c9: {  	s21 =	simm.s32 $0x0;
	s24 =	rddreg [dreg:$0xc];
	[sflag:s17] =	ssyncadd.s32 $0xFFFFE000  }
0x1ca: {  	[tilespmem:s10], [sflag:$0x9] =	stream.linear.gather [hbm4b:s24+s21], $0x1400, $0x38;
	[tilespmem:$0x1E800] =	vst v63  }
0x1cb: {  	_ =	swait.ge [sflag:s7], $0x1400  }
0x1cc: {  	[sflag:s7] =	ssyncset.done $0x0  }
0x1cd: {  	s26 =	rddreg [dreg:$0xd];
	[sflag:s7] =	ssyncadd.s32 $0xFFFFEC00  }
0x1ce: {  	[tilespmem:s12], [sflag:$0x9] =	stream.linear.gather [hbm4b:s26+s21], $0x1400, $0x38;
	[tilespmem:$0x1E800] =	vst v63  }
0x1cf: {  	_ =	swait.ge [sflag:s7], $0x1400  }
0x1d0: {  	p0 =	por $0x1, $0x1;
	[sflag:s7] =	ssyncset.done $0x0  }
0x1d1: {  	p1 =	sle.u32 @!p0 s9, $0x3;
	[sflag:s7] =	ssyncadd.s32 $0xFFFFEC00  }
0x1d2: {  	[tilespmem:s23], [sflag:$0x1] =	stream.indirect.gather [hbm4b:s4+s22], $0x80, s10, s22, $0xb8;
	[tilespmem:$0x1E800] =	vst v63  }
0x1d3: {  	p2 =	por p1, p0  }
0x1d4: {  	[tilespmem:s25], [sflag:$0x2] =	stream.indirect.gather [hbm4b:s4+s22], $0x80, s14, s22, $0xb8;
	[tilespmem:$0x1E800] =	vst v63  }
0x1d5: {  	s1 =	simm.s32 @!p2 $0x8  }
0x1d6: {  	[tilespmem:s28], [sflag:$0x3] =	stream.indirect.gather [hbm4b:s4+s22], $0x80, s16, s22, $0xb8;
	[tilespmem:$0x1E800] =	vst v63  }
0x1d7: {  	p0 =	sle.u32 s9, $0x3;
	_ =	swait.ge @!p2 [sflag:s1], $0x2000  }
0x1d8: {  	p1 =	sle.u32 s9, $0x0;
	s14 =	simm.s32 @!p0 $0x40;
	[sflag:s1] =	ssyncset.done @!p2 $0x0  }
0x1d9: {  	s16 =	simm.s32 @!p0 $0x1C800;
	[sflag:s1] =	ssyncadd.s32 @!p2 $0xFFFFE000;
	s1 =	simm.s32 @!p0 $0x14180  }
0x1da: {  	[tilespmem:s16], [sflag:$0x4] =	stream.indirect.gather @!p0 [hbm4b:s4+s14], $0x80, s1, s14, $0xb8;
	[tilespmem:$0x1E800] =	vst v63  }
0x1db: {  	s1 =	simm.s32 @!p1 $0x1  }
0x1dc: {  	s5 =	simm.s32 @!p1 $0x16800;
	_ =	swait.ge @!p1 [sflag:s1], $0x2000  }
0x1dd: {  	s6 =	simm.s32 @!p1 $0x15400;
	p2 =	sle.u32 s9, $0x4;
	[sflag:s1] =	ssyncset.done @!p1 $0x0  }
0x1de: {  	s7 =	simm.s32 @!p1 $0x40;
	[sflag:s1] =	ssyncadd.s32 @!p1 $0xFFFFE000;
	s1 =	simm.s32 @!p2 $0x5  }
0x1df: {  	[spmem:s2] =	stream.indirect.scatter.add.f32 @!p1 [tilespmem:s5], [sflag:$0x5], $0x80, s6, s7, $0xb8;
	[tilespmem:$0x1E800] =	vst v63  }
0x1e0: {  	s5 =	simm.s32 @!p2 $0x14200;
	_ =	swait.ge @!p2 [sflag:s1], $0x2000  }
0x1e1: {  	s6 =	simm.s32 @!p2 $0x16800;
	p1 =	sle.u32 s9, $0x1;
	[sflag:s1] =	ssyncset.done @!p2 $0x0  }
0x1e2: {  	s7 =	simm.s32 @!p2 $0x40;
	[sflag:s1] =	ssyncadd.s32 @!p2 $0xFFFFE000;
	s1 =	simm.s32 @!p1 $0x2  }
0x1e3: {  	[tilespmem:s6], [sflag:$0x1] =	stream.indirect.gather @!p2 [hbm4b:s4+s7], $0x80, s5, s7, $0xb8;
	[tilespmem:$0x1E800] =	vst v63  }
0x1e4: {  	s5 =	simm.s32 @!p1 $0x15480;
	_ =	swait.ge @!p1 [sflag:s1], $0x2000  }
0x1e5: {  	s6 =	simm.s32 @!p1 $0x18800;
	p2 =	sle.u32 s9, $0x5;
	[sflag:s1] =	ssyncset.done @!p1 $0x0  }
0x1e6: {  	s7 =	simm.s32 @!p1 $0x40;
	[sflag:s1] =	ssyncadd.s32 @!p1 $0xFFFFE000;
	s1 =	simm.s32 @!p2 $0x6  }
0x1e7: {  	[spmem:s2] =	stream.indirect.scatter.add.f32 @!p1 [tilespmem:s6], [sflag:$0x6], $0x80, s5, s7, $0xb8;
	[tilespmem:$0x1E800] =	vst v63  }
0x1e8: {  	s5 =	simm.s32 @!p2 $0x14280;
	_ =	swait.ge @!p2 [sflag:s1], $0x2000  }
0x1e9: {  	s6 =	simm.s32 @!p2 $0x18800;
	p1 =	sle.u32 s9, $0x2;
	[sflag:s1] =	ssyncset.done @!p2 $0x0  }
0x1ea: {  	s7 =	simm.s32 @!p2 $0x40;
	[sflag:s1] =	ssyncadd.s32 @!p2 $0xFFFFE000;
	s1 =	simm.s32 @!p1 $0x3  }
0x1eb: {  	[tilespmem:s6], [sflag:$0x2] =	stream.indirect.gather @!p2 [hbm4b:s4+s7], $0x80, s5, s7, $0xb8;
	[tilespmem:$0x1E800] =	vst v63  }
0x1ec: {  	s5 =	simm.s32 @!p1 $0x15500;
	_ =	swait.ge @!p1 [sflag:s1], $0x2000  }
0x1ed: {  	s6 =	simm.s32 @!p1 $0x1A800;
	p2 =	sle.u32 s9, $0x6;
	[sflag:s1] =	ssyncset.done @!p1 $0x0  }
0x1ee: {  	s7 =	simm.s32 @!p1 $0x40;
	[sflag:s1] =	ssyncadd.s32 @!p1 $0xFFFFE000;
	s1 =	simm.s32 @!p2 $0x7  }
0x1ef: {  	[spmem:s2] =	stream.indirect.scatter.add.f32 @!p1 [tilespmem:s6], [sflag:$0x7], $0x80, s5, s7, $0xb8;
	[tilespmem:$0x1E800] =	vst v63  }
0x1f0: {  	_ =	swait.ge @!p2 [sflag:s1], $0x2000  }
0x1f1: {  	s5 =	simm.s32 @!p2 $0x14300;
	s6 =	simm.s32 @!p2 $0x1A800;
	[sflag:s1] =	ssyncset.done @!p2 $0x0  }
0x1f2: {  	s7 =	simm.s32 @!p2 $0x40;
	[sflag:s1] =	ssyncadd.s32 @!p2 $0xFFFFE000;
	s1 =	simm.s32 @!p0 $0x4  }
0x1f3: {  	[tilespmem:s6], [sflag:$0x3] =	stream.indirect.gather @!p2 [hbm4b:s4+s7], $0x80, s5, s7, $0xb8;
	[tilespmem:$0x1E800] =	vst v63  }
0x1f4: {  	s29 =	simm.s32 $0x4;
	_ =	swait.ge @!p0 [sflag:s1], $0x2000  }
0x1f5: {  	s6 =	simm.s32 $0x800;
	s5 =	simm.s32 @!p0 $0x15580;
	[sflag:s1] =	ssyncset.done @!p0 $0x0  }
.LBB2_8:
0x1f6: {  	s24 =	sadd.s32 $0x3, s29;
	p1 =	seq.s32 s6, $0x0;
	[sflag:s1] =	ssyncadd.s32 @!p0 $0xFFFFE000  }
0x1f7: {  	[spmem:s2] =	stream.indirect.scatter.add.f32 @!p0 [tilespmem:s16], [sflag:$0x8], $0x80, s5, s14, $0xb8;
	[tilespmem:$0x1E800] =	vst v63  }
0x1f8: {  	s1 =	smov.u32 s6;
	s6 =	sadd.s32 $0x800, s6;
	p0 =	sge.u32 @!p1 s24, s9  }
0x1f9: {  	s7 =	sadd.s32 $0x2, s29;
	s10 =	sadd.s32 $0x6, s29;
	p2 =	por p0, p1  }
0x1fa: {  	s18 =	sadd.s32 $0x1, s29;
	s26 =	sadd.s32 $0x5, s29;
	s16 =	simm.s32 @!p2 $0x8  }
0x1fb: {  	p0 =	sge.u32 s24, s9;
	p1 =	sge.u32 s29, s9;
	_ =	swait.ge @!p2 [sflag:s16], $0x2000  }
0x1fc: {  	s5 =	sshra.s32 @!p0 s1, $0x2;
	s14 =	simm.s32 @!p0 $0x40;
	[sflag:s16] =	ssyncset.done @!p2 $0x0  }
0x1fd: {  	s24 =	sadd.s32 @!p0 $0x14180, s5;
	[sflag:s16] =	ssyncadd.s32 @!p2 $0xFFFFE000;
	s16 =	simm.s32 @!p0 $0x1C800  }
0x1fe: {  	[tilespmem:s16], [sflag:$0x4] =	stream.indirect.gather @!p0 [hbm4b:s4+s14], $0x80, s24, s14, $0xb8;
	[tilespmem:$0x1E800] =	vst v63  }
0x1ff: {  	s21 =	sshra.s32 @!p1 s1, $0x2;
	s20 =	simm.s32 @!p1 $0x16800;
	s24 =	simm.s32 @!p1 $0x1  }
0x200: {  	s29 =	sadd.s32 $0x4, s29;
	s21 =	sadd.s32 @!p1 $0x15400, s21;
	_ =	swait.ge @!p1 [sflag:s24], $0x2000  }
0x201: {  	s12 =	simm.s32 @!p1 $0x40;
	p2 =	sge.u32 s29, s9;
	[sflag:s24] =	ssyncset.done @!p1 $0x0  }
0x202: {  	s19 =	sshra.s32 @!p2 s1, $0x2;
	[sflag:s24] =	ssyncadd.s32 @!p1 $0xFFFFE000;
	s24 =	simm.s32 @!p2 $0x5  }
0x203: {  	[spmem:s2] =	stream.indirect.scatter.add.f32 @!p1 [tilespmem:s20], [sflag:$0x5], $0x80, s21, s12, $0xb8;
	[tilespmem:$0x1E800] =	vst v63  }
0x204: {  	s12 =	sadd.s32 @!p2 $0x14200, s19;
	s19 =	simm.s32 @!p2 $0x16800;
	_ =	swait.ge @!p2 [sflag:s24], $0x2000  }
0x205: {  	s20 =	simm.s32 @!p2 $0x40;
	p1 =	sge.u32 s18, s9;
	[sflag:s24] =	ssyncset.done @!p2 $0x0  }
0x206: {  	s18 =	simm.s32 @!p1 $0x2;
	s21 =	sshra.s32 @!p1 s1, $0x2;
	[sflag:s24] =	ssyncadd.s32 @!p2 $0xFFFFE000  }
0x207: {  	[tilespmem:s19], [sflag:$0x1] =	stream.indirect.gather @!p2 [hbm4b:s4+s20], $0x80, s12, s20, $0xb8;
	[tilespmem:$0x1E800] =	vst v63  }
0x208: {  	s12 =	sadd.s32 @!p1 $0x15480, s21;
	s19 =	simm.s32 @!p1 $0x18800;
	_ =	swait.ge @!p1 [sflag:s18], $0x2000  }
0x209: {  	s20 =	simm.s32 @!p1 $0x40;
	p2 =	sge.u32 s26, s9;
	[sflag:s18] =	ssyncset.done @!p1 $0x0  }
0x20a: {  	s21 =	sshra.s32 @!p2 s1, $0x2;
	[sflag:s18] =	ssyncadd.s32 @!p1 $0xFFFFE000;
	s18 =	simm.s32 @!p2 $0x6  }
0x20b: {  	[spmem:s2] =	stream.indirect.scatter.add.f32 @!p1 [tilespmem:s19], [sflag:$0x6], $0x80, s12, s20, $0xb8;
	[tilespmem:$0x1E800] =	vst v63  }
0x20c: {  	s12 =	sadd.s32 @!p2 $0x14280, s21;
	s19 =	simm.s32 @!p2 $0x18800;
	_ =	swait.ge @!p2 [sflag:s18], $0x2000  }
0x20d: {  	s20 =	simm.s32 @!p2 $0x40;
	p1 =	sge.u32 s7, s9;
	[sflag:s18] =	ssyncset.done @!p2 $0x0  }
0x20e: {  	s7 =	simm.s32 @!p1 $0x3;
	[sflag:s18] =	ssyncadd.s32 @!p2 $0xFFFFE000;
	s18 =	sshra.s32 @!p1 s1, $0x2  }
0x20f: {  	[tilespmem:s19], [sflag:$0x2] =	stream.indirect.gather @!p2 [hbm4b:s4+s20], $0x80, s12, s20, $0xb8;
	[tilespmem:$0x1E800] =	vst v63  }
0x210: {  	s12 =	sadd.s32 @!p1 $0x15500, s18  }
0x211: {  	s18 =	simm.s32 @!p1 $0x1A800;
	p2 =	sge.u32 s10, s9;
	_ =	swait.ge @!p1 [sflag:s7], $0x2000  }
0x212: {  	s19 =	simm.s32 @!p1 $0x40;
	s1 =	sshra.s32 @!p2 s1, $0x2;
	[sflag:s7] =	ssyncset.done @!p1 $0x0  }
0x213: {  	s10 =	sadd.s32 @!p2 $0x14300, s1;
	[sflag:s7] =	ssyncadd.s32 @!p1 $0xFFFFE000;
	s7 =	simm.s32 @!p2 $0x7  }
0x214: {  	[spmem:s2] =	stream.indirect.scatter.add.f32 @!p1 [tilespmem:s18], [sflag:$0x7], $0x80, s12, s19, $0xb8;
	[tilespmem:$0x1E800] =	vst v63  }
0x215: {  	s12 =	simm.s32 @!p2 $0x1A800;
	p1 =	sne.s32 s6, $0x5000;
	_ =	swait.ge @!p2 [sflag:s7], $0x2000  }
.Ltmp3:
0x216: {  	s18 =	simm.s32 @!p2 $0x40;
	[sflag:s7] =	ssyncset.done @!p2 $0x0;
	(pc) =	sbr.rel @p1 .LBB2_8-.Ltmp3, $4  }
0x217: {  	s5 =	sadd.s32 @!p0 $0x15580, s5;
	s1 =	simm.s32 @!p0 $0x4;
	[sflag:s7] =	ssyncadd.s32 @!p2 $0xFFFFE000  }
0x218: {  	[tilespmem:s12], [sflag:$0x3] =	stream.indirect.gather @!p2 [hbm4b:s4+s18], $0x80, s10, s18, $0xb8;
	[tilespmem:$0x1E800] =	vst v63  }
0x219: {  	_ =	swait.ge @!p0 [sflag:s1], $0x2000  }
0x21a: {  	[sflag:s1] =	ssyncset.done @!p0 $0x0  }
0x21b: {  	[sflag:s1] =	ssyncadd.s32 @!p0 $0xFFFFE000  }
0x21c: {  	[spmem:s2] =	stream.indirect.scatter.add.f32 @!p0 [tilespmem:s16], [sflag:$0x8], $0x80, s5, s14, $0xb8;
	[tilespmem:$0x1E800] =	vst v63  }
0x21d: {  	_ =	swait.ge [sflag:s0], $0x2000  }
0x21e: {  	[sflag:s0] =	ssyncset.done $0x0  }
0x21f: {  	[sflag:s0] =	ssyncadd.s32 $0xFFFFE000  }
0x220: {  	_ =	swait.ge [sflag:s8], $0x2000  }
0x221: {  	[sflag:s8] =	ssyncset.done $0x0  }
0x222: {  	[sflag:s8] =	ssyncadd.s32 $0xFFFFE000  }
0x223: {  	_ =	swait.ge [sflag:s13], $0x2000  }
0x224: {  	[sflag:s13] =	ssyncset.done $0x0  }
0x225: {  	[sflag:s13] =	ssyncadd.s32 $0xFFFFE000  }
0x226: {  	_ =	swait.ge [sflag:s17], $0x2000  }
0x227: {  	[sflag:s17] =	ssyncset.done $0x0  }
0x228: {  	[sflag:s17] =	ssyncadd.s32 $0xFFFFE000  }
0x229: {  	[bflag:$0x0] =	sbarrier.arrive $0xFFFF  }
0x22a: {  	s6 =	rddreg [dreg:$0x6]  }
0x22b: {  	s24 =	rddreg [dreg:$0xe]  }
0x22c: {  	s7 =	simm.s32 $0x9;
	s5 =	rddreg [dreg:$0x10]  }
0x22d: {  	[hbm:s24], [sflag:s6] =	dma.local [spmem:s5], $0x2800  }
0x22e: {  	_ =	swait.ge [sflag:s7], $0x2800  }
0x22f: {  	s10 =	rddreg [dreg:$0x11]  }
0x230: {  	s26 =	rddreg [dreg:$0xf];
	s10 =	sadd.s32 $0x1, s10  }
0x231: {  	p0 =	sne.s32 s10, s26  }
.Ltmp4:
0x232: {  	s12 =	simm.s32 $0x15400;
	s18 =	simm.s32 $0x14180;
	(pc) =	sbr.rel @p0 .LBB2_1-.Ltmp4, $4  }
0x233: {  	s19 =	simm.s32 $0x14200;
	s20 =	simm.s32 $0x15480;
	s21 =	simm.s32 $0x14280  }
0x234: {  	s29 =	simm.s32 $0x15580;
	s14 =	simm.s32 $0x14080;
	[sflag:s7] =	ssyncset.done $0x0  }
0x235: {  	s16 =	simm.s32 $0x14100;
	s24 =	simm.s32 $0x15500;
	[sflag:s7] =	ssyncadd.s32 $0xFFFFD800  }
0x236: {  	[dreg:$0x11] =	wrdreg s10;
	s10 =	simm.s32 $0x14000;
	s26 =	simm.s32 $0x14300  }
0x237: {  	_ =	sfence.sel $0x180000  }
0x238: {  	[bflag:$0x0] =	sbarrier.arrive $0xFFFF  }
0x239: {  	_ =	strace $0x9000004D  }
0x23a: {  	s0 =	stileid.u32;
	[bflag:$0x2] =	sbarrier.arrive $0xFFFF  }
0x23b: {  	p0 =	sne.s32 s0, $0x0;
	s0 =	rddreg [dreg:$0x3]  }
0x23c: {  	s0 =	sadd.s32 @!p0 $0x100000, s0  }
0x23d: {  	[sflag:s0] =	ssyncadd.tile.s32 @!p0 $0x1;
	_ =	shalt  }
.Lfunc_end2:
_tile_overlayer_lowered:
.L_overlay_start_2:
0x23e: {  	(tag) =	ssettag $0x2  }
0x23f: {  	s0 =	rddreg [dreg:$0x0];
	s2 =	stileid.u32  }
0x240: {  	s1 =	rddreg [dreg:$0x1];
	p0 =	sne.s32 s2, $0x0  }
0x241: {  	s3 =	rddreg [dreg:$0x2];
	[bflag:$0x3] =	sbarrier.arrive $0xFFFF;
	s2 =	simm.s32 @!p0 $0x1C09  }
0x242: {  	[timem:s3], [sflag:s2] =	dma.local @!p0 [hbm:s0], s1  }
0x243: {  	s0 =	simm.s32 @!p0 $0x9  }
0x244: {  	_ =	swait.ge @!p0 [sflag:s0], s1  }
0x245: {  	s1 =	ssub.s32 @!p0 $0x0, s1;
	[sflag:s0] =	ssyncset.done @!p0 $0x0  }
0x246: {  	[sflag:s0] =	ssyncadd.s32 @!p0 s1  }
0x247: {  	[bflag:$0x3] =	sbarrier.arrive $0xFFFF  }
0x248: {  	_ =	shalt  }

// kernel: kernel.9.cloned.1.call-start
scs
__scs_entry_jumppad:
0x0: {  	(pc) =	sbr.rel $0x88, $3  }
0x1: {  	(tag) =	ssettag $0x0;
	lr =	simm.s32 $0x1  }
0x2: {  	[smem:$0x3F97] =	sst lr;
	_ =	strace $0xD0000000  }
0x3: {  	_ = 	snop  }
0x4: {  	_ = 	snop  }
0x5: {  	_ = 	snop  }
0x6: {  	_ = 	snop  }
0x7: {  	_ = 	snop  }
__scs_overlays_trampoline_lowered:
0x8: {  	[smem:$0x3FA6] =	sst s0  }
0x9: {  	[smem:$0x3FA7] =	sst s1  }
0xa: {  	[smem:$0x3FA8] =	sst s2  }
0xb: {  	[smem:$0x3FA9] =	sst s3  }
0xc: {  	[smem:$0x3FAA] =	sst s4  }
0xd: {  	[smem:$0x3FAB] =	sst s5  }
0xe: {  	[smem:$0x3FAC] =	sst s6  }
0xf: {  	[smem:$0x3FAD] =	sst s7  }
0x10: {  	[smem:$0x3FAE] =	sst s8  }
0x11: {  	[smem:$0x3FAF] =	sst s9;
	s0 =	simm.s32 @!p0 $0x0  }
0x12: {  	s1 =	sld [smem:$0x3F95];
	s0 =	simm.s32 @p0 $0x1  }
0x13: {  	[smem:$0x3FB0] =	sst s0;
	s0 =	simm.s32 @!p1 $0x0  }
0x14: {  	s2 =	sld [smem:$0x3F94];
	s0 =	simm.s32 @p1 $0x1  }
0x15: {  	[smem:$0x3FB1] =	sst s0;
	s0 =	simm.s32 @!p2 $0x0  }
0x16: {  	s3 =	sld [smem:$0x3FDB];
	s0 =	simm.s32 @p2 $0x1  }
0x17: {  	s4 =	simm.s32 $0x1BF5;
	[smem:$0x3FB3] =	sst s0  }
0x18: {  	s0 =	sld [smem:$0x3F96];
	_ =	swait.ge [sflag:s4], $0x0  }
0x19: {  	s7 =	sld [smem:$0x3F97]  }
0x1a: {  	s8 =	sadd.s32 $0xFFFFE003, lr  }
0x1b: {  	s9 =	sadd.s32 $0xFFFFFEF7, lr;
	s5 =	simm.s32 $0xFFFFFFFF;
	p2 =	slt.u32 s8, $0xFFFFF086  }
0x1c: {  	p1 =	slt.u32 s9, $0xF7A;
	s5 =	simm.s32 @!p2 $0x0  }
0x1d: {  	s5 =	simm.s32 @p1 $0x1;
	p0 =	seq.s32 s7, s2  }
0x1e: {  	s7 =	smul.u32 @!p0 $0xF7A, s2;
	p2 =	seq.s32 @!p0 s5, $0x0  }
0x1f: {  	s9 =	smul.u32 $0xF7A, s1;
	s8 =	simm.s32 @!p0 $0x1BF5;
	p2 =	por !p2, p0  }
0x20: {  	[sflag:s8] =	ssyncset.s32 @!p0 $0xFFFFF086;
	s6 =	sadd.s32 @!p0 s3, s7;
	s7 =	simm.s32 @!p0 $0x108  }
0x21: {  	s3 =	sadd.s32 s3, s9;
	s6 =	sadd.s32 @!p0 $0x88, s6;
	s7 =	simm.s32 @p2 $0x1082  }
0x22: {  	[simem:s7], [sflag:s8] =	dma.local @!p0 [hbm:s6], $0xF7A  }
0x23: {  	s9 =	sor.u32 $0xD0000000, s2;
	s6 =	simm.s32 $0x108;
	_ =	swait.ge @!p0 [sflag:s8], $0x0  }
0x24: {  	s3 =	sadd.s32 $0x88, s3;
	s6 =	simm.s32 @!p1 $0x1082;
	[sflag:s4] =	ssyncset.s32 $0xFFFFF086  }
0x25: {  	[simem:s6], [sflag:s4] =	dma.local [hbm:s3], $0xF7A  }
0x26: {  	[smem:$0x3F97] =	sst s1;
	(tag) =	ssettag s2;
	_ =	strace s9  }
0x27: {  	s1 =	sld [smem:$0x3FA7]  }
0x28: {  	s2 =	sld [smem:$0x3FA8]  }
0x29: {  	s4 =	sld [smem:$0x3FAA]  }
0x2a: {  	p0 =	seq.s32 s5, $0x0;
	s5 =	sld [smem:$0x3FAB]  }
0x2b: {  	s6 =	sld [smem:$0x3FAC]  }
0x2c: {  	s7 =	sld [smem:$0x3FAD]  }
0x2d: {  	s3 =	simm.s32 $0x108;
	s8 =	sld [smem:$0x3FAE]  }
0x2e: {  	s3 =	simm.s32 @!p0 $0x1082;
	s9 =	sld [smem:$0x3FAF]  }
0x2f: {  	lr =	sadd.s32 s0, s3;
	s0 =	sld [smem:$0x3FA6]  }
0x30: {  	s3 =	sld [smem:$0x3FA9]  }
0x31: {  	[smem:$0x3FB2] =	sst s10  }
0x32: {  	s10 =	sld [smem:$0x3FB0];
	_ =	sdelay $0x3  }
0x33: {  	p0 =	seq.s32 s10, $0x1;
	s10 =	sld [smem:$0x3FB2];
	_ =	sdelay $0x3  }
0x34: {  	[smem:$0x3FB2] =	sst s10  }
0x35: {  	s10 =	sld [smem:$0x3FB1];
	_ =	sdelay $0x3  }
0x36: {  	p1 =	seq.s32 s10, $0x1;
	s10 =	sld [smem:$0x3FB2];
	_ =	sdelay $0x3  }
0x37: {  	[smem:$0x3FB2] =	sst s10  }
0x38: {  	s10 =	sld [smem:$0x3FB3]  }
0x39: {  	_ = 	snop;
	(pc) =	sbr.ind lr, $3  }
0x3a: {  	_ = 	snop  }
0x3b: {  	_ = 	snop  }
0x3c: {  	p2 =	seq.s32 s10, $0x1;
	s10 =	sld [smem:$0x3FB2]  }
0x3d: {  	_ =	shalt  }
0x3e: {  	_ =	shalt  }
0x3f: {  	_ =	shalt  }
0x40: {  	_ =	shalt  }
0x41: {  	_ =	shalt  }
0x42: {  	_ =	shalt  }
0x43: {  	_ =	shalt  }
0x44: {  	_ =	shalt  }
0x45: {  	_ =	shalt  }
0x46: {  	_ =	shalt  }
0x47: {  	_ =	shalt  }
0x48: {  	_ =	shalt  }
0x49: {  	_ =	shalt  }
0x4a: {  	_ =	shalt  }
0x4b: {  	_ =	shalt  }
0x4c: {  	_ =	shalt  }
0x4d: {  	_ =	shalt  }
0x4e: {  	_ =	shalt  }
0x4f: {  	_ =	shalt  }
0x50: {  	_ =	shalt  }
0x51: {  	_ =	shalt  }
0x52: {  	_ =	shalt  }
0x53: {  	_ =	shalt  }
0x54: {  	_ =	shalt  }
0x55: {  	_ =	shalt  }
0x56: {  	_ =	shalt  }
0x57: {  	_ =	shalt  }
0x58: {  	_ =	shalt  }
0x59: {  	_ =	shalt  }
0x5a: {  	_ =	shalt  }
0x5b: {  	_ =	shalt  }
0x5c: {  	_ =	shalt  }
0x5d: {  	_ =	shalt  }
0x5e: {  	_ =	shalt  }
0x5f: {  	_ =	shalt  }
0x60: {  	_ =	shalt  }
0x61: {  	_ =	shalt  }
0x62: {  	_ =	shalt  }
0x63: {  	_ =	shalt  }
0x64: {  	_ =	shalt  }
0x65: {  	_ =	shalt  }
0x66: {  	_ =	shalt  }
0x67: {  	_ =	shalt  }
0x68: {  	_ =	shalt  }
0x69: {  	_ =	shalt  }
0x6a: {  	_ =	shalt  }
0x6b: {  	_ =	shalt  }
0x6c: {  	_ =	shalt  }
0x6d: {  	_ =	shalt  }
0x6e: {  	_ =	shalt  }
0x6f: {  	_ =	shalt  }
0x70: {  	_ =	shalt  }
0x71: {  	_ =	shalt  }
0x72: {  	_ =	shalt  }
0x73: {  	_ =	shalt  }
0x74: {  	_ =	shalt  }
0x75: {  	_ =	shalt  }
0x76: {  	_ =	shalt  }
0x77: {  	_ =	shalt  }
0x78: {  	_ =	shalt  }
0x79: {  	_ =	shalt  }
0x7a: {  	_ =	shalt  }
0x7b: {  	_ =	shalt  }
0x7c: {  	_ =	shalt  }
0x7d: {  	_ =	shalt  }
0x7e: {  	_ =	shalt  }
0x7f: {  	_ =	shalt  }
0x80: {  	_ =	shalt  }
0x81: {  	_ =	shalt  }
0x82: {  	_ =	shalt  }
0x83: {  	_ =	shalt  }
0x84: {  	_ =	shalt  }
0x85: {  	_ =	shalt  }
0x86: {  	_ =	shalt  }
0x87: {  	_ =	shalt  }
.Lfunc_end0:
.L_simem_size_0:
called_computation_lowered:
.L_overlay_start_0:
0x88: {  	s2 =	sld [smem:$0x3FD9]  }
0x89: {  	s3 =	sld [smem:$0x3FFE];
	_ =	sdelay $0x1  }
0x8a: {  	s1 =	srdreg.scid  }
0x8b: {  	s0 =	sand.u32 $0x1, s1  }
0x8c: {  	s17 =	sshll.u32 s0, $0xA;
	s2 =	sadd.s32 s3, s2  }
0x8d: {  	s2 =	sadd.s32 s2, s17  }
0x8e: {  	[smem:$0x3FBE] =	sst s2  }
0x8f: {  	_ = 	snop  }
0x90: {  	s2 =	sld [smem:$0x3FD0];
	(tm) =	ssettm $0x1  }
0x91: {  	s18 =	sld [smem:$0x3FFB];
	_ =	sdelay $0x3  }
0x92: {  	_ =	strace s18  }
0x93: {  	s3 =	sld [smem:$0x3FFC];
	_ =	sdelay $0x3  }
0x94: {  	_ =	strace s3  }
0x95: {  	s3 =	sld [smem:$0x3FFD];
	_ =	sdelay $0x3  }
0x96: {  	_ =	strace s3  }
0x97: {  	_ =	strace $0x8FFFFFFF  }
0x98: {  	s19 =	sld [smem:$0x3FDB];
	_ =	sdelay $0x1  }
0x99: {  	s4 =	simm.s32 $_scs_section_size  }
0x9a: {  	s5 =	simm.s32 $_size__tile_overlayer_lowered;
	s6 =	simm.s32 $_tile_overlayer_lowered  }
0x9b: {  	s22 =	simm.s32 $0x1BFF;
	s21 =	sshll.u32 s6, $0x1;
	s3 =	sadd.s32 s4, s19  }
0x9c: {  	s7 =	simm.s32 $0x0;
	s20 =	sshll.u32 s5, $0x1;
	s5 =	sadd.s32 s21, s3  }
0x9d: {  	[timem:s7], [sflag:s22] =	dma.local [hbm:s5], s20  }
0x9e: {  	_ =	swait.ge [sflag:s22], s20  }
0x9f: {  	s4 =	ssub.s32 $0x0, s20;
	[sflag:s22] =	ssyncset.done $0x0  }
0xa0: {  	[sflag:s22] =	ssyncadd.s32 s4;
	_ =	sdelay $0x1  }
0xa1: {  	s23 =	simm.s32 $0x1B8B  }
0xa2: {  	_ =	swait.ge [sflag:s23], $0x1  }
0xa3: {  	[sflag:s23] =	ssyncset.done $0x0  }
0xa4: {  	s25 =	simm.s32 $0x1B8E;
	s24 =	sld [smem:$0x3FFE];
	[sflag:s23] =	ssyncadd.s32 $0xFFFFFFFF  }
0xa5: {  	s26 =	simm.s32 $execute0_lowered;
	[smem:$0x3FD2] =	sst s25  }
0xa6: {  	s5 =	sshll.u32 s26, $0x1;
	_ =	strace $0x80000046;
	[dreg:$0x1] =	wrdreg $0xFFFFFFFF  }
0xa7: {  	s28 =	simm.s32 $_size_execute0_lowered;
	s3 =	sadd.s32 s3, s5;
	[dreg:$0x0] =	wrdreg $0x0  }
0xa8: {  	s5 =	sshll.u32 s28, $0x1;
	[dreg:$0x2] =	wrdreg s3  }
0xa9: {  	[dreg:$0x3] =	wrdreg s5  }
0xaa: {  	[dreg:$0x4] =	wrdreg $0xC0  }
0xab: {  	_ =	task [dreg:s7], $0x5FFFF  }
0xac: {  	[dreg:$0x1] =	wrdreg $0xFFFFFFFF  }
0xad: {  	[dreg:$0x0] =	wrdreg $0x60  }
0xae: {  	[dreg:$0x2] =	wrdreg s2  }
0xaf: {  	[dreg:$0x3] =	wrdreg s24  }
0xb0: {  	[dreg:$0x4] =	wrdreg $0x34000  }
0xb1: {  	[dreg:$0x5] =	wrdreg $0x9  }
0xb2: {  	_ =	task.clear_ibuf [dreg:s7], $0x6FFFF;
	_ =	strace $0x90000046  }
0xb3: {  	s29 =	simm.s32 $0x9;
	_ =	strace $0x80000048  }
0xb4: {  	_ =	swait.ge [sflag:s29], $0x1  }
0xb5: {  	[sflag:s29] =	ssyncadd.s32 $0xFFFFFFFF  }
0xb6: {  	_ =	strace $0x90000048  }
0xb7: {  	_ =	sfence  }
0xb8: {  	s30 =	sld [smem:$0x0];
	_ =	sdelay $0x2  }
0xb9: {  	s31 =	sshll.u32 s1, $0xD;
	s1 =	sshrl.u32 s1, $0x2  }
0xba: {  	s3 =	sand.u32 $0x4000, s31;
	s1 =	sadd.s32 s1, s30  }
0xbb: {  	s0 =	sor.u32 s3, s0;
	s1 =	sshll.u32 s1, $0x11  }
0xbc: {  	s0 =	sor.u32 s1, s0  }
0xbd: {  	s0 =	sadd.s32 $0x8F2B, s0  }
0xbe: {  	[sflag:s0] =	ssyncadd.remote.s32 $0x1  }
0xbf: {  	_ =	sfence.sel $0xFFFF  }
0xc0: {  	[dreg:$0x0] =	wrdreg $0xFFFFFFFF;
	(pc) =	sbr.abs _section_cstart, $3  }
0xc1: {  	[dreg:$0x1] =	wrdreg $0xFFFFFFFF  }
0xc2: {  	_ =	task.clear_ibuf [dreg:s7], $0x2FFFF;
	_ =	strace $0x9FFFFFFF  }
0xc3: {  	(tm) =	ssettm $0x7FFFFFFF  }
tec
execute0_lowered:
.L_overlay_start_1:
0x0: {  	(tag) =	ssettag $0x1  }
0x1: {  	s0 =	rddreg [dreg:$0x0]  }
0x2: {  	s1 =	rddreg [dreg:$0x1];
	s3 =	srdreg.scid  }
0x3: {  	s2 =	rddreg [dreg:$0x2];
	s11 =	stileid.u32  }
0x4: {  	s12 =	simm.s32 $0xB00;
	s28 =	simm.s32 $0x1080;
	s29 =	simm.s32 $0x1100  }
0x5: {  	s30 =	simm.s32 $0x1180;
	s31 =	simm.s32 $0x1200;
	s4 =	sand.u32 $0x1, s3  }
0x6: {  	s3 =	simm.s32 $0x0;
	s6 =	smul.u32 $0x14000, s11;
	s7 =	sadd.s32 $0x3000, s1  }
0x7: {  	s13 =	sadd.s32 $0x3400, s1;
	s14 =	sshll.u32 s11, $0x1;
	s16 =	smul.u32 $0x50000, s11  }
0x8: {  	p0 =	slt.u32 s11, $0x8;
	s21 =	sshll.u32 s11, $0x6;
	s11 =	simm.s32 $0xA80  }
0x9: {  	s5 =	smul.u32 $0x140000, s4;
	[smem:$0x7FF] =	sst s3;
	s15 =	ssub.s32 $0x2, s4  }
0xa: {  	s4 =	sor.u32 s4, s14;
	_ =	strace $0x80000047;
	[dreg:$0x4] =	wrdreg s7  }
0xb: {  	[dreg:$0x5] =	wrdreg s13;
	s8 =	sshrl.u32 s15, $0x1;
	s9 =	smin.u32 s4, $0x10  }
0xc: {  	s10 =	smul.u32 $0x4C00, s4;
	p1 =	seq.s32 s4, $0x1F;
	s13 =	simm.s32 $0xB80  }
0xd: {  	s4 =	simm.s32 $0x1380;
	s5 =	sadd.s32 s6, s5;
	s17 =	ssub.s32 s15, s8  }
0xe: {  	s18 =	sshll.u32 s9, $0xA;
	s6 =	sshrl.u32 s16, $0x2;
	s15 =	simm.s32 $0x2  }
0xf: {  	s16 =	simm.s32 $0x1400;
	s8 =	simm.s32 $0x0;
	s5 =	sshrl.u32 s5, $0x3  }
0x10: {  	s7 =	sadd.s32 s10, s18;
	s19 =	sadd.s32 s6, s2;
	s6 =	simm.s32 $0x28  }
0x11: {  	s26 =	smax.u32 s17, $0x1;
	s17 =	simm.s32 $0x40;
	s10 =	simm.s32 $0x80  }
0x12: {  	s18 =	simm.s32 $0xC00;
	s1 =	sadd.s32 s5, s1;
	s20 =	sshrl.u32 s7, $0x3  }
0x13: {  	s7 =	sor.u32 $0x1C02, s21;
	s6 =	simm.s32 @!p1 $0x20;
	[dreg:$0xb] =	wrdreg s26  }
0x14: {  	s14 =	sshrl.u32 s19, $0x3;
	s19 =	simm.s32 $0xC80;
	s21 =	simm.s32 $0xD80  }
0x15: {  	s26 =	simm.s32 $0x1000;
	s0 =	sadd.s32 s0, s20;
	s25 =	sadd.s32 $0x5C00, s1  }
0x16: {  	s5 =	simm.s32 $0x1;
	s22 =	sadd.s32 $0x13880, s0;
	[dreg:$0xa] =	wrdreg s25  }
0x17: {  	s6 =	simm.s32 @p0 $0x28;
	s23 =	sadd.s32 $0x13B00, s0;
	[dreg:$0x6] =	wrdreg s22  }
0x18: {  	s20 =	simm.s32 $0xD00;
	s24 =	sadd.s32 $0x13D80, s0;
	[dreg:$0x7] =	wrdreg s23  }
0x19: {  	s1 =	simm.s32 $0x1300;
	s0 =	sadd.s32 $0x14000, s0;
	[dreg:$0x8] =	wrdreg s24  }
0x1a: {  	s25 =	simm.s32 $0xF80;
	[dreg:$0x9] =	wrdreg s0;
	s22 =	simm.s32 $0xE00  }
0x1b: {  	s23 =	simm.s32 $0xE80;
	s24 =	simm.s32 $0xF00;
	s0 =	simm.s32 $0x1280  }
.LBB2_1:
0x1c: {  	s9 =	rddreg [dreg:$0x5]  }
0x1d: {  	[spmem:s14], [sflag:s7] =	dma.local [hbm:s9], $0x2800  }
0x1e: {  	_ =	swait.ge [sflag:s15], $0x2800  }
0x1f: {  	[sflag:s15] =	ssyncset.done $0x0  }
0x20: {  	s9 =	rddreg [dreg:$0x4];
	[sflag:s15] =	ssyncadd.s32 $0xFFFFD800  }
0x21: {  	[tilespmem:s16], [sflag:$0x2] =	stream.linear.gather [hbm4b:s9+s3], $0x2000, $0x38;
	[tilespmem:$0x17400] =	vst v63  }
0x22: {  	_ =	swait.ge [sflag:s15], $0x2000  }
0x23: {  	[sflag:s15] =	ssyncset.done $0x0  }
0x24: {  	[sflag:s15] =	ssyncadd.s32 $0xFFFFE000  }
0x25: {  	[bflag:$0x0] =	sbarrier.arrive $0xFFFF  }
0x26: {  	s9 =	rddreg [dreg:$0x6]  }
0x27: {  	[tilespmem:s3], [sflag:$0x2] =	stream.linear.gather [hbm4b:s9+s3], $0x1400, $0x38;
	[tilespmem:$0x17400] =	vst v63  }
0x28: {  	_ =	swait.ge [sflag:s15], $0x1400  }
0x29: {  	[sflag:s15] =	ssyncset.done $0x0  }
0x2a: {  	[sflag:s15] =	ssyncadd.s32 $0xFFFFEC00  }
0x2b: {  	[spmem:s2] =	stream.indirect.scatter.add.f32 [tilespmem:s16], [sflag:$0x1], $0x80, s3, s17, $0xb8;
	[tilespmem:$0x17400] =	vst v63  }
0x2c: {  	_ = 	snop  }
0x2d: {  	[spmem:s2] =	stream.indirect.scatter.add.f32 [tilespmem:s16], [sflag:$0x1], $0x80, s10, s17, $0xb8;
	[tilespmem:$0x17400] =	vst v63  }
0x2e: {  	s9 =	simm.s32 $0x100  }
0x2f: {  	[spmem:s2] =	stream.indirect.scatter.add.f32 [tilespmem:s16], [sflag:$0x1], $0x80, s9, s17, $0xb8;
	[tilespmem:$0x17400] =	vst v63  }
0x30: {  	s9 =	simm.s32 $0x180  }
0x31: {  	[spmem:s2] =	stream.indirect.scatter.add.f32 [tilespmem:s16], [sflag:$0x1], $0x80, s9, s17, $0xb8;
	[tilespmem:$0x17400] =	vst v63  }
0x32: {  	s9 =	simm.s32 $0x200  }
0x33: {  	[spmem:s2] =	stream.indirect.scatter.add.f32 [tilespmem:s16], [sflag:$0x1], $0x80, s9, s17, $0xb8;
	[tilespmem:$0x17400] =	vst v63  }
0x34: {  	s9 =	simm.s32 $0x280  }
0x35: {  	[spmem:s2] =	stream.indirect.scatter.add.f32 [tilespmem:s16], [sflag:$0x1], $0x80, s9, s17, $0xb8;
	[tilespmem:$0x17400] =	vst v63  }
0x36: {  	s9 =	simm.s32 $0x300  }
0x37: {  	[spmem:s2] =	stream.indirect.scatter.add.f32 [tilespmem:s16], [sflag:$0x1], $0x80, s9, s17, $0xb8;
	[tilespmem:$0x17400] =	vst v63  }
0x38: {  	s9 =	simm.s32 $0x380  }
0x39: {  	[spmem:s2] =	stream.indirect.scatter.add.f32 [tilespmem:s16], [sflag:$0x1], $0x80, s9, s17, $0xb8;
	[tilespmem:$0x17400] =	vst v63  }
0x3a: {  	s9 =	simm.s32 $0x400  }
0x3b: {  	[spmem:s2] =	stream.indirect.scatter.add.f32 [tilespmem:s16], [sflag:$0x1], $0x80, s9, s17, $0xb8;
	[tilespmem:$0x17400] =	vst v63  }
0x3c: {  	s9 =	simm.s32 $0x480  }
0x3d: {  	[spmem:s2] =	stream.indirect.scatter.add.f32 [tilespmem:s16], [sflag:$0x1], $0x80, s9, s17, $0xb8;
	[tilespmem:$0x17400] =	vst v63  }
0x3e: {  	s9 =	simm.s32 $0x500  }
0x3f: {  	[spmem:s2] =	stream.indirect.scatter.add.f32 [tilespmem:s16], [sflag:$0x1], $0x80, s9, s17, $0xb8;
	[tilespmem:$0x17400] =	vst v63  }
0x40: {  	s9 =	simm.s32 $0x580  }
0x41: {  	[spmem:s2] =	stream.indirect.scatter.add.f32 [tilespmem:s16], [sflag:$0x1], $0x80, s9, s17, $0xb8;
	[tilespmem:$0x17400] =	vst v63  }
0x42: {  	s9 =	simm.s32 $0x600  }
0x43: {  	[spmem:s2] =	stream.indirect.scatter.add.f32 [tilespmem:s16], [sflag:$0x1], $0x80, s9, s17, $0xb8;
	[tilespmem:$0x17400] =	vst v63  }
0x44: {  	s9 =	simm.s32 $0x680  }
0x45: {  	[spmem:s2] =	stream.indirect.scatter.add.f32 [tilespmem:s16], [sflag:$0x1], $0x80, s9, s17, $0xb8;
	[tilespmem:$0x17400] =	vst v63  }
0x46: {  	s9 =	simm.s32 $0x700  }
0x47: {  	[spmem:s2] =	stream.indirect.scatter.add.f32 [tilespmem:s16], [sflag:$0x1], $0x80, s9, s17, $0xb8;
	[tilespmem:$0x17400] =	vst v63  }
0x48: {  	s9 =	simm.s32 $0x780  }
0x49: {  	[spmem:s2] =	stream.indirect.scatter.add.f32 [tilespmem:s16], [sflag:$0x1], $0x80, s9, s17, $0xb8;
	[tilespmem:$0x17400] =	vst v63  }
0x4a: {  	s9 =	simm.s32 $0x800  }
0x4b: {  	[spmem:s2] =	stream.indirect.scatter.add.f32 [tilespmem:s16], [sflag:$0x1], $0x80, s9, s17, $0xb8;
	[tilespmem:$0x17400] =	vst v63  }
0x4c: {  	s9 =	simm.s32 $0x880  }
0x4d: {  	[spmem:s2] =	stream.indirect.scatter.add.f32 [tilespmem:s16], [sflag:$0x1], $0x80, s9, s17, $0xb8;
	[tilespmem:$0x17400] =	vst v63  }
0x4e: {  	s9 =	simm.s32 $0x900  }
0x4f: {  	[spmem:s2] =	stream.indirect.scatter.add.f32 [tilespmem:s16], [sflag:$0x1], $0x80, s9, s17, $0xb8;
	[tilespmem:$0x17400] =	vst v63  }
0x50: {  	s9 =	simm.s32 $0x980  }
0x51: {  	[spmem:s2] =	stream.indirect.scatter.add.f32 [tilespmem:s16], [sflag:$0x1], $0x80, s9, s17, $0xb8;
	[tilespmem:$0x17400] =	vst v63  }
0x52: {  	s9 =	simm.s32 $0xA00  }
0x53: {  	[spmem:s2] =	stream.indirect.scatter.add.f32 [tilespmem:s16], [sflag:$0x1], $0x80, s9, s17, $0xb8;
	[tilespmem:$0x17400] =	vst v63  }
0x54: {  	_ = 	snop  }
0x55: {  	[spmem:s2] =	stream.indirect.scatter.add.f32 [tilespmem:s16], [sflag:$0x1], $0x80, s11, s17, $0xb8;
	[tilespmem:$0x17400] =	vst v63  }
0x56: {  	_ = 	snop  }
0x57: {  	[spmem:s2] =	stream.indirect.scatter.add.f32 [tilespmem:s16], [sflag:$0x1], $0x80, s12, s17, $0xb8;
	[tilespmem:$0x17400] =	vst v63  }
0x58: {  	_ = 	snop  }
0x59: {  	[spmem:s2] =	stream.indirect.scatter.add.f32 [tilespmem:s16], [sflag:$0x1], $0x80, s13, s17, $0xb8;
	[tilespmem:$0x17400] =	vst v63  }
0x5a: {  	_ = 	snop  }
0x5b: {  	[spmem:s2] =	stream.indirect.scatter.add.f32 [tilespmem:s16], [sflag:$0x1], $0x80, s18, s17, $0xb8;
	[tilespmem:$0x17400] =	vst v63  }
0x5c: {  	_ = 	snop  }
0x5d: {  	[spmem:s2] =	stream.indirect.scatter.add.f32 [tilespmem:s16], [sflag:$0x1], $0x80, s19, s17, $0xb8;
	[tilespmem:$0x17400] =	vst v63  }
0x5e: {  	_ = 	snop  }
0x5f: {  	[spmem:s2] =	stream.indirect.scatter.add.f32 [tilespmem:s16], [sflag:$0x1], $0x80, s20, s17, $0xb8;
	[tilespmem:$0x17400] =	vst v63  }
0x60: {  	_ = 	snop  }
0x61: {  	[spmem:s2] =	stream.indirect.scatter.add.f32 [tilespmem:s16], [sflag:$0x1], $0x80, s21, s17, $0xb8;
	[tilespmem:$0x17400] =	vst v63  }
0x62: {  	_ = 	snop  }
0x63: {  	[spmem:s2] =	stream.indirect.scatter.add.f32 [tilespmem:s16], [sflag:$0x1], $0x80, s22, s17, $0xb8;
	[tilespmem:$0x17400] =	vst v63  }
0x64: {  	_ = 	snop  }
0x65: {  	[spmem:s2] =	stream.indirect.scatter.add.f32 [tilespmem:s16], [sflag:$0x1], $0x80, s23, s17, $0xb8;
	[tilespmem:$0x17400] =	vst v63  }
0x66: {  	_ = 	snop  }
0x67: {  	[spmem:s2] =	stream.indirect.scatter.add.f32 [tilespmem:s16], [sflag:$0x1], $0x80, s24, s17, $0xb8;
	[tilespmem:$0x17400] =	vst v63  }
0x68: {  	_ = 	snop  }
0x69: {  	[spmem:s2] =	stream.indirect.scatter.add.f32 [tilespmem:s16], [sflag:$0x1], $0x80, s25, s17, $0xb8;
	[tilespmem:$0x17400] =	vst v63  }
0x6a: {  	_ = 	snop  }
0x6b: {  	[spmem:s2] =	stream.indirect.scatter.add.f32 [tilespmem:s16], [sflag:$0x1], $0x80, s26, s17, $0xb8;
	[tilespmem:$0x17400] =	vst v63  }
0x6c: {  	_ = 	snop  }
0x6d: {  	[spmem:s2] =	stream.indirect.scatter.add.f32 [tilespmem:s16], [sflag:$0x1], $0x80, s28, s17, $0xb8;
	[tilespmem:$0x17400] =	vst v63  }
0x6e: {  	_ = 	snop  }
0x6f: {  	[spmem:s2] =	stream.indirect.scatter.add.f32 [tilespmem:s16], [sflag:$0x1], $0x80, s29, s17, $0xb8;
	[tilespmem:$0x17400] =	vst v63  }
0x70: {  	_ = 	snop  }
0x71: {  	[spmem:s2] =	stream.indirect.scatter.add.f32 [tilespmem:s16], [sflag:$0x1], $0x80, s30, s17, $0xb8;
	[tilespmem:$0x17400] =	vst v63  }
0x72: {  	_ = 	snop  }
0x73: {  	[spmem:s2] =	stream.indirect.scatter.add.f32 [tilespmem:s16], [sflag:$0x1], $0x80, s31, s17, $0xb8;
	[tilespmem:$0x17400] =	vst v63  }
0x74: {  	_ = 	snop  }
0x75: {  	[spmem:s2] =	stream.indirect.scatter.add.f32 [tilespmem:s16], [sflag:$0x1], $0x80, s0, s17, $0xb8;
	[tilespmem:$0x17400] =	vst v63  }
0x76: {  	_ = 	snop  }
0x77: {  	[spmem:s2] =	stream.indirect.scatter.add.f32 [tilespmem:s16], [sflag:$0x1], $0x80, s1, s17, $0xb8;
	[tilespmem:$0x17400] =	vst v63  }
0x78: {  	_ = 	snop  }
0x79: {  	[spmem:s2] =	stream.indirect.scatter.add.f32 [tilespmem:s16], [sflag:$0x1], $0x80, s4, s17, $0xb8;
	[tilespmem:$0x17400] =	vst v63  }
0x7a: {  	_ =	swait.ge [sflag:s5], $0x2000  }
0x7b: {  	s9 =	simm.s32 $0x27;
	[sflag:s5] =	ssyncset.done $0x0  }
.LBB2_2:
0x7c: {  	p0 =	sne.s32 s9, $0x1;
	s9 =	sadd.s32 $0xFFFFFFFF, s9;
	[sflag:s5] =	ssyncadd.s32 $0xFFFFE000  }
.Ltmp0:
0x7d: {  	(pc) =	sbr.rel @p0 .LBB2_2-.Ltmp0, $3  }
0x7e: {  	_ =	sdelay $0x1  }
0x7f: {  	_ =	swait.ge [sflag:s5], $0x2000  }
0x80: {  	[sflag:s5] =	ssyncset.done $0x0  }
0x81: {  	[sflag:s5] =	ssyncadd.s32 $0xFFFFE000;
	s9 =	rddreg [dreg:$0x7]  }
0x82: {  	[tilespmem:s3], [sflag:$0x2] =	stream.linear.gather [hbm4b:s9+s3], $0x1400, $0x38;
	[tilespmem:$0x17400] =	vst v63  }
0x83: {  	_ =	swait.ge [sflag:s15], $0x1400  }
0x84: {  	[sflag:s15] =	ssyncset.done $0x0  }
0x85: {  	[sflag:s15] =	ssyncadd.s32 $0xFFFFEC00  }
0x86: {  	[spmem:s2] =	stream.indirect.scatter.add.f32 [tilespmem:s16], [sflag:$0x1], $0x80, s3, s17, $0xb8;
	[tilespmem:$0x17400] =	vst v63  }
0x87: {  	_ = 	snop  }
0x88: {  	[spmem:s2] =	stream.indirect.scatter.add.f32 [tilespmem:s16], [sflag:$0x1], $0x80, s10, s17, $0xb8;
	[tilespmem:$0x17400] =	vst v63  }
0x89: {  	s9 =	simm.s32 $0x100  }
0x8a: {  	[spmem:s2] =	stream.indirect.scatter.add.f32 [tilespmem:s16], [sflag:$0x1], $0x80, s9, s17, $0xb8;
	[tilespmem:$0x17400] =	vst v63  }
0x8b: {  	s9 =	simm.s32 $0x180  }
0x8c: {  	[spmem:s2] =	stream.indirect.scatter.add.f32 [tilespmem:s16], [sflag:$0x1], $0x80, s9, s17, $0xb8;
	[tilespmem:$0x17400] =	vst v63  }
0x8d: {  	s9 =	simm.s32 $0x200  }
0x8e: {  	[spmem:s2] =	stream.indirect.scatter.add.f32 [tilespmem:s16], [sflag:$0x1], $0x80, s9, s17, $0xb8;
	[tilespmem:$0x17400] =	vst v63  }
0x8f: {  	s9 =	simm.s32 $0x280  }
0x90: {  	[spmem:s2] =	stream.indirect.scatter.add.f32 [tilespmem:s16], [sflag:$0x1], $0x80, s9, s17, $0xb8;
	[tilespmem:$0x17400] =	vst v63  }
0x91: {  	s9 =	simm.s32 $0x300  }
0x92: {  	[spmem:s2] =	stream.indirect.scatter.add.f32 [tilespmem:s16], [sflag:$0x1], $0x80, s9, s17, $0xb8;
	[tilespmem:$0x17400] =	vst v63  }
0x93: {  	s9 =	simm.s32 $0x380  }
0x94: {  	[spmem:s2] =	stream.indirect.scatter.add.f32 [tilespmem:s16], [sflag:$0x1], $0x80, s9, s17, $0xb8;
	[tilespmem:$0x17400] =	vst v63  }
0x95: {  	s9 =	simm.s32 $0x400  }
0x96: {  	[spmem:s2] =	stream.indirect.scatter.add.f32 [tilespmem:s16], [sflag:$0x1], $0x80, s9, s17, $0xb8;
	[tilespmem:$0x17400] =	vst v63  }
0x97: {  	s9 =	simm.s32 $0x480  }
0x98: {  	[spmem:s2] =	stream.indirect.scatter.add.f32 [tilespmem:s16], [sflag:$0x1], $0x80, s9, s17, $0xb8;
	[tilespmem:$0x17400] =	vst v63  }
0x99: {  	s9 =	simm.s32 $0x500  }
0x9a: {  	[spmem:s2] =	stream.indirect.scatter.add.f32 [tilespmem:s16], [sflag:$0x1], $0x80, s9, s17, $0xb8;
	[tilespmem:$0x17400] =	vst v63  }
0x9b: {  	s9 =	simm.s32 $0x580  }
0x9c: {  	[spmem:s2] =	stream.indirect.scatter.add.f32 [tilespmem:s16], [sflag:$0x1], $0x80, s9, s17, $0xb8;
	[tilespmem:$0x17400] =	vst v63  }
0x9d: {  	s9 =	simm.s32 $0x600  }
0x9e: {  	[spmem:s2] =	stream.indirect.scatter.add.f32 [tilespmem:s16], [sflag:$0x1], $0x80, s9, s17, $0xb8;
	[tilespmem:$0x17400] =	vst v63  }
0x9f: {  	s9 =	simm.s32 $0x680  }
0xa0: {  	[spmem:s2] =	stream.indirect.scatter.add.f32 [tilespmem:s16], [sflag:$0x1], $0x80, s9, s17, $0xb8;
	[tilespmem:$0x17400] =	vst v63  }
0xa1: {  	s9 =	simm.s32 $0x700  }
0xa2: {  	[spmem:s2] =	stream.indirect.scatter.add.f32 [tilespmem:s16], [sflag:$0x1], $0x80, s9, s17, $0xb8;
	[tilespmem:$0x17400] =	vst v63  }
0xa3: {  	s9 =	simm.s32 $0x780  }
0xa4: {  	[spmem:s2] =	stream.indirect.scatter.add.f32 [tilespmem:s16], [sflag:$0x1], $0x80, s9, s17, $0xb8;
	[tilespmem:$0x17400] =	vst v63  }
0xa5: {  	s9 =	simm.s32 $0x800  }
0xa6: {  	[spmem:s2] =	stream.indirect.scatter.add.f32 [tilespmem:s16], [sflag:$0x1], $0x80, s9, s17, $0xb8;
	[tilespmem:$0x17400] =	vst v63  }
0xa7: {  	s9 =	simm.s32 $0x880  }
0xa8: {  	[spmem:s2] =	stream.indirect.scatter.add.f32 [tilespmem:s16], [sflag:$0x1], $0x80, s9, s17, $0xb8;
	[tilespmem:$0x17400] =	vst v63  }
0xa9: {  	s9 =	simm.s32 $0x900  }
0xaa: {  	[spmem:s2] =	stream.indirect.scatter.add.f32 [tilespmem:s16], [sflag:$0x1], $0x80, s9, s17, $0xb8;
	[tilespmem:$0x17400] =	vst v63  }
0xab: {  	s9 =	simm.s32 $0x980  }
0xac: {  	[spmem:s2] =	stream.indirect.scatter.add.f32 [tilespmem:s16], [sflag:$0x1], $0x80, s9, s17, $0xb8;
	[tilespmem:$0x17400] =	vst v63  }
0xad: {  	s9 =	simm.s32 $0xA00  }
0xae: {  	[spmem:s2] =	stream.indirect.scatter.add.f32 [tilespmem:s16], [sflag:$0x1], $0x80, s9, s17, $0xb8;
	[tilespmem:$0x17400] =	vst v63  }
0xaf: {  	_ = 	snop  }
0xb0: {  	[spmem:s2] =	stream.indirect.scatter.add.f32 [tilespmem:s16], [sflag:$0x1], $0x80, s11, s17, $0xb8;
	[tilespmem:$0x17400] =	vst v63  }
0xb1: {  	_ = 	snop  }
0xb2: {  	[spmem:s2] =	stream.indirect.scatter.add.f32 [tilespmem:s16], [sflag:$0x1], $0x80, s12, s17, $0xb8;
	[tilespmem:$0x17400] =	vst v63  }
0xb3: {  	_ = 	snop  }
0xb4: {  	[spmem:s2] =	stream.indirect.scatter.add.f32 [tilespmem:s16], [sflag:$0x1], $0x80, s13, s17, $0xb8;
	[tilespmem:$0x17400] =	vst v63  }
0xb5: {  	_ = 	snop  }
0xb6: {  	[spmem:s2] =	stream.indirect.scatter.add.f32 [tilespmem:s16], [sflag:$0x1], $0x80, s18, s17, $0xb8;
	[tilespmem:$0x17400] =	vst v63  }
0xb7: {  	_ = 	snop  }
0xb8: {  	[spmem:s2] =	stream.indirect.scatter.add.f32 [tilespmem:s16], [sflag:$0x1], $0x80, s19, s17, $0xb8;
	[tilespmem:$0x17400] =	vst v63  }
0xb9: {  	_ = 	snop  }
0xba: {  	[spmem:s2] =	stream.indirect.scatter.add.f32 [tilespmem:s16], [sflag:$0x1], $0x80, s20, s17, $0xb8;
	[tilespmem:$0x17400] =	vst v63  }
0xbb: {  	_ = 	snop  }
0xbc: {  	[spmem:s2] =	stream.indirect.scatter.add.f32 [tilespmem:s16], [sflag:$0x1], $0x80, s21, s17, $0xb8;
	[tilespmem:$0x17400] =	vst v63  }
0xbd: {  	_ = 	snop  }
0xbe: {  	[spmem:s2] =	stream.indirect.scatter.add.f32 [tilespmem:s16], [sflag:$0x1], $0x80, s22, s17, $0xb8;
	[tilespmem:$0x17400] =	vst v63  }
0xbf: {  	_ = 	snop  }
0xc0: {  	[spmem:s2] =	stream.indirect.scatter.add.f32 [tilespmem:s16], [sflag:$0x1], $0x80, s23, s17, $0xb8;
	[tilespmem:$0x17400] =	vst v63  }
0xc1: {  	_ = 	snop  }
0xc2: {  	[spmem:s2] =	stream.indirect.scatter.add.f32 [tilespmem:s16], [sflag:$0x1], $0x80, s24, s17, $0xb8;
	[tilespmem:$0x17400] =	vst v63  }
0xc3: {  	_ = 	snop  }
0xc4: {  	[spmem:s2] =	stream.indirect.scatter.add.f32 [tilespmem:s16], [sflag:$0x1], $0x80, s25, s17, $0xb8;
	[tilespmem:$0x17400] =	vst v63  }
0xc5: {  	_ = 	snop  }
0xc6: {  	[spmem:s2] =	stream.indirect.scatter.add.f32 [tilespmem:s16], [sflag:$0x1], $0x80, s26, s17, $0xb8;
	[tilespmem:$0x17400] =	vst v63  }
0xc7: {  	_ = 	snop  }
0xc8: {  	[spmem:s2] =	stream.indirect.scatter.add.f32 [tilespmem:s16], [sflag:$0x1], $0x80, s28, s17, $0xb8;
	[tilespmem:$0x17400] =	vst v63  }
0xc9: {  	_ = 	snop  }
0xca: {  	[spmem:s2] =	stream.indirect.scatter.add.f32 [tilespmem:s16], [sflag:$0x1], $0x80, s29, s17, $0xb8;
	[tilespmem:$0x17400] =	vst v63  }
0xcb: {  	_ = 	snop  }
0xcc: {  	[spmem:s2] =	stream.indirect.scatter.add.f32 [tilespmem:s16], [sflag:$0x1], $0x80, s30, s17, $0xb8;
	[tilespmem:$0x17400] =	vst v63  }
0xcd: {  	_ = 	snop  }
0xce: {  	[spmem:s2] =	stream.indirect.scatter.add.f32 [tilespmem:s16], [sflag:$0x1], $0x80, s31, s17, $0xb8;
	[tilespmem:$0x17400] =	vst v63  }
0xcf: {  	_ = 	snop  }
0xd0: {  	[spmem:s2] =	stream.indirect.scatter.add.f32 [tilespmem:s16], [sflag:$0x1], $0x80, s0, s17, $0xb8;
	[tilespmem:$0x17400] =	vst v63  }
0xd1: {  	_ = 	snop  }
0xd2: {  	[spmem:s2] =	stream.indirect.scatter.add.f32 [tilespmem:s16], [sflag:$0x1], $0x80, s1, s17, $0xb8;
	[tilespmem:$0x17400] =	vst v63  }
0xd3: {  	_ = 	snop  }
0xd4: {  	[spmem:s2] =	stream.indirect.scatter.add.f32 [tilespmem:s16], [sflag:$0x1], $0x80, s4, s17, $0xb8;
	[tilespmem:$0x17400] =	vst v63  }
0xd5: {  	_ =	swait.ge [sflag:s5], $0x2000  }
0xd6: {  	s9 =	simm.s32 $0x27;
	[sflag:s5] =	ssyncset.done $0x0  }
.LBB2_4:
0xd7: {  	p0 =	sne.s32 s9, $0x1;
	s9 =	sadd.s32 $0xFFFFFFFF, s9;
	[sflag:s5] =	ssyncadd.s32 $0xFFFFE000  }
.Ltmp1:
0xd8: {  	(pc) =	sbr.rel @p0 .LBB2_4-.Ltmp1, $3  }
0xd9: {  	_ =	sdelay $0x1  }
0xda: {  	_ =	swait.ge [sflag:s5], $0x2000  }
0xdb: {  	[sflag:s5] =	ssyncset.done $0x0  }
0xdc: {  	[sflag:s5] =	ssyncadd.s32 $0xFFFFE000;
	s9 =	rddreg [dreg:$0x8]  }
0xdd: {  	[tilespmem:s3], [sflag:$0x2] =	stream.linear.gather [hbm4b:s9+s3], $0x1400, $0x38;
	[tilespmem:$0x17400] =	vst v63  }
0xde: {  	_ =	swait.ge [sflag:s15], $0x1400  }
0xdf: {  	[sflag:s15] =	ssyncset.done $0x0  }
0xe0: {  	[sflag:s15] =	ssyncadd.s32 $0xFFFFEC00  }
0xe1: {  	[spmem:s2] =	stream.indirect.scatter.add.f32 [tilespmem:s16], [sflag:$0x1], $0x80, s3, s17, $0xb8;
	[tilespmem:$0x17400] =	vst v63  }
0xe2: {  	_ = 	snop  }
0xe3: {  	[spmem:s2] =	stream.indirect.scatter.add.f32 [tilespmem:s16], [sflag:$0x1], $0x80, s10, s17, $0xb8;
	[tilespmem:$0x17400] =	vst v63  }
0xe4: {  	s10 =	simm.s32 $0x100  }
0xe5: {  	[spmem:s2] =	stream.indirect.scatter.add.f32 [tilespmem:s16], [sflag:$0x1], $0x80, s10, s17, $0xb8;
	[tilespmem:$0x17400] =	vst v63  }
0xe6: {  	s10 =	simm.s32 $0x180  }
0xe7: {  	[spmem:s2] =	stream.indirect.scatter.add.f32 [tilespmem:s16], [sflag:$0x1], $0x80, s10, s17, $0xb8;
	[tilespmem:$0x17400] =	vst v63  }
0xe8: {  	s10 =	simm.s32 $0x200  }
0xe9: {  	[spmem:s2] =	stream.indirect.scatter.add.f32 [tilespmem:s16], [sflag:$0x1], $0x80, s10, s17, $0xb8;
	[tilespmem:$0x17400] =	vst v63  }
0xea: {  	s10 =	simm.s32 $0x280  }
0xeb: {  	[spmem:s2] =	stream.indirect.scatter.add.f32 [tilespmem:s16], [sflag:$0x1], $0x80, s10, s17, $0xb8;
	[tilespmem:$0x17400] =	vst v63  }
0xec: {  	s10 =	simm.s32 $0x300  }
0xed: {  	[spmem:s2] =	stream.indirect.scatter.add.f32 [tilespmem:s16], [sflag:$0x1], $0x80, s10, s17, $0xb8;
	[tilespmem:$0x17400] =	vst v63  }
0xee: {  	s10 =	simm.s32 $0x380  }
0xef: {  	[spmem:s2] =	stream.indirect.scatter.add.f32 [tilespmem:s16], [sflag:$0x1], $0x80, s10, s17, $0xb8;
	[tilespmem:$0x17400] =	vst v63  }
0xf0: {  	s10 =	simm.s32 $0x400  }
0xf1: {  	[spmem:s2] =	stream.indirect.scatter.add.f32 [tilespmem:s16], [sflag:$0x1], $0x80, s10, s17, $0xb8;
	[tilespmem:$0x17400] =	vst v63  }
0xf2: {  	s10 =	simm.s32 $0x480  }
0xf3: {  	[spmem:s2] =	stream.indirect.scatter.add.f32 [tilespmem:s16], [sflag:$0x1], $0x80, s10, s17, $0xb8;
	[tilespmem:$0x17400] =	vst v63  }
0xf4: {  	s10 =	simm.s32 $0x500  }
0xf5: {  	[spmem:s2] =	stream.indirect.scatter.add.f32 [tilespmem:s16], [sflag:$0x1], $0x80, s10, s17, $0xb8;
	[tilespmem:$0x17400] =	vst v63  }
0xf6: {  	s10 =	simm.s32 $0x580  }
0xf7: {  	[spmem:s2] =	stream.indirect.scatter.add.f32 [tilespmem:s16], [sflag:$0x1], $0x80, s10, s17, $0xb8;
	[tilespmem:$0x17400] =	vst v63  }
0xf8: {  	s10 =	simm.s32 $0x600  }
0xf9: {  	[spmem:s2] =	stream.indirect.scatter.add.f32 [tilespmem:s16], [sflag:$0x1], $0x80, s10, s17, $0xb8;
	[tilespmem:$0x17400] =	vst v63  }
0xfa: {  	s10 =	simm.s32 $0x680  }
0xfb: {  	[spmem:s2] =	stream.indirect.scatter.add.f32 [tilespmem:s16], [sflag:$0x1], $0x80, s10, s17, $0xb8;
	[tilespmem:$0x17400] =	vst v63  }
0xfc: {  	s10 =	simm.s32 $0x700  }
0xfd: {  	[spmem:s2] =	stream.indirect.scatter.add.f32 [tilespmem:s16], [sflag:$0x1], $0x80, s10, s17, $0xb8;
	[tilespmem:$0x17400] =	vst v63  }
0xfe: {  	s10 =	simm.s32 $0x780  }
0xff: {  	[spmem:s2] =	stream.indirect.scatter.add.f32 [tilespmem:s16], [sflag:$0x1], $0x80, s10, s17, $0xb8;
	[tilespmem:$0x17400] =	vst v63  }
0x100: {  	s10 =	simm.s32 $0x800  }
0x101: {  	[spmem:s2] =	stream.indirect.scatter.add.f32 [tilespmem:s16], [sflag:$0x1], $0x80, s10, s17, $0xb8;
	[tilespmem:$0x17400] =	vst v63  }
0x102: {  	s10 =	simm.s32 $0x880  }
0x103: {  	[spmem:s2] =	stream.indirect.scatter.add.f32 [tilespmem:s16], [sflag:$0x1], $0x80, s10, s17, $0xb8;
	[tilespmem:$0x17400] =	vst v63  }
0x104: {  	s10 =	simm.s32 $0x900  }
0x105: {  	[spmem:s2] =	stream.indirect.scatter.add.f32 [tilespmem:s16], [sflag:$0x1], $0x80, s10, s17, $0xb8;
	[tilespmem:$0x17400] =	vst v63  }
0x106: {  	s10 =	simm.s32 $0x980  }
0x107: {  	[spmem:s2] =	stream.indirect.scatter.add.f32 [tilespmem:s16], [sflag:$0x1], $0x80, s10, s17, $0xb8;
	[tilespmem:$0x17400] =	vst v63  }
0x108: {  	s10 =	simm.s32 $0xA00  }
0x109: {  	[spmem:s2] =	stream.indirect.scatter.add.f32 [tilespmem:s16], [sflag:$0x1], $0x80, s10, s17, $0xb8;
	[tilespmem:$0x17400] =	vst v63  }
0x10a: {  	_ = 	snop  }
0x10b: {  	[spmem:s2] =	stream.indirect.scatter.add.f32 [tilespmem:s16], [sflag:$0x1], $0x80, s11, s17, $0xb8;
	[tilespmem:$0x17400] =	vst v63  }
0x10c: {  	_ = 	snop  }
0x10d: {  	[spmem:s2] =	stream.indirect.scatter.add.f32 [tilespmem:s16], [sflag:$0x1], $0x80, s12, s17, $0xb8;
	[tilespmem:$0x17400] =	vst v63  }
0x10e: {  	_ = 	snop  }
0x10f: {  	[spmem:s2] =	stream.indirect.scatter.add.f32 [tilespmem:s16], [sflag:$0x1], $0x80, s13, s17, $0xb8;
	[tilespmem:$0x17400] =	vst v63  }
0x110: {  	_ = 	snop  }
0x111: {  	[spmem:s2] =	stream.indirect.scatter.add.f32 [tilespmem:s16], [sflag:$0x1], $0x80, s18, s17, $0xb8;
	[tilespmem:$0x17400] =	vst v63  }
0x112: {  	_ = 	snop  }
0x113: {  	[spmem:s2] =	stream.indirect.scatter.add.f32 [tilespmem:s16], [sflag:$0x1], $0x80, s19, s17, $0xb8;
	[tilespmem:$0x17400] =	vst v63  }
0x114: {  	_ = 	snop  }
0x115: {  	[spmem:s2] =	stream.indirect.scatter.add.f32 [tilespmem:s16], [sflag:$0x1], $0x80, s20, s17, $0xb8;
	[tilespmem:$0x17400] =	vst v63  }
0x116: {  	_ = 	snop  }
0x117: {  	[spmem:s2] =	stream.indirect.scatter.add.f32 [tilespmem:s16], [sflag:$0x1], $0x80, s21, s17, $0xb8;
	[tilespmem:$0x17400] =	vst v63  }
0x118: {  	_ = 	snop  }
0x119: {  	[spmem:s2] =	stream.indirect.scatter.add.f32 [tilespmem:s16], [sflag:$0x1], $0x80, s22, s17, $0xb8;
	[tilespmem:$0x17400] =	vst v63  }
0x11a: {  	_ = 	snop  }
0x11b: {  	[spmem:s2] =	stream.indirect.scatter.add.f32 [tilespmem:s16], [sflag:$0x1], $0x80, s23, s17, $0xb8;
	[tilespmem:$0x17400] =	vst v63  }
0x11c: {  	_ = 	snop  }
0x11d: {  	[spmem:s2] =	stream.indirect.scatter.add.f32 [tilespmem:s16], [sflag:$0x1], $0x80, s24, s17, $0xb8;
	[tilespmem:$0x17400] =	vst v63  }
0x11e: {  	_ = 	snop  }
0x11f: {  	[spmem:s2] =	stream.indirect.scatter.add.f32 [tilespmem:s16], [sflag:$0x1], $0x80, s25, s17, $0xb8;
	[tilespmem:$0x17400] =	vst v63  }
0x120: {  	_ = 	snop  }
0x121: {  	[spmem:s2] =	stream.indirect.scatter.add.f32 [tilespmem:s16], [sflag:$0x1], $0x80, s26, s17, $0xb8;
	[tilespmem:$0x17400] =	vst v63  }
0x122: {  	_ = 	snop  }
0x123: {  	[spmem:s2] =	stream.indirect.scatter.add.f32 [tilespmem:s16], [sflag:$0x1], $0x80, s28, s17, $0xb8;
	[tilespmem:$0x17400] =	vst v63  }
0x124: {  	_ = 	snop  }
0x125: {  	[spmem:s2] =	stream.indirect.scatter.add.f32 [tilespmem:s16], [sflag:$0x1], $0x80, s29, s17, $0xb8;
	[tilespmem:$0x17400] =	vst v63  }
0x126: {  	_ = 	snop  }
0x127: {  	[spmem:s2] =	stream.indirect.scatter.add.f32 [tilespmem:s16], [sflag:$0x1], $0x80, s30, s17, $0xb8;
	[tilespmem:$0x17400] =	vst v63  }
0x128: {  	_ = 	snop  }
0x129: {  	[spmem:s2] =	stream.indirect.scatter.add.f32 [tilespmem:s16], [sflag:$0x1], $0x80, s31, s17, $0xb8;
	[tilespmem:$0x17400] =	vst v63  }
0x12a: {  	_ = 	snop  }
0x12b: {  	[spmem:s2] =	stream.indirect.scatter.add.f32 [tilespmem:s16], [sflag:$0x1], $0x80, s0, s17, $0xb8;
	[tilespmem:$0x17400] =	vst v63  }
0x12c: {  	_ = 	snop  }
0x12d: {  	[spmem:s2] =	stream.indirect.scatter.add.f32 [tilespmem:s16], [sflag:$0x1], $0x80, s1, s17, $0xb8;
	[tilespmem:$0x17400] =	vst v63  }
0x12e: {  	_ = 	snop  }
0x12f: {  	[spmem:s2] =	stream.indirect.scatter.add.f32 [tilespmem:s16], [sflag:$0x1], $0x80, s4, s17, $0xb8;
	[tilespmem:$0x17400] =	vst v63  }
0x130: {  	_ =	swait.ge [sflag:s5], $0x2000  }
0x131: {  	s9 =	simm.s32 $0x27;
	[sflag:s5] =	ssyncset.done $0x0  }
.LBB2_6:
0x132: {  	p0 =	sne.s32 s9, $0x1;
	s9 =	sadd.s32 $0xFFFFFFFF, s9;
	[sflag:s5] =	ssyncadd.s32 $0xFFFFE000  }
.Ltmp2:
0x133: {  	(pc) =	sbr.rel @p0 .LBB2_6-.Ltmp2, $3  }
0x134: {  	_ =	sdelay $0x1  }
0x135: {  	_ =	swait.ge [sflag:s5], $0x2000  }
0x136: {  	[sflag:s5] =	ssyncset.done $0x0  }
0x137: {  	[sflag:s5] =	ssyncadd.s32 $0xFFFFE000  }
0x138: {  	s9 =	simm.s32 $0x0;
	s10 =	rddreg [dreg:$0x9];
	p0 =	sne.s32 s6, $0x1  }
0x139: {  	[tilespmem:s9], [sflag:$0x2] =	stream.linear.gather [hbm4b:s10+s9], $0x1400, $0x38;
	[tilespmem:$0x17400] =	vst v63  }
.Ltmp3:
0x13a: {  	_ = 	snop;
	(pc) =	sbr.rel @!p0 .LBB2_9-.Ltmp3, $4  }
0x13b: {  	_ =	swait.ge [sflag:s15], $0x1400  }
0x13c: {  	[sflag:s15] =	ssyncset.done $0x0  }
0x13d: {  	s10 =	sadd.s32 $0xFFFFFFFF, s6;
	[sflag:s15] =	ssyncadd.s32 $0xFFFFEC00  }
0x13e: {  	[spmem:s2] =	stream.indirect.scatter.add.f32 [tilespmem:s16], [sflag:$0x1], $0x80, s9, s17, $0xb8;
	[tilespmem:$0x17400] =	vst v63  }
.LBB2_8:
0x13f: {  	p1 =	sne.s32 s10, $0x1  }
.Ltmp4:
0x140: {  	_ = 	snop;
	(pc) =	sbr.rel @p1 .LBB2_8-.Ltmp4, $3  }
0x141: {  	_ = 	snop  }
0x142: {  	s10 =	sadd.s32 $0xFFFFFFFF, s10;
	s9 =	sadd.s32 $0x80, s9;
	_ =	sdelay $0x1  }
0x143: {  	[spmem:s2] =	stream.indirect.scatter.add.f32 [tilespmem:s16], [sflag:$0x1], $0x80, s9, s17, $0xb8;
	[tilespmem:$0x17400] =	vst v63  }
.LBB2_9:
.Ltmp5:
0x144: {  	(pc) =	sbr.rel @!p0 .LBB2_11-.Ltmp5, $3  }
0x145: {  	_ =	sdelay $0x1  }
0x146: {  	_ =	swait.ge [sflag:s5], $0x2000  }
0x147: {  	s9 =	sadd.s32 $0xFFFFFFFF, s6;
	[sflag:s5] =	ssyncset.done $0x0  }
.LBB2_10:
0x148: {  	p0 =	sne.s32 s9, $0x1;
	s9 =	sadd.s32 $0xFFFFFFFF, s9;
	[sflag:s5] =	ssyncadd.s32 $0xFFFFE000  }
.Ltmp6:
0x149: {  	(pc) =	sbr.rel @p0 .LBB2_10-.Ltmp6, $3  }
0x14a: {  	_ =	sdelay $0x1  }
0x14b: {  	_ =	swait.ge [sflag:s5], $0x2000  }
0x14c: {  	[sflag:s5] =	ssyncset.done $0x0  }
.LBB2_11:
0x14d: {  	[sflag:s5] =	ssyncadd.s32 $0xFFFFE000  }
0x14e: {  	[bflag:$0x0] =	sbarrier.arrive $0xFFFF  }
0x14f: {  	s9 =	rddreg [dreg:$0xa]  }
0x150: {  	[hbm:s9], [sflag:s7] =	dma.local [spmem:s14], $0x2800  }
0x151: {  	_ =	swait.ge [sflag:s15], $0x2800  }
0x152: {  	s8 =	sadd.s32 $0x1, s8;
	s10 =	rddreg [dreg:$0xb]  }
0x153: {  	p0 =	sne.s32 s8, s10  }
.Ltmp7:
0x154: {  	_ = 	snop;
	(pc) =	sbr.rel @p0 .LBB2_1-.Ltmp7, $3  }
0x155: {  	_ =	sdelay $0x1  }
0x156: {  	[sflag:s15] =	ssyncset.done $0x0  }
0x157: {  	[sflag:s15] =	ssyncadd.s32 $0xFFFFD800;
	s10 =	simm.s32 $0x80  }
0x158: {  	_ =	sfence.sel $0x180000  }
0x159: {  	[bflag:$0x0] =	sbarrier.arrive $0xFFFF  }
0x15a: {  	_ =	strace $0x90000047  }
0x15b: {  	s0 =	stileid.u32;
	[bflag:$0x2] =	sbarrier.arrive $0xFFFF  }
0x15c: {  	p0 =	sne.s32 s0, $0x0;
	s0 =	rddreg [dreg:$0x3]  }
0x15d: {  	s0 =	sadd.s32 @!p0 $0x100000, s0  }
0x15e: {  	[sflag:s0] =	ssyncadd.tile.s32 @!p0 $0x1;
	_ =	shalt  }
.Lfunc_end2:
_tile_overlayer_lowered:
.L_overlay_start_2:
0x15f: {  	(tag) =	ssettag $0x2  }
0x160: {  	s0 =	rddreg [dreg:$0x0];
	s2 =	stileid.u32  }
0x161: {  	s1 =	rddreg [dreg:$0x1];
	p0 =	sne.s32 s2, $0x0  }
0x162: {  	s3 =	rddreg [dreg:$0x2];
	[bflag:$0x3] =	sbarrier.arrive $0xFFFF;
	s2 =	simm.s32 @!p0 $0x1C02  }
0x163: {  	[timem:s3], [sflag:s2] =	dma.local @!p0 [hbm:s0], s1  }
0x164: {  	s0 =	simm.s32 @!p0 $0x2  }
0x165: {  	_ =	swait.ge @!p0 [sflag:s0], s1  }
0x166: {  	s1 =	ssub.s32 @!p0 $0x0, s1;
	[sflag:s0] =	ssyncset.done @!p0 $0x0  }
0x167: {  	[sflag:s0] =	ssyncadd.s32 @!p0 s1  }
0x168: {  	[bflag:$0x3] =	sbarrier.arrive $0xFFFF  }
0x169: {  	_ =	shalt  }

</sc_bundles>
